<compile_context>
chip_gen: v7x
topology: tpu7x:2x2x1
jax: 0.10.2.dev20260603
libtpu: 0.0.44.dev20260713+nightly
codegen_flags: <defaults>
</compile_context>

<pallas_src>
import functools

import jax
import jax.numpy as jnp
from jax import lax
from jax.experimental import pallas as pl
from jax.experimental.pallas import tpu as pltpu
from jax.experimental.pallas import tpu_sc as plsc

E = 16384
N = 10000
D = 128
NC = 2
NS = 16

AGG_PART = 5120
AGG_ALLOC = 5248
AGG_TOTAL = 2 * AGG_PART
T_PART = 8320
T_ALLOC = 8448
T_TOTAL = 2 * T_PART
T_MISS = T_TOTAL - 1

_mesh = plsc.VectorSubcoreMesh(
    core_axis_name="c", subcore_axis_name="s", num_cores=NC, num_subcores=NS)

CHUNK = 128
BCHUNKS = E // CHUNK // NS
GCHUNK = 64
GCHUNKS = E // GCHUNK // (NS * NC)


@functools.partial(
    pl.kernel,
    out_type=[
        jax.ShapeDtypeStruct((E, D), jnp.float32),
        jax.ShapeDtypeStruct((AGG_TOTAL, D), jnp.float32),
        jax.ShapeDtypeStruct((T_TOTAL, D), jnp.float32),
    ],
    mesh=_mesh,
    scratch_types=[
        pltpu.VMEM((BCHUNKS, CHUNK), jnp.int32),
        pltpu.VMEM((BCHUNKS, CHUNK), jnp.int32),
        pltpu.VMEM((BCHUNKS, CHUNK), jnp.int32),
        pltpu.VMEM((2, CHUNK, D), jnp.float32),
        pltpu.VMEM((CHUNK, D), jnp.float32),
        pltpu.VMEM_SHARED((T_ALLOC, D), jnp.float32),
        pltpu.SemaphoreType.DMA,
        pltpu.SemaphoreType.DMA,
        pltpu.SemaphoreType.DMA,
        pltpu.SemaphoreType.DMA,
    ],
)
def _sc_scatter(p_hbm, q_hbm, src_hbm, aidx_hbm, tidx_hbm, zeros_hbm,
                gp_out, agg_out, t_out,
                src_v, aidx_v, tidx_v, pbuf, qbuf, tab_s,
                sem_g, sem_q, sem_s, sem_w):
    c = lax.axis_index("c")
    s = lax.axis_index("s")
    pltpu.sync_copy(src_hbm.at[pl.ds(s * BCHUNKS, BCHUNKS)], src_v)
    pltpu.sync_copy(aidx_hbm.at[pl.ds(c * (E // CHUNK) + s * BCHUNKS, BCHUNKS)],
                    aidx_v)
    pltpu.sync_copy(tidx_hbm.at[pl.ds(c * (E // CHUNK) + s * BCHUNKS, BCHUNKS)],
                    tidx_v)

    def phase(idx_v, zero_rows, write_gp):
        pltpu.sync_copy(zeros_hbm.at[pl.ds(0, zero_rows)],
                        tab_s.at[pl.ds(s * zero_rows, zero_rows)])
        plsc.subcore_barrier()
        gathers, pscat = {}, {}
        for j in range(2):
            gathers[j] = pltpu.async_copy(p_hbm.at[src_v.at[j]],
                                          pbuf.at[j % 2], sem_g)
        for j in range(BCHUNKS):
            b = j % 2
            g = s * BCHUNKS + j
            qread = pltpu.async_copy(q_hbm.at[pl.ds(g * CHUNK, CHUNK)],
                                     qbuf, sem_q)
            gathers[j].wait()
            if write_gp:
                @pl.when(c == 0)
                def _():
                    pltpu.async_copy(pbuf.at[b],
                                     gp_out.at[pl.ds(g * CHUNK, CHUNK)],
                                     sem_w).wait()
            pscat[j] = pltpu.async_copy(pbuf.at[b], tab_s.at[idx_v.at[j]],
                                        sem_s, add=True)
            qread.wait()
            pltpu.async_copy(qbuf, tab_s.at[idx_v.at[j]], sem_q,
                             add=True).wait()
            if j + 2 < BCHUNKS:
                pscat[j].wait()
                gathers[j + 2] = pltpu.async_copy(
                    p_hbm.at[src_v.at[j + 2]], pbuf.at[b], sem_g)
        for j in range(max(0, BCHUNKS - 2), BCHUNKS):
            pscat[j].wait()
        plsc.subcore_barrier()

    phase(aidx_v, AGG_ALLOC // NS, True)
    pltpu.sync_copy(
        tab_s.at[pl.ds(s * (AGG_PART // NS), AGG_PART // NS)],
        agg_out.at[pl.ds(c * AGG_PART + s * (AGG_PART // NS), AGG_PART // NS)])
    plsc.subcore_barrier()
    phase(tidx_v, T_ALLOC // NS, False)
    pltpu.sync_copy(
        tab_s.at[pl.ds(s * (T_PART // NS), T_PART // NS)],
        t_out.at[pl.ds(c * T_PART + s * (T_PART // NS), T_PART // NS)])


@functools.partial(
    pl.kernel,
    out_type=[
        jax.ShapeDtypeStruct((E, D), jnp.float32),
        jax.ShapeDtypeStruct((E, D), jnp.float32),
    ],
    mesh=_mesh,
    scratch_types=[
        pltpu.VMEM((GCHUNKS, GCHUNK), jnp.int32),
        pltpu.VMEM((GCHUNKS, GCHUNK), jnp.int32),
        pltpu.VMEM((2, GCHUNK, D), jnp.float32),
        pltpu.VMEM((2, GCHUNK, D), jnp.float32),
        pltpu.SemaphoreType.DMA,
        pltpu.SemaphoreType.DMA,
    ],
)
def _sc_gather(agg_hbm, t_hbm, src_hbm, r_hbm, ga_out, gt_out,
               sidx_v, ridx_v, abuf, tbuf, sem_g, sem_w):
    c = lax.axis_index("c")
    s = lax.axis_index("s")
    wid = s * NC + c
    pltpu.sync_copy(src_hbm.at[pl.ds(wid * GCHUNKS, GCHUNKS)], sidx_v)
    pltpu.sync_copy(r_hbm.at[pl.ds(wid * GCHUNKS, GCHUNKS)], ridx_v)
    gathers, writes = {}, {}
    for j in range(2):
        gathers[j] = (
            pltpu.async_copy(agg_hbm.at[sidx_v.at[j]], abuf.at[j % 2], sem_g),
            pltpu.async_copy(t_hbm.at[ridx_v.at[j]], tbuf.at[j % 2], sem_g))
    for j in range(GCHUNKS):
        b = j % 2
        g = wid * GCHUNKS + j
        for cp in gathers[j]:
            cp.wait()
        writes[j] = (
            pltpu.async_copy(abuf.at[b], ga_out.at[pl.ds(g * GCHUNK, GCHUNK)],
                             sem_w),
            pltpu.async_copy(tbuf.at[b], gt_out.at[pl.ds(g * GCHUNK, GCHUNK)],
                             sem_w))
        if j + 2 < GCHUNKS:
            for cp in writes[j]:
                cp.wait()
            gathers[j + 2] = (
                pltpu.async_copy(agg_hbm.at[sidx_v.at[j + 2]], abuf.at[b],
                                 sem_g),
                pltpu.async_copy(t_hbm.at[ridx_v.at[j + 2]], tbuf.at[b],
                                 sem_g))
    for j in range(max(0, GCHUNKS - 2), GCHUNKS):
        for cp in writes[j]:
            cp.wait()


def _tc_matmul(x, w, bias, block_rows):
    rows = x.shape[0]
    grid = rows // block_rows

    def body(x_ref, w_ref, b_ref, o_ref):
        acc = jnp.dot(x_ref[...], w_ref[...],
                      preferred_element_type=jnp.float32,
                      precision=lax.Precision.HIGHEST)
        o_ref[...] = acc + b_ref[...]

    return pl.pallas_call(
        body,
        grid=(grid,),
        in_specs=[
            pl.BlockSpec((block_rows, x.shape[1]), lambda i: (i, 0)),
            pl.BlockSpec((w.shape[0], D), lambda i: (0, 0)),
            pl.BlockSpec((1, D), lambda i: (0, 0)),
        ],
        out_specs=pl.BlockSpec((block_rows, D), lambda i: (i, 0)),
        out_shape=jax.ShapeDtypeStruct((rows, D), jnp.float32),
    )(x, w, bias.reshape(1, D))


def _tc_final(gp, q, ga, gt, w1, w2, bias):
    block_rows = 512
    grid = E // block_rows

    def body(gp_ref, q_ref, ga_ref, gt_ref, w1_ref, w2_ref, b_ref, o_ref):
        es = gp_ref[...] + q_ref[...]
        msg = ga_ref[...] - gt_ref[...]
        acc = jnp.dot(es, w1_ref[...], preferred_element_type=jnp.float32,
                      precision=lax.Precision.HIGHEST)
        acc = acc + jnp.dot(msg, w2_ref[...],
                            preferred_element_type=jnp.float32,
                            precision=lax.Precision.HIGHEST)
        o_ref[...] = acc + b_ref[...]

    row_spec = pl.BlockSpec((block_rows, D), lambda i: (i, 0))
    full_spec = pl.BlockSpec((D, D), lambda i: (0, 0))
    return pl.pallas_call(
        body,
        grid=(grid,),
        in_specs=[row_spec, row_spec, row_spec, row_spec,
                  full_spec, full_spec, pl.BlockSpec((1, D), lambda i: (0, 0))],
        out_specs=row_spec,
        out_shape=jax.ShapeDtypeStruct((E, D), jnp.float32),
    )(gp, q, ga, gt, w1, w2, bias.reshape(1, D))


def kernel(node_feature, edge_feature, edge_src, edge_dst,
           W_init, b_init, W_upd, b_upd):
    key = edge_src * N + edge_dst
    rkey = edge_dst * N + edge_src
    tagged = jnp.concatenate([key * 2, rkey * 2 + 1])
    payload = jnp.arange(2 * E, dtype=jnp.int32)
    sv, sp = lax.sort((tagged, payload), num_keys=1)
    kk = sv >> 1
    is_key = (sv & 1) == 0
    prev_kk = jnp.concatenate([jnp.full((1,), -1, jnp.int32), kk[:-1]])
    new_group = is_key & (kk != prev_kk)
    gid = jnp.cumsum(new_group.astype(jnp.int32)) - 1
    lastkk = lax.cummax(jnp.where(is_key, kk, -1), axis=0)
    found = (~is_key) & (lastkk == kk)
    val = jnp.where(is_key | found, gid, T_MISS).astype(jnp.int32)
    slot = jnp.where(is_key, sp, sp + 1)
    comp = lax.sort(slot * 32768 + val)
    val_sorted = comp & 32767
    inv = val_sorted[:E]
    r = val_sorted[E:2 * E]

    def part_idx(idx, part):
        outs = []
        for c in (0, 1):
            lo = c * part
            ok = (idx >= lo) & (idx < lo + part)
            outs.append(jnp.where(ok, idx - lo, part))
        return jnp.concatenate(outs).reshape(2 * (E // CHUNK), CHUNK)

    aidx2d = part_idx(edge_dst, AGG_PART).astype(jnp.int32)
    tidx2d = part_idx(inv, T_PART).astype(jnp.int32)
    src2d = edge_src.reshape(E // CHUNK, CHUNK).astype(jnp.int32)
    src2d_g = edge_src.reshape(E // GCHUNK, GCHUNK).astype(jnp.int32)
    r2d_g = r.reshape(E // GCHUNK, GCHUNK)
    zeros_hbm = jnp.zeros((T_ALLOC // NS, D), jnp.float32)

    nf_pad = jnp.concatenate(
        [node_feature, jnp.zeros((AGG_TOTAL - N, D), jnp.float32)])
    p_tab = _tc_matmul(nf_pad, W_init[:D], jnp.zeros((D,), jnp.float32), 512)
    ef_pad = jnp.concatenate(
        [edge_feature,
         jnp.zeros((E, D - edge_feature.shape[1]), jnp.float32)], axis=1)
    w_e_pad = jnp.concatenate(
        [W_init[D:], jnp.zeros((D - edge_feature.shape[1], D), jnp.float32)])
    q_tab = _tc_matmul(ef_pad, w_e_pad, b_init, 2048)

    gp, agg, t_tab = _sc_scatter(p_tab, q_tab, src2d, aidx2d, tidx2d, zeros_hbm)
    ga, gt = _sc_gather(agg, t_tab, src2d_g, r2d_g)

    return _tc_final(gp, q_tab, ga, gt, W_upd[:D], W_upd[D:], b_upd)

# --- scband reference (transcript-rebuilt; emitter-appended) ---
"""Pipeline reference for scband-edge-conv-12429635354789 (READ-ONLY COPY).

The authoritative reference and input builder live on the scoring server;
editing this copy changes nothing except your own understanding.
"""

import jax, jax.numpy as jnp
import numpy as np

N_NODES = 10000
N_EDGES = 16384
D_NODE = 128
D_EDGE = 16
UNITS = 128


def _reverse_edge_features(edge_state, edge_src, edge_dst, chunk=2048):
    # Faithful to molgraph._get_reverse_edge_features:
    # result[i] = sum_j edge_state[j] where (src[i]==dst[j]) & (dst[i]==src[j]).
    # The TF code materializes an [E, E] boolean mask via broadcasting, tf.where,
    # then tensor_scatter_nd_add. We compute the identical sum as a chunked
    # mask @ features product to bound peak memory.
    E = edge_src.shape[0]
    outs = []
    for s in range(0, E, chunk):
        src_c = edge_src[s:s + chunk]
        dst_c = edge_dst[s:s + chunk]
        mask = (src_c[:, None] == edge_dst[None, :]) & (dst_c[:, None] == edge_src[None, :])
        outs.append(mask.astype(edge_state.dtype) @ edge_state)
    return jnp.concatenate(outs, axis=0)


def setup_inputs(seed: int = 0) -> dict:
    key = jax.random.key(seed)
    k1, k2, k3, k4, k5, k6 = jax.random.split(key, 6)
    node_feature = jax.random.normal(k1, (N_NODES, D_NODE), dtype=jnp.float32)
    edge_feature = jax.random.normal(k2, (N_EDGES, D_EDGE), dtype=jnp.float32)
    edge_src = jax.random.randint(k3, (N_EDGES,), 0, N_NODES, dtype=jnp.int32)
    edge_dst = jax.random.randint(k4, (N_EDGES,), 0, N_NODES, dtype=jnp.int32)
    # Learned params: initial edge projection (dense) and update projection (dense).
    # Default dense kernel init: TruncatedNormal(stddev=0.005); bias zeros.
    W_init = jax.random.truncated_normal(k5, -2.0, 2.0, (D_NODE + D_EDGE, UNITS), dtype=jnp.float32) * 0.005
    b_init = jnp.zeros((UNITS,), dtype=jnp.float32)
    W_upd = jax.random.truncated_normal(k6, -2.0, 2.0, (2 * UNITS, UNITS), dtype=jnp.float32) * 0.005
    b_upd = jnp.zeros((UNITS,), dtype=jnp.float32)
    return {
        'node_feature': node_feature,
        'edge_feature': edge_feature,
        'edge_src': edge_src,
        'edge_dst': edge_dst,
        'W_init': W_init,
        'b_init': b_init,
        'W_upd': W_upd,
        'b_upd': b_upd,
    }


def reference(node_feature, edge_feature, edge_src, edge_dst, W_init, b_init, W_upd, b_upd):
    # Initial edge state: Dense(units) over [gather(node_feature, src) || edge_feature]
    h0 = jnp.concatenate([jnp.take(node_feature, edge_src, axis=0), edge_feature], axis=1)
    edge_state = h0 @ W_init + b_init  # activation defaults to 'linear' for update_mode='dense'
    # edge_message_step: segment-sum by dst, gather by src, subtract reverse-edge features
    num_nodes = node_feature.shape[0]
    agg = jax.ops.segment_sum(edge_state, edge_dst, num_segments=num_nodes)
    message = jnp.take(agg, edge_src, axis=0)
    message = message - _reverse_edge_features(edge_state, edge_src, edge_dst)
    # edge_update_step (dense): Dense(units) over concat([edge_state_prev, message])
    updated = jnp.concatenate([edge_state, message], axis=1) @ W_upd + b_upd
    # final activation: 'linear' for dense update mode -> identity
    return updated

if __name__ == "__main__":
    import jax
    _d = setup_inputs()
    print(jax.jit(kernel)(*tuple(_d.values())))

</pallas_src>

<mosaic_0001>
#map = affine_map<(d0, d1) -> (0, 0)>
module attributes {stable_mosaic.version = 14 : i64} {
  func.func @_sc_scatter(%arg0: i32, %arg1: i32, %arg2: memref<10240x128xf32, #tpu.memory_space<hbm>>, %arg3: memref<16384x128xf32, #tpu.memory_space<hbm>>, %arg4: memref<128x128xi32, #tpu.memory_space<hbm>>, %arg5: memref<256x128xi32, #tpu.memory_space<hbm>>, %arg6: memref<256x128xi32, #tpu.memory_space<hbm>>, %arg7: memref<528x128xf32, #tpu.memory_space<hbm>>, %arg8: memref<16384x128xf32, #tpu.memory_space<hbm>>, %arg9: memref<10240x128xf32, #tpu.memory_space<hbm>>, %arg10: memref<16640x128xf32, #tpu.memory_space<hbm>>, %arg11: memref<8x128xi32, #tpu.memory_space<vmem>>, %arg12: memref<8x128xi32, #tpu.memory_space<vmem>>, %arg13: memref<8x128xi32, #tpu.memory_space<vmem>>, %arg14: memref<2x128x128xf32, #tpu.memory_space<vmem>>, %arg15: memref<128x128xf32, #tpu.memory_space<vmem>>, %arg16: memref<8448x128xf32, #tpu.memory_space<vmem_shared>>, %arg17: memref<!tpu.dma_semaphore, #tpu.memory_space<semaphore_mem>>, %arg18: memref<!tpu.dma_semaphore, #tpu.memory_space<semaphore_mem>>, %arg19: memref<!tpu.dma_semaphore, #tpu.memory_space<semaphore_mem>>, %arg20: memref<!tpu.dma_semaphore, #tpu.memory_space<semaphore_mem>>) attributes {dimension_semantics = [#tpu.dimension_semantics<core_parallel>, #tpu.dimension_semantics<subcore_parallel>], iteration_bounds = array<i64: 2, 16>, scalar_prefetch = 0 : i64, scratch_operands = 10 : i64, tpu.core_type = #tpu.core_type<sc_vector_subcore>, window_params = [{transform_indices = #map}, {transform_indices = #map}, {transform_indices = #map}, {transform_indices = #map}, {transform_indices = #map}, {transform_indices = #map}, {transform_indices = #map}, {transform_indices = #map}, {transform_indices = #map}]} {
    %mul3A = arith.constant 8 : i32
    %mul3A_0 = arith.muli %arg1, %mul3A : i32
    "tpu.region"() ({
      %run_scoped3A = tpu.sem_alloc : memref<!tpu.dma_semaphore, #tpu.memory_space<semaphore_mem>>
      %dma_start3A_1283 = arith.constant 0 : i32
      %dma_start3A_1284 = tpu.memref_slice %arg4[%mul3A_0, %dma_start3A_1283] : memref<128x128xi32, #tpu.memory_space<hbm>> -> memref<8x128xi32, #tpu.memory_space<hbm>>
      %dma_start3A_1285 = arith.constant 0 : i32
      %dma_start3A_1286 = tpu.memref_slice %arg4[%mul3A_0, %dma_start3A_1285] : memref<128x128xi32, #tpu.memory_space<hbm>> -> memref<8x128xi32, #tpu.memory_space<hbm>>
      tpu.enqueue_dma source(%dma_start3A_1286 : memref<8x128xi32, #tpu.memory_space<hbm>>) target(%arg11 : memref<8x128xi32, #tpu.memory_space<vmem>>) target_semaphore(%run_scoped3A : memref<!tpu.dma_semaphore, #tpu.memory_space<semaphore_mem>>)
      %dma_wait3A_1287 = arith.constant 0 : i32
      %dma_wait3A_1288 = tpu.memref_slice %arg4[%mul3A_0, %dma_wait3A_1287] : memref<128x128xi32, #tpu.memory_space<hbm>> -> memref<8x128xi32, #tpu.memory_space<hbm>>
      %dma_wait3A_1289 = arith.constant 0 : i32
      %dma_wait3A_1290 = tpu.memref_slice %arg4[%mul3A_0, %dma_wait3A_1289] : memref<128x128xi32, #tpu.memory_space<hbm>> -> memref<8x128xi32, #tpu.memory_space<hbm>>
      tpu.wait_dma2 semaphore(%run_scoped3A : memref<!tpu.dma_semaphore, #tpu.memory_space<semaphore_mem>>) src(%dma_wait3A_1290 : memref<8x128xi32, #tpu.memory_space<hbm>>) dst(%arg11 : memref<8x128xi32, #tpu.memory_space<vmem>>)
      tpu.yield
    }) : () -> ()
    %mul3A_1 = arith.constant 128 : i32
    %mul3A_2 = arith.muli %arg0, %mul3A_1 : i32
    %mul3A_3 = arith.constant 8 : i32
    %mul3A_4 = arith.muli %arg1, %mul3A_3 : i32
    %add3A = arith.addi %mul3A_2, %mul3A_4 : i32
    "tpu.region"() ({
      %run_scoped3A = tpu.sem_alloc : memref<!tpu.dma_semaphore, #tpu.memory_space<semaphore_mem>>
      %dma_start3A_1283 = arith.constant 0 : i32
      %dma_start3A_1284 = tpu.memref_slice %arg5[%add3A, %dma_start3A_1283] : memref<256x128xi32, #tpu.memory_space<hbm>> -> memref<8x128xi32, #tpu.memory_space<hbm>>
      %dma_start3A_1285 = arith.constant 0 : i32
      %dma_start3A_1286 = tpu.memref_slice %arg5[%add3A, %dma_start3A_1285] : memref<256x128xi32, #tpu.memory_space<hbm>> -> memref<8x128xi32, #tpu.memory_space<hbm>>
      tpu.enqueue_dma source(%dma_start3A_1286 : memref<8x128xi32, #tpu.memory_space<hbm>>) target(%arg12 : memref<8x128xi32, #tpu.memory_space<vmem>>) target_semaphore(%run_scoped3A : memref<!tpu.dma_semaphore, #tpu.memory_space<semaphore_mem>>)
      %dma_wait3A_1287 = arith.constant 0 : i32
      %dma_wait3A_1288 = tpu.memref_slice %arg5[%add3A, %dma_wait3A_1287] : memref<256x128xi32, #tpu.memory_space<hbm>> -> memref<8x128xi32, #tpu.memory_space<hbm>>
      %dma_wait3A_1289 = arith.constant 0 : i32
      %dma_wait3A_1290 = tpu.memref_slice %arg5[%add3A, %dma_wait3A_1289] : memref<256x128xi32, #tpu.memory_space<hbm>> -> memref<8x128xi32, #tpu.memory_space<hbm>>
      tpu.wait_dma2 semaphore(%run_scoped3A : memref<!tpu.dma_semaphore, #tpu.memory_space<semaphore_mem>>) src(%dma_wait3A_1290 : memref<8x128xi32, #tpu.memory_space<hbm>>) dst(%arg12 : memref<8x128xi32, #tpu.memory_space<vmem>>)
      tpu.yield
    }) : () -> ()
    %mul3A_5 = arith.constant 128 : i32
    %mul3A_6 = arith.muli %arg0, %mul3A_5 : i32
    %mul3A_7 = arith.constant 8 : i32
    %mul3A_8 = arith.muli %arg1, %mul3A_7 : i32
    %add3A_9 = arith.addi %mul3A_6, %mul3A_8 : i32
    "tpu.region"() ({
      %run_scoped3A = tpu.sem_alloc : memref<!tpu.dma_semaphore, #tpu.memory_space<semaphore_mem>>
      %dma_start3A_1283 = arith.constant 0 : i32
      %dma_start3A_1284 = tpu.memref_slice %arg6[%add3A_9, %dma_start3A_1283] : memref<256x128xi32, #tpu.memory_space<hbm>> -> memref<8x128xi32, #tpu.memory_space<hbm>>
      %dma_start3A_1285 = arith.constant 0 : i32
      %dma_start3A_1286 = tpu.memref_slice %arg6[%add3A_9, %dma_start3A_1285] : memref<256x128xi32, #tpu.memory_space<hbm>> -> memref<8x128xi32, #tpu.memory_space<hbm>>
      tpu.enqueue_dma source(%dma_start3A_1286 : memref<8x128xi32, #tpu.memory_space<hbm>>) target(%arg13 : memref<8x128xi32, #tpu.memory_space<vmem>>) target_semaphore(%run_scoped3A : memref<!tpu.dma_semaphore, #tpu.memory_space<semaphore_mem>>)
      %dma_wait3A_1287 = arith.constant 0 : i32
      %dma_wait3A_1288 = tpu.memref_slice %arg6[%add3A_9, %dma_wait3A_1287] : memref<256x128xi32, #tpu.memory_space<hbm>> -> memref<8x128xi32, #tpu.memory_space<hbm>>
      %dma_wait3A_1289 = arith.constant 0 : i32
      %dma_wait3A_1290 = tpu.memref_slice %arg6[%add3A_9, %dma_wait3A_1289] : memref<256x128xi32, #tpu.memory_space<hbm>> -> memref<8x128xi32, #tpu.memory_space<hbm>>
      tpu.wait_dma2 semaphore(%run_scoped3A : memref<!tpu.dma_semaphore, #tpu.memory_space<semaphore_mem>>) src(%dma_wait3A_1290 : memref<8x128xi32, #tpu.memory_space<hbm>>) dst(%arg13 : memref<8x128xi32, #tpu.memory_space<vmem>>)
      tpu.yield
    }) : () -> ()
    %mul3A_10 = arith.constant 328 : i32
    %mul3A_11 = arith.muli %arg1, %mul3A_10 : i32
    "tpu.region"() ({
      %run_scoped3A = tpu.sem_alloc : memref<!tpu.dma_semaphore, #tpu.memory_space<semaphore_mem>>
      %dma_start3A_1283 = arith.constant 0 : i32
      %dma_start3A_1284 = tpu.memref_slice %arg16[%mul3A_11, %dma_start3A_1283] : memref<8448x128xf32, #tpu.memory_space<vmem_shared>> -> memref<328x128xf32, #tpu.memory_space<vmem_shared>>
      %dma_start3A_1285 = arith.constant 0 : i32
      %dma_start3A_1286 = arith.constant 0 : i32
      %dma_start3A_1287 = tpu.memref_slice %arg7[%dma_start3A_1285, %dma_start3A_1286] : memref<528x128xf32, #tpu.memory_space<hbm>> -> memref<328x128xf32, #tpu.memory_space<hbm>>
      tpu.enqueue_dma source(%dma_start3A_1287 : memref<328x128xf32, #tpu.memory_space<hbm>>) target(%dma_start3A_1284 : memref<328x128xf32, #tpu.memory_space<vmem_shared>>) target_semaphore(%run_scoped3A : memref<!tpu.dma_semaphore, #tpu.memory_space<semaphore_mem>>)
      %dma_wait3A_1288 = arith.constant 0 : i32
      %dma_wait3A_1289 = tpu.memref_slice %arg16[%mul3A_11, %dma_wait3A_1288] : memref<8448x128xf32, #tpu.memory_space<vmem_shared>> -> memref<328x128xf32, #tpu.memory_space<vmem_shared>>
      %dma_wait3A_1290 = arith.constant 0 : i32
      %dma_wait3A_1291 = arith.constant 0 : i32
      %dma_wait3A_1292 = tpu.memref_slice %arg7[%dma_wait3A_1290, %dma_wait3A_1291] : memref<528x128xf32, #tpu.memory_space<hbm>> -> memref<328x128xf32, #tpu.memory_space<hbm>>
      tpu.wait_dma2 semaphore(%run_scoped3A : memref<!tpu.dma_semaphore, #tpu.memory_space<semaphore_mem>>) src(%dma_wait3A_1292 : memref<328x128xf32, #tpu.memory_space<hbm>>) dst(%dma_wait3A_1289 : memref<328x128xf32, #tpu.memory_space<vmem_shared>>)
      tpu.yield
    }) : () -> ()
    %barrier3A = arith.constant 0 : index
    tpu.barrier barrier_id(%barrier3A)
    %dma_start3A = arith.constant 0 : i32
    %dma_start3A_12 = arith.constant 0 : i32
    %dma_start3A_13 = arith.constant 0 : i32
    %dma_start3A_14 = arith.constant 0 : i32
    %dma_start3A_15 = tpu.memref_slice %arg14[%dma_start3A_12, %dma_start3A_13, %dma_start3A_14] : memref<2x128x128xf32, #tpu.memory_space<vmem>> -> memref<1x128x128xf32, #tpu.memory_space<vmem>>
    %dma_start3A_16 = tpu.memref_squeeze %dma_start3A_15 : memref<1x128x128xf32, #tpu.memory_space<vmem>> -> memref<128x128xf32, #tpu.memory_space<vmem>>
    %dma_start3A_17 = arith.constant 0 : i32
    %dma_start3A_18 = tpu.memref_slice %arg11[%dma_start3A, %dma_start3A_17] : memref<8x128xi32, #tpu.memory_space<vmem>> -> memref<1x128xi32, #tpu.memory_space<vmem>>
    %dma_start3A_19 = tpu.memref_squeeze %dma_start3A_18 : memref<1x128xi32, #tpu.memory_space<vmem>> -> memref<128xi32, #tpu.memory_space<vmem>>
    %dma_start3A_20 = arith.constant 0 : i32
    %dma_start3A_21 = arith.constant 0 : i32
    %dma_start3A_22 = tpu.memref_slice %arg2[%dma_start3A_20, %dma_start3A_21] : memref<10240x128xf32, #tpu.memory_space<hbm>> -> memref<10240x128xf32, #tpu.memory_space<hbm>>
    tpu.enqueue_indirect_dma source(%dma_start3A_22 : memref<10240x128xf32, #tpu.memory_space<hbm>>) target(%dma_start3A_16 : memref<128x128xf32, #tpu.memory_space<vmem>>) offsets(%dma_start3A_19 : memref<128xi32, #tpu.memory_space<vmem>>) semaphore(%arg17 : memref<!tpu.dma_semaphore, #tpu.memory_space<semaphore_mem>>)
    %dma_start3A_23 = arith.constant 1 : i32
    %dma_start3A_24 = arith.constant 1 : i32
    %dma_start3A_25 = arith.constant 0 : i32
    %dma_start3A_26 = arith.constant 0 : i32
    %dma_start3A_27 = tpu.memref_slice %arg14[%dma_start3A_24, %dma_start3A_25, %dma_start3A_26] : memref<2x128x128xf32, #tpu.memory_space<vmem>> -> memref<1x128x128xf32, #tpu.memory_space<vmem>>
    %dma_start3A_28 = tpu.memref_squeeze %dma_start3A_27 : memref<1x128x128xf32, #tpu.memory_space<vmem>> -> memref<128x128xf32, #tpu.memory_space<vmem>>
    %dma_start3A_29 = arith.constant 0 : i32
    %dma_start3A_30 = tpu.memref_slice %arg11[%dma_start3A_23, %dma_start3A_29] : memref<8x128xi32, #tpu.memory_space<vmem>> -> memref<1x128xi32, #tpu.memory_space<vmem>>
    %dma_start3A_31 = tpu.memref_squeeze %dma_start3A_30 : memref<1x128xi32, #tpu.memory_space<vmem>> -> memref<128xi32, #tpu.memory_space<vmem>>
    %dma_start3A_32 = arith.constant 0 : i32
    %dma_start3A_33 = arith.constant 0 : i32
    %dma_start3A_34 = tpu.memref_slice %arg2[%dma_start3A_32, %dma_start3A_33] : memref<10240x128xf32, #tpu.memory_space<hbm>> -> memref<10240x128xf32, #tpu.memory_space<hbm>>
    tpu.enqueue_indirect_dma source(%dma_start3A_34 : memref<10240x128xf32, #tpu.memory_space<hbm>>) target(%dma_start3A_28 : memref<128x128xf32, #tpu.memory_space<vmem>>) offsets(%dma_start3A_31 : memref<128xi32, #tpu.memory_space<vmem>>) semaphore(%arg17 : memref<!tpu.dma_semaphore, #tpu.memory_space<semaphore_mem>>)
    %mul3A_35 = arith.constant 8 : i32
    %mul3A_36 = arith.muli %arg1, %mul3A_35 : i32
    %add3A_37 = arith.constant 0 : i32
    %add3A_38 = arith.addi %mul3A_36, %add3A_37 : i32
    %mul3A_39 = arith.constant 128 : i32
    %mul3A_40 = arith.muli %add3A_38, %mul3A_39 : i32
    %dma_start3A_41 = arith.constant 0 : i32
    %dma_start3A_42 = tpu.memref_slice %arg3[%mul3A_40, %dma_start3A_41] : memref<16384x128xf32, #tpu.memory_space<hbm>> -> memref<128x128xf32, #tpu.memory_space<hbm>>
    %dma_start3A_43 = arith.constant 0 : i32
    %dma_start3A_44 = tpu.memref_slice %arg3[%mul3A_40, %dma_start3A_43] : memref<16384x128xf32, #tpu.memory_space<hbm>> -> memref<128x128xf32, #tpu.memory_space<hbm>>
    tpu.enqueue_dma source(%dma_start3A_44 : memref<128x128xf32, #tpu.memory_space<hbm>>) target(%arg15 : memref<128x128xf32, #tpu.memory_space<vmem>>) target_semaphore(%arg18 : memref<!tpu.dma_semaphore, #tpu.memory_space<semaphore_mem>>)
    %dma_wait3A = arith.constant 0 : i32
    %dma_wait3A_45 = arith.constant 0 : i32
    %dma_wait3A_46 = arith.constant 0 : i32
    %dma_wait3A_47 = arith.constant 0 : i32
    %dma_wait3A_48 = tpu.memref_slice %arg14[%dma_wait3A_45, %dma_wait3A_46, %dma_wait3A_47] : memref<2x128x128xf32, #tpu.memory_space<vmem>> -> memref<1x128x128xf32, #tpu.memory_space<vmem>>
    %dma_wait3A_49 = tpu.memref_squeeze %dma_wait3A_48 : memref<1x128x128xf32, #tpu.memory_space<vmem>> -> memref<128x128xf32, #tpu.memory_space<vmem>>
    %dma_wait3A_50 = arith.constant 0 : i32
    %dma_wait3A_51 = tpu.memref_slice %arg11[%dma_wait3A, %dma_wait3A_50] : memref<8x128xi32, #tpu.memory_space<vmem>> -> memref<1x128xi32, #tpu.memory_space<vmem>>
    %dma_wait3A_52 = tpu.memref_squeeze %dma_wait3A_51 : memref<1x128xi32, #tpu.memory_space<vmem>> -> memref<128xi32, #tpu.memory_space<vmem>>
    %dma_wait3A_53 = arith.constant 0 : i32
    %dma_wait3A_54 = arith.constant 0 : i32
    %dma_wait3A_55 = tpu.memref_slice %arg2[%dma_wait3A_53, %dma_wait3A_54] : memref<10240x128xf32, #tpu.memory_space<hbm>> -> memref<10240x128xf32, #tpu.memory_space<hbm>>
    tpu.wait_indirect_dma semaphore(%arg17 : memref<!tpu.dma_semaphore, #tpu.memory_space<semaphore_mem>>) src(%dma_wait3A_55 : memref<10240x128xf32, #tpu.memory_space<hbm>>) dst(%dma_wait3A_49 : memref<128x128xf32, #tpu.memory_space<vmem>>)
    %eq3A = arith.constant 0 : i32
    %eq3A_56 = arith.cmpi eq, %arg0, %eq3A : i32
    %convert_element_type3A = arith.extui %eq3A_56 : i1 to i32
    %cond3A = arith.constant 0 : i32
    %cond3A_57 = arith.cmpi ne, %convert_element_type3A, %cond3A : i32
    scf.if %cond3A_57 {
      %mul3A_1283 = arith.constant 128 : i32
      %mul3A_1284 = arith.muli %add3A_38, %mul3A_1283 : i32
      %dma_start3A_1285 = arith.constant 0 : i32
      %dma_start3A_1286 = arith.constant 0 : i32
      %dma_start3A_1287 = arith.constant 0 : i32
      %dma_start3A_1288 = tpu.memref_slice %arg14[%dma_start3A_1285, %dma_start3A_1286, %dma_start3A_1287] : memref<2x128x128xf32, #tpu.memory_space<vmem>> -> memref<1x128x128xf32, #tpu.memory_space<vmem>>
      %dma_start3A_1289 = tpu.memref_squeeze %dma_start3A_1288 : memref<1x128x128xf32, #tpu.memory_space<vmem>> -> memref<128x128xf32, #tpu.memory_space<vmem>>
      %dma_start3A_1290 = arith.constant 0 : i32
      %dma_start3A_1291 = tpu.memref_slice %arg8[%mul3A_1284, %dma_start3A_1290] : memref<16384x128xf32, #tpu.memory_space<hbm>> -> memref<128x128xf32, #tpu.memory_space<hbm>>
      %dma_start3A_1292 = arith.constant 0 : i32
      %dma_start3A_1293 = tpu.memref_slice %arg8[%mul3A_1284, %dma_start3A_1292] : memref<16384x128xf32, #tpu.memory_space<hbm>> -> memref<128x128xf32, #tpu.memory_space<hbm>>
      %dma_start3A_1294 = arith.constant 0 : i32
      %dma_start3A_1295 = arith.constant 0 : i32
      %dma_start3A_1296 = tpu.memref_slice %arg14[%dma_start3A_1285, %dma_start3A_1294, %dma_start3A_1295] : memref<2x128x128xf32, #tpu.memory_space<vmem>> -> memref<1x128x128xf32, #tpu.memory_space<vmem>>
      %dma_start3A_1297 = tpu.memref_squeeze %dma_start3A_1296 : memref<1x128x128xf32, #tpu.memory_space<vmem>> -> memref<128x128xf32, #tpu.memory_space<vmem>>
      tpu.enqueue_dma source(%dma_start3A_1297 : memref<128x128xf32, #tpu.memory_space<vmem>>) target(%dma_start3A_1293 : memref<128x128xf32, #tpu.memory_space<hbm>>) target_semaphore(%arg20 : memref<!tpu.dma_semaphore, #tpu.memory_space<semaphore_mem>>)
      %dma_wait3A_1298 = arith.constant 0 : i32
      %dma_wait3A_1299 = arith.constant 0 : i32
      %dma_wait3A_1300 = arith.constant 0 : i32
      %dma_wait3A_1301 = tpu.memref_slice %arg14[%dma_wait3A_1298, %dma_wait3A_1299, %dma_wait3A_1300] : memref<2x128x128xf32, #tpu.memory_space<vmem>> -> memref<1x128x128xf32, #tpu.memory_space<vmem>>
      %dma_wait3A_1302 = tpu.memref_squeeze %dma_wait3A_1301 : memref<1x128x128xf32, #tpu.memory_space<vmem>> -> memref<128x128xf32, #tpu.memory_space<vmem>>
      %dma_wait3A_1303 = arith.constant 0 : i32
      %dma_wait3A_1304 = tpu.memref_slice %arg8[%mul3A_1284, %dma_wait3A_1303] : memref<16384x128xf32, #tpu.memory_space<hbm>> -> memref<128x128xf32, #tpu.memory_space<hbm>>
      %dma_wait3A_1305 = arith.constant 0 : i32
      %dma_wait3A_1306 = tpu.memref_slice %arg8[%mul3A_1284, %dma_wait3A_1305] : memref<16384x128xf32, #tpu.memory_space<hbm>> -> memref<128x128xf32, #tpu.memory_space<hbm>>
      %dma_wait3A_1307 = arith.constant 0 : i32
      %dma_wait3A_1308 = arith.constant 0 : i32
      %dma_wait3A_1309 = tpu.memref_slice %arg14[%dma_wait3A_1298, %dma_wait3A_1307, %dma_wait3A_1308] : memref<2x128x128xf32, #tpu.memory_space<vmem>> -> memref<1x128x128xf32, #tpu.memory_space<vmem>>
      %dma_wait3A_1310 = tpu.memref_squeeze %dma_wait3A_1309 : memref<1x128x128xf32, #tpu.memory_space<vmem>> -> memref<128x128xf32, #tpu.memory_space<vmem>>
      tpu.wait_dma2 semaphore(%arg20 : memref<!tpu.dma_semaphore, #tpu.memory_space<semaphore_mem>>) src(%dma_wait3A_1310 : memref<128x128xf32, #tpu.memory_space<vmem>>) dst(%dma_wait3A_1306 : memref<128x128xf32, #tpu.memory_space<hbm>>)
    } else {
    }
    %dma_start3A_58 = arith.constant 0 : i32
    %dma_start3A_59 = arith.constant 0 : i32
    %dma_start3A_60 = arith.constant 0 : i32
    %dma_start3A_61 = arith.constant 0 : i32
    %dma_start3A_62 = tpu.memref_slice %arg14[%dma_start3A_58, %dma_start3A_60, %dma_start3A_61] : memref<2x128x128xf32, #tpu.memory_space<vmem>> -> memref<1x128x128xf32, #tpu.memory_space<vmem>>
    %dma_start3A_63 = tpu.memref_squeeze %dma_start3A_62 : memref<1x128x128xf32, #tpu.memory_space<vmem>> -> memref<128x128xf32, #tpu.memory_space<vmem>>
    %dma_start3A_64 = arith.constant 0 : i32
    %dma_start3A_65 = tpu.memref_slice %arg12[%dma_start3A_59, %dma_start3A_64] : memref<8x128xi32, #tpu.memory_space<vmem>> -> memref<1x128xi32, #tpu.memory_space<vmem>>
    %dma_start3A_66 = tpu.memref_squeeze %dma_start3A_65 : memref<1x128xi32, #tpu.memory_space<vmem>> -> memref<128xi32, #tpu.memory_space<vmem>>
    %dma_start3A_67 = arith.constant 0 : i32
    %dma_start3A_68 = arith.constant 0 : i32
    %dma_start3A_69 = tpu.memref_slice %arg16[%dma_start3A_67, %dma_start3A_68] : memref<8448x128xf32, #tpu.memory_space<vmem_shared>> -> memref<8448x128xf32, #tpu.memory_space<vmem_shared>>
    tpu.enqueue_indirect_dma source(%dma_start3A_63 : memref<128x128xf32, #tpu.memory_space<vmem>>) target(%dma_start3A_69 : memref<8448x128xf32, #tpu.memory_space<vmem_shared>>) offsets(%dma_start3A_66 : memref<128xi32, #tpu.memory_space<vmem>>) semaphore(%arg19 : memref<!tpu.dma_semaphore, #tpu.memory_space<semaphore_mem>>) {add = true}
    %dma_wait3A_70 = arith.constant 0 : i32
    %dma_wait3A_71 = tpu.memref_slice %arg3[%mul3A_40, %dma_wait3A_70] : memref<16384x128xf32, #tpu.memory_space<hbm>> -> memref<128x128xf32, #tpu.memory_space<hbm>>
    %dma_wait3A_72 = arith.constant 0 : i32
    %dma_wait3A_73 = tpu.memref_slice %arg3[%mul3A_40, %dma_wait3A_72] : memref<16384x128xf32, #tpu.memory_space<hbm>> -> memref<128x128xf32, #tpu.memory_space<hbm>>
    tpu.wait_dma2 semaphore(%arg18 : memref<!tpu.dma_semaphore, #tpu.memory_space<semaphore_mem>>) src(%dma_wait3A_73 : memref<128x128xf32, #tpu.memory_space<hbm>>) dst(%arg15 : memref<128x128xf32, #tpu.memory_space<vmem>>)
    %dma_start3A_74 = arith.constant 0 : i32
    %dma_start3A_75 = arith.constant 0 : i32
    %dma_start3A_76 = tpu.memref_slice %arg12[%dma_start3A_74, %dma_start3A_75] : memref<8x128xi32, #tpu.memory_space<vmem>> -> memref<1x128xi32, #tpu.memory_space<vmem>>
    %dma_start3A_77 = tpu.memref_squeeze %dma_start3A_76 : memref<1x128xi32, #tpu.memory_space<vmem>> -> memref<128xi32, #tpu.memory_space<vmem>>
    %dma_start3A_78 = arith.constant 0 : i32
    %dma_start3A_79 = arith.constant 0 : i32
    %dma_start3A_80 = tpu.memref_slice %arg16[%dma_start3A_78, %dma_start3A_79] : memref<8448x128xf32, #tpu.memory_space<vmem_shared>> -> memref<8448x128xf32, #tpu.memory_space<vmem_shared>>
    tpu.enqueue_indirect_dma source(%arg15 : memref<128x128xf32, #tpu.memory_space<vmem>>) target(%dma_start3A_80 : memref<8448x128xf32, #tpu.memory_space<vmem_shared>>) offsets(%dma_start3A_77 : memref<128xi32, #tpu.memory_space<vmem>>) semaphore(%arg18 : memref<!tpu.dma_semaphore, #tpu.memory_space<semaphore_mem>>) {add = true}
    %dma_wait3A_81 = arith.constant 0 : i32
    %dma_wait3A_82 = arith.constant 0 : i32
    %dma_wait3A_83 = tpu.memref_slice %arg12[%dma_wait3A_81, %dma_wait3A_82] : memref<8x128xi32, #tpu.memory_space<vmem>> -> memref<1x128xi32, #tpu.memory_space<vmem>>
    %dma_wait3A_84 = tpu.memref_squeeze %dma_wait3A_83 : memref<1x128xi32, #tpu.memory_space<vmem>> -> memref<128xi32, #tpu.memory_space<vmem>>
    %dma_wait3A_85 = arith.constant 0 : i32
    %dma_wait3A_86 = arith.constant 0 : i32
    %dma_wait3A_87 = tpu.memref_slice %arg16[%dma_wait3A_85, %dma_wait3A_86] : memref<8448x128xf32, #tpu.memory_space<vmem_shared>> -> memref<8448x128xf32, #tpu.memory_space<vmem_shared>>
    tpu.wait_indirect_dma semaphore(%arg18 : memref<!tpu.dma_semaphore, #tpu.memory_space<semaphore_mem>>) src(%arg15 : memref<128x128xf32, #tpu.memory_space<vmem>>) dst(%dma_wait3A_87 : memref<8448x128xf32, #tpu.memory_space<vmem_shared>>)
    %dma_wait3A_88 = arith.constant 0 : i32
    %dma_wait3A_89 = arith.constant 0 : i32
    %dma_wait3A_90 = arith.constant 0 : i32
    %dma_wait3A_91 = arith.constant 0 : i32
    %dma_wait3A_92 = tpu.memref_slice %arg14[%dma_wait3A_88, %dma_wait3A_90, %dma_wait3A_91] : memref<2x128x128xf32, #tpu.memory_space<vmem>> -> memref<1x128x128xf32, #tpu.memory_space<vmem>>
    %dma_wait3A_93 = tpu.memref_squeeze %dma_wait3A_92 : memref<1x128x128xf32, #tpu.memory_space<vmem>> -> memref<128x128xf32, #tpu.memory_space<vmem>>
    %dma_wait3A_94 = arith.constant 0 : i32
    %dma_wait3A_95 = tpu.memref_slice %arg12[%dma_wait3A_89, %dma_wait3A_94] : memref<8x128xi32, #tpu.memory_space<vmem>> -> memref<1x128xi32, #tpu.memory_space<vmem>>
    %dma_wait3A_96 = tpu.memref_squeeze %dma_wait3A_95 : memref<1x128xi32, #tpu.memory_space<vmem>> -> memref<128xi32, #tpu.memory_space<vmem>>
    %dma_wait3A_97 = arith.constant 0 : i32
    %dma_wait3A_98 = arith.constant 0 : i32
    %dma_wait3A_99 = tpu.memref_slice %arg16[%dma_wait3A_97, %dma_wait3A_98] : memref<8448x128xf32, #tpu.memory_space<vmem_shared>> -> memref<8448x128xf32, #tpu.memory_space<vmem_shared>>
    tpu.wait_indirect_dma semaphore(%arg19 : memref<!tpu.dma_semaphore, #tpu.memory_space<semaphore_mem>>) src(%dma_wait3A_93 : memref<128x128xf32, #tpu.memory_space<vmem>>) dst(%dma_wait3A_99 : memref<8448x128xf32, #tpu.memory_space<vmem_shared>>)
    %dma_start3A_100 = arith.constant 2 : i32
    %dma_start3A_101 = arith.constant 0 : i32
    %dma_start3A_102 = arith.constant 0 : i32
    %dma_start3A_103 = arith.constant 0 : i32
    %dma_start3A_104 = tpu.memref_slice %arg14[%dma_start3A_101, %dma_start3A_102, %dma_start3A_103] : memref<2x128x128xf32, #tpu.memory_space<vmem>> -> memref<1x128x128xf32, #tpu.memory_space<vmem>>
    %dma_start3A_105 = tpu.memref_squeeze %dma_start3A_104 : memref<1x128x128xf32, #tpu.memory_space<vmem>> -> memref<128x128xf32, #tpu.memory_space<vmem>>
    %dma_start3A_106 = arith.constant 0 : i32
    %dma_start3A_107 = tpu.memref_slice %arg11[%dma_start3A_100, %dma_start3A_106] : memref<8x128xi32, #tpu.memory_space<vmem>> -> memref<1x128xi32, #tpu.memory_space<vmem>>
    %dma_start3A_108 = tpu.memref_squeeze %dma_start3A_107 : memref<1x128xi32, #tpu.memory_space<vmem>> -> memref<128xi32, #tpu.memory_space<vmem>>
    %dma_start3A_109 = arith.constant 0 : i32
    %dma_start3A_110 = arith.constant 0 : i32
    %dma_start3A_111 = tpu.memref_slice %arg2[%dma_start3A_109, %dma_start3A_110] : memref<10240x128xf32, #tpu.memory_space<hbm>> -> memref<10240x128xf32, #tpu.memory_space<hbm>>
    tpu.enqueue_indirect_dma source(%dma_start3A_111 : memref<10240x128xf32, #tpu.memory_space<hbm>>) target(%dma_start3A_105 : memref<128x128xf32, #tpu.memory_space<vmem>>) offsets(%dma_start3A_108 : memref<128xi32, #tpu.memory_space<vmem>>) semaphore(%arg17 : memref<!tpu.dma_semaphore, #tpu.memory_space<semaphore_mem>>)
    %mul3A_112 = arith.constant 8 : i32
    %mul3A_113 = arith.muli %arg1, %mul3A_112 : i32
    %add3A_114 = arith.constant 1 : i32
    %add3A_115 = arith.addi %mul3A_113, %add3A_114 : i32
    %mul3A_116 = arith.constant 128 : i32
    %mul3A_117 = arith.muli %add3A_115, %mul3A_116 : i32
    %dma_start3A_118 = arith.constant 0 : i32
    %dma_start3A_119 = tpu.memref_slice %arg3[%mul3A_117, %dma_start3A_118] : memref<16384x128xf32, #tpu.memory_space<hbm>> -> memref<128x128xf32, #tpu.memory_space<hbm>>
    %dma_start3A_120 = arith.constant 0 : i32
    %dma_start3A_121 = tpu.memref_slice %arg3[%mul3A_117, %dma_start3A_120] : memref<16384x128xf32, #tpu.memory_space<hbm>> -> memref<128x128xf32, #tpu.memory_space<hbm>>
    tpu.enqueue_dma source(%dma_start3A_121 : memref<128x128xf32, #tpu.memory_space<hbm>>) target(%arg15 : memref<128x128xf32, #tpu.memory_space<vmem>>) target_semaphore(%arg18 : memref<!tpu.dma_semaphore, #tpu.memory_space<semaphore_mem>>)
    %dma_wait3A_122 = arith.constant 1 : i32
    %dma_wait3A_123 = arith.constant 1 : i32
    %dma_wait3A_124 = arith.constant 0 : i32
    %dma_wait3A_125 = arith.constant 0 : i32
    %dma_wait3A_126 = tpu.memref_slice %arg14[%dma_wait3A_123, %dma_wait3A_124, %dma_wait3A_125] : memref<2x128x128xf32, #tpu.memory_space<vmem>> -> memref<1x128x128xf32, #tpu.memory_space<vmem>>
    %dma_wait3A_127 = tpu.memref_squeeze %dma_wait3A_126 : memref<1x128x128xf32, #tpu.memory_space<vmem>> -> memref<128x128xf32, #tpu.memory_space<vmem>>
    %dma_wait3A_128 = arith.constant 0 : i32
    %dma_wait3A_129 = tpu.memref_slice %arg11[%dma_wait3A_122, %dma_wait3A_128] : memref<8x128xi32, #tpu.memory_space<vmem>> -> memref<1x128xi32, #tpu.memory_space<vmem>>
    %dma_wait3A_130 = tpu.memref_squeeze %dma_wait3A_129 : memref<1x128xi32, #tpu.memory_space<vmem>> -> memref<128xi32, #tpu.memory_space<vmem>>
    %dma_wait3A_131 = arith.constant 0 : i32
    %dma_wait3A_132 = arith.constant 0 : i32
    %dma_wait3A_133 = tpu.memref_slice %arg2[%dma_wait3A_131, %dma_wait3A_132] : memref<10240x128xf32, #tpu.memory_space<hbm>> -> memref<10240x128xf32, #tpu.memory_space<hbm>>
    tpu.wait_indirect_dma semaphore(%arg17 : memref<!tpu.dma_semaphore, #tpu.memory_space<semaphore_mem>>) src(%dma_wait3A_133 : memref<10240x128xf32, #tpu.memory_space<hbm>>) dst(%dma_wait3A_127 : memref<128x128xf32, #tpu.memory_space<vmem>>)
    %eq3A_134 = arith.constant 0 : i32
    %eq3A_135 = arith.cmpi eq, %arg0, %eq3A_134 : i32
    %convert_element_type3A_136 = arith.extui %eq3A_135 : i1 to i32
    %cond3A_137 = arith.constant 0 : i32
    %cond3A_138 = arith.cmpi ne, %convert_element_type3A_136, %cond3A_137 : i32
    scf.if %cond3A_138 {
      %mul3A_1283 = arith.constant 128 : i32
      %mul3A_1284 = arith.muli %add3A_115, %mul3A_1283 : i32
      %dma_start3A_1285 = arith.constant 1 : i32
      %dma_start3A_1286 = arith.constant 0 : i32
      %dma_start3A_1287 = arith.constant 0 : i32
      %dma_start3A_1288 = tpu.memref_slice %arg14[%dma_start3A_1285, %dma_start3A_1286, %dma_start3A_1287] : memref<2x128x128xf32, #tpu.memory_space<vmem>> -> memref<1x128x128xf32, #tpu.memory_space<vmem>>
      %dma_start3A_1289 = tpu.memref_squeeze %dma_start3A_1288 : memref<1x128x128xf32, #tpu.memory_space<vmem>> -> memref<128x128xf32, #tpu.memory_space<vmem>>
      %dma_start3A_1290 = arith.constant 0 : i32
      %dma_start3A_1291 = tpu.memref_slice %arg8[%mul3A_1284, %dma_start3A_1290] : memref<16384x128xf32, #tpu.memory_space<hbm>> -> memref<128x128xf32, #tpu.memory_space<hbm>>
      %dma_start3A_1292 = arith.constant 0 : i32
      %dma_start3A_1293 = tpu.memref_slice %arg8[%mul3A_1284, %dma_start3A_1292] : memref<16384x128xf32, #tpu.memory_space<hbm>> -> memref<128x128xf32, #tpu.memory_space<hbm>>
      %dma_start3A_1294 = arith.constant 0 : i32
      %dma_start3A_1295 = arith.constant 0 : i32
      %dma_start3A_1296 = tpu.memref_slice %arg14[%dma_start3A_1285, %dma_start3A_1294, %dma_start3A_1295] : memref<2x128x128xf32, #tpu.memory_space<vmem>> -> memref<1x128x128xf32, #tpu.memory_space<vmem>>
      %dma_start3A_1297 = tpu.memref_squeeze %dma_start3A_1296 : memref<1x128x128xf32, #tpu.memory_space<vmem>> -> memref<128x128xf32, #tpu.memory_space<vmem>>
      tpu.enqueue_dma source(%dma_start3A_1297 : memref<128x128xf32, #tpu.memory_space<vmem>>) target(%dma_start3A_1293 : memref<128x128xf32, #tpu.memory_space<hbm>>) target_semaphore(%arg20 : memref<!tpu.dma_semaphore, #tpu.memory_space<semaphore_mem>>)
      %dma_wait3A_1298 = arith.constant 1 : i32
      %dma_wait3A_1299 = arith.constant 0 : i32
      %dma_wait3A_1300 = arith.constant 0 : i32
      %dma_wait3A_1301 = tpu.memref_slice %arg14[%dma_wait3A_1298, %dma_wait3A_1299, %dma_wait3A_1300] : memref<2x128x128xf32, #tpu.memory_space<vmem>> -> memref<1x128x128xf32, #tpu.memory_space<vmem>>
      %dma_wait3A_1302 = tpu.memref_squeeze %dma_wait3A_1301 : memref<1x128x128xf32, #tpu.memory_space<vmem>> -> memref<128x128xf32, #tpu.memory_space<vmem>>
      %dma_wait3A_1303 = arith.constant 0 : i32
      %dma_wait3A_1304 = tpu.memref_slice %arg8[%mul3A_1284, %dma_wait3A_1303] : memref<16384x128xf32, #tpu.memory_space<hbm>> -> memref<128x128xf32, #tpu.memory_space<hbm>>
      %dma_wait3A_1305 = arith.constant 0 : i32
      %dma_wait3A_1306 = tpu.memref_slice %arg8[%mul3A_1284, %dma_wait3A_1305] : memref<16384x128xf32, #tpu.memory_space<hbm>> -> memref<128x128xf32, #tpu.memory_space<hbm>>
      %dma_wait3A_1307 = arith.constant 0 : i32
      %dma_wait3A_1308 = arith.constant 0 : i32
      %dma_wait3A_1309 = tpu.memref_slice %arg14[%dma_wait3A_1298, %dma_wait3A_1307, %dma_wait3A_1308] : memref<2x128x128xf32, #tpu.memory_space<vmem>> -> memref<1x128x128xf32, #tpu.memory_space<vmem>>
      %dma_wait3A_1310 = tpu.memref_squeeze %dma_wait3A_1309 : memref<1x128x128xf32, #tpu.memory_space<vmem>> -> memref<128x128xf32, #tpu.memory_space<vmem>>
      tpu.wait_dma2 semaphore(%arg20 : memref<!tpu.dma_semaphore, #tpu.memory_space<semaphore_mem>>) src(%dma_wait3A_1310 : memref<128x128xf32, #tpu.memory_space<vmem>>) dst(%dma_wait3A_1306 : memref<128x128xf32, #tpu.memory_space<hbm>>)
    } else {
    }
    %dma_start3A_139 = arith.constant 1 : i32
    %dma_start3A_140 = arith.constant 1 : i32
    %dma_start3A_141 = arith.constant 0 : i32
    %dma_start3A_142 = arith.constant 0 : i32
    %dma_start3A_143 = tpu.memref_slice %arg14[%dma_start3A_139, %dma_start3A_141, %dma_start3A_142] : memref<2x128x128xf32, #tpu.memory_space<vmem>> -> memref<1x128x128xf32, #tpu.memory_space<vmem>>
    %dma_start3A_144 = tpu.memref_squeeze %dma_start3A_143 : memref<1x128x128xf32, #tpu.memory_space<vmem>> -> memref<128x128xf32, #tpu.memory_space<vmem>>
    %dma_start3A_145 = arith.constant 0 : i32
    %dma_start3A_146 = tpu.memref_slice %arg12[%dma_start3A_140, %dma_start3A_145] : memref<8x128xi32, #tpu.memory_space<vmem>> -> memref<1x128xi32, #tpu.memory_space<vmem>>
    %dma_start3A_147 = tpu.memref_squeeze %dma_start3A_146 : memref<1x128xi32, #tpu.memory_space<vmem>> -> memref<128xi32, #tpu.memory_space<vmem>>
    %dma_start3A_148 = arith.constant 0 : i32
    %dma_start3A_149 = arith.constant 0 : i32
    %dma_start3A_150 = tpu.memref_slice %arg16[%dma_start3A_148, %dma_start3A_149] : memref<8448x128xf32, #tpu.memory_space<vmem_shared>> -> memref<8448x128xf32, #tpu.memory_space<vmem_shared>>
    tpu.enqueue_indirect_dma source(%dma_start3A_144 : memref<128x128xf32, #tpu.memory_space<vmem>>) target(%dma_start3A_150 : memref<8448x128xf32, #tpu.memory_space<vmem_shared>>) offsets(%dma_start3A_147 : memref<128xi32, #tpu.memory_space<vmem>>) semaphore(%arg19 : memref<!tpu.dma_semaphore, #tpu.memory_space<semaphore_mem>>) {add = true}
    %dma_wait3A_151 = arith.constant 0 : i32
    %dma_wait3A_152 = tpu.memref_slice %arg3[%mul3A_117, %dma_wait3A_151] : memref<16384x128xf32, #tpu.memory_space<hbm>> -> memref<128x128xf32, #tpu.memory_space<hbm>>
    %dma_wait3A_153 = arith.constant 0 : i32
    %dma_wait3A_154 = tpu.memref_slice %arg3[%mul3A_117, %dma_wait3A_153] : memref<16384x128xf32, #tpu.memory_space<hbm>> -> memref<128x128xf32, #tpu.memory_space<hbm>>
    tpu.wait_dma2 semaphore(%arg18 : memref<!tpu.dma_semaphore, #tpu.memory_space<semaphore_mem>>) src(%dma_wait3A_154 : memref<128x128xf32, #tpu.memory_space<hbm>>) dst(%arg15 : memref<128x128xf32, #tpu.memory_space<vmem>>)
    %dma_start3A_155 = arith.constant 1 : i32
    %dma_start3A_156 = arith.constant 0 : i32
    %dma_start3A_157 = tpu.memref_slice %arg12[%dma_start3A_155, %dma_start3A_156] : memref<8x128xi32, #tpu.memory_space<vmem>> -> memref<1x128xi32, #tpu.memory_space<vmem>>
    %dma_start3A_158 = tpu.memref_squeeze %dma_start3A_157 : memref<1x128xi32, #tpu.memory_space<vmem>> -> memref<128xi32, #tpu.memory_space<vmem>>
    %dma_start3A_159 = arith.constant 0 : i32
    %dma_start3A_160 = arith.constant 0 : i32
    %dma_start3A_161 = tpu.memref_slice %arg16[%dma_start3A_159, %dma_start3A_160] : memref<8448x128xf32, #tpu.memory_space<vmem_shared>> -> memref<8448x128xf32, #tpu.memory_space<vmem_shared>>
    tpu.enqueue_indirect_dma source(%arg15 : memref<128x128xf32, #tpu.memory_space<vmem>>) target(%dma_start3A_161 : memref<8448x128xf32, #tpu.memory_space<vmem_shared>>) offsets(%dma_start3A_158 : memref<128xi32, #tpu.memory_space<vmem>>) semaphore(%arg18 : memref<!tpu.dma_semaphore, #tpu.memory_space<semaphore_mem>>) {add = true}
    %dma_wait3A_162 = arith.constant 1 : i32
    %dma_wait3A_163 = arith.constant 0 : i32
    %dma_wait3A_164 = tpu.memref_slice %arg12[%dma_wait3A_162, %dma_wait3A_163] : memref<8x128xi32, #tpu.memory_space<vmem>> -> memref<1x128xi32, #tpu.memory_space<vmem>>
    %dma_wait3A_165 = tpu.memref_squeeze %dma_wait3A_164 : memref<1x128xi32, #tpu.memory_space<vmem>> -> memref<128xi32, #tpu.memory_space<vmem>>
    %dma_wait3A_166 = arith.constant 0 : i32
    %dma_wait3A_167 = arith.constant 0 : i32
    %dma_wait3A_168 = tpu.memref_slice %arg16[%dma_wait3A_166, %dma_wait3A_167] : memref<8448x128xf32, #tpu.memory_space<vmem_shared>> -> memref<8448x128xf32, #tpu.memory_space<vmem_shared>>
    tpu.wait_indirect_dma semaphore(%arg18 : memref<!tpu.dma_semaphore, #tpu.memory_space<semaphore_mem>>) src(%arg15 : memref<128x128xf32, #tpu.memory_space<vmem>>) dst(%dma_wait3A_168 : memref<8448x128xf32, #tpu.memory_space<vmem_shared>>)
    %dma_wait3A_169 = arith.constant 1 : i32
    %dma_wait3A_170 = arith.constant 1 : i32
    %dma_wait3A_171 = arith.constant 0 : i32
    %dma_wait3A_172 = arith.constant 0 : i32
    %dma_wait3A_173 = tpu.memref_slice %arg14[%dma_wait3A_169, %dma_wait3A_171, %dma_wait3A_172] : memref<2x128x128xf32, #tpu.memory_space<vmem>> -> memref<1x128x128xf32, #tpu.memory_space<vmem>>
    %dma_wait3A_174 = tpu.memref_squeeze %dma_wait3A_173 : memref<1x128x128xf32, #tpu.memory_space<vmem>> -> memref<128x128xf32, #tpu.memory_space<vmem>>
    %dma_wait3A_175 = arith.constant 0 : i32
    %dma_wait3A_176 = tpu.memref_slice %arg12[%dma_wait3A_170, %dma_wait3A_175] : memref<8x128xi32, #tpu.memory_space<vmem>> -> memref<1x128xi32, #tpu.memory_space<vmem>>
    %dma_wait3A_177 = tpu.memref_squeeze %dma_wait3A_176 : memref<1x128xi32, #tpu.memory_space<vmem>> -> memref<128xi32, #tpu.memory_space<vmem>>
    %dma_wait3A_178 = arith.constant 0 : i32
    %dma_wait3A_179 = arith.constant 0 : i32
    %dma_wait3A_180 = tpu.memref_slice %arg16[%dma_wait3A_178, %dma_wait3A_179] : memref<8448x128xf32, #tpu.memory_space<vmem_shared>> -> memref<8448x128xf32, #tpu.memory_space<vmem_shared>>
    tpu.wait_indirect_dma semaphore(%arg19 : memref<!tpu.dma_semaphore, #tpu.memory_space<semaphore_mem>>) src(%dma_wait3A_174 : memref<128x128xf32, #tpu.memory_space<vmem>>) dst(%dma_wait3A_180 : memref<8448x128xf32, #tpu.memory_space<vmem_shared>>)
    %dma_start3A_181 = arith.constant 3 : i32
    %dma_start3A_182 = arith.constant 1 : i32
    %dma_start3A_183 = arith.constant 0 : i32
    %dma_start3A_184 = arith.constant 0 : i32
    %dma_start3A_185 = tpu.memref_slice %arg14[%dma_start3A_182, %dma_start3A_183, %dma_start3A_184] : memref<2x128x128xf32, #tpu.memory_space<vmem>> -> memref<1x128x128xf32, #tpu.memory_space<vmem>>
    %dma_start3A_186 = tpu.memref_squeeze %dma_start3A_185 : memref<1x128x128xf32, #tpu.memory_space<vmem>> -> memref<128x128xf32, #tpu.memory_space<vmem>>
    %dma_start3A_187 = arith.constant 0 : i32
    %dma_start3A_188 = tpu.memref_slice %arg11[%dma_start3A_181, %dma_start3A_187] : memref<8x128xi32, #tpu.memory_space<vmem>> -> memref<1x128xi32, #tpu.memory_space<vmem>>
    %dma_start3A_189 = tpu.memref_squeeze %dma_start3A_188 : memref<1x128xi32, #tpu.memory_space<vmem>> -> memref<128xi32, #tpu.memory_space<vmem>>
    %dma_start3A_190 = arith.constant 0 : i32
    %dma_start3A_191 = arith.constant 0 : i32
    %dma_start3A_192 = tpu.memref_slice %arg2[%dma_start3A_190, %dma_start3A_191] : memref<10240x128xf32, #tpu.memory_space<hbm>> -> memref<10240x128xf32, #tpu.memory_space<hbm>>
    tpu.enqueue_indirect_dma source(%dma_start3A_192 : memref<10240x128xf32, #tpu.memory_space<hbm>>) target(%dma_start3A_186 : memref<128x128xf32, #tpu.memory_space<vmem>>) offsets(%dma_start3A_189 : memref<128xi32, #tpu.memory_space<vmem>>) semaphore(%arg17 : memref<!tpu.dma_semaphore, #tpu.memory_space<semaphore_mem>>)
    %mul3A_193 = arith.constant 8 : i32
    %mul3A_194 = arith.muli %arg1, %mul3A_193 : i32
    %add3A_195 = arith.constant 2 : i32
    %add3A_196 = arith.addi %mul3A_194, %add3A_195 : i32
    %mul3A_197 = arith.constant 128 : i32
    %mul3A_198 = arith.muli %add3A_196, %mul3A_197 : i32
    %dma_start3A_199 = arith.constant 0 : i32
    %dma_start3A_200 = tpu.memref_slice %arg3[%mul3A_198, %dma_start3A_199] : memref<16384x128xf32, #tpu.memory_space<hbm>> -> memref<128x128xf32, #tpu.memory_space<hbm>>
    %dma_start3A_201 = arith.constant 0 : i32
    %dma_start3A_202 = tpu.memref_slice %arg3[%mul3A_198, %dma_start3A_201] : memref<16384x128xf32, #tpu.memory_space<hbm>> -> memref<128x128xf32, #tpu.memory_space<hbm>>
    tpu.enqueue_dma source(%dma_start3A_202 : memref<128x128xf32, #tpu.memory_space<hbm>>) target(%arg15 : memref<128x128xf32, #tpu.memory_space<vmem>>) target_semaphore(%arg18 : memref<!tpu.dma_semaphore, #tpu.memory_space<semaphore_mem>>)
    %dma_wait3A_203 = arith.constant 2 : i32
    %dma_wait3A_204 = arith.constant 0 : i32
    %dma_wait3A_205 = arith.constant 0 : i32
    %dma_wait3A_206 = arith.constant 0 : i32
    %dma_wait3A_207 = tpu.memref_slice %arg14[%dma_wait3A_204, %dma_wait3A_205, %dma_wait3A_206] : memref<2x128x128xf32, #tpu.memory_space<vmem>> -> memref<1x128x128xf32, #tpu.memory_space<vmem>>
    %dma_wait3A_208 = tpu.memref_squeeze %dma_wait3A_207 : memref<1x128x128xf32, #tpu.memory_space<vmem>> -> memref<128x128xf32, #tpu.memory_space<vmem>>
    %dma_wait3A_209 = arith.constant 0 : i32
    %dma_wait3A_210 = tpu.memref_slice %arg11[%dma_wait3A_203, %dma_wait3A_209] : memref<8x128xi32, #tpu.memory_space<vmem>> -> memref<1x128xi32, #tpu.memory_space<vmem>>
    %dma_wait3A_211 = tpu.memref_squeeze %dma_wait3A_210 : memref<1x128xi32, #tpu.memory_space<vmem>> -> memref<128xi32, #tpu.memory_space<vmem>>
    %dma_wait3A_212 = arith.constant 0 : i32
    %dma_wait3A_213 = arith.constant 0 : i32
    %dma_wait3A_214 = tpu.memref_slice %arg2[%dma_wait3A_212, %dma_wait3A_213] : memref<10240x128xf32, #tpu.memory_space<hbm>> -> memref<10240x128xf32, #tpu.memory_space<hbm>>
    tpu.wait_indirect_dma semaphore(%arg17 : memref<!tpu.dma_semaphore, #tpu.memory_space<semaphore_mem>>) src(%dma_wait3A_214 : memref<10240x128xf32, #tpu.memory_space<hbm>>) dst(%dma_wait3A_208 : memref<128x128xf32, #tpu.memory_space<vmem>>)
    %eq3A_215 = arith.constant 0 : i32
    %eq3A_216 = arith.cmpi eq, %arg0, %eq3A_215 : i32
    %convert_element_type3A_217 = arith.extui %eq3A_216 : i1 to i32
    %cond3A_218 = arith.constant 0 : i32
    %cond3A_219 = arith.cmpi ne, %convert_element_type3A_217, %cond3A_218 : i32
    scf.if %cond3A_219 {
      %mul3A_1283 = arith.constant 128 : i32
      %mul3A_1284 = arith.muli %add3A_196, %mul3A_1283 : i32
      %dma_start3A_1285 = arith.constant 0 : i32
      %dma_start3A_1286 = arith.constant 0 : i32
      %dma_start3A_1287 = arith.constant 0 : i32
      %dma_start3A_1288 = tpu.memref_slice %arg14[%dma_start3A_1285, %dma_start3A_1286, %dma_start3A_1287] : memref<2x128x128xf32, #tpu.memory_space<vmem>> -> memref<1x128x128xf32, #tpu.memory_space<vmem>>
      %dma_start3A_1289 = tpu.memref_squeeze %dma_start3A_1288 : memref<1x128x128xf32, #tpu.memory_space<vmem>> -> memref<128x128xf32, #tpu.memory_space<vmem>>
      %dma_start3A_1290 = arith.constant 0 : i32
      %dma_start3A_1291 = tpu.memref_slice %arg8[%mul3A_1284, %dma_start3A_1290] : memref<16384x128xf32, #tpu.memory_space<hbm>> -> memref<128x128xf32, #tpu.memory_space<hbm>>
      %dma_start3A_1292 = arith.constant 0 : i32
      %dma_start3A_1293 = tpu.memref_slice %arg8[%mul3A_1284, %dma_start3A_1292] : memref<16384x128xf32, #tpu.memory_space<hbm>> -> memref<128x128xf32, #tpu.memory_space<hbm>>
      %dma_start3A_1294 = arith.constant 0 : i32
      %dma_start3A_1295 = arith.constant 0 : i32
      %dma_start3A_1296 = tpu.memref_slice %arg14[%dma_start3A_1285, %dma_start3A_1294, %dma_start3A_1295] : memref<2x128x128xf32, #tpu.memory_space<vmem>> -> memref<1x128x128xf32, #tpu.memory_space<vmem>>
      %dma_start3A_1297 = tpu.memref_squeeze %dma_start3A_1296 : memref<1x128x128xf32, #tpu.memory_space<vmem>> -> memref<128x128xf32, #tpu.memory_space<vmem>>
      tpu.enqueue_dma source(%dma_start3A_1297 : memref<128x128xf32, #tpu.memory_space<vmem>>) target(%dma_start3A_1293 : memref<128x128xf32, #tpu.memory_space<hbm>>) target_semaphore(%arg20 : memref<!tpu.dma_semaphore, #tpu.memory_space<semaphore_mem>>)
      %dma_wait3A_1298 = arith.constant 0 : i32
      %dma_wait3A_1299 = arith.constant 0 : i32
      %dma_wait3A_1300 = arith.constant 0 : i32
      %dma_wait3A_1301 = tpu.memref_slice %arg14[%dma_wait3A_1298, %dma_wait3A_1299, %dma_wait3A_1300] : memref<2x128x128xf32, #tpu.memory_space<vmem>> -> memref<1x128x128xf32, #tpu.memory_space<vmem>>
      %dma_wait3A_1302 = tpu.memref_squeeze %dma_wait3A_1301 : memref<1x128x128xf32, #tpu.memory_space<vmem>> -> memref<128x128xf32, #tpu.memory_space<vmem>>
      %dma_wait3A_1303 = arith.constant 0 : i32
      %dma_wait3A_1304 = tpu.memref_slice %arg8[%mul3A_1284, %dma_wait3A_1303] : memref<16384x128xf32, #tpu.memory_space<hbm>> -> memref<128x128xf32, #tpu.memory_space<hbm>>
      %dma_wait3A_1305 = arith.constant 0 : i32
      %dma_wait3A_1306 = tpu.memref_slice %arg8[%mul3A_1284, %dma_wait3A_1305] : memref<16384x128xf32, #tpu.memory_space<hbm>> -> memref<128x128xf32, #tpu.memory_space<hbm>>
      %dma_wait3A_1307 = arith.constant 0 : i32
      %dma_wait3A_1308 = arith.constant 0 : i32
      %dma_wait3A_1309 = tpu.memref_slice %arg14[%dma_wait3A_1298, %dma_wait3A_1307, %dma_wait3A_1308] : memref<2x128x128xf32, #tpu.memory_space<vmem>> -> memref<1x128x128xf32, #tpu.memory_space<vmem>>
      %dma_wait3A_1310 = tpu.memref_squeeze %dma_wait3A_1309 : memref<1x128x128xf32, #tpu.memory_space<vmem>> -> memref<128x128xf32, #tpu.memory_space<vmem>>
      tpu.wait_dma2 semaphore(%arg20 : memref<!tpu.dma_semaphore, #tpu.memory_space<semaphore_mem>>) src(%dma_wait3A_1310 : memref<128x128xf32, #tpu.memory_space<vmem>>) dst(%dma_wait3A_1306 : memref<128x128xf32, #tpu.memory_space<hbm>>)
    } else {
    }
    %dma_start3A_220 = arith.constant 0 : i32
    %dma_start3A_221 = arith.constant 2 : i32
    %dma_start3A_222 = arith.constant 0 : i32
    %dma_start3A_223 = arith.constant 0 : i32
    %dma_start3A_224 = tpu.memref_slice %arg14[%dma_start3A_220, %dma_start3A_222, %dma_start3A_223] : memref<2x128x128xf32, #tpu.memory_space<vmem>> -> memref<1x128x128xf32, #tpu.memory_space<vmem>>
    %dma_start3A_225 = tpu.memref_squeeze %dma_start3A_224 : memref<1x128x128xf32, #tpu.memory_space<vmem>> -> memref<128x128xf32, #tpu.memory_space<vmem>>
    %dma_start3A_226 = arith.constant 0 : i32
    %dma_start3A_227 = tpu.memref_slice %arg12[%dma_start3A_221, %dma_start3A_226] : memref<8x128xi32, #tpu.memory_space<vmem>> -> memref<1x128xi32, #tpu.memory_space<vmem>>
    %dma_start3A_228 = tpu.memref_squeeze %dma_start3A_227 : memref<1x128xi32, #tpu.memory_space<vmem>> -> memref<128xi32, #tpu.memory_space<vmem>>
    %dma_start3A_229 = arith.constant 0 : i32
    %dma_start3A_230 = arith.constant 0 : i32
    %dma_start3A_231 = tpu.memref_slice %arg16[%dma_start3A_229, %dma_start3A_230] : memref<8448x128xf32, #tpu.memory_space<vmem_shared>> -> memref<8448x128xf32, #tpu.memory_space<vmem_shared>>
    tpu.enqueue_indirect_dma source(%dma_start3A_225 : memref<128x128xf32, #tpu.memory_space<vmem>>) target(%dma_start3A_231 : memref<8448x128xf32, #tpu.memory_space<vmem_shared>>) offsets(%dma_start3A_228 : memref<128xi32, #tpu.memory_space<vmem>>) semaphore(%arg19 : memref<!tpu.dma_semaphore, #tpu.memory_space<semaphore_mem>>) {add = true}
    %dma_wait3A_232 = arith.constant 0 : i32
    %dma_wait3A_233 = tpu.memref_slice %arg3[%mul3A_198, %dma_wait3A_232] : memref<16384x128xf32, #tpu.memory_space<hbm>> -> memref<128x128xf32, #tpu.memory_space<hbm>>
    %dma_wait3A_234 = arith.constant 0 : i32
    %dma_wait3A_235 = tpu.memref_slice %arg3[%mul3A_198, %dma_wait3A_234] : memref<16384x128xf32, #tpu.memory_space<hbm>> -> memref<128x128xf32, #tpu.memory_space<hbm>>
    tpu.wait_dma2 semaphore(%arg18 : memref<!tpu.dma_semaphore, #tpu.memory_space<semaphore_mem>>) src(%dma_wait3A_235 : memref<128x128xf32, #tpu.memory_space<hbm>>) dst(%arg15 : memref<128x128xf32, #tpu.memory_space<vmem>>)
    %dma_start3A_236 = arith.constant 2 : i32
    %dma_start3A_237 = arith.constant 0 : i32
    %dma_start3A_238 = tpu.memref_slice %arg12[%dma_start3A_236, %dma_start3A_237] : memref<8x128xi32, #tpu.memory_space<vmem>> -> memref<1x128xi32, #tpu.memory_space<vmem>>
    %dma_start3A_239 = tpu.memref_squeeze %dma_start3A_238 : memref<1x128xi32, #tpu.memory_space<vmem>> -> memref<128xi32, #tpu.memory_space<vmem>>
    %dma_start3A_240 = arith.constant 0 : i32
    %dma_start3A_241 = arith.constant 0 : i32
    %dma_start3A_242 = tpu.memref_slice %arg16[%dma_start3A_240, %dma_start3A_241] : memref<8448x128xf32, #tpu.memory_space<vmem_shared>> -> memref<8448x128xf32, #tpu.memory_space<vmem_shared>>
    tpu.enqueue_indirect_dma source(%arg15 : memref<128x128xf32, #tpu.memory_space<vmem>>) target(%dma_start3A_242 : memref<8448x128xf32, #tpu.memory_space<vmem_shared>>) offsets(%dma_start3A_239 : memref<128xi32, #tpu.memory_space<vmem>>) semaphore(%arg18 : memref<!tpu.dma_semaphore, #tpu.memory_space<semaphore_mem>>) {add = true}
    %dma_wait3A_243 = arith.constant 2 : i32
    %dma_wait3A_244 = arith.constant 0 : i32
    %dma_wait3A_245 = tpu.memref_slice %arg12[%dma_wait3A_243, %dma_wait3A_244] : memref<8x128xi32, #tpu.memory_space<vmem>> -> memref<1x128xi32, #tpu.memory_space<vmem>>
    %dma_wait3A_246 = tpu.memref_squeeze %dma_wait3A_245 : memref<1x128xi32, #tpu.memory_space<vmem>> -> memref<128xi32, #tpu.memory_space<vmem>>
    %dma_wait3A_247 = arith.constant 0 : i32
    %dma_wait3A_248 = arith.constant 0 : i32
    %dma_wait3A_249 = tpu.memref_slice %arg16[%dma_wait3A_247, %dma_wait3A_248] : memref<8448x128xf32, #tpu.memory_space<vmem_shared>> -> memref<8448x128xf32, #tpu.memory_space<vmem_shared>>
    tpu.wait_indirect_dma semaphore(%arg18 : memref<!tpu.dma_semaphore, #tpu.memory_space<semaphore_mem>>) src(%arg15 : memref<128x128xf32, #tpu.memory_space<vmem>>) dst(%dma_wait3A_249 : memref<8448x128xf32, #tpu.memory_space<vmem_shared>>)
    %dma_wait3A_250 = arith.constant 0 : i32
    %dma_wait3A_251 = arith.constant 2 : i32
    %dma_wait3A_252 = arith.constant 0 : i32
    %dma_wait3A_253 = arith.constant 0 : i32
    %dma_wait3A_254 = tpu.memref_slice %arg14[%dma_wait3A_250, %dma_wait3A_252, %dma_wait3A_253] : memref<2x128x128xf32, #tpu.memory_space<vmem>> -> memref<1x128x128xf32, #tpu.memory_space<vmem>>
    %dma_wait3A_255 = tpu.memref_squeeze %dma_wait3A_254 : memref<1x128x128xf32, #tpu.memory_space<vmem>> -> memref<128x128xf32, #tpu.memory_space<vmem>>
    %dma_wait3A_256 = arith.constant 0 : i32
    %dma_wait3A_257 = tpu.memref_slice %arg12[%dma_wait3A_251, %dma_wait3A_256] : memref<8x128xi32, #tpu.memory_space<vmem>> -> memref<1x128xi32, #tpu.memory_space<vmem>>
    %dma_wait3A_258 = tpu.memref_squeeze %dma_wait3A_257 : memref<1x128xi32, #tpu.memory_space<vmem>> -> memref<128xi32, #tpu.memory_space<vmem>>
    %dma_wait3A_259 = arith.constant 0 : i32
    %dma_wait3A_260 = arith.constant 0 : i32
    %dma_wait3A_261 = tpu.memref_slice %arg16[%dma_wait3A_259, %dma_wait3A_260] : memref<8448x128xf32, #tpu.memory_space<vmem_shared>> -> memref<8448x128xf32, #tpu.memory_space<vmem_shared>>
    tpu.wait_indirect_dma semaphore(%arg19 : memref<!tpu.dma_semaphore, #tpu.memory_space<semaphore_mem>>) src(%dma_wait3A_255 : memref<128x128xf32, #tpu.memory_space<vmem>>) dst(%dma_wait3A_261 : memref<8448x128xf32, #tpu.memory_space<vmem_shared>>)
    %dma_start3A_262 = arith.constant 4 : i32
    %dma_start3A_263 = arith.constant 0 : i32
    %dma_start3A_264 = arith.constant 0 : i32
    %dma_start3A_265 = arith.constant 0 : i32
    %dma_start3A_266 = tpu.memref_slice %arg14[%dma_start3A_263, %dma_start3A_264, %dma_start3A_265] : memref<2x128x128xf32, #tpu.memory_space<vmem>> -> memref<1x128x128xf32, #tpu.memory_space<vmem>>
    %dma_start3A_267 = tpu.memref_squeeze %dma_start3A_266 : memref<1x128x128xf32, #tpu.memory_space<vmem>> -> memref<128x128xf32, #tpu.memory_space<vmem>>
    %dma_start3A_268 = arith.constant 0 : i32
    %dma_start3A_269 = tpu.memref_slice %arg11[%dma_start3A_262, %dma_start3A_268] : memref<8x128xi32, #tpu.memory_space<vmem>> -> memref<1x128xi32, #tpu.memory_space<vmem>>
    %dma_start3A_270 = tpu.memref_squeeze %dma_start3A_269 : memref<1x128xi32, #tpu.memory_space<vmem>> -> memref<128xi32, #tpu.memory_space<vmem>>
    %dma_start3A_271 = arith.constant 0 : i32
    %dma_start3A_272 = arith.constant 0 : i32
    %dma_start3A_273 = tpu.memref_slice %arg2[%dma_start3A_271, %dma_start3A_272] : memref<10240x128xf32, #tpu.memory_space<hbm>> -> memref<10240x128xf32, #tpu.memory_space<hbm>>
    tpu.enqueue_indirect_dma source(%dma_start3A_273 : memref<10240x128xf32, #tpu.memory_space<hbm>>) target(%dma_start3A_267 : memref<128x128xf32, #tpu.memory_space<vmem>>) offsets(%dma_start3A_270 : memref<128xi32, #tpu.memory_space<vmem>>) semaphore(%arg17 : memref<!tpu.dma_semaphore, #tpu.memory_space<semaphore_mem>>)
    %mul3A_274 = arith.constant 8 : i32
    %mul3A_275 = arith.muli %arg1, %mul3A_274 : i32
    %add3A_276 = arith.constant 3 : i32
    %add3A_277 = arith.addi %mul3A_275, %add3A_276 : i32
    %mul3A_278 = arith.constant 128 : i32
    %mul3A_279 = arith.muli %add3A_277, %mul3A_278 : i32
    %dma_start3A_280 = arith.constant 0 : i32
    %dma_start3A_281 = tpu.memref_slice %arg3[%mul3A_279, %dma_start3A_280] : memref<16384x128xf32, #tpu.memory_space<hbm>> -> memref<128x128xf32, #tpu.memory_space<hbm>>
    %dma_start3A_282 = arith.constant 0 : i32
    %dma_start3A_283 = tpu.memref_slice %arg3[%mul3A_279, %dma_start3A_282] : memref<16384x128xf32, #tpu.memory_space<hbm>> -> memref<128x128xf32, #tpu.memory_space<hbm>>
    tpu.enqueue_dma source(%dma_start3A_283 : memref<128x128xf32, #tpu.memory_space<hbm>>) target(%arg15 : memref<128x128xf32, #tpu.memory_space<vmem>>) target_semaphore(%arg18 : memref<!tpu.dma_semaphore, #tpu.memory_space<semaphore_mem>>)
    %dma_wait3A_284 = arith.constant 3 : i32
    %dma_wait3A_285 = arith.constant 1 : i32
    %dma_wait3A_286 = arith.constant 0 : i32
    %dma_wait3A_287 = arith.constant 0 : i32
    %dma_wait3A_288 = tpu.memref_slice %arg14[%dma_wait3A_285, %dma_wait3A_286, %dma_wait3A_287] : memref<2x128x128xf32, #tpu.memory_space<vmem>> -> memref<1x128x128xf32, #tpu.memory_space<vmem>>
    %dma_wait3A_289 = tpu.memref_squeeze %dma_wait3A_288 : memref<1x128x128xf32, #tpu.memory_space<vmem>> -> memref<128x128xf32, #tpu.memory_space<vmem>>
    %dma_wait3A_290 = arith.constant 0 : i32
    %dma_wait3A_291 = tpu.memref_slice %arg11[%dma_wait3A_284, %dma_wait3A_290] : memref<8x128xi32, #tpu.memory_space<vmem>> -> memref<1x128xi32, #tpu.memory_space<vmem>>
    %dma_wait3A_292 = tpu.memref_squeeze %dma_wait3A_291 : memref<1x128xi32, #tpu.memory_space<vmem>> -> memref<128xi32, #tpu.memory_space<vmem>>
    %dma_wait3A_293 = arith.constant 0 : i32
    %dma_wait3A_294 = arith.constant 0 : i32
    %dma_wait3A_295 = tpu.memref_slice %arg2[%dma_wait3A_293, %dma_wait3A_294] : memref<10240x128xf32, #tpu.memory_space<hbm>> -> memref<10240x128xf32, #tpu.memory_space<hbm>>
    tpu.wait_indirect_dma semaphore(%arg17 : memref<!tpu.dma_semaphore, #tpu.memory_space<semaphore_mem>>) src(%dma_wait3A_295 : memref<10240x128xf32, #tpu.memory_space<hbm>>) dst(%dma_wait3A_289 : memref<128x128xf32, #tpu.memory_space<vmem>>)
    %eq3A_296 = arith.constant 0 : i32
    %eq3A_297 = arith.cmpi eq, %arg0, %eq3A_296 : i32
    %convert_element_type3A_298 = arith.extui %eq3A_297 : i1 to i32
    %cond3A_299 = arith.constant 0 : i32
    %cond3A_300 = arith.cmpi ne, %convert_element_type3A_298, %cond3A_299 : i32
    scf.if %cond3A_300 {
      %mul3A_1283 = arith.constant 128 : i32
      %mul3A_1284 = arith.muli %add3A_277, %mul3A_1283 : i32
      %dma_start3A_1285 = arith.constant 1 : i32
      %dma_start3A_1286 = arith.constant 0 : i32
      %dma_start3A_1287 = arith.constant 0 : i32
      %dma_start3A_1288 = tpu.memref_slice %arg14[%dma_start3A_1285, %dma_start3A_1286, %dma_start3A_1287] : memref<2x128x128xf32, #tpu.memory_space<vmem>> -> memref<1x128x128xf32, #tpu.memory_space<vmem>>
      %dma_start3A_1289 = tpu.memref_squeeze %dma_start3A_1288 : memref<1x128x128xf32, #tpu.memory_space<vmem>> -> memref<128x128xf32, #tpu.memory_space<vmem>>
      %dma_start3A_1290 = arith.constant 0 : i32
      %dma_start3A_1291 = tpu.memref_slice %arg8[%mul3A_1284, %dma_start3A_1290] : memref<16384x128xf32, #tpu.memory_space<hbm>> -> memref<128x128xf32, #tpu.memory_space<hbm>>
      %dma_start3A_1292 = arith.constant 0 : i32
      %dma_start3A_1293 = tpu.memref_slice %arg8[%mul3A_1284, %dma_start3A_1292] : memref<16384x128xf32, #tpu.memory_space<hbm>> -> memref<128x128xf32, #tpu.memory_space<hbm>>
      %dma_start3A_1294 = arith.constant 0 : i32
      %dma_start3A_1295 = arith.constant 0 : i32
      %dma_start3A_1296 = tpu.memref_slice %arg14[%dma_start3A_1285, %dma_start3A_1294, %dma_start3A_1295] : memref<2x128x128xf32, #tpu.memory_space<vmem>> -> memref<1x128x128xf32, #tpu.memory_space<vmem>>
      %dma_start3A_1297 = tpu.memref_squeeze %dma_start3A_1296 : memref<1x128x128xf32, #tpu.memory_space<vmem>> -> memref<128x128xf32, #tpu.memory_space<vmem>>
      tpu.enqueue_dma source(%dma_start3A_1297 : memref<128x128xf32, #tpu.memory_space<vmem>>) target(%dma_start3A_1293 : memref<128x128xf32, #tpu.memory_space<hbm>>) target_semaphore(%arg20 : memref<!tpu.dma_semaphore, #tpu.memory_space<semaphore_mem>>)
      %dma_wait3A_1298 = arith.constant 1 : i32
      %dma_wait3A_1299 = arith.constant 0 : i32
      %dma_wait3A_1300 = arith.constant 0 : i32
      %dma_wait3A_1301 = tpu.memref_slice %arg14[%dma_wait3A_1298, %dma_wait3A_1299, %dma_wait3A_1300] : memref<2x128x128xf32, #tpu.memory_space<vmem>> -> memref<1x128x128xf32, #tpu.memory_space<vmem>>
      %dma_wait3A_1302 = tpu.memref_squeeze %dma_wait3A_1301 : memref<1x128x128xf32, #tpu.memory_space<vmem>> -> memref<128x128xf32, #tpu.memory_space<vmem>>
      %dma_wait3A_1303 = arith.constant 0 : i32
      %dma_wait3A_1304 = tpu.memref_slice %arg8[%mul3A_1284, %dma_wait3A_1303] : memref<16384x128xf32, #tpu.memory_space<hbm>> -> memref<128x128xf32, #tpu.memory_space<hbm>>
      %dma_wait3A_1305 = arith.constant 0 : i32
      %dma_wait3A_1306 = tpu.memref_slice %arg8[%mul3A_1284, %dma_wait3A_1305] : memref<16384x128xf32, #tpu.memory_space<hbm>> -> memref<128x128xf32, #tpu.memory_space<hbm>>
      %dma_wait3A_1307 = arith.constant 0 : i32
      %dma_wait3A_1308 = arith.constant 0 : i32
      %dma_wait3A_1309 = tpu.memref_slice %arg14[%dma_wait3A_1298, %dma_wait3A_1307, %dma_wait3A_1308] : memref<2x128x128xf32, #tpu.memory_space<vmem>> -> memref<1x128x128xf32, #tpu.memory_space<vmem>>
      %dma_wait3A_1310 = tpu.memref_squeeze %dma_wait3A_1309 : memref<1x128x128xf32, #tpu.memory_space<vmem>> -> memref<128x128xf32, #tpu.memory_space<vmem>>
      tpu.wait_dma2 semaphore(%arg20 : memref<!tpu.dma_semaphore, #tpu.memory_space<semaphore_mem>>) src(%dma_wait3A_1310 : memref<128x128xf32, #tpu.memory_space<vmem>>) dst(%dma_wait3A_1306 : memref<128x128xf32, #tpu.memory_space<hbm>>)
    } else {
    }
    %dma_start3A_301 = arith.constant 1 : i32
    %dma_start3A_302 = arith.constant 3 : i32
    %dma_start3A_303 = arith.constant 0 : i32
    %dma_start3A_304 = arith.constant 0 : i32
    %dma_start3A_305 = tpu.memref_slice %arg14[%dma_start3A_301, %dma_start3A_303, %dma_start3A_304] : memref<2x128x128xf32, #tpu.memory_space<vmem>> -> memref<1x128x128xf32, #tpu.memory_space<vmem>>
    %dma_start3A_306 = tpu.memref_squeeze %dma_start3A_305 : memref<1x128x128xf32, #tpu.memory_space<vmem>> -> memref<128x128xf32, #tpu.memory_space<vmem>>
    %dma_start3A_307 = arith.constant 0 : i32
    %dma_start3A_308 = tpu.memref_slice %arg12[%dma_start3A_302, %dma_start3A_307] : memref<8x128xi32, #tpu.memory_space<vmem>> -> memref<1x128xi32, #tpu.memory_space<vmem>>
    %dma_start3A_309 = tpu.memref_squeeze %dma_start3A_308 : memref<1x128xi32, #tpu.memory_space<vmem>> -> memref<128xi32, #tpu.memory_space<vmem>>
    %dma_start3A_310 = arith.constant 0 : i32
    %dma_start3A_311 = arith.constant 0 : i32
    %dma_start3A_312 = tpu.memref_slice %arg16[%dma_start3A_310, %dma_start3A_311] : memref<8448x128xf32, #tpu.memory_space<vmem_shared>> -> memref<8448x128xf32, #tpu.memory_space<vmem_shared>>
    tpu.enqueue_indirect_dma source(%dma_start3A_306 : memref<128x128xf32, #tpu.memory_space<vmem>>) target(%dma_start3A_312 : memref<8448x128xf32, #tpu.memory_space<vmem_shared>>) offsets(%dma_start3A_309 : memref<128xi32, #tpu.memory_space<vmem>>) semaphore(%arg19 : memref<!tpu.dma_semaphore, #tpu.memory_space<semaphore_mem>>) {add = true}
    %dma_wait3A_313 = arith.constant 0 : i32
    %dma_wait3A_314 = tpu.memref_slice %arg3[%mul3A_279, %dma_wait3A_313] : memref<16384x128xf32, #tpu.memory_space<hbm>> -> memref<128x128xf32, #tpu.memory_space<hbm>>
    %dma_wait3A_315 = arith.constant 0 : i32
    %dma_wait3A_316 = tpu.memref_slice %arg3[%mul3A_279, %dma_wait3A_315] : memref<16384x128xf32, #tpu.memory_space<hbm>> -> memref<128x128xf32, #tpu.memory_space<hbm>>
    tpu.wait_dma2 semaphore(%arg18 : memref<!tpu.dma_semaphore, #tpu.memory_space<semaphore_mem>>) src(%dma_wait3A_316 : memref<128x128xf32, #tpu.memory_space<hbm>>) dst(%arg15 : memref<128x128xf32, #tpu.memory_space<vmem>>)
    %dma_start3A_317 = arith.constant 3 : i32
    %dma_start3A_318 = arith.constant 0 : i32
    %dma_start3A_319 = tpu.memref_slice %arg12[%dma_start3A_317, %dma_start3A_318] : memref<8x128xi32, #tpu.memory_space<vmem>> -> memref<1x128xi32, #tpu.memory_space<vmem>>
    %dma_start3A_320 = tpu.memref_squeeze %dma_start3A_319 : memref<1x128xi32, #tpu.memory_space<vmem>> -> memref<128xi32, #tpu.memory_space<vmem>>
    %dma_start3A_321 = arith.constant 0 : i32
    %dma_start3A_322 = arith.constant 0 : i32
    %dma_start3A_323 = tpu.memref_slice %arg16[%dma_start3A_321, %dma_start3A_322] : memref<8448x128xf32, #tpu.memory_space<vmem_shared>> -> memref<8448x128xf32, #tpu.memory_space<vmem_shared>>
    tpu.enqueue_indirect_dma source(%arg15 : memref<128x128xf32, #tpu.memory_space<vmem>>) target(%dma_start3A_323 : memref<8448x128xf32, #tpu.memory_space<vmem_shared>>) offsets(%dma_start3A_320 : memref<128xi32, #tpu.memory_space<vmem>>) semaphore(%arg18 : memref<!tpu.dma_semaphore, #tpu.memory_space<semaphore_mem>>) {add = true}
    %dma_wait3A_324 = arith.constant 3 : i32
    %dma_wait3A_325 = arith.constant 0 : i32
    %dma_wait3A_326 = tpu.memref_slice %arg12[%dma_wait3A_324, %dma_wait3A_325] : memref<8x128xi32, #tpu.memory_space<vmem>> -> memref<1x128xi32, #tpu.memory_space<vmem>>
    %dma_wait3A_327 = tpu.memref_squeeze %dma_wait3A_326 : memref<1x128xi32, #tpu.memory_space<vmem>> -> memref<128xi32, #tpu.memory_space<vmem>>
    %dma_wait3A_328 = arith.constant 0 : i32
    %dma_wait3A_329 = arith.constant 0 : i32
    %dma_wait3A_330 = tpu.memref_slice %arg16[%dma_wait3A_328, %dma_wait3A_329] : memref<8448x128xf32, #tpu.memory_space<vmem_shared>> -> memref<8448x128xf32, #tpu.memory_space<vmem_shared>>
    tpu.wait_indirect_dma semaphore(%arg18 : memref<!tpu.dma_semaphore, #tpu.memory_space<semaphore_mem>>) src(%arg15 : memref<128x128xf32, #tpu.memory_space<vmem>>) dst(%dma_wait3A_330 : memref<8448x128xf32, #tpu.memory_space<vmem_shared>>)
    %dma_wait3A_331 = arith.constant 1 : i32
    %dma_wait3A_332 = arith.constant 3 : i32
    %dma_wait3A_333 = arith.constant 0 : i32
    %dma_wait3A_334 = arith.constant 0 : i32
    %dma_wait3A_335 = tpu.memref_slice %arg14[%dma_wait3A_331, %dma_wait3A_333, %dma_wait3A_334] : memref<2x128x128xf32, #tpu.memory_space<vmem>> -> memref<1x128x128xf32, #tpu.memory_space<vmem>>
    %dma_wait3A_336 = tpu.memref_squeeze %dma_wait3A_335 : memref<1x128x128xf32, #tpu.memory_space<vmem>> -> memref<128x128xf32, #tpu.memory_space<vmem>>
    %dma_wait3A_337 = arith.constant 0 : i32
    %dma_wait3A_338 = tpu.memref_slice %arg12[%dma_wait3A_332, %dma_wait3A_337] : memref<8x128xi32, #tpu.memory_space<vmem>> -> memref<1x128xi32, #tpu.memory_space<vmem>>
    %dma_wait3A_339 = tpu.memref_squeeze %dma_wait3A_338 : memref<1x128xi32, #tpu.memory_space<vmem>> -> memref<128xi32, #tpu.memory_space<vmem>>
    %dma_wait3A_340 = arith.constant 0 : i32
    %dma_wait3A_341 = arith.constant 0 : i32
    %dma_wait3A_342 = tpu.memref_slice %arg16[%dma_wait3A_340, %dma_wait3A_341] : memref<8448x128xf32, #tpu.memory_space<vmem_shared>> -> memref<8448x128xf32, #tpu.memory_space<vmem_shared>>
    tpu.wait_indirect_dma semaphore(%arg19 : memref<!tpu.dma_semaphore, #tpu.memory_space<semaphore_mem>>) src(%dma_wait3A_336 : memref<128x128xf32, #tpu.memory_space<vmem>>) dst(%dma_wait3A_342 : memref<8448x128xf32, #tpu.memory_space<vmem_shared>>)
    %dma_start3A_343 = arith.constant 5 : i32
    %dma_start3A_344 = arith.constant 1 : i32
    %dma_start3A_345 = arith.constant 0 : i32
    %dma_start3A_346 = arith.constant 0 : i32
    %dma_start3A_347 = tpu.memref_slice %arg14[%dma_start3A_344, %dma_start3A_345, %dma_start3A_346] : memref<2x128x128xf32, #tpu.memory_space<vmem>> -> memref<1x128x128xf32, #tpu.memory_space<vmem>>
    %dma_start3A_348 = tpu.memref_squeeze %dma_start3A_347 : memref<1x128x128xf32, #tpu.memory_space<vmem>> -> memref<128x128xf32, #tpu.memory_space<vmem>>
    %dma_start3A_349 = arith.constant 0 : i32
    %dma_start3A_350 = tpu.memref_slice %arg11[%dma_start3A_343, %dma_start3A_349] : memref<8x128xi32, #tpu.memory_space<vmem>> -> memref<1x128xi32, #tpu.memory_space<vmem>>
    %dma_start3A_351 = tpu.memref_squeeze %dma_start3A_350 : memref<1x128xi32, #tpu.memory_space<vmem>> -> memref<128xi32, #tpu.memory_space<vmem>>
    %dma_start3A_352 = arith.constant 0 : i32
    %dma_start3A_353 = arith.constant 0 : i32
    %dma_start3A_354 = tpu.memref_slice %arg2[%dma_start3A_352, %dma_start3A_353] : memref<10240x128xf32, #tpu.memory_space<hbm>> -> memref<10240x128xf32, #tpu.memory_space<hbm>>
    tpu.enqueue_indirect_dma source(%dma_start3A_354 : memref<10240x128xf32, #tpu.memory_space<hbm>>) target(%dma_start3A_348 : memref<128x128xf32, #tpu.memory_space<vmem>>) offsets(%dma_start3A_351 : memref<128xi32, #tpu.memory_space<vmem>>) semaphore(%arg17 : memref<!tpu.dma_semaphore, #tpu.memory_space<semaphore_mem>>)
    %mul3A_355 = arith.constant 8 : i32
    %mul3A_356 = arith.muli %arg1, %mul3A_355 : i32
    %add3A_357 = arith.constant 4 : i32
    %add3A_358 = arith.addi %mul3A_356, %add3A_357 : i32
    %mul3A_359 = arith.constant 128 : i32
    %mul3A_360 = arith.muli %add3A_358, %mul3A_359 : i32
    %dma_start3A_361 = arith.constant 0 : i32
    %dma_start3A_362 = tpu.memref_slice %arg3[%mul3A_360, %dma_start3A_361] : memref<16384x128xf32, #tpu.memory_space<hbm>> -> memref<128x128xf32, #tpu.memory_space<hbm>>
    %dma_start3A_363 = arith.constant 0 : i32
    %dma_start3A_364 = tpu.memref_slice %arg3[%mul3A_360, %dma_start3A_363] : memref<16384x128xf32, #tpu.memory_space<hbm>> -> memref<128x128xf32, #tpu.memory_space<hbm>>
    tpu.enqueue_dma source(%dma_start3A_364 : memref<128x128xf32, #tpu.memory_space<hbm>>) target(%arg15 : memref<128x128xf32, #tpu.memory_space<vmem>>) target_semaphore(%arg18 : memref<!tpu.dma_semaphore, #tpu.memory_space<semaphore_mem>>)
    %dma_wait3A_365 = arith.constant 4 : i32
    %dma_wait3A_366 = arith.constant 0 : i32
    %dma_wait3A_367 = arith.constant 0 : i32
    %dma_wait3A_368 = arith.constant 0 : i32
    %dma_wait3A_369 = tpu.memref_slice %arg14[%dma_wait3A_366, %dma_wait3A_367, %dma_wait3A_368] : memref<2x128x128xf32, #tpu.memory_space<vmem>> -> memref<1x128x128xf32, #tpu.memory_space<vmem>>
    %dma_wait3A_370 = tpu.memref_squeeze %dma_wait3A_369 : memref<1x128x128xf32, #tpu.memory_space<vmem>> -> memref<128x128xf32, #tpu.memory_space<vmem>>
    %dma_wait3A_371 = arith.constant 0 : i32
    %dma_wait3A_372 = tpu.memref_slice %arg11[%dma_wait3A_365, %dma_wait3A_371] : memref<8x128xi32, #tpu.memory_space<vmem>> -> memref<1x128xi32, #tpu.memory_space<vmem>>
    %dma_wait3A_373 = tpu.memref_squeeze %dma_wait3A_372 : memref<1x128xi32, #tpu.memory_space<vmem>> -> memref<128xi32, #tpu.memory_space<vmem>>
    %dma_wait3A_374 = arith.constant 0 : i32
    %dma_wait3A_375 = arith.constant 0 : i32
    %dma_wait3A_376 = tpu.memref_slice %arg2[%dma_wait3A_374, %dma_wait3A_375] : memref<10240x128xf32, #tpu.memory_space<hbm>> -> memref<10240x128xf32, #tpu.memory_space<hbm>>
    tpu.wait_indirect_dma semaphore(%arg17 : memref<!tpu.dma_semaphore, #tpu.memory_space<semaphore_mem>>) src(%dma_wait3A_376 : memref<10240x128xf32, #tpu.memory_space<hbm>>) dst(%dma_wait3A_370 : memref<128x128xf32, #tpu.memory_space<vmem>>)
    %eq3A_377 = arith.constant 0 : i32
    %eq3A_378 = arith.cmpi eq, %arg0, %eq3A_377 : i32
    %convert_element_type3A_379 = arith.extui %eq3A_378 : i1 to i32
    %cond3A_380 = arith.constant 0 : i32
    %cond3A_381 = arith.cmpi ne, %convert_element_type3A_379, %cond3A_380 : i32
    scf.if %cond3A_381 {
      %mul3A_1283 = arith.constant 128 : i32
      %mul3A_1284 = arith.muli %add3A_358, %mul3A_1283 : i32
      %dma_start3A_1285 = arith.constant 0 : i32
      %dma_start3A_1286 = arith.constant 0 : i32
      %dma_start3A_1287 = arith.constant 0 : i32
      %dma_start3A_1288 = tpu.memref_slice %arg14[%dma_start3A_1285, %dma_start3A_1286, %dma_start3A_1287] : memref<2x128x128xf32, #tpu.memory_space<vmem>> -> memref<1x128x128xf32, #tpu.memory_space<vmem>>
      %dma_start3A_1289 = tpu.memref_squeeze %dma_start3A_1288 : memref<1x128x128xf32, #tpu.memory_space<vmem>> -> memref<128x128xf32, #tpu.memory_space<vmem>>
      %dma_start3A_1290 = arith.constant 0 : i32
      %dma_start3A_1291 = tpu.memref_slice %arg8[%mul3A_1284, %dma_start3A_1290] : memref<16384x128xf32, #tpu.memory_space<hbm>> -> memref<128x128xf32, #tpu.memory_space<hbm>>
      %dma_start3A_1292 = arith.constant 0 : i32
      %dma_start3A_1293 = tpu.memref_slice %arg8[%mul3A_1284, %dma_start3A_1292] : memref<16384x128xf32, #tpu.memory_space<hbm>> -> memref<128x128xf32, #tpu.memory_space<hbm>>
      %dma_start3A_1294 = arith.constant 0 : i32
      %dma_start3A_1295 = arith.constant 0 : i32
      %dma_start3A_1296 = tpu.memref_slice %arg14[%dma_start3A_1285, %dma_start3A_1294, %dma_start3A_1295] : memref<2x128x128xf32, #tpu.memory_space<vmem>> -> memref<1x128x128xf32, #tpu.memory_space<vmem>>
      %dma_start3A_1297 = tpu.memref_squeeze %dma_start3A_1296 : memref<1x128x128xf32, #tpu.memory_space<vmem>> -> memref<128x128xf32, #tpu.memory_space<vmem>>
      tpu.enqueue_dma source(%dma_start3A_1297 : memref<128x128xf32, #tpu.memory_space<vmem>>) target(%dma_start3A_1293 : memref<128x128xf32, #tpu.memory_space<hbm>>) target_semaphore(%arg20 : memref<!tpu.dma_semaphore, #tpu.memory_space<semaphore_mem>>)
      %dma_wait3A_1298 = arith.constant 0 : i32
      %dma_wait3A_1299 = arith.constant 0 : i32
      %dma_wait3A_1300 = arith.constant 0 : i32
      %dma_wait3A_1301 = tpu.memref_slice %arg14[%dma_wait3A_1298, %dma_wait3A_1299, %dma_wait3A_1300] : memref<2x128x128xf32, #tpu.memory_space<vmem>> -> memref<1x128x128xf32, #tpu.memory_space<vmem>>
      %dma_wait3A_1302 = tpu.memref_squeeze %dma_wait3A_1301 : memref<1x128x128xf32, #tpu.memory_space<vmem>> -> memref<128x128xf32, #tpu.memory_space<vmem>>
      %dma_wait3A_1303 = arith.constant 0 : i32
      %dma_wait3A_1304 = tpu.memref_slice %arg8[%mul3A_1284, %dma_wait3A_1303] : memref<16384x128xf32, #tpu.memory_space<hbm>> -> memref<128x128xf32, #tpu.memory_space<hbm>>
      %dma_wait3A_1305 = arith.constant 0 : i32
      %dma_wait3A_1306 = tpu.memref_slice %arg8[%mul3A_1284, %dma_wait3A_1305] : memref<16384x128xf32, #tpu.memory_space<hbm>> -> memref<128x128xf32, #tpu.memory_space<hbm>>
      %dma_wait3A_1307 = arith.constant 0 : i32
      %dma_wait3A_1308 = arith.constant 0 : i32
      %dma_wait3A_1309 = tpu.memref_slice %arg14[%dma_wait3A_1298, %dma_wait3A_1307, %dma_wait3A_1308] : memref<2x128x128xf32, #tpu.memory_space<vmem>> -> memref<1x128x128xf32, #tpu.memory_space<vmem>>
      %dma_wait3A_1310 = tpu.memref_squeeze %dma_wait3A_1309 : memref<1x128x128xf32, #tpu.memory_space<vmem>> -> memref<128x128xf32, #tpu.memory_space<vmem>>
      tpu.wait_dma2 semaphore(%arg20 : memref<!tpu.dma_semaphore, #tpu.memory_space<semaphore_mem>>) src(%dma_wait3A_1310 : memref<128x128xf32, #tpu.memory_space<vmem>>) dst(%dma_wait3A_1306 : memref<128x128xf32, #tpu.memory_space<hbm>>)
    } else {
    }
    %dma_start3A_382 = arith.constant 0 : i32
    %dma_start3A_383 = arith.constant 4 : i32
    %dma_start3A_384 = arith.constant 0 : i32
    %dma_start3A_385 = arith.constant 0 : i32
    %dma_start3A_386 = tpu.memref_slice %arg14[%dma_start3A_382, %dma_start3A_384, %dma_start3A_385] : memref<2x128x128xf32, #tpu.memory_space<vmem>> -> memref<1x128x128xf32, #tpu.memory_space<vmem>>
    %dma_start3A_387 = tpu.memref_squeeze %dma_start3A_386 : memref<1x128x128xf32, #tpu.memory_space<vmem>> -> memref<128x128xf32, #tpu.memory_space<vmem>>
    %dma_start3A_388 = arith.constant 0 : i32
    %dma_start3A_389 = tpu.memref_slice %arg12[%dma_start3A_383, %dma_start3A_388] : memref<8x128xi32, #tpu.memory_space<vmem>> -> memref<1x128xi32, #tpu.memory_space<vmem>>
    %dma_start3A_390 = tpu.memref_squeeze %dma_start3A_389 : memref<1x128xi32, #tpu.memory_space<vmem>> -> memref<128xi32, #tpu.memory_space<vmem>>
    %dma_start3A_391 = arith.constant 0 : i32
    %dma_start3A_392 = arith.constant 0 : i32
    %dma_start3A_393 = tpu.memref_slice %arg16[%dma_start3A_391, %dma_start3A_392] : memref<8448x128xf32, #tpu.memory_space<vmem_shared>> -> memref<8448x128xf32, #tpu.memory_space<vmem_shared>>
    tpu.enqueue_indirect_dma source(%dma_start3A_387 : memref<128x128xf32, #tpu.memory_space<vmem>>) target(%dma_start3A_393 : memref<8448x128xf32, #tpu.memory_space<vmem_shared>>) offsets(%dma_start3A_390 : memref<128xi32, #tpu.memory_space<vmem>>) semaphore(%arg19 : memref<!tpu.dma_semaphore, #tpu.memory_space<semaphore_mem>>) {add = true}
    %dma_wait3A_394 = arith.constant 0 : i32
    %dma_wait3A_395 = tpu.memref_slice %arg3[%mul3A_360, %dma_wait3A_394] : memref<16384x128xf32, #tpu.memory_space<hbm>> -> memref<128x128xf32, #tpu.memory_space<hbm>>
    %dma_wait3A_396 = arith.constant 0 : i32
    %dma_wait3A_397 = tpu.memref_slice %arg3[%mul3A_360, %dma_wait3A_396] : memref<16384x128xf32, #tpu.memory_space<hbm>> -> memref<128x128xf32, #tpu.memory_space<hbm>>
    tpu.wait_dma2 semaphore(%arg18 : memref<!tpu.dma_semaphore, #tpu.memory_space<semaphore_mem>>) src(%dma_wait3A_397 : memref<128x128xf32, #tpu.memory_space<hbm>>) dst(%arg15 : memref<128x128xf32, #tpu.memory_space<vmem>>)
    %dma_start3A_398 = arith.constant 4 : i32
    %dma_start3A_399 = arith.constant 0 : i32
    %dma_start3A_400 = tpu.memref_slice %arg12[%dma_start3A_398, %dma_start3A_399] : memref<8x128xi32, #tpu.memory_space<vmem>> -> memref<1x128xi32, #tpu.memory_space<vmem>>
    %dma_start3A_401 = tpu.memref_squeeze %dma_start3A_400 : memref<1x128xi32, #tpu.memory_space<vmem>> -> memref<128xi32, #tpu.memory_space<vmem>>
    %dma_start3A_402 = arith.constant 0 : i32
    %dma_start3A_403 = arith.constant 0 : i32
    %dma_start3A_404 = tpu.memref_slice %arg16[%dma_start3A_402, %dma_start3A_403] : memref<8448x128xf32, #tpu.memory_space<vmem_shared>> -> memref<8448x128xf32, #tpu.memory_space<vmem_shared>>
    tpu.enqueue_indirect_dma source(%arg15 : memref<128x128xf32, #tpu.memory_space<vmem>>) target(%dma_start3A_404 : memref<8448x128xf32, #tpu.memory_space<vmem_shared>>) offsets(%dma_start3A_401 : memref<128xi32, #tpu.memory_space<vmem>>) semaphore(%arg18 : memref<!tpu.dma_semaphore, #tpu.memory_space<semaphore_mem>>) {add = true}
    %dma_wait3A_405 = arith.constant 4 : i32
    %dma_wait3A_406 = arith.constant 0 : i32
    %dma_wait3A_407 = tpu.memref_slice %arg12[%dma_wait3A_405, %dma_wait3A_406] : memref<8x128xi32, #tpu.memory_space<vmem>> -> memref<1x128xi32, #tpu.memory_space<vmem>>
    %dma_wait3A_408 = tpu.memref_squeeze %dma_wait3A_407 : memref<1x128xi32, #tpu.memory_space<vmem>> -> memref<128xi32, #tpu.memory_space<vmem>>
    %dma_wait3A_409 = arith.constant 0 : i32
    %dma_wait3A_410 = arith.constant 0 : i32
    %dma_wait3A_411 = tpu.memref_slice %arg16[%dma_wait3A_409, %dma_wait3A_410] : memref<8448x128xf32, #tpu.memory_space<vmem_shared>> -> memref<8448x128xf32, #tpu.memory_space<vmem_shared>>
    tpu.wait_indirect_dma semaphore(%arg18 : memref<!tpu.dma_semaphore, #tpu.memory_space<semaphore_mem>>) src(%arg15 : memref<128x128xf32, #tpu.memory_space<vmem>>) dst(%dma_wait3A_411 : memref<8448x128xf32, #tpu.memory_space<vmem_shared>>)
    %dma_wait3A_412 = arith.constant 0 : i32
    %dma_wait3A_413 = arith.constant 4 : i32
    %dma_wait3A_414 = arith.constant 0 : i32
    %dma_wait3A_415 = arith.constant 0 : i32
    %dma_wait3A_416 = tpu.memref_slice %arg14[%dma_wait3A_412, %dma_wait3A_414, %dma_wait3A_415] : memref<2x128x128xf32, #tpu.memory_space<vmem>> -> memref<1x128x128xf32, #tpu.memory_space<vmem>>
    %dma_wait3A_417 = tpu.memref_squeeze %dma_wait3A_416 : memref<1x128x128xf32, #tpu.memory_space<vmem>> -> memref<128x128xf32, #tpu.memory_space<vmem>>
    %dma_wait3A_418 = arith.constant 0 : i32
    %dma_wait3A_419 = tpu.memref_slice %arg12[%dma_wait3A_413, %dma_wait3A_418] : memref<8x128xi32, #tpu.memory_space<vmem>> -> memref<1x128xi32, #tpu.memory_space<vmem>>
    %dma_wait3A_420 = tpu.memref_squeeze %dma_wait3A_419 : memref<1x128xi32, #tpu.memory_space<vmem>> -> memref<128xi32, #tpu.memory_space<vmem>>
    %dma_wait3A_421 = arith.constant 0 : i32
    %dma_wait3A_422 = arith.constant 0 : i32
    %dma_wait3A_423 = tpu.memref_slice %arg16[%dma_wait3A_421, %dma_wait3A_422] : memref<8448x128xf32, #tpu.memory_space<vmem_shared>> -> memref<8448x128xf32, #tpu.memory_space<vmem_shared>>
    tpu.wait_indirect_dma semaphore(%arg19 : memref<!tpu.dma_semaphore, #tpu.memory_space<semaphore_mem>>) src(%dma_wait3A_417 : memref<128x128xf32, #tpu.memory_space<vmem>>) dst(%dma_wait3A_423 : memref<8448x128xf32, #tpu.memory_space<vmem_shared>>)
    %dma_start3A_424 = arith.constant 6 : i32
    %dma_start3A_425 = arith.constant 0 : i32
    %dma_start3A_426 = arith.constant 0 : i32
    %dma_start3A_427 = arith.constant 0 : i32
    %dma_start3A_428 = tpu.memref_slice %arg14[%dma_start3A_425, %dma_start3A_426, %dma_start3A_427] : memref<2x128x128xf32, #tpu.memory_space<vmem>> -> memref<1x128x128xf32, #tpu.memory_space<vmem>>
    %dma_start3A_429 = tpu.memref_squeeze %dma_start3A_428 : memref<1x128x128xf32, #tpu.memory_space<vmem>> -> memref<128x128xf32, #tpu.memory_space<vmem>>
    %dma_start3A_430 = arith.constant 0 : i32
    %dma_start3A_431 = tpu.memref_slice %arg11[%dma_start3A_424, %dma_start3A_430] : memref<8x128xi32, #tpu.memory_space<vmem>> -> memref<1x128xi32, #tpu.memory_space<vmem>>
    %dma_start3A_432 = tpu.memref_squeeze %dma_start3A_431 : memref<1x128xi32, #tpu.memory_space<vmem>> -> memref<128xi32, #tpu.memory_space<vmem>>
    %dma_start3A_433 = arith.constant 0 : i32
    %dma_start3A_434 = arith.constant 0 : i32
    %dma_start3A_435 = tpu.memref_slice %arg2[%dma_start3A_433, %dma_start3A_434] : memref<10240x128xf32, #tpu.memory_space<hbm>> -> memref<10240x128xf32, #tpu.memory_space<hbm>>
    tpu.enqueue_indirect_dma source(%dma_start3A_435 : memref<10240x128xf32, #tpu.memory_space<hbm>>) target(%dma_start3A_429 : memref<128x128xf32, #tpu.memory_space<vmem>>) offsets(%dma_start3A_432 : memref<128xi32, #tpu.memory_space<vmem>>) semaphore(%arg17 : memref<!tpu.dma_semaphore, #tpu.memory_space<semaphore_mem>>)
    %mul3A_436 = arith.constant 8 : i32
    %mul3A_437 = arith.muli %arg1, %mul3A_436 : i32
    %add3A_438 = arith.constant 5 : i32
    %add3A_439 = arith.addi %mul3A_437, %add3A_438 : i32
    %mul3A_440 = arith.constant 128 : i32
    %mul3A_441 = arith.muli %add3A_439, %mul3A_440 : i32
    %dma_start3A_442 = arith.constant 0 : i32
    %dma_start3A_443 = tpu.memref_slice %arg3[%mul3A_441, %dma_start3A_442] : memref<16384x128xf32, #tpu.memory_space<hbm>> -> memref<128x128xf32, #tpu.memory_space<hbm>>
    %dma_start3A_444 = arith.constant 0 : i32
    %dma_start3A_445 = tpu.memref_slice %arg3[%mul3A_441, %dma_start3A_444] : memref<16384x128xf32, #tpu.memory_space<hbm>> -> memref<128x128xf32, #tpu.memory_space<hbm>>
    tpu.enqueue_dma source(%dma_start3A_445 : memref<128x128xf32, #tpu.memory_space<hbm>>) target(%arg15 : memref<128x128xf32, #tpu.memory_space<vmem>>) target_semaphore(%arg18 : memref<!tpu.dma_semaphore, #tpu.memory_space<semaphore_mem>>)
    %dma_wait3A_446 = arith.constant 5 : i32
    %dma_wait3A_447 = arith.constant 1 : i32
    %dma_wait3A_448 = arith.constant 0 : i32
    %dma_wait3A_449 = arith.constant 0 : i32
    %dma_wait3A_450 = tpu.memref_slice %arg14[%dma_wait3A_447, %dma_wait3A_448, %dma_wait3A_449] : memref<2x128x128xf32, #tpu.memory_space<vmem>> -> memref<1x128x128xf32, #tpu.memory_space<vmem>>
    %dma_wait3A_451 = tpu.memref_squeeze %dma_wait3A_450 : memref<1x128x128xf32, #tpu.memory_space<vmem>> -> memref<128x128xf32, #tpu.memory_space<vmem>>
    %dma_wait3A_452 = arith.constant 0 : i32
    %dma_wait3A_453 = tpu.memref_slice %arg11[%dma_wait3A_446, %dma_wait3A_452] : memref<8x128xi32, #tpu.memory_space<vmem>> -> memref<1x128xi32, #tpu.memory_space<vmem>>
    %dma_wait3A_454 = tpu.memref_squeeze %dma_wait3A_453 : memref<1x128xi32, #tpu.memory_space<vmem>> -> memref<128xi32, #tpu.memory_space<vmem>>
    %dma_wait3A_455 = arith.constant 0 : i32
    %dma_wait3A_456 = arith.constant 0 : i32
    %dma_wait3A_457 = tpu.memref_slice %arg2[%dma_wait3A_455, %dma_wait3A_456] : memref<10240x128xf32, #tpu.memory_space<hbm>> -> memref<10240x128xf32, #tpu.memory_space<hbm>>
    tpu.wait_indirect_dma semaphore(%arg17 : memref<!tpu.dma_semaphore, #tpu.memory_space<semaphore_mem>>) src(%dma_wait3A_457 : memref<10240x128xf32, #tpu.memory_space<hbm>>) dst(%dma_wait3A_451 : memref<128x128xf32, #tpu.memory_space<vmem>>)
    %eq3A_458 = arith.constant 0 : i32
    %eq3A_459 = arith.cmpi eq, %arg0, %eq3A_458 : i32
    %convert_element_type3A_460 = arith.extui %eq3A_459 : i1 to i32
    %cond3A_461 = arith.constant 0 : i32
    %cond3A_462 = arith.cmpi ne, %convert_element_type3A_460, %cond3A_461 : i32
    scf.if %cond3A_462 {
      %mul3A_1283 = arith.constant 128 : i32
      %mul3A_1284 = arith.muli %add3A_439, %mul3A_1283 : i32
      %dma_start3A_1285 = arith.constant 1 : i32
      %dma_start3A_1286 = arith.constant 0 : i32
      %dma_start3A_1287 = arith.constant 0 : i32
      %dma_start3A_1288 = tpu.memref_slice %arg14[%dma_start3A_1285, %dma_start3A_1286, %dma_start3A_1287] : memref<2x128x128xf32, #tpu.memory_space<vmem>> -> memref<1x128x128xf32, #tpu.memory_space<vmem>>
      %dma_start3A_1289 = tpu.memref_squeeze %dma_start3A_1288 : memref<1x128x128xf32, #tpu.memory_space<vmem>> -> memref<128x128xf32, #tpu.memory_space<vmem>>
      %dma_start3A_1290 = arith.constant 0 : i32
      %dma_start3A_1291 = tpu.memref_slice %arg8[%mul3A_1284, %dma_start3A_1290] : memref<16384x128xf32, #tpu.memory_space<hbm>> -> memref<128x128xf32, #tpu.memory_space<hbm>>
      %dma_start3A_1292 = arith.constant 0 : i32
      %dma_start3A_1293 = tpu.memref_slice %arg8[%mul3A_1284, %dma_start3A_1292] : memref<16384x128xf32, #tpu.memory_space<hbm>> -> memref<128x128xf32, #tpu.memory_space<hbm>>
      %dma_start3A_1294 = arith.constant 0 : i32
      %dma_start3A_1295 = arith.constant 0 : i32
      %dma_start3A_1296 = tpu.memref_slice %arg14[%dma_start3A_1285, %dma_start3A_1294, %dma_start3A_1295] : memref<2x128x128xf32, #tpu.memory_space<vmem>> -> memref<1x128x128xf32, #tpu.memory_space<vmem>>
      %dma_start3A_1297 = tpu.memref_squeeze %dma_start3A_1296 : memref<1x128x128xf32, #tpu.memory_space<vmem>> -> memref<128x128xf32, #tpu.memory_space<vmem>>
      tpu.enqueue_dma source(%dma_start3A_1297 : memref<128x128xf32, #tpu.memory_space<vmem>>) target(%dma_start3A_1293 : memref<128x128xf32, #tpu.memory_space<hbm>>) target_semaphore(%arg20 : memref<!tpu.dma_semaphore, #tpu.memory_space<semaphore_mem>>)
      %dma_wait3A_1298 = arith.constant 1 : i32
      %dma_wait3A_1299 = arith.constant 0 : i32
      %dma_wait3A_1300 = arith.constant 0 : i32
      %dma_wait3A_1301 = tpu.memref_slice %arg14[%dma_wait3A_1298, %dma_wait3A_1299, %dma_wait3A_1300] : memref<2x128x128xf32, #tpu.memory_space<vmem>> -> memref<1x128x128xf32, #tpu.memory_space<vmem>>
      %dma_wait3A_1302 = tpu.memref_squeeze %dma_wait3A_1301 : memref<1x128x128xf32, #tpu.memory_space<vmem>> -> memref<128x128xf32, #tpu.memory_space<vmem>>
      %dma_wait3A_1303 = arith.constant 0 : i32
      %dma_wait3A_1304 = tpu.memref_slice %arg8[%mul3A_1284, %dma_wait3A_1303] : memref<16384x128xf32, #tpu.memory_space<hbm>> -> memref<128x128xf32, #tpu.memory_space<hbm>>
      %dma_wait3A_1305 = arith.constant 0 : i32
      %dma_wait3A_1306 = tpu.memref_slice %arg8[%mul3A_1284, %dma_wait3A_1305] : memref<16384x128xf32, #tpu.memory_space<hbm>> -> memref<128x128xf32, #tpu.memory_space<hbm>>
      %dma_wait3A_1307 = arith.constant 0 : i32
      %dma_wait3A_1308 = arith.constant 0 : i32
      %dma_wait3A_1309 = tpu.memref_slice %arg14[%dma_wait3A_1298, %dma_wait3A_1307, %dma_wait3A_1308] : memref<2x128x128xf32, #tpu.memory_space<vmem>> -> memref<1x128x128xf32, #tpu.memory_space<vmem>>
      %dma_wait3A_1310 = tpu.memref_squeeze %dma_wait3A_1309 : memref<1x128x128xf32, #tpu.memory_space<vmem>> -> memref<128x128xf32, #tpu.memory_space<vmem>>
      tpu.wait_dma2 semaphore(%arg20 : memref<!tpu.dma_semaphore, #tpu.memory_space<semaphore_mem>>) src(%dma_wait3A_1310 : memref<128x128xf32, #tpu.memory_space<vmem>>) dst(%dma_wait3A_1306 : memref<128x128xf32, #tpu.memory_space<hbm>>)
    } else {
    }
    %dma_start3A_463 = arith.constant 1 : i32
    %dma_start3A_464 = arith.constant 5 : i32
    %dma_start3A_465 = arith.constant 0 : i32
    %dma_start3A_466 = arith.constant 0 : i32
    %dma_start3A_467 = tpu.memref_slice %arg14[%dma_start3A_463, %dma_start3A_465, %dma_start3A_466] : memref<2x128x128xf32, #tpu.memory_space<vmem>> -> memref<1x128x128xf32, #tpu.memory_space<vmem>>
    %dma_start3A_468 = tpu.memref_squeeze %dma_start3A_467 : memref<1x128x128xf32, #tpu.memory_space<vmem>> -> memref<128x128xf32, #tpu.memory_space<vmem>>
    %dma_start3A_469 = arith.constant 0 : i32
    %dma_start3A_470 = tpu.memref_slice %arg12[%dma_start3A_464, %dma_start3A_469] : memref<8x128xi32, #tpu.memory_space<vmem>> -> memref<1x128xi32, #tpu.memory_space<vmem>>
    %dma_start3A_471 = tpu.memref_squeeze %dma_start3A_470 : memref<1x128xi32, #tpu.memory_space<vmem>> -> memref<128xi32, #tpu.memory_space<vmem>>
    %dma_start3A_472 = arith.constant 0 : i32
    %dma_start3A_473 = arith.constant 0 : i32
    %dma_start3A_474 = tpu.memref_slice %arg16[%dma_start3A_472, %dma_start3A_473] : memref<8448x128xf32, #tpu.memory_space<vmem_shared>> -> memref<8448x128xf32, #tpu.memory_space<vmem_shared>>
    tpu.enqueue_indirect_dma source(%dma_start3A_468 : memref<128x128xf32, #tpu.memory_space<vmem>>) target(%dma_start3A_474 : memref<8448x128xf32, #tpu.memory_space<vmem_shared>>) offsets(%dma_start3A_471 : memref<128xi32, #tpu.memory_space<vmem>>) semaphore(%arg19 : memref<!tpu.dma_semaphore, #tpu.memory_space<semaphore_mem>>) {add = true}
    %dma_wait3A_475 = arith.constant 0 : i32
    %dma_wait3A_476 = tpu.memref_slice %arg3[%mul3A_441, %dma_wait3A_475] : memref<16384x128xf32, #tpu.memory_space<hbm>> -> memref<128x128xf32, #tpu.memory_space<hbm>>
    %dma_wait3A_477 = arith.constant 0 : i32
    %dma_wait3A_478 = tpu.memref_slice %arg3[%mul3A_441, %dma_wait3A_477] : memref<16384x128xf32, #tpu.memory_space<hbm>> -> memref<128x128xf32, #tpu.memory_space<hbm>>
    tpu.wait_dma2 semaphore(%arg18 : memref<!tpu.dma_semaphore, #tpu.memory_space<semaphore_mem>>) src(%dma_wait3A_478 : memref<128x128xf32, #tpu.memory_space<hbm>>) dst(%arg15 : memref<128x128xf32, #tpu.memory_space<vmem>>)
    %dma_start3A_479 = arith.constant 5 : i32
    %dma_start3A_480 = arith.constant 0 : i32
    %dma_start3A_481 = tpu.memref_slice %arg12[%dma_start3A_479, %dma_start3A_480] : memref<8x128xi32, #tpu.memory_space<vmem>> -> memref<1x128xi32, #tpu.memory_space<vmem>>
    %dma_start3A_482 = tpu.memref_squeeze %dma_start3A_481 : memref<1x128xi32, #tpu.memory_space<vmem>> -> memref<128xi32, #tpu.memory_space<vmem>>
    %dma_start3A_483 = arith.constant 0 : i32
    %dma_start3A_484 = arith.constant 0 : i32
    %dma_start3A_485 = tpu.memref_slice %arg16[%dma_start3A_483, %dma_start3A_484] : memref<8448x128xf32, #tpu.memory_space<vmem_shared>> -> memref<8448x128xf32, #tpu.memory_space<vmem_shared>>
    tpu.enqueue_indirect_dma source(%arg15 : memref<128x128xf32, #tpu.memory_space<vmem>>) target(%dma_start3A_485 : memref<8448x128xf32, #tpu.memory_space<vmem_shared>>) offsets(%dma_start3A_482 : memref<128xi32, #tpu.memory_space<vmem>>) semaphore(%arg18 : memref<!tpu.dma_semaphore, #tpu.memory_space<semaphore_mem>>) {add = true}
    %dma_wait3A_486 = arith.constant 5 : i32
    %dma_wait3A_487 = arith.constant 0 : i32
    %dma_wait3A_488 = tpu.memref_slice %arg12[%dma_wait3A_486, %dma_wait3A_487] : memref<8x128xi32, #tpu.memory_space<vmem>> -> memref<1x128xi32, #tpu.memory_space<vmem>>
    %dma_wait3A_489 = tpu.memref_squeeze %dma_wait3A_488 : memref<1x128xi32, #tpu.memory_space<vmem>> -> memref<128xi32, #tpu.memory_space<vmem>>
    %dma_wait3A_490 = arith.constant 0 : i32
    %dma_wait3A_491 = arith.constant 0 : i32
    %dma_wait3A_492 = tpu.memref_slice %arg16[%dma_wait3A_490, %dma_wait3A_491] : memref<8448x128xf32, #tpu.memory_space<vmem_shared>> -> memref<8448x128xf32, #tpu.memory_space<vmem_shared>>
    tpu.wait_indirect_dma semaphore(%arg18 : memref<!tpu.dma_semaphore, #tpu.memory_space<semaphore_mem>>) src(%arg15 : memref<128x128xf32, #tpu.memory_space<vmem>>) dst(%dma_wait3A_492 : memref<8448x128xf32, #tpu.memory_space<vmem_shared>>)
    %dma_wait3A_493 = arith.constant 1 : i32
    %dma_wait3A_494 = arith.constant 5 : i32
    %dma_wait3A_495 = arith.constant 0 : i32
    %dma_wait3A_496 = arith.constant 0 : i32
    %dma_wait3A_497 = tpu.memref_slice %arg14[%dma_wait3A_493, %dma_wait3A_495, %dma_wait3A_496] : memref<2x128x128xf32, #tpu.memory_space<vmem>> -> memref<1x128x128xf32, #tpu.memory_space<vmem>>
    %dma_wait3A_498 = tpu.memref_squeeze %dma_wait3A_497 : memref<1x128x128xf32, #tpu.memory_space<vmem>> -> memref<128x128xf32, #tpu.memory_space<vmem>>
    %dma_wait3A_499 = arith.constant 0 : i32
    %dma_wait3A_500 = tpu.memref_slice %arg12[%dma_wait3A_494, %dma_wait3A_499] : memref<8x128xi32, #tpu.memory_space<vmem>> -> memref<1x128xi32, #tpu.memory_space<vmem>>
    %dma_wait3A_501 = tpu.memref_squeeze %dma_wait3A_500 : memref<1x128xi32, #tpu.memory_space<vmem>> -> memref<128xi32, #tpu.memory_space<vmem>>
    %dma_wait3A_502 = arith.constant 0 : i32
    %dma_wait3A_503 = arith.constant 0 : i32
    %dma_wait3A_504 = tpu.memref_slice %arg16[%dma_wait3A_502, %dma_wait3A_503] : memref<8448x128xf32, #tpu.memory_space<vmem_shared>> -> memref<8448x128xf32, #tpu.memory_space<vmem_shared>>
    tpu.wait_indirect_dma semaphore(%arg19 : memref<!tpu.dma_semaphore, #tpu.memory_space<semaphore_mem>>) src(%dma_wait3A_498 : memref<128x128xf32, #tpu.memory_space<vmem>>) dst(%dma_wait3A_504 : memref<8448x128xf32, #tpu.memory_space<vmem_shared>>)
    %dma_start3A_505 = arith.constant 7 : i32
    %dma_start3A_506 = arith.constant 1 : i32
    %dma_start3A_507 = arith.constant 0 : i32
    %dma_start3A_508 = arith.constant 0 : i32
    %dma_start3A_509 = tpu.memref_slice %arg14[%dma_start3A_506, %dma_start3A_507, %dma_start3A_508] : memref<2x128x128xf32, #tpu.memory_space<vmem>> -> memref<1x128x128xf32, #tpu.memory_space<vmem>>
    %dma_start3A_510 = tpu.memref_squeeze %dma_start3A_509 : memref<1x128x128xf32, #tpu.memory_space<vmem>> -> memref<128x128xf32, #tpu.memory_space<vmem>>
    %dma_start3A_511 = arith.constant 0 : i32
    %dma_start3A_512 = tpu.memref_slice %arg11[%dma_start3A_505, %dma_start3A_511] : memref<8x128xi32, #tpu.memory_space<vmem>> -> memref<1x128xi32, #tpu.memory_space<vmem>>
    %dma_start3A_513 = tpu.memref_squeeze %dma_start3A_512 : memref<1x128xi32, #tpu.memory_space<vmem>> -> memref<128xi32, #tpu.memory_space<vmem>>
    %dma_start3A_514 = arith.constant 0 : i32
    %dma_start3A_515 = arith.constant 0 : i32
    %dma_start3A_516 = tpu.memref_slice %arg2[%dma_start3A_514, %dma_start3A_515] : memref<10240x128xf32, #tpu.memory_space<hbm>> -> memref<10240x128xf32, #tpu.memory_space<hbm>>
    tpu.enqueue_indirect_dma source(%dma_start3A_516 : memref<10240x128xf32, #tpu.memory_space<hbm>>) target(%dma_start3A_510 : memref<128x128xf32, #tpu.memory_space<vmem>>) offsets(%dma_start3A_513 : memref<128xi32, #tpu.memory_space<vmem>>) semaphore(%arg17 : memref<!tpu.dma_semaphore, #tpu.memory_space<semaphore_mem>>)
    %mul3A_517 = arith.constant 8 : i32
    %mul3A_518 = arith.muli %arg1, %mul3A_517 : i32
    %add3A_519 = arith.constant 6 : i32
    %add3A_520 = arith.addi %mul3A_518, %add3A_519 : i32
    %mul3A_521 = arith.constant 128 : i32
    %mul3A_522 = arith.muli %add3A_520, %mul3A_521 : i32
    %dma_start3A_523 = arith.constant 0 : i32
    %dma_start3A_524 = tpu.memref_slice %arg3[%mul3A_522, %dma_start3A_523] : memref<16384x128xf32, #tpu.memory_space<hbm>> -> memref<128x128xf32, #tpu.memory_space<hbm>>
    %dma_start3A_525 = arith.constant 0 : i32
    %dma_start3A_526 = tpu.memref_slice %arg3[%mul3A_522, %dma_start3A_525] : memref<16384x128xf32, #tpu.memory_space<hbm>> -> memref<128x128xf32, #tpu.memory_space<hbm>>
    tpu.enqueue_dma source(%dma_start3A_526 : memref<128x128xf32, #tpu.memory_space<hbm>>) target(%arg15 : memref<128x128xf32, #tpu.memory_space<vmem>>) target_semaphore(%arg18 : memref<!tpu.dma_semaphore, #tpu.memory_space<semaphore_mem>>)
    %dma_wait3A_527 = arith.constant 6 : i32
    %dma_wait3A_528 = arith.constant 0 : i32
    %dma_wait3A_529 = arith.constant 0 : i32
    %dma_wait3A_530 = arith.constant 0 : i32
    %dma_wait3A_531 = tpu.memref_slice %arg14[%dma_wait3A_528, %dma_wait3A_529, %dma_wait3A_530] : memref<2x128x128xf32, #tpu.memory_space<vmem>> -> memref<1x128x128xf32, #tpu.memory_space<vmem>>
    %dma_wait3A_532 = tpu.memref_squeeze %dma_wait3A_531 : memref<1x128x128xf32, #tpu.memory_space<vmem>> -> memref<128x128xf32, #tpu.memory_space<vmem>>
    %dma_wait3A_533 = arith.constant 0 : i32
    %dma_wait3A_534 = tpu.memref_slice %arg11[%dma_wait3A_527, %dma_wait3A_533] : memref<8x128xi32, #tpu.memory_space<vmem>> -> memref<1x128xi32, #tpu.memory_space<vmem>>
    %dma_wait3A_535 = tpu.memref_squeeze %dma_wait3A_534 : memref<1x128xi32, #tpu.memory_space<vmem>> -> memref<128xi32, #tpu.memory_space<vmem>>
    %dma_wait3A_536 = arith.constant 0 : i32
    %dma_wait3A_537 = arith.constant 0 : i32
    %dma_wait3A_538 = tpu.memref_slice %arg2[%dma_wait3A_536, %dma_wait3A_537] : memref<10240x128xf32, #tpu.memory_space<hbm>> -> memref<10240x128xf32, #tpu.memory_space<hbm>>
    tpu.wait_indirect_dma semaphore(%arg17 : memref<!tpu.dma_semaphore, #tpu.memory_space<semaphore_mem>>) src(%dma_wait3A_538 : memref<10240x128xf32, #tpu.memory_space<hbm>>) dst(%dma_wait3A_532 : memref<128x128xf32, #tpu.memory_space<vmem>>)
    %eq3A_539 = arith.constant 0 : i32
    %eq3A_540 = arith.cmpi eq, %arg0, %eq3A_539 : i32
    %convert_element_type3A_541 = arith.extui %eq3A_540 : i1 to i32
    %cond3A_542 = arith.constant 0 : i32
    %cond3A_543 = arith.cmpi ne, %convert_element_type3A_541, %cond3A_542 : i32
    scf.if %cond3A_543 {
      %mul3A_1283 = arith.constant 128 : i32
      %mul3A_1284 = arith.muli %add3A_520, %mul3A_1283 : i32
      %dma_start3A_1285 = arith.constant 0 : i32
      %dma_start3A_1286 = arith.constant 0 : i32
      %dma_start3A_1287 = arith.constant 0 : i32
      %dma_start3A_1288 = tpu.memref_slice %arg14[%dma_start3A_1285, %dma_start3A_1286, %dma_start3A_1287] : memref<2x128x128xf32, #tpu.memory_space<vmem>> -> memref<1x128x128xf32, #tpu.memory_space<vmem>>
      %dma_start3A_1289 = tpu.memref_squeeze %dma_start3A_1288 : memref<1x128x128xf32, #tpu.memory_space<vmem>> -> memref<128x128xf32, #tpu.memory_space<vmem>>
      %dma_start3A_1290 = arith.constant 0 : i32
      %dma_start3A_1291 = tpu.memref_slice %arg8[%mul3A_1284, %dma_start3A_1290] : memref<16384x128xf32, #tpu.memory_space<hbm>> -> memref<128x128xf32, #tpu.memory_space<hbm>>
      %dma_start3A_1292 = arith.constant 0 : i32
      %dma_start3A_1293 = tpu.memref_slice %arg8[%mul3A_1284, %dma_start3A_1292] : memref<16384x128xf32, #tpu.memory_space<hbm>> -> memref<128x128xf32, #tpu.memory_space<hbm>>
      %dma_start3A_1294 = arith.constant 0 : i32
      %dma_start3A_1295 = arith.constant 0 : i32
      %dma_start3A_1296 = tpu.memref_slice %arg14[%dma_start3A_1285, %dma_start3A_1294, %dma_start3A_1295] : memref<2x128x128xf32, #tpu.memory_space<vmem>> -> memref<1x128x128xf32, #tpu.memory_space<vmem>>
      %dma_start3A_1297 = tpu.memref_squeeze %dma_start3A_1296 : memref<1x128x128xf32, #tpu.memory_space<vmem>> -> memref<128x128xf32, #tpu.memory_space<vmem>>
      tpu.enqueue_dma source(%dma_start3A_1297 : memref<128x128xf32, #tpu.memory_space<vmem>>) target(%dma_start3A_1293 : memref<128x128xf32, #tpu.memory_space<hbm>>) target_semaphore(%arg20 : memref<!tpu.dma_semaphore, #tpu.memory_space<semaphore_mem>>)
      %dma_wait3A_1298 = arith.constant 0 : i32
      %dma_wait3A_1299 = arith.constant 0 : i32
      %dma_wait3A_1300 = arith.constant 0 : i32
      %dma_wait3A_1301 = tpu.memref_slice %arg14[%dma_wait3A_1298, %dma_wait3A_1299, %dma_wait3A_1300] : memref<2x128x128xf32, #tpu.memory_space<vmem>> -> memref<1x128x128xf32, #tpu.memory_space<vmem>>
      %dma_wait3A_1302 = tpu.memref_squeeze %dma_wait3A_1301 : memref<1x128x128xf32, #tpu.memory_space<vmem>> -> memref<128x128xf32, #tpu.memory_space<vmem>>
      %dma_wait3A_1303 = arith.constant 0 : i32
      %dma_wait3A_1304 = tpu.memref_slice %arg8[%mul3A_1284, %dma_wait3A_1303] : memref<16384x128xf32, #tpu.memory_space<hbm>> -> memref<128x128xf32, #tpu.memory_space<hbm>>
      %dma_wait3A_1305 = arith.constant 0 : i32
      %dma_wait3A_1306 = tpu.memref_slice %arg8[%mul3A_1284, %dma_wait3A_1305] : memref<16384x128xf32, #tpu.memory_space<hbm>> -> memref<128x128xf32, #tpu.memory_space<hbm>>
      %dma_wait3A_1307 = arith.constant 0 : i32
      %dma_wait3A_1308 = arith.constant 0 : i32
      %dma_wait3A_1309 = tpu.memref_slice %arg14[%dma_wait3A_1298, %dma_wait3A_1307, %dma_wait3A_1308] : memref<2x128x128xf32, #tpu.memory_space<vmem>> -> memref<1x128x128xf32, #tpu.memory_space<vmem>>
      %dma_wait3A_1310 = tpu.memref_squeeze %dma_wait3A_1309 : memref<1x128x128xf32, #tpu.memory_space<vmem>> -> memref<128x128xf32, #tpu.memory_space<vmem>>
      tpu.wait_dma2 semaphore(%arg20 : memref<!tpu.dma_semaphore, #tpu.memory_space<semaphore_mem>>) src(%dma_wait3A_1310 : memref<128x128xf32, #tpu.memory_space<vmem>>) dst(%dma_wait3A_1306 : memref<128x128xf32, #tpu.memory_space<hbm>>)
    } else {
    }
    %dma_start3A_544 = arith.constant 0 : i32
    %dma_start3A_545 = arith.constant 6 : i32
    %dma_start3A_546 = arith.constant 0 : i32
    %dma_start3A_547 = arith.constant 0 : i32
    %dma_start3A_548 = tpu.memref_slice %arg14[%dma_start3A_544, %dma_start3A_546, %dma_start3A_547] : memref<2x128x128xf32, #tpu.memory_space<vmem>> -> memref<1x128x128xf32, #tpu.memory_space<vmem>>
    %dma_start3A_549 = tpu.memref_squeeze %dma_start3A_548 : memref<1x128x128xf32, #tpu.memory_space<vmem>> -> memref<128x128xf32, #tpu.memory_space<vmem>>
    %dma_start3A_550 = arith.constant 0 : i32
    %dma_start3A_551 = tpu.memref_slice %arg12[%dma_start3A_545, %dma_start3A_550] : memref<8x128xi32, #tpu.memory_space<vmem>> -> memref<1x128xi32, #tpu.memory_space<vmem>>
    %dma_start3A_552 = tpu.memref_squeeze %dma_start3A_551 : memref<1x128xi32, #tpu.memory_space<vmem>> -> memref<128xi32, #tpu.memory_space<vmem>>
    %dma_start3A_553 = arith.constant 0 : i32
    %dma_start3A_554 = arith.constant 0 : i32
    %dma_start3A_555 = tpu.memref_slice %arg16[%dma_start3A_553, %dma_start3A_554] : memref<8448x128xf32, #tpu.memory_space<vmem_shared>> -> memref<8448x128xf32, #tpu.memory_space<vmem_shared>>
    tpu.enqueue_indirect_dma source(%dma_start3A_549 : memref<128x128xf32, #tpu.memory_space<vmem>>) target(%dma_start3A_555 : memref<8448x128xf32, #tpu.memory_space<vmem_shared>>) offsets(%dma_start3A_552 : memref<128xi32, #tpu.memory_space<vmem>>) semaphore(%arg19 : memref<!tpu.dma_semaphore, #tpu.memory_space<semaphore_mem>>) {add = true}
    %dma_wait3A_556 = arith.constant 0 : i32
    %dma_wait3A_557 = tpu.memref_slice %arg3[%mul3A_522, %dma_wait3A_556] : memref<16384x128xf32, #tpu.memory_space<hbm>> -> memref<128x128xf32, #tpu.memory_space<hbm>>
    %dma_wait3A_558 = arith.constant 0 : i32
    %dma_wait3A_559 = tpu.memref_slice %arg3[%mul3A_522, %dma_wait3A_558] : memref<16384x128xf32, #tpu.memory_space<hbm>> -> memref<128x128xf32, #tpu.memory_space<hbm>>
    tpu.wait_dma2 semaphore(%arg18 : memref<!tpu.dma_semaphore, #tpu.memory_space<semaphore_mem>>) src(%dma_wait3A_559 : memref<128x128xf32, #tpu.memory_space<hbm>>) dst(%arg15 : memref<128x128xf32, #tpu.memory_space<vmem>>)
    %dma_start3A_560 = arith.constant 6 : i32
    %dma_start3A_561 = arith.constant 0 : i32
    %dma_start3A_562 = tpu.memref_slice %arg12[%dma_start3A_560, %dma_start3A_561] : memref<8x128xi32, #tpu.memory_space<vmem>> -> memref<1x128xi32, #tpu.memory_space<vmem>>
    %dma_start3A_563 = tpu.memref_squeeze %dma_start3A_562 : memref<1x128xi32, #tpu.memory_space<vmem>> -> memref<128xi32, #tpu.memory_space<vmem>>
    %dma_start3A_564 = arith.constant 0 : i32
    %dma_start3A_565 = arith.constant 0 : i32
    %dma_start3A_566 = tpu.memref_slice %arg16[%dma_start3A_564, %dma_start3A_565] : memref<8448x128xf32, #tpu.memory_space<vmem_shared>> -> memref<8448x128xf32, #tpu.memory_space<vmem_shared>>
    tpu.enqueue_indirect_dma source(%arg15 : memref<128x128xf32, #tpu.memory_space<vmem>>) target(%dma_start3A_566 : memref<8448x128xf32, #tpu.memory_space<vmem_shared>>) offsets(%dma_start3A_563 : memref<128xi32, #tpu.memory_space<vmem>>) semaphore(%arg18 : memref<!tpu.dma_semaphore, #tpu.memory_space<semaphore_mem>>) {add = true}
    %dma_wait3A_567 = arith.constant 6 : i32
    %dma_wait3A_568 = arith.constant 0 : i32
    %dma_wait3A_569 = tpu.memref_slice %arg12[%dma_wait3A_567, %dma_wait3A_568] : memref<8x128xi32, #tpu.memory_space<vmem>> -> memref<1x128xi32, #tpu.memory_space<vmem>>
    %dma_wait3A_570 = tpu.memref_squeeze %dma_wait3A_569 : memref<1x128xi32, #tpu.memory_space<vmem>> -> memref<128xi32, #tpu.memory_space<vmem>>
    %dma_wait3A_571 = arith.constant 0 : i32
    %dma_wait3A_572 = arith.constant 0 : i32
    %dma_wait3A_573 = tpu.memref_slice %arg16[%dma_wait3A_571, %dma_wait3A_572] : memref<8448x128xf32, #tpu.memory_space<vmem_shared>> -> memref<8448x128xf32, #tpu.memory_space<vmem_shared>>
    tpu.wait_indirect_dma semaphore(%arg18 : memref<!tpu.dma_semaphore, #tpu.memory_space<semaphore_mem>>) src(%arg15 : memref<128x128xf32, #tpu.memory_space<vmem>>) dst(%dma_wait3A_573 : memref<8448x128xf32, #tpu.memory_space<vmem_shared>>)
    %mul3A_574 = arith.constant 8 : i32
    %mul3A_575 = arith.muli %arg1, %mul3A_574 : i32
    %add3A_576 = arith.constant 7 : i32
    %add3A_577 = arith.addi %mul3A_575, %add3A_576 : i32
    %mul3A_578 = arith.constant 128 : i32
    %mul3A_579 = arith.muli %add3A_577, %mul3A_578 : i32
    %dma_start3A_580 = arith.constant 0 : i32
    %dma_start3A_581 = tpu.memref_slice %arg3[%mul3A_579, %dma_start3A_580] : memref<16384x128xf32, #tpu.memory_space<hbm>> -> memref<128x128xf32, #tpu.memory_space<hbm>>
    %dma_start3A_582 = arith.constant 0 : i32
    %dma_start3A_583 = tpu.memref_slice %arg3[%mul3A_579, %dma_start3A_582] : memref<16384x128xf32, #tpu.memory_space<hbm>> -> memref<128x128xf32, #tpu.memory_space<hbm>>
    tpu.enqueue_dma source(%dma_start3A_583 : memref<128x128xf32, #tpu.memory_space<hbm>>) target(%arg15 : memref<128x128xf32, #tpu.memory_space<vmem>>) target_semaphore(%arg18 : memref<!tpu.dma_semaphore, #tpu.memory_space<semaphore_mem>>)
    %dma_wait3A_584 = arith.constant 7 : i32
    %dma_wait3A_585 = arith.constant 1 : i32
    %dma_wait3A_586 = arith.constant 0 : i32
    %dma_wait3A_587 = arith.constant 0 : i32
    %dma_wait3A_588 = tpu.memref_slice %arg14[%dma_wait3A_585, %dma_wait3A_586, %dma_wait3A_587] : memref<2x128x128xf32, #tpu.memory_space<vmem>> -> memref<1x128x128xf32, #tpu.memory_space<vmem>>
    %dma_wait3A_589 = tpu.memref_squeeze %dma_wait3A_588 : memref<1x128x128xf32, #tpu.memory_space<vmem>> -> memref<128x128xf32, #tpu.memory_space<vmem>>
    %dma_wait3A_590 = arith.constant 0 : i32
    %dma_wait3A_591 = tpu.memref_slice %arg11[%dma_wait3A_584, %dma_wait3A_590] : memref<8x128xi32, #tpu.memory_space<vmem>> -> memref<1x128xi32, #tpu.memory_space<vmem>>
    %dma_wait3A_592 = tpu.memref_squeeze %dma_wait3A_591 : memref<1x128xi32, #tpu.memory_space<vmem>> -> memref<128xi32, #tpu.memory_space<vmem>>
    %dma_wait3A_593 = arith.constant 0 : i32
    %dma_wait3A_594 = arith.constant 0 : i32
    %dma_wait3A_595 = tpu.memref_slice %arg2[%dma_wait3A_593, %dma_wait3A_594] : memref<10240x128xf32, #tpu.memory_space<hbm>> -> memref<10240x128xf32, #tpu.memory_space<hbm>>
    tpu.wait_indirect_dma semaphore(%arg17 : memref<!tpu.dma_semaphore, #tpu.memory_space<semaphore_mem>>) src(%dma_wait3A_595 : memref<10240x128xf32, #tpu.memory_space<hbm>>) dst(%dma_wait3A_589 : memref<128x128xf32, #tpu.memory_space<vmem>>)
    %eq3A_596 = arith.constant 0 : i32
    %eq3A_597 = arith.cmpi eq, %arg0, %eq3A_596 : i32
    %convert_element_type3A_598 = arith.extui %eq3A_597 : i1 to i32
    %cond3A_599 = arith.constant 0 : i32
    %cond3A_600 = arith.cmpi ne, %convert_element_type3A_598, %cond3A_599 : i32
    scf.if %cond3A_600 {
      %mul3A_1283 = arith.constant 128 : i32
      %mul3A_1284 = arith.muli %add3A_577, %mul3A_1283 : i32
      %dma_start3A_1285 = arith.constant 1 : i32
      %dma_start3A_1286 = arith.constant 0 : i32
      %dma_start3A_1287 = arith.constant 0 : i32
      %dma_start3A_1288 = tpu.memref_slice %arg14[%dma_start3A_1285, %dma_start3A_1286, %dma_start3A_1287] : memref<2x128x128xf32, #tpu.memory_space<vmem>> -> memref<1x128x128xf32, #tpu.memory_space<vmem>>
      %dma_start3A_1289 = tpu.memref_squeeze %dma_start3A_1288 : memref<1x128x128xf32, #tpu.memory_space<vmem>> -> memref<128x128xf32, #tpu.memory_space<vmem>>
      %dma_start3A_1290 = arith.constant 0 : i32
      %dma_start3A_1291 = tpu.memref_slice %arg8[%mul3A_1284, %dma_start3A_1290] : memref<16384x128xf32, #tpu.memory_space<hbm>> -> memref<128x128xf32, #tpu.memory_space<hbm>>
      %dma_start3A_1292 = arith.constant 0 : i32
      %dma_start3A_1293 = tpu.memref_slice %arg8[%mul3A_1284, %dma_start3A_1292] : memref<16384x128xf32, #tpu.memory_space<hbm>> -> memref<128x128xf32, #tpu.memory_space<hbm>>
      %dma_start3A_1294 = arith.constant 0 : i32
      %dma_start3A_1295 = arith.constant 0 : i32
      %dma_start3A_1296 = tpu.memref_slice %arg14[%dma_start3A_1285, %dma_start3A_1294, %dma_start3A_1295] : memref<2x128x128xf32, #tpu.memory_space<vmem>> -> memref<1x128x128xf32, #tpu.memory_space<vmem>>
      %dma_start3A_1297 = tpu.memref_squeeze %dma_start3A_1296 : memref<1x128x128xf32, #tpu.memory_space<vmem>> -> memref<128x128xf32, #tpu.memory_space<vmem>>
      tpu.enqueue_dma source(%dma_start3A_1297 : memref<128x128xf32, #tpu.memory_space<vmem>>) target(%dma_start3A_1293 : memref<128x128xf32, #tpu.memory_space<hbm>>) target_semaphore(%arg20 : memref<!tpu.dma_semaphore, #tpu.memory_space<semaphore_mem>>)
      %dma_wait3A_1298 = arith.constant 1 : i32
      %dma_wait3A_1299 = arith.constant 0 : i32
      %dma_wait3A_1300 = arith.constant 0 : i32
      %dma_wait3A_1301 = tpu.memref_slice %arg14[%dma_wait3A_1298, %dma_wait3A_1299, %dma_wait3A_1300] : memref<2x128x128xf32, #tpu.memory_space<vmem>> -> memref<1x128x128xf32, #tpu.memory_space<vmem>>
      %dma_wait3A_1302 = tpu.memref_squeeze %dma_wait3A_1301 : memref<1x128x128xf32, #tpu.memory_space<vmem>> -> memref<128x128xf32, #tpu.memory_space<vmem>>
      %dma_wait3A_1303 = arith.constant 0 : i32
      %dma_wait3A_1304 = tpu.memref_slice %arg8[%mul3A_1284, %dma_wait3A_1303] : memref<16384x128xf32, #tpu.memory_space<hbm>> -> memref<128x128xf32, #tpu.memory_space<hbm>>
      %dma_wait3A_1305 = arith.constant 0 : i32
      %dma_wait3A_1306 = tpu.memref_slice %arg8[%mul3A_1284, %dma_wait3A_1305] : memref<16384x128xf32, #tpu.memory_space<hbm>> -> memref<128x128xf32, #tpu.memory_space<hbm>>
      %dma_wait3A_1307 = arith.constant 0 : i32
      %dma_wait3A_1308 = arith.constant 0 : i32
      %dma_wait3A_1309 = tpu.memref_slice %arg14[%dma_wait3A_1298, %dma_wait3A_1307, %dma_wait3A_1308] : memref<2x128x128xf32, #tpu.memory_space<vmem>> -> memref<1x128x128xf32, #tpu.memory_space<vmem>>
      %dma_wait3A_1310 = tpu.memref_squeeze %dma_wait3A_1309 : memref<1x128x128xf32, #tpu.memory_space<vmem>> -> memref<128x128xf32, #tpu.memory_space<vmem>>
      tpu.wait_dma2 semaphore(%arg20 : memref<!tpu.dma_semaphore, #tpu.memory_space<semaphore_mem>>) src(%dma_wait3A_1310 : memref<128x128xf32, #tpu.memory_space<vmem>>) dst(%dma_wait3A_1306 : memref<128x128xf32, #tpu.memory_space<hbm>>)
    } else {
    }
    %dma_start3A_601 = arith.constant 1 : i32
    %dma_start3A_602 = arith.constant 7 : i32
    %dma_start3A_603 = arith.constant 0 : i32
    %dma_start3A_604 = arith.constant 0 : i32
    %dma_start3A_605 = tpu.memref_slice %arg14[%dma_start3A_601, %dma_start3A_603, %dma_start3A_604] : memref<2x128x128xf32, #tpu.memory_space<vmem>> -> memref<1x128x128xf32, #tpu.memory_space<vmem>>
    %dma_start3A_606 = tpu.memref_squeeze %dma_start3A_605 : memref<1x128x128xf32, #tpu.memory_space<vmem>> -> memref<128x128xf32, #tpu.memory_space<vmem>>
    %dma_start3A_607 = arith.constant 0 : i32
    %dma_start3A_608 = tpu.memref_slice %arg12[%dma_start3A_602, %dma_start3A_607] : memref<8x128xi32, #tpu.memory_space<vmem>> -> memref<1x128xi32, #tpu.memory_space<vmem>>
    %dma_start3A_609 = tpu.memref_squeeze %dma_start3A_608 : memref<1x128xi32, #tpu.memory_space<vmem>> -> memref<128xi32, #tpu.memory_space<vmem>>
    %dma_start3A_610 = arith.constant 0 : i32
    %dma_start3A_611 = arith.constant 0 : i32
    %dma_start3A_612 = tpu.memref_slice %arg16[%dma_start3A_610, %dma_start3A_611] : memref<8448x128xf32, #tpu.memory_space<vmem_shared>> -> memref<8448x128xf32, #tpu.memory_space<vmem_shared>>
    tpu.enqueue_indirect_dma source(%dma_start3A_606 : memref<128x128xf32, #tpu.memory_space<vmem>>) target(%dma_start3A_612 : memref<8448x128xf32, #tpu.memory_space<vmem_shared>>) offsets(%dma_start3A_609 : memref<128xi32, #tpu.memory_space<vmem>>) semaphore(%arg19 : memref<!tpu.dma_semaphore, #tpu.memory_space<semaphore_mem>>) {add = true}
    %dma_wait3A_613 = arith.constant 0 : i32
    %dma_wait3A_614 = tpu.memref_slice %arg3[%mul3A_579, %dma_wait3A_613] : memref<16384x128xf32, #tpu.memory_space<hbm>> -> memref<128x128xf32, #tpu.memory_space<hbm>>
    %dma_wait3A_615 = arith.constant 0 : i32
    %dma_wait3A_616 = tpu.memref_slice %arg3[%mul3A_579, %dma_wait3A_615] : memref<16384x128xf32, #tpu.memory_space<hbm>> -> memref<128x128xf32, #tpu.memory_space<hbm>>
    tpu.wait_dma2 semaphore(%arg18 : memref<!tpu.dma_semaphore, #tpu.memory_space<semaphore_mem>>) src(%dma_wait3A_616 : memref<128x128xf32, #tpu.memory_space<hbm>>) dst(%arg15 : memref<128x128xf32, #tpu.memory_space<vmem>>)
    %dma_start3A_617 = arith.constant 7 : i32
    %dma_start3A_618 = arith.constant 0 : i32
    %dma_start3A_619 = tpu.memref_slice %arg12[%dma_start3A_617, %dma_start3A_618] : memref<8x128xi32, #tpu.memory_space<vmem>> -> memref<1x128xi32, #tpu.memory_space<vmem>>
    %dma_start3A_620 = tpu.memref_squeeze %dma_start3A_619 : memref<1x128xi32, #tpu.memory_space<vmem>> -> memref<128xi32, #tpu.memory_space<vmem>>
    %dma_start3A_621 = arith.constant 0 : i32
    %dma_start3A_622 = arith.constant 0 : i32
    %dma_start3A_623 = tpu.memref_slice %arg16[%dma_start3A_621, %dma_start3A_622] : memref<8448x128xf32, #tpu.memory_space<vmem_shared>> -> memref<8448x128xf32, #tpu.memory_space<vmem_shared>>
    tpu.enqueue_indirect_dma source(%arg15 : memref<128x128xf32, #tpu.memory_space<vmem>>) target(%dma_start3A_623 : memref<8448x128xf32, #tpu.memory_space<vmem_shared>>) offsets(%dma_start3A_620 : memref<128xi32, #tpu.memory_space<vmem>>) semaphore(%arg18 : memref<!tpu.dma_semaphore, #tpu.memory_space<semaphore_mem>>) {add = true}
    %dma_wait3A_624 = arith.constant 7 : i32
    %dma_wait3A_625 = arith.constant 0 : i32
    %dma_wait3A_626 = tpu.memref_slice %arg12[%dma_wait3A_624, %dma_wait3A_625] : memref<8x128xi32, #tpu.memory_space<vmem>> -> memref<1x128xi32, #tpu.memory_space<vmem>>
    %dma_wait3A_627 = tpu.memref_squeeze %dma_wait3A_626 : memref<1x128xi32, #tpu.memory_space<vmem>> -> memref<128xi32, #tpu.memory_space<vmem>>
    %dma_wait3A_628 = arith.constant 0 : i32
    %dma_wait3A_629 = arith.constant 0 : i32
    %dma_wait3A_630 = tpu.memref_slice %arg16[%dma_wait3A_628, %dma_wait3A_629] : memref<8448x128xf32, #tpu.memory_space<vmem_shared>> -> memref<8448x128xf32, #tpu.memory_space<vmem_shared>>
    tpu.wait_indirect_dma semaphore(%arg18 : memref<!tpu.dma_semaphore, #tpu.memory_space<semaphore_mem>>) src(%arg15 : memref<128x128xf32, #tpu.memory_space<vmem>>) dst(%dma_wait3A_630 : memref<8448x128xf32, #tpu.memory_space<vmem_shared>>)
    %dma_wait3A_631 = arith.constant 0 : i32
    %dma_wait3A_632 = arith.constant 6 : i32
    %dma_wait3A_633 = arith.constant 0 : i32
    %dma_wait3A_634 = arith.constant 0 : i32
    %dma_wait3A_635 = tpu.memref_slice %arg14[%dma_wait3A_631, %dma_wait3A_633, %dma_wait3A_634] : memref<2x128x128xf32, #tpu.memory_space<vmem>> -> memref<1x128x128xf32, #tpu.memory_space<vmem>>
    %dma_wait3A_636 = tpu.memref_squeeze %dma_wait3A_635 : memref<1x128x128xf32, #tpu.memory_space<vmem>> -> memref<128x128xf32, #tpu.memory_space<vmem>>
    %dma_wait3A_637 = arith.constant 0 : i32
    %dma_wait3A_638 = tpu.memref_slice %arg12[%dma_wait3A_632, %dma_wait3A_637] : memref<8x128xi32, #tpu.memory_space<vmem>> -> memref<1x128xi32, #tpu.memory_space<vmem>>
    %dma_wait3A_639 = tpu.memref_squeeze %dma_wait3A_638 : memref<1x128xi32, #tpu.memory_space<vmem>> -> memref<128xi32, #tpu.memory_space<vmem>>
    %dma_wait3A_640 = arith.constant 0 : i32
    %dma_wait3A_641 = arith.constant 0 : i32
    %dma_wait3A_642 = tpu.memref_slice %arg16[%dma_wait3A_640, %dma_wait3A_641] : memref<8448x128xf32, #tpu.memory_space<vmem_shared>> -> memref<8448x128xf32, #tpu.memory_space<vmem_shared>>
    tpu.wait_indirect_dma semaphore(%arg19 : memref<!tpu.dma_semaphore, #tpu.memory_space<semaphore_mem>>) src(%dma_wait3A_636 : memref<128x128xf32, #tpu.memory_space<vmem>>) dst(%dma_wait3A_642 : memref<8448x128xf32, #tpu.memory_space<vmem_shared>>)
    %dma_wait3A_643 = arith.constant 1 : i32
    %dma_wait3A_644 = arith.constant 7 : i32
    %dma_wait3A_645 = arith.constant 0 : i32
    %dma_wait3A_646 = arith.constant 0 : i32
    %dma_wait3A_647 = tpu.memref_slice %arg14[%dma_wait3A_643, %dma_wait3A_645, %dma_wait3A_646] : memref<2x128x128xf32, #tpu.memory_space<vmem>> -> memref<1x128x128xf32, #tpu.memory_space<vmem>>
    %dma_wait3A_648 = tpu.memref_squeeze %dma_wait3A_647 : memref<1x128x128xf32, #tpu.memory_space<vmem>> -> memref<128x128xf32, #tpu.memory_space<vmem>>
    %dma_wait3A_649 = arith.constant 0 : i32
    %dma_wait3A_650 = tpu.memref_slice %arg12[%dma_wait3A_644, %dma_wait3A_649] : memref<8x128xi32, #tpu.memory_space<vmem>> -> memref<1x128xi32, #tpu.memory_space<vmem>>
    %dma_wait3A_651 = tpu.memref_squeeze %dma_wait3A_650 : memref<1x128xi32, #tpu.memory_space<vmem>> -> memref<128xi32, #tpu.memory_space<vmem>>
    %dma_wait3A_652 = arith.constant 0 : i32
    %dma_wait3A_653 = arith.constant 0 : i32
    %dma_wait3A_654 = tpu.memref_slice %arg16[%dma_wait3A_652, %dma_wait3A_653] : memref<8448x128xf32, #tpu.memory_space<vmem_shared>> -> memref<8448x128xf32, #tpu.memory_space<vmem_shared>>
    tpu.wait_indirect_dma semaphore(%arg19 : memref<!tpu.dma_semaphore, #tpu.memory_space<semaphore_mem>>) src(%dma_wait3A_648 : memref<128x128xf32, #tpu.memory_space<vmem>>) dst(%dma_wait3A_654 : memref<8448x128xf32, #tpu.memory_space<vmem_shared>>)
    %barrier3A_655 = arith.constant 0 : index
    tpu.barrier barrier_id(%barrier3A_655)
    %mul3A_656 = arith.constant 320 : i32
    %mul3A_657 = arith.muli %arg1, %mul3A_656 : i32
    %mul3A_658 = arith.constant 5120 : i32
    %mul3A_659 = arith.muli %arg0, %mul3A_658 : i32
    %mul3A_660 = arith.constant 320 : i32
    %mul3A_661 = arith.muli %arg1, %mul3A_660 : i32
    %add3A_662 = arith.addi %mul3A_659, %mul3A_661 : i32
    "tpu.region"() ({
      %run_scoped3A = tpu.sem_alloc : memref<!tpu.dma_semaphore, #tpu.memory_space<semaphore_mem>>
      %dma_start3A_1283 = arith.constant 0 : i32
      %dma_start3A_1284 = tpu.memref_slice %arg9[%add3A_662, %dma_start3A_1283] : memref<10240x128xf32, #tpu.memory_space<hbm>> -> memref<320x128xf32, #tpu.memory_space<hbm>>
      %dma_start3A_1285 = arith.constant 0 : i32
      %dma_start3A_1286 = tpu.memref_slice %arg16[%mul3A_657, %dma_start3A_1285] : memref<8448x128xf32, #tpu.memory_space<vmem_shared>> -> memref<320x128xf32, #tpu.memory_space<vmem_shared>>
      tpu.enqueue_dma source(%dma_start3A_1286 : memref<320x128xf32, #tpu.memory_space<vmem_shared>>) target(%dma_start3A_1284 : memref<320x128xf32, #tpu.memory_space<hbm>>) target_semaphore(%run_scoped3A : memref<!tpu.dma_semaphore, #tpu.memory_space<semaphore_mem>>)
      %dma_wait3A_1287 = arith.constant 0 : i32
      %dma_wait3A_1288 = tpu.memref_slice %arg9[%add3A_662, %dma_wait3A_1287] : memref<10240x128xf32, #tpu.memory_space<hbm>> -> memref<320x128xf32, #tpu.memory_space<hbm>>
      %dma_wait3A_1289 = arith.constant 0 : i32
      %dma_wait3A_1290 = tpu.memref_slice %arg16[%mul3A_657, %dma_wait3A_1289] : memref<8448x128xf32, #tpu.memory_space<vmem_shared>> -> memref<320x128xf32, #tpu.memory_space<vmem_shared>>
      tpu.wait_dma2 semaphore(%run_scoped3A : memref<!tpu.dma_semaphore, #tpu.memory_space<semaphore_mem>>) src(%dma_wait3A_1290 : memref<320x128xf32, #tpu.memory_space<vmem_shared>>) dst(%dma_wait3A_1288 : memref<320x128xf32, #tpu.memory_space<hbm>>)
      tpu.yield
    }) : () -> ()
    %barrier3A_663 = arith.constant 0 : index
    tpu.barrier barrier_id(%barrier3A_663)
    %mul3A_664 = arith.constant 528 : i32
    %mul3A_665 = arith.muli %arg1, %mul3A_664 : i32
    "tpu.region"() ({
      %run_scoped3A = tpu.sem_alloc : memref<!tpu.dma_semaphore, #tpu.memory_space<semaphore_mem>>
      %dma_start3A_1283 = arith.constant 0 : i32
      %dma_start3A_1284 = tpu.memref_slice %arg16[%mul3A_665, %dma_start3A_1283] : memref<8448x128xf32, #tpu.memory_space<vmem_shared>> -> memref<528x128xf32, #tpu.memory_space<vmem_shared>>
      %dma_start3A_1285 = arith.constant 0 : i32
      %dma_start3A_1286 = arith.constant 0 : i32
      %dma_start3A_1287 = tpu.memref_slice %arg7[%dma_start3A_1285, %dma_start3A_1286] : memref<528x128xf32, #tpu.memory_space<hbm>> -> memref<528x128xf32, #tpu.memory_space<hbm>>
      tpu.enqueue_dma source(%dma_start3A_1287 : memref<528x128xf32, #tpu.memory_space<hbm>>) target(%dma_start3A_1284 : memref<528x128xf32, #tpu.memory_space<vmem_shared>>) target_semaphore(%run_scoped3A : memref<!tpu.dma_semaphore, #tpu.memory_space<semaphore_mem>>)
      %dma_wait3A_1288 = arith.constant 0 : i32
      %dma_wait3A_1289 = tpu.memref_slice %arg16[%mul3A_665, %dma_wait3A_1288] : memref<8448x128xf32, #tpu.memory_space<vmem_shared>> -> memref<528x128xf32, #tpu.memory_space<vmem_shared>>
      %dma_wait3A_1290 = arith.constant 0 : i32
      %dma_wait3A_1291 = arith.constant 0 : i32
      %dma_wait3A_1292 = tpu.memref_slice %arg7[%dma_wait3A_1290, %dma_wait3A_1291] : memref<528x128xf32, #tpu.memory_space<hbm>> -> memref<528x128xf32, #tpu.memory_space<hbm>>
      tpu.wait_dma2 semaphore(%run_scoped3A : memref<!tpu.dma_semaphore, #tpu.memory_space<semaphore_mem>>) src(%dma_wait3A_1292 : memref<528x128xf32, #tpu.memory_space<hbm>>) dst(%dma_wait3A_1289 : memref<528x128xf32, #tpu.memory_space<vmem_shared>>)
      tpu.yield
    }) : () -> ()
    %barrier3A_666 = arith.constant 0 : index
    tpu.barrier barrier_id(%barrier3A_666)
    %dma_start3A_667 = arith.constant 0 : i32
    %dma_start3A_668 = arith.constant 0 : i32
    %dma_start3A_669 = arith.constant 0 : i32
    %dma_start3A_670 = arith.constant 0 : i32
    %dma_start3A_671 = tpu.memref_slice %arg14[%dma_start3A_668, %dma_start3A_669, %dma_start3A_670] : memref<2x128x128xf32, #tpu.memory_space<vmem>> -> memref<1x128x128xf32, #tpu.memory_space<vmem>>
    %dma_start3A_672 = tpu.memref_squeeze %dma_start3A_671 : memref<1x128x128xf32, #tpu.memory_space<vmem>> -> memref<128x128xf32, #tpu.memory_space<vmem>>
    %dma_start3A_673 = arith.constant 0 : i32
    %dma_start3A_674 = tpu.memref_slice %arg11[%dma_start3A_667, %dma_start3A_673] : memref<8x128xi32, #tpu.memory_space<vmem>> -> memref<1x128xi32, #tpu.memory_space<vmem>>
    %dma_start3A_675 = tpu.memref_squeeze %dma_start3A_674 : memref<1x128xi32, #tpu.memory_space<vmem>> -> memref<128xi32, #tpu.memory_space<vmem>>
    %dma_start3A_676 = arith.constant 0 : i32
    %dma_start3A_677 = arith.constant 0 : i32
    %dma_start3A_678 = tpu.memref_slice %arg2[%dma_start3A_676, %dma_start3A_677] : memref<10240x128xf32, #tpu.memory_space<hbm>> -> memref<10240x128xf32, #tpu.memory_space<hbm>>
    tpu.enqueue_indirect_dma source(%dma_start3A_678 : memref<10240x128xf32, #tpu.memory_space<hbm>>) target(%dma_start3A_672 : memref<128x128xf32, #tpu.memory_space<vmem>>) offsets(%dma_start3A_675 : memref<128xi32, #tpu.memory_space<vmem>>) semaphore(%arg17 : memref<!tpu.dma_semaphore, #tpu.memory_space<semaphore_mem>>)
    %dma_start3A_679 = arith.constant 1 : i32
    %dma_start3A_680 = arith.constant 1 : i32
    %dma_start3A_681 = arith.constant 0 : i32
    %dma_start3A_682 = arith.constant 0 : i32
    %dma_start3A_683 = tpu.memref_slice %arg14[%dma_start3A_680, %dma_start3A_681, %dma_start3A_682] : memref<2x128x128xf32, #tpu.memory_space<vmem>> -> memref<1x128x128xf32, #tpu.memory_space<vmem>>
    %dma_start3A_684 = tpu.memref_squeeze %dma_start3A_683 : memref<1x128x128xf32, #tpu.memory_space<vmem>> -> memref<128x128xf32, #tpu.memory_space<vmem>>
    %dma_start3A_685 = arith.constant 0 : i32
    %dma_start3A_686 = tpu.memref_slice %arg11[%dma_start3A_679, %dma_start3A_685] : memref<8x128xi32, #tpu.memory_space<vmem>> -> memref<1x128xi32, #tpu.memory_space<vmem>>
    %dma_start3A_687 = tpu.memref_squeeze %dma_start3A_686 : memref<1x128xi32, #tpu.memory_space<vmem>> -> memref<128xi32, #tpu.memory_space<vmem>>
    %dma_start3A_688 = arith.constant 0 : i32
    %dma_start3A_689 = arith.constant 0 : i32
    %dma_start3A_690 = tpu.memref_slice %arg2[%dma_start3A_688, %dma_start3A_689] : memref<10240x128xf32, #tpu.memory_space<hbm>> -> memref<10240x128xf32, #tpu.memory_space<hbm>>
    tpu.enqueue_indirect_dma source(%dma_start3A_690 : memref<10240x128xf32, #tpu.memory_space<hbm>>) target(%dma_start3A_684 : memref<128x128xf32, #tpu.memory_space<vmem>>) offsets(%dma_start3A_687 : memref<128xi32, #tpu.memory_space<vmem>>) semaphore(%arg17 : memref<!tpu.dma_semaphore, #tpu.memory_space<semaphore_mem>>)
    %mul3A_691 = arith.constant 8 : i32
    %mul3A_692 = arith.muli %arg1, %mul3A_691 : i32
    %add3A_693 = arith.constant 0 : i32
    %add3A_694 = arith.addi %mul3A_692, %add3A_693 : i32
    %mul3A_695 = arith.constant 128 : i32
    %mul3A_696 = arith.muli %add3A_694, %mul3A_695 : i32
    %dma_start3A_697 = arith.constant 0 : i32
    %dma_start3A_698 = tpu.memref_slice %arg3[%mul3A_696, %dma_start3A_697] : memref<16384x128xf32, #tpu.memory_space<hbm>> -> memref<128x128xf32, #tpu.memory_space<hbm>>
    %dma_start3A_699 = arith.constant 0 : i32
    %dma_start3A_700 = tpu.memref_slice %arg3[%mul3A_696, %dma_start3A_699] : memref<16384x128xf32, #tpu.memory_space<hbm>> -> memref<128x128xf32, #tpu.memory_space<hbm>>
    tpu.enqueue_dma source(%dma_start3A_700 : memref<128x128xf32, #tpu.memory_space<hbm>>) target(%arg15 : memref<128x128xf32, #tpu.memory_space<vmem>>) target_semaphore(%arg18 : memref<!tpu.dma_semaphore, #tpu.memory_space<semaphore_mem>>)
    %dma_wait3A_701 = arith.constant 0 : i32
    %dma_wait3A_702 = arith.constant 0 : i32
    %dma_wait3A_703 = arith.constant 0 : i32
    %dma_wait3A_704 = arith.constant 0 : i32
    %dma_wait3A_705 = tpu.memref_slice %arg14[%dma_wait3A_702, %dma_wait3A_703, %dma_wait3A_704] : memref<2x128x128xf32, #tpu.memory_space<vmem>> -> memref<1x128x128xf32, #tpu.memory_space<vmem>>
    %dma_wait3A_706 = tpu.memref_squeeze %dma_wait3A_705 : memref<1x128x128xf32, #tpu.memory_space<vmem>> -> memref<128x128xf32, #tpu.memory_space<vmem>>
    %dma_wait3A_707 = arith.constant 0 : i32
    %dma_wait3A_708 = tpu.memref_slice %arg11[%dma_wait3A_701, %dma_wait3A_707] : memref<8x128xi32, #tpu.memory_space<vmem>> -> memref<1x128xi32, #tpu.memory_space<vmem>>
    %dma_wait3A_709 = tpu.memref_squeeze %dma_wait3A_708 : memref<1x128xi32, #tpu.memory_space<vmem>> -> memref<128xi32, #tpu.memory_space<vmem>>
    %dma_wait3A_710 = arith.constant 0 : i32
    %dma_wait3A_711 = arith.constant 0 : i32
    %dma_wait3A_712 = tpu.memref_slice %arg2[%dma_wait3A_710, %dma_wait3A_711] : memref<10240x128xf32, #tpu.memory_space<hbm>> -> memref<10240x128xf32, #tpu.memory_space<hbm>>
    tpu.wait_indirect_dma semaphore(%arg17 : memref<!tpu.dma_semaphore, #tpu.memory_space<semaphore_mem>>) src(%dma_wait3A_712 : memref<10240x128xf32, #tpu.memory_space<hbm>>) dst(%dma_wait3A_706 : memref<128x128xf32, #tpu.memory_space<vmem>>)
    %dma_start3A_713 = arith.constant 0 : i32
    %dma_start3A_714 = arith.constant 0 : i32
    %dma_start3A_715 = arith.constant 0 : i32
    %dma_start3A_716 = arith.constant 0 : i32
    %dma_start3A_717 = tpu.memref_slice %arg14[%dma_start3A_713, %dma_start3A_715, %dma_start3A_716] : memref<2x128x128xf32, #tpu.memory_space<vmem>> -> memref<1x128x128xf32, #tpu.memory_space<vmem>>
    %dma_start3A_718 = tpu.memref_squeeze %dma_start3A_717 : memref<1x128x128xf32, #tpu.memory_space<vmem>> -> memref<128x128xf32, #tpu.memory_space<vmem>>
    %dma_start3A_719 = arith.constant 0 : i32
    %dma_start3A_720 = tpu.memref_slice %arg13[%dma_start3A_714, %dma_start3A_719] : memref<8x128xi32, #tpu.memory_space<vmem>> -> memref<1x128xi32, #tpu.memory_space<vmem>>
    %dma_start3A_721 = tpu.memref_squeeze %dma_start3A_720 : memref<1x128xi32, #tpu.memory_space<vmem>> -> memref<128xi32, #tpu.memory_space<vmem>>
    %dma_start3A_722 = arith.constant 0 : i32
    %dma_start3A_723 = arith.constant 0 : i32
    %dma_start3A_724 = tpu.memref_slice %arg16[%dma_start3A_722, %dma_start3A_723] : memref<8448x128xf32, #tpu.memory_space<vmem_shared>> -> memref<8448x128xf32, #tpu.memory_space<vmem_shared>>
    tpu.enqueue_indirect_dma source(%dma_start3A_718 : memref<128x128xf32, #tpu.memory_space<vmem>>) target(%dma_start3A_724 : memref<8448x128xf32, #tpu.memory_space<vmem_shared>>) offsets(%dma_start3A_721 : memref<128xi32, #tpu.memory_space<vmem>>) semaphore(%arg19 : memref<!tpu.dma_semaphore, #tpu.memory_space<semaphore_mem>>) {add = true}
    %dma_wait3A_725 = arith.constant 0 : i32
    %dma_wait3A_726 = tpu.memref_slice %arg3[%mul3A_696, %dma_wait3A_725] : memref<16384x128xf32, #tpu.memory_space<hbm>> -> memref<128x128xf32, #tpu.memory_space<hbm>>
    %dma_wait3A_727 = arith.constant 0 : i32
    %dma_wait3A_728 = tpu.memref_slice %arg3[%mul3A_696, %dma_wait3A_727] : memref<16384x128xf32, #tpu.memory_space<hbm>> -> memref<128x128xf32, #tpu.memory_space<hbm>>
    tpu.wait_dma2 semaphore(%arg18 : memref<!tpu.dma_semaphore, #tpu.memory_space<semaphore_mem>>) src(%dma_wait3A_728 : memref<128x128xf32, #tpu.memory_space<hbm>>) dst(%arg15 : memref<128x128xf32, #tpu.memory_space<vmem>>)
    %dma_start3A_729 = arith.constant 0 : i32
    %dma_start3A_730 = arith.constant 0 : i32
    %dma_start3A_731 = tpu.memref_slice %arg13[%dma_start3A_729, %dma_start3A_730] : memref<8x128xi32, #tpu.memory_space<vmem>> -> memref<1x128xi32, #tpu.memory_space<vmem>>
    %dma_start3A_732 = tpu.memref_squeeze %dma_start3A_731 : memref<1x128xi32, #tpu.memory_space<vmem>> -> memref<128xi32, #tpu.memory_space<vmem>>
    %dma_start3A_733 = arith.constant 0 : i32
    %dma_start3A_734 = arith.constant 0 : i32
    %dma_start3A_735 = tpu.memref_slice %arg16[%dma_start3A_733, %dma_start3A_734] : memref<8448x128xf32, #tpu.memory_space<vmem_shared>> -> memref<8448x128xf32, #tpu.memory_space<vmem_shared>>
    tpu.enqueue_indirect_dma source(%arg15 : memref<128x128xf32, #tpu.memory_space<vmem>>) target(%dma_start3A_735 : memref<8448x128xf32, #tpu.memory_space<vmem_shared>>) offsets(%dma_start3A_732 : memref<128xi32, #tpu.memory_space<vmem>>) semaphore(%arg18 : memref<!tpu.dma_semaphore, #tpu.memory_space<semaphore_mem>>) {add = true}
    %dma_wait3A_736 = arith.constant 0 : i32
    %dma_wait3A_737 = arith.constant 0 : i32
    %dma_wait3A_738 = tpu.memref_slice %arg13[%dma_wait3A_736, %dma_wait3A_737] : memref<8x128xi32, #tpu.memory_space<vmem>> -> memref<1x128xi32, #tpu.memory_space<vmem>>
    %dma_wait3A_739 = tpu.memref_squeeze %dma_wait3A_738 : memref<1x128xi32, #tpu.memory_space<vmem>> -> memref<128xi32, #tpu.memory_space<vmem>>
    %dma_wait3A_740 = arith.constant 0 : i32
    %dma_wait3A_741 = arith.constant 0 : i32
    %dma_wait3A_742 = tpu.memref_slice %arg16[%dma_wait3A_740, %dma_wait3A_741] : memref<8448x128xf32, #tpu.memory_space<vmem_shared>> -> memref<8448x128xf32, #tpu.memory_space<vmem_shared>>
    tpu.wait_indirect_dma semaphore(%arg18 : memref<!tpu.dma_semaphore, #tpu.memory_space<semaphore_mem>>) src(%arg15 : memref<128x128xf32, #tpu.memory_space<vmem>>) dst(%dma_wait3A_742 : memref<8448x128xf32, #tpu.memory_space<vmem_shared>>)
    %dma_wait3A_743 = arith.constant 0 : i32
    %dma_wait3A_744 = arith.constant 0 : i32
    %dma_wait3A_745 = arith.constant 0 : i32
    %dma_wait3A_746 = arith.constant 0 : i32
    %dma_wait3A_747 = tpu.memref_slice %arg14[%dma_wait3A_743, %dma_wait3A_745, %dma_wait3A_746] : memref<2x128x128xf32, #tpu.memory_space<vmem>> -> memref<1x128x128xf32, #tpu.memory_space<vmem>>
    %dma_wait3A_748 = tpu.memref_squeeze %dma_wait3A_747 : memref<1x128x128xf32, #tpu.memory_space<vmem>> -> memref<128x128xf32, #tpu.memory_space<vmem>>
    %dma_wait3A_749 = arith.constant 0 : i32
    %dma_wait3A_750 = tpu.memref_slice %arg13[%dma_wait3A_744, %dma_wait3A_749] : memref<8x128xi32, #tpu.memory_space<vmem>> -> memref<1x128xi32, #tpu.memory_space<vmem>>
    %dma_wait3A_751 = tpu.memref_squeeze %dma_wait3A_750 : memref<1x128xi32, #tpu.memory_space<vmem>> -> memref<128xi32, #tpu.memory_space<vmem>>
    %dma_wait3A_752 = arith.constant 0 : i32
    %dma_wait3A_753 = arith.constant 0 : i32
    %dma_wait3A_754 = tpu.memref_slice %arg16[%dma_wait3A_752, %dma_wait3A_753] : memref<8448x128xf32, #tpu.memory_space<vmem_shared>> -> memref<8448x128xf32, #tpu.memory_space<vmem_shared>>
    tpu.wait_indirect_dma semaphore(%arg19 : memref<!tpu.dma_semaphore, #tpu.memory_space<semaphore_mem>>) src(%dma_wait3A_748 : memref<128x128xf32, #tpu.memory_space<vmem>>) dst(%dma_wait3A_754 : memref<8448x128xf32, #tpu.memory_space<vmem_shared>>)
    %dma_start3A_755 = arith.constant 2 : i32
    %dma_start3A_756 = arith.constant 0 : i32
    %dma_start3A_757 = arith.constant 0 : i32
    %dma_start3A_758 = arith.constant 0 : i32
    %dma_start3A_759 = tpu.memref_slice %arg14[%dma_start3A_756, %dma_start3A_757, %dma_start3A_758] : memref<2x128x128xf32, #tpu.memory_space<vmem>> -> memref<1x128x128xf32, #tpu.memory_space<vmem>>
    %dma_start3A_760 = tpu.memref_squeeze %dma_start3A_759 : memref<1x128x128xf32, #tpu.memory_space<vmem>> -> memref<128x128xf32, #tpu.memory_space<vmem>>
    %dma_start3A_761 = arith.constant 0 : i32
    %dma_start3A_762 = tpu.memref_slice %arg11[%dma_start3A_755, %dma_start3A_761] : memref<8x128xi32, #tpu.memory_space<vmem>> -> memref<1x128xi32, #tpu.memory_space<vmem>>
    %dma_start3A_763 = tpu.memref_squeeze %dma_start3A_762 : memref<1x128xi32, #tpu.memory_space<vmem>> -> memref<128xi32, #tpu.memory_space<vmem>>
    %dma_start3A_764 = arith.constant 0 : i32
    %dma_start3A_765 = arith.constant 0 : i32
    %dma_start3A_766 = tpu.memref_slice %arg2[%dma_start3A_764, %dma_start3A_765] : memref<10240x128xf32, #tpu.memory_space<hbm>> -> memref<10240x128xf32, #tpu.memory_space<hbm>>
    tpu.enqueue_indirect_dma source(%dma_start3A_766 : memref<10240x128xf32, #tpu.memory_space<hbm>>) target(%dma_start3A_760 : memref<128x128xf32, #tpu.memory_space<vmem>>) offsets(%dma_start3A_763 : memref<128xi32, #tpu.memory_space<vmem>>) semaphore(%arg17 : memref<!tpu.dma_semaphore, #tpu.memory_space<semaphore_mem>>)
    %mul3A_767 = arith.constant 8 : i32
    %mul3A_768 = arith.muli %arg1, %mul3A_767 : i32
    %add3A_769 = arith.constant 1 : i32
    %add3A_770 = arith.addi %mul3A_768, %add3A_769 : i32
    %mul3A_771 = arith.constant 128 : i32
    %mul3A_772 = arith.muli %add3A_770, %mul3A_771 : i32
    %dma_start3A_773 = arith.constant 0 : i32
    %dma_start3A_774 = tpu.memref_slice %arg3[%mul3A_772, %dma_start3A_773] : memref<16384x128xf32, #tpu.memory_space<hbm>> -> memref<128x128xf32, #tpu.memory_space<hbm>>
    %dma_start3A_775 = arith.constant 0 : i32
    %dma_start3A_776 = tpu.memref_slice %arg3[%mul3A_772, %dma_start3A_775] : memref<16384x128xf32, #tpu.memory_space<hbm>> -> memref<128x128xf32, #tpu.memory_space<hbm>>
    tpu.enqueue_dma source(%dma_start3A_776 : memref<128x128xf32, #tpu.memory_space<hbm>>) target(%arg15 : memref<128x128xf32, #tpu.memory_space<vmem>>) target_semaphore(%arg18 : memref<!tpu.dma_semaphore, #tpu.memory_space<semaphore_mem>>)
    %dma_wait3A_777 = arith.constant 1 : i32
    %dma_wait3A_778 = arith.constant 1 : i32
    %dma_wait3A_779 = arith.constant 0 : i32
    %dma_wait3A_780 = arith.constant 0 : i32
    %dma_wait3A_781 = tpu.memref_slice %arg14[%dma_wait3A_778, %dma_wait3A_779, %dma_wait3A_780] : memref<2x128x128xf32, #tpu.memory_space<vmem>> -> memref<1x128x128xf32, #tpu.memory_space<vmem>>
    %dma_wait3A_782 = tpu.memref_squeeze %dma_wait3A_781 : memref<1x128x128xf32, #tpu.memory_space<vmem>> -> memref<128x128xf32, #tpu.memory_space<vmem>>
    %dma_wait3A_783 = arith.constant 0 : i32
    %dma_wait3A_784 = tpu.memref_slice %arg11[%dma_wait3A_777, %dma_wait3A_783] : memref<8x128xi32, #tpu.memory_space<vmem>> -> memref<1x128xi32, #tpu.memory_space<vmem>>
    %dma_wait3A_785 = tpu.memref_squeeze %dma_wait3A_784 : memref<1x128xi32, #tpu.memory_space<vmem>> -> memref<128xi32, #tpu.memory_space<vmem>>
    %dma_wait3A_786 = arith.constant 0 : i32
    %dma_wait3A_787 = arith.constant 0 : i32
    %dma_wait3A_788 = tpu.memref_slice %arg2[%dma_wait3A_786, %dma_wait3A_787] : memref<10240x128xf32, #tpu.memory_space<hbm>> -> memref<10240x128xf32, #tpu.memory_space<hbm>>
    tpu.wait_indirect_dma semaphore(%arg17 : memref<!tpu.dma_semaphore, #tpu.memory_space<semaphore_mem>>) src(%dma_wait3A_788 : memref<10240x128xf32, #tpu.memory_space<hbm>>) dst(%dma_wait3A_782 : memref<128x128xf32, #tpu.memory_space<vmem>>)
    %dma_start3A_789 = arith.constant 1 : i32
    %dma_start3A_790 = arith.constant 1 : i32
    %dma_start3A_791 = arith.constant 0 : i32
    %dma_start3A_792 = arith.constant 0 : i32
    %dma_start3A_793 = tpu.memref_slice %arg14[%dma_start3A_789, %dma_start3A_791, %dma_start3A_792] : memref<2x128x128xf32, #tpu.memory_space<vmem>> -> memref<1x128x128xf32, #tpu.memory_space<vmem>>
    %dma_start3A_794 = tpu.memref_squeeze %dma_start3A_793 : memref<1x128x128xf32, #tpu.memory_space<vmem>> -> memref<128x128xf32, #tpu.memory_space<vmem>>
    %dma_start3A_795 = arith.constant 0 : i32
    %dma_start3A_796 = tpu.memref_slice %arg13[%dma_start3A_790, %dma_start3A_795] : memref<8x128xi32, #tpu.memory_space<vmem>> -> memref<1x128xi32, #tpu.memory_space<vmem>>
    %dma_start3A_797 = tpu.memref_squeeze %dma_start3A_796 : memref<1x128xi32, #tpu.memory_space<vmem>> -> memref<128xi32, #tpu.memory_space<vmem>>
    %dma_start3A_798 = arith.constant 0 : i32
    %dma_start3A_799 = arith.constant 0 : i32
    %dma_start3A_800 = tpu.memref_slice %arg16[%dma_start3A_798, %dma_start3A_799] : memref<8448x128xf32, #tpu.memory_space<vmem_shared>> -> memref<8448x128xf32, #tpu.memory_space<vmem_shared>>
    tpu.enqueue_indirect_dma source(%dma_start3A_794 : memref<128x128xf32, #tpu.memory_space<vmem>>) target(%dma_start3A_800 : memref<8448x128xf32, #tpu.memory_space<vmem_shared>>) offsets(%dma_start3A_797 : memref<128xi32, #tpu.memory_space<vmem>>) semaphore(%arg19 : memref<!tpu.dma_semaphore, #tpu.memory_space<semaphore_mem>>) {add = true}
    %dma_wait3A_801 = arith.constant 0 : i32
    %dma_wait3A_802 = tpu.memref_slice %arg3[%mul3A_772, %dma_wait3A_801] : memref<16384x128xf32, #tpu.memory_space<hbm>> -> memref<128x128xf32, #tpu.memory_space<hbm>>
    %dma_wait3A_803 = arith.constant 0 : i32
    %dma_wait3A_804 = tpu.memref_slice %arg3[%mul3A_772, %dma_wait3A_803] : memref<16384x128xf32, #tpu.memory_space<hbm>> -> memref<128x128xf32, #tpu.memory_space<hbm>>
    tpu.wait_dma2 semaphore(%arg18 : memref<!tpu.dma_semaphore, #tpu.memory_space<semaphore_mem>>) src(%dma_wait3A_804 : memref<128x128xf32, #tpu.memory_space<hbm>>) dst(%arg15 : memref<128x128xf32, #tpu.memory_space<vmem>>)
    %dma_start3A_805 = arith.constant 1 : i32
    %dma_start3A_806 = arith.constant 0 : i32
    %dma_start3A_807 = tpu.memref_slice %arg13[%dma_start3A_805, %dma_start3A_806] : memref<8x128xi32, #tpu.memory_space<vmem>> -> memref<1x128xi32, #tpu.memory_space<vmem>>
    %dma_start3A_808 = tpu.memref_squeeze %dma_start3A_807 : memref<1x128xi32, #tpu.memory_space<vmem>> -> memref<128xi32, #tpu.memory_space<vmem>>
    %dma_start3A_809 = arith.constant 0 : i32
    %dma_start3A_810 = arith.constant 0 : i32
    %dma_start3A_811 = tpu.memref_slice %arg16[%dma_start3A_809, %dma_start3A_810] : memref<8448x128xf32, #tpu.memory_space<vmem_shared>> -> memref<8448x128xf32, #tpu.memory_space<vmem_shared>>
    tpu.enqueue_indirect_dma source(%arg15 : memref<128x128xf32, #tpu.memory_space<vmem>>) target(%dma_start3A_811 : memref<8448x128xf32, #tpu.memory_space<vmem_shared>>) offsets(%dma_start3A_808 : memref<128xi32, #tpu.memory_space<vmem>>) semaphore(%arg18 : memref<!tpu.dma_semaphore, #tpu.memory_space<semaphore_mem>>) {add = true}
    %dma_wait3A_812 = arith.constant 1 : i32
    %dma_wait3A_813 = arith.constant 0 : i32
    %dma_wait3A_814 = tpu.memref_slice %arg13[%dma_wait3A_812, %dma_wait3A_813] : memref<8x128xi32, #tpu.memory_space<vmem>> -> memref<1x128xi32, #tpu.memory_space<vmem>>
    %dma_wait3A_815 = tpu.memref_squeeze %dma_wait3A_814 : memref<1x128xi32, #tpu.memory_space<vmem>> -> memref<128xi32, #tpu.memory_space<vmem>>
    %dma_wait3A_816 = arith.constant 0 : i32
    %dma_wait3A_817 = arith.constant 0 : i32
    %dma_wait3A_818 = tpu.memref_slice %arg16[%dma_wait3A_816, %dma_wait3A_817] : memref<8448x128xf32, #tpu.memory_space<vmem_shared>> -> memref<8448x128xf32, #tpu.memory_space<vmem_shared>>
    tpu.wait_indirect_dma semaphore(%arg18 : memref<!tpu.dma_semaphore, #tpu.memory_space<semaphore_mem>>) src(%arg15 : memref<128x128xf32, #tpu.memory_space<vmem>>) dst(%dma_wait3A_818 : memref<8448x128xf32, #tpu.memory_space<vmem_shared>>)
    %dma_wait3A_819 = arith.constant 1 : i32
    %dma_wait3A_820 = arith.constant 1 : i32
    %dma_wait3A_821 = arith.constant 0 : i32
    %dma_wait3A_822 = arith.constant 0 : i32
    %dma_wait3A_823 = tpu.memref_slice %arg14[%dma_wait3A_819, %dma_wait3A_821, %dma_wait3A_822] : memref<2x128x128xf32, #tpu.memory_space<vmem>> -> memref<1x128x128xf32, #tpu.memory_space<vmem>>
    %dma_wait3A_824 = tpu.memref_squeeze %dma_wait3A_823 : memref<1x128x128xf32, #tpu.memory_space<vmem>> -> memref<128x128xf32, #tpu.memory_space<vmem>>
    %dma_wait3A_825 = arith.constant 0 : i32
    %dma_wait3A_826 = tpu.memref_slice %arg13[%dma_wait3A_820, %dma_wait3A_825] : memref<8x128xi32, #tpu.memory_space<vmem>> -> memref<1x128xi32, #tpu.memory_space<vmem>>
    %dma_wait3A_827 = tpu.memref_squeeze %dma_wait3A_826 : memref<1x128xi32, #tpu.memory_space<vmem>> -> memref<128xi32, #tpu.memory_space<vmem>>
    %dma_wait3A_828 = arith.constant 0 : i32
    %dma_wait3A_829 = arith.constant 0 : i32
    %dma_wait3A_830 = tpu.memref_slice %arg16[%dma_wait3A_828, %dma_wait3A_829] : memref<8448x128xf32, #tpu.memory_space<vmem_shared>> -> memref<8448x128xf32, #tpu.memory_space<vmem_shared>>
    tpu.wait_indirect_dma semaphore(%arg19 : memref<!tpu.dma_semaphore, #tpu.memory_space<semaphore_mem>>) src(%dma_wait3A_824 : memref<128x128xf32, #tpu.memory_space<vmem>>) dst(%dma_wait3A_830 : memref<8448x128xf32, #tpu.memory_space<vmem_shared>>)
    %dma_start3A_831 = arith.constant 3 : i32
    %dma_start3A_832 = arith.constant 1 : i32
    %dma_start3A_833 = arith.constant 0 : i32
    %dma_start3A_834 = arith.constant 0 : i32
    %dma_start3A_835 = tpu.memref_slice %arg14[%dma_start3A_832, %dma_start3A_833, %dma_start3A_834] : memref<2x128x128xf32, #tpu.memory_space<vmem>> -> memref<1x128x128xf32, #tpu.memory_space<vmem>>
    %dma_start3A_836 = tpu.memref_squeeze %dma_start3A_835 : memref<1x128x128xf32, #tpu.memory_space<vmem>> -> memref<128x128xf32, #tpu.memory_space<vmem>>
    %dma_start3A_837 = arith.constant 0 : i32
    %dma_start3A_838 = tpu.memref_slice %arg11[%dma_start3A_831, %dma_start3A_837] : memref<8x128xi32, #tpu.memory_space<vmem>> -> memref<1x128xi32, #tpu.memory_space<vmem>>
    %dma_start3A_839 = tpu.memref_squeeze %dma_start3A_838 : memref<1x128xi32, #tpu.memory_space<vmem>> -> memref<128xi32, #tpu.memory_space<vmem>>
    %dma_start3A_840 = arith.constant 0 : i32
    %dma_start3A_841 = arith.constant 0 : i32
    %dma_start3A_842 = tpu.memref_slice %arg2[%dma_start3A_840, %dma_start3A_841] : memref<10240x128xf32, #tpu.memory_space<hbm>> -> memref<10240x128xf32, #tpu.memory_space<hbm>>
    tpu.enqueue_indirect_dma source(%dma_start3A_842 : memref<10240x128xf32, #tpu.memory_space<hbm>>) target(%dma_start3A_836 : memref<128x128xf32, #tpu.memory_space<vmem>>) offsets(%dma_start3A_839 : memref<128xi32, #tpu.memory_space<vmem>>) semaphore(%arg17 : memref<!tpu.dma_semaphore, #tpu.memory_space<semaphore_mem>>)
    %mul3A_843 = arith.constant 8 : i32
    %mul3A_844 = arith.muli %arg1, %mul3A_843 : i32
    %add3A_845 = arith.constant 2 : i32
    %add3A_846 = arith.addi %mul3A_844, %add3A_845 : i32
    %mul3A_847 = arith.constant 128 : i32
    %mul3A_848 = arith.muli %add3A_846, %mul3A_847 : i32
    %dma_start3A_849 = arith.constant 0 : i32
    %dma_start3A_850 = tpu.memref_slice %arg3[%mul3A_848, %dma_start3A_849] : memref<16384x128xf32, #tpu.memory_space<hbm>> -> memref<128x128xf32, #tpu.memory_space<hbm>>
    %dma_start3A_851 = arith.constant 0 : i32
    %dma_start3A_852 = tpu.memref_slice %arg3[%mul3A_848, %dma_start3A_851] : memref<16384x128xf32, #tpu.memory_space<hbm>> -> memref<128x128xf32, #tpu.memory_space<hbm>>
    tpu.enqueue_dma source(%dma_start3A_852 : memref<128x128xf32, #tpu.memory_space<hbm>>) target(%arg15 : memref<128x128xf32, #tpu.memory_space<vmem>>) target_semaphore(%arg18 : memref<!tpu.dma_semaphore, #tpu.memory_space<semaphore_mem>>)
    %dma_wait3A_853 = arith.constant 2 : i32
    %dma_wait3A_854 = arith.constant 0 : i32
    %dma_wait3A_855 = arith.constant 0 : i32
    %dma_wait3A_856 = arith.constant 0 : i32
    %dma_wait3A_857 = tpu.memref_slice %arg14[%dma_wait3A_854, %dma_wait3A_855, %dma_wait3A_856] : memref<2x128x128xf32, #tpu.memory_space<vmem>> -> memref<1x128x128xf32, #tpu.memory_space<vmem>>
    %dma_wait3A_858 = tpu.memref_squeeze %dma_wait3A_857 : memref<1x128x128xf32, #tpu.memory_space<vmem>> -> memref<128x128xf32, #tpu.memory_space<vmem>>
    %dma_wait3A_859 = arith.constant 0 : i32
    %dma_wait3A_860 = tpu.memref_slice %arg11[%dma_wait3A_853, %dma_wait3A_859] : memref<8x128xi32, #tpu.memory_space<vmem>> -> memref<1x128xi32, #tpu.memory_space<vmem>>
    %dma_wait3A_861 = tpu.memref_squeeze %dma_wait3A_860 : memref<1x128xi32, #tpu.memory_space<vmem>> -> memref<128xi32, #tpu.memory_space<vmem>>
    %dma_wait3A_862 = arith.constant 0 : i32
    %dma_wait3A_863 = arith.constant 0 : i32
    %dma_wait3A_864 = tpu.memref_slice %arg2[%dma_wait3A_862, %dma_wait3A_863] : memref<10240x128xf32, #tpu.memory_space<hbm>> -> memref<10240x128xf32, #tpu.memory_space<hbm>>
    tpu.wait_indirect_dma semaphore(%arg17 : memref<!tpu.dma_semaphore, #tpu.memory_space<semaphore_mem>>) src(%dma_wait3A_864 : memref<10240x128xf32, #tpu.memory_space<hbm>>) dst(%dma_wait3A_858 : memref<128x128xf32, #tpu.memory_space<vmem>>)
    %dma_start3A_865 = arith.constant 0 : i32
    %dma_start3A_866 = arith.constant 2 : i32
    %dma_start3A_867 = arith.constant 0 : i32
    %dma_start3A_868 = arith.constant 0 : i32
    %dma_start3A_869 = tpu.memref_slice %arg14[%dma_start3A_865, %dma_start3A_867, %dma_start3A_868] : memref<2x128x128xf32, #tpu.memory_space<vmem>> -> memref<1x128x128xf32, #tpu.memory_space<vmem>>
    %dma_start3A_870 = tpu.memref_squeeze %dma_start3A_869 : memref<1x128x128xf32, #tpu.memory_space<vmem>> -> memref<128x128xf32, #tpu.memory_space<vmem>>
    %dma_start3A_871 = arith.constant 0 : i32
    %dma_start3A_872 = tpu.memref_slice %arg13[%dma_start3A_866, %dma_start3A_871] : memref<8x128xi32, #tpu.memory_space<vmem>> -> memref<1x128xi32, #tpu.memory_space<vmem>>
    %dma_start3A_873 = tpu.memref_squeeze %dma_start3A_872 : memref<1x128xi32, #tpu.memory_space<vmem>> -> memref<128xi32, #tpu.memory_space<vmem>>
    %dma_start3A_874 = arith.constant 0 : i32
    %dma_start3A_875 = arith.constant 0 : i32
    %dma_start3A_876 = tpu.memref_slice %arg16[%dma_start3A_874, %dma_start3A_875] : memref<8448x128xf32, #tpu.memory_space<vmem_shared>> -> memref<8448x128xf32, #tpu.memory_space<vmem_shared>>
    tpu.enqueue_indirect_dma source(%dma_start3A_870 : memref<128x128xf32, #tpu.memory_space<vmem>>) target(%dma_start3A_876 : memref<8448x128xf32, #tpu.memory_space<vmem_shared>>) offsets(%dma_start3A_873 : memref<128xi32, #tpu.memory_space<vmem>>) semaphore(%arg19 : memref<!tpu.dma_semaphore, #tpu.memory_space<semaphore_mem>>) {add = true}
    %dma_wait3A_877 = arith.constant 0 : i32
    %dma_wait3A_878 = tpu.memref_slice %arg3[%mul3A_848, %dma_wait3A_877] : memref<16384x128xf32, #tpu.memory_space<hbm>> -> memref<128x128xf32, #tpu.memory_space<hbm>>
    %dma_wait3A_879 = arith.constant 0 : i32
    %dma_wait3A_880 = tpu.memref_slice %arg3[%mul3A_848, %dma_wait3A_879] : memref<16384x128xf32, #tpu.memory_space<hbm>> -> memref<128x128xf32, #tpu.memory_space<hbm>>
    tpu.wait_dma2 semaphore(%arg18 : memref<!tpu.dma_semaphore, #tpu.memory_space<semaphore_mem>>) src(%dma_wait3A_880 : memref<128x128xf32, #tpu.memory_space<hbm>>) dst(%arg15 : memref<128x128xf32, #tpu.memory_space<vmem>>)
    %dma_start3A_881 = arith.constant 2 : i32
    %dma_start3A_882 = arith.constant 0 : i32
    %dma_start3A_883 = tpu.memref_slice %arg13[%dma_start3A_881, %dma_start3A_882] : memref<8x128xi32, #tpu.memory_space<vmem>> -> memref<1x128xi32, #tpu.memory_space<vmem>>
    %dma_start3A_884 = tpu.memref_squeeze %dma_start3A_883 : memref<1x128xi32, #tpu.memory_space<vmem>> -> memref<128xi32, #tpu.memory_space<vmem>>
    %dma_start3A_885 = arith.constant 0 : i32
    %dma_start3A_886 = arith.constant 0 : i32
    %dma_start3A_887 = tpu.memref_slice %arg16[%dma_start3A_885, %dma_start3A_886] : memref<8448x128xf32, #tpu.memory_space<vmem_shared>> -> memref<8448x128xf32, #tpu.memory_space<vmem_shared>>
    tpu.enqueue_indirect_dma source(%arg15 : memref<128x128xf32, #tpu.memory_space<vmem>>) target(%dma_start3A_887 : memref<8448x128xf32, #tpu.memory_space<vmem_shared>>) offsets(%dma_start3A_884 : memref<128xi32, #tpu.memory_space<vmem>>) semaphore(%arg18 : memref<!tpu.dma_semaphore, #tpu.memory_space<semaphore_mem>>) {add = true}
    %dma_wait3A_888 = arith.constant 2 : i32
    %dma_wait3A_889 = arith.constant 0 : i32
    %dma_wait3A_890 = tpu.memref_slice %arg13[%dma_wait3A_888, %dma_wait3A_889] : memref<8x128xi32, #tpu.memory_space<vmem>> -> memref<1x128xi32, #tpu.memory_space<vmem>>
    %dma_wait3A_891 = tpu.memref_squeeze %dma_wait3A_890 : memref<1x128xi32, #tpu.memory_space<vmem>> -> memref<128xi32, #tpu.memory_space<vmem>>
    %dma_wait3A_892 = arith.constant 0 : i32
    %dma_wait3A_893 = arith.constant 0 : i32
    %dma_wait3A_894 = tpu.memref_slice %arg16[%dma_wait3A_892, %dma_wait3A_893] : memref<8448x128xf32, #tpu.memory_space<vmem_shared>> -> memref<8448x128xf32, #tpu.memory_space<vmem_shared>>
    tpu.wait_indirect_dma semaphore(%arg18 : memref<!tpu.dma_semaphore, #tpu.memory_space<semaphore_mem>>) src(%arg15 : memref<128x128xf32, #tpu.memory_space<vmem>>) dst(%dma_wait3A_894 : memref<8448x128xf32, #tpu.memory_space<vmem_shared>>)
    %dma_wait3A_895 = arith.constant 0 : i32
    %dma_wait3A_896 = arith.constant 2 : i32
    %dma_wait3A_897 = arith.constant 0 : i32
    %dma_wait3A_898 = arith.constant 0 : i32
    %dma_wait3A_899 = tpu.memref_slice %arg14[%dma_wait3A_895, %dma_wait3A_897, %dma_wait3A_898] : memref<2x128x128xf32, #tpu.memory_space<vmem>> -> memref<1x128x128xf32, #tpu.memory_space<vmem>>
    %dma_wait3A_900 = tpu.memref_squeeze %dma_wait3A_899 : memref<1x128x128xf32, #tpu.memory_space<vmem>> -> memref<128x128xf32, #tpu.memory_space<vmem>>
    %dma_wait3A_901 = arith.constant 0 : i32
    %dma_wait3A_902 = tpu.memref_slice %arg13[%dma_wait3A_896, %dma_wait3A_901] : memref<8x128xi32, #tpu.memory_space<vmem>> -> memref<1x128xi32, #tpu.memory_space<vmem>>
    %dma_wait3A_903 = tpu.memref_squeeze %dma_wait3A_902 : memref<1x128xi32, #tpu.memory_space<vmem>> -> memref<128xi32, #tpu.memory_space<vmem>>
    %dma_wait3A_904 = arith.constant 0 : i32
    %dma_wait3A_905 = arith.constant 0 : i32
    %dma_wait3A_906 = tpu.memref_slice %arg16[%dma_wait3A_904, %dma_wait3A_905] : memref<8448x128xf32, #tpu.memory_space<vmem_shared>> -> memref<8448x128xf32, #tpu.memory_space<vmem_shared>>
    tpu.wait_indirect_dma semaphore(%arg19 : memref<!tpu.dma_semaphore, #tpu.memory_space<semaphore_mem>>) src(%dma_wait3A_900 : memref<128x128xf32, #tpu.memory_space<vmem>>) dst(%dma_wait3A_906 : memref<8448x128xf32, #tpu.memory_space<vmem_shared>>)
    %dma_start3A_907 = arith.constant 4 : i32
    %dma_start3A_908 = arith.constant 0 : i32
    %dma_start3A_909 = arith.constant 0 : i32
    %dma_start3A_910 = arith.constant 0 : i32
    %dma_start3A_911 = tpu.memref_slice %arg14[%dma_start3A_908, %dma_start3A_909, %dma_start3A_910] : memref<2x128x128xf32, #tpu.memory_space<vmem>> -> memref<1x128x128xf32, #tpu.memory_space<vmem>>
    %dma_start3A_912 = tpu.memref_squeeze %dma_start3A_911 : memref<1x128x128xf32, #tpu.memory_space<vmem>> -> memref<128x128xf32, #tpu.memory_space<vmem>>
    %dma_start3A_913 = arith.constant 0 : i32
    %dma_start3A_914 = tpu.memref_slice %arg11[%dma_start3A_907, %dma_start3A_913] : memref<8x128xi32, #tpu.memory_space<vmem>> -> memref<1x128xi32, #tpu.memory_space<vmem>>
    %dma_start3A_915 = tpu.memref_squeeze %dma_start3A_914 : memref<1x128xi32, #tpu.memory_space<vmem>> -> memref<128xi32, #tpu.memory_space<vmem>>
    %dma_start3A_916 = arith.constant 0 : i32
    %dma_start3A_917 = arith.constant 0 : i32
    %dma_start3A_918 = tpu.memref_slice %arg2[%dma_start3A_916, %dma_start3A_917] : memref<10240x128xf32, #tpu.memory_space<hbm>> -> memref<10240x128xf32, #tpu.memory_space<hbm>>
    tpu.enqueue_indirect_dma source(%dma_start3A_918 : memref<10240x128xf32, #tpu.memory_space<hbm>>) target(%dma_start3A_912 : memref<128x128xf32, #tpu.memory_space<vmem>>) offsets(%dma_start3A_915 : memref<128xi32, #tpu.memory_space<vmem>>) semaphore(%arg17 : memref<!tpu.dma_semaphore, #tpu.memory_space<semaphore_mem>>)
    %mul3A_919 = arith.constant 8 : i32
    %mul3A_920 = arith.muli %arg1, %mul3A_919 : i32
    %add3A_921 = arith.constant 3 : i32
    %add3A_922 = arith.addi %mul3A_920, %add3A_921 : i32
    %mul3A_923 = arith.constant 128 : i32
    %mul3A_924 = arith.muli %add3A_922, %mul3A_923 : i32
    %dma_start3A_925 = arith.constant 0 : i32
    %dma_start3A_926 = tpu.memref_slice %arg3[%mul3A_924, %dma_start3A_925] : memref<16384x128xf32, #tpu.memory_space<hbm>> -> memref<128x128xf32, #tpu.memory_space<hbm>>
    %dma_start3A_927 = arith.constant 0 : i32
    %dma_start3A_928 = tpu.memref_slice %arg3[%mul3A_924, %dma_start3A_927] : memref<16384x128xf32, #tpu.memory_space<hbm>> -> memref<128x128xf32, #tpu.memory_space<hbm>>
    tpu.enqueue_dma source(%dma_start3A_928 : memref<128x128xf32, #tpu.memory_space<hbm>>) target(%arg15 : memref<128x128xf32, #tpu.memory_space<vmem>>) target_semaphore(%arg18 : memref<!tpu.dma_semaphore, #tpu.memory_space<semaphore_mem>>)
    %dma_wait3A_929 = arith.constant 3 : i32
    %dma_wait3A_930 = arith.constant 1 : i32
    %dma_wait3A_931 = arith.constant 0 : i32
    %dma_wait3A_932 = arith.constant 0 : i32
    %dma_wait3A_933 = tpu.memref_slice %arg14[%dma_wait3A_930, %dma_wait3A_931, %dma_wait3A_932] : memref<2x128x128xf32, #tpu.memory_space<vmem>> -> memref<1x128x128xf32, #tpu.memory_space<vmem>>
    %dma_wait3A_934 = tpu.memref_squeeze %dma_wait3A_933 : memref<1x128x128xf32, #tpu.memory_space<vmem>> -> memref<128x128xf32, #tpu.memory_space<vmem>>
    %dma_wait3A_935 = arith.constant 0 : i32
    %dma_wait3A_936 = tpu.memref_slice %arg11[%dma_wait3A_929, %dma_wait3A_935] : memref<8x128xi32, #tpu.memory_space<vmem>> -> memref<1x128xi32, #tpu.memory_space<vmem>>
    %dma_wait3A_937 = tpu.memref_squeeze %dma_wait3A_936 : memref<1x128xi32, #tpu.memory_space<vmem>> -> memref<128xi32, #tpu.memory_space<vmem>>
    %dma_wait3A_938 = arith.constant 0 : i32
    %dma_wait3A_939 = arith.constant 0 : i32
    %dma_wait3A_940 = tpu.memref_slice %arg2[%dma_wait3A_938, %dma_wait3A_939] : memref<10240x128xf32, #tpu.memory_space<hbm>> -> memref<10240x128xf32, #tpu.memory_space<hbm>>
    tpu.wait_indirect_dma semaphore(%arg17 : memref<!tpu.dma_semaphore, #tpu.memory_space<semaphore_mem>>) src(%dma_wait3A_940 : memref<10240x128xf32, #tpu.memory_space<hbm>>) dst(%dma_wait3A_934 : memref<128x128xf32, #tpu.memory_space<vmem>>)
    %dma_start3A_941 = arith.constant 1 : i32
    %dma_start3A_942 = arith.constant 3 : i32
    %dma_start3A_943 = arith.constant 0 : i32
    %dma_start3A_944 = arith.constant 0 : i32
    %dma_start3A_945 = tpu.memref_slice %arg14[%dma_start3A_941, %dma_start3A_943, %dma_start3A_944] : memref<2x128x128xf32, #tpu.memory_space<vmem>> -> memref<1x128x128xf32, #tpu.memory_space<vmem>>
    %dma_start3A_946 = tpu.memref_squeeze %dma_start3A_945 : memref<1x128x128xf32, #tpu.memory_space<vmem>> -> memref<128x128xf32, #tpu.memory_space<vmem>>
    %dma_start3A_947 = arith.constant 0 : i32
    %dma_start3A_948 = tpu.memref_slice %arg13[%dma_start3A_942, %dma_start3A_947] : memref<8x128xi32, #tpu.memory_space<vmem>> -> memref<1x128xi32, #tpu.memory_space<vmem>>
    %dma_start3A_949 = tpu.memref_squeeze %dma_start3A_948 : memref<1x128xi32, #tpu.memory_space<vmem>> -> memref<128xi32, #tpu.memory_space<vmem>>
    %dma_start3A_950 = arith.constant 0 : i32
    %dma_start3A_951 = arith.constant 0 : i32
    %dma_start3A_952 = tpu.memref_slice %arg16[%dma_start3A_950, %dma_start3A_951] : memref<8448x128xf32, #tpu.memory_space<vmem_shared>> -> memref<8448x128xf32, #tpu.memory_space<vmem_shared>>
    tpu.enqueue_indirect_dma source(%dma_start3A_946 : memref<128x128xf32, #tpu.memory_space<vmem>>) target(%dma_start3A_952 : memref<8448x128xf32, #tpu.memory_space<vmem_shared>>) offsets(%dma_start3A_949 : memref<128xi32, #tpu.memory_space<vmem>>) semaphore(%arg19 : memref<!tpu.dma_semaphore, #tpu.memory_space<semaphore_mem>>) {add = true}
    %dma_wait3A_953 = arith.constant 0 : i32
    %dma_wait3A_954 = tpu.memref_slice %arg3[%mul3A_924, %dma_wait3A_953] : memref<16384x128xf32, #tpu.memory_space<hbm>> -> memref<128x128xf32, #tpu.memory_space<hbm>>
    %dma_wait3A_955 = arith.constant 0 : i32
    %dma_wait3A_956 = tpu.memref_slice %arg3[%mul3A_924, %dma_wait3A_955] : memref<16384x128xf32, #tpu.memory_space<hbm>> -> memref<128x128xf32, #tpu.memory_space<hbm>>
    tpu.wait_dma2 semaphore(%arg18 : memref<!tpu.dma_semaphore, #tpu.memory_space<semaphore_mem>>) src(%dma_wait3A_956 : memref<128x128xf32, #tpu.memory_space<hbm>>) dst(%arg15 : memref<128x128xf32, #tpu.memory_space<vmem>>)
    %dma_start3A_957 = arith.constant 3 : i32
    %dma_start3A_958 = arith.constant 0 : i32
    %dma_start3A_959 = tpu.memref_slice %arg13[%dma_start3A_957, %dma_start3A_958] : memref<8x128xi32, #tpu.memory_space<vmem>> -> memref<1x128xi32, #tpu.memory_space<vmem>>
    %dma_start3A_960 = tpu.memref_squeeze %dma_start3A_959 : memref<1x128xi32, #tpu.memory_space<vmem>> -> memref<128xi32, #tpu.memory_space<vmem>>
    %dma_start3A_961 = arith.constant 0 : i32
    %dma_start3A_962 = arith.constant 0 : i32
    %dma_start3A_963 = tpu.memref_slice %arg16[%dma_start3A_961, %dma_start3A_962] : memref<8448x128xf32, #tpu.memory_space<vmem_shared>> -> memref<8448x128xf32, #tpu.memory_space<vmem_shared>>
    tpu.enqueue_indirect_dma source(%arg15 : memref<128x128xf32, #tpu.memory_space<vmem>>) target(%dma_start3A_963 : memref<8448x128xf32, #tpu.memory_space<vmem_shared>>) offsets(%dma_start3A_960 : memref<128xi32, #tpu.memory_space<vmem>>) semaphore(%arg18 : memref<!tpu.dma_semaphore, #tpu.memory_space<semaphore_mem>>) {add = true}
    %dma_wait3A_964 = arith.constant 3 : i32
    %dma_wait3A_965 = arith.constant 0 : i32
    %dma_wait3A_966 = tpu.memref_slice %arg13[%dma_wait3A_964, %dma_wait3A_965] : memref<8x128xi32, #tpu.memory_space<vmem>> -> memref<1x128xi32, #tpu.memory_space<vmem>>
    %dma_wait3A_967 = tpu.memref_squeeze %dma_wait3A_966 : memref<1x128xi32, #tpu.memory_space<vmem>> -> memref<128xi32, #tpu.memory_space<vmem>>
    %dma_wait3A_968 = arith.constant 0 : i32
    %dma_wait3A_969 = arith.constant 0 : i32
    %dma_wait3A_970 = tpu.memref_slice %arg16[%dma_wait3A_968, %dma_wait3A_969] : memref<8448x128xf32, #tpu.memory_space<vmem_shared>> -> memref<8448x128xf32, #tpu.memory_space<vmem_shared>>
    tpu.wait_indirect_dma semaphore(%arg18 : memref<!tpu.dma_semaphore, #tpu.memory_space<semaphore_mem>>) src(%arg15 : memref<128x128xf32, #tpu.memory_space<vmem>>) dst(%dma_wait3A_970 : memref<8448x128xf32, #tpu.memory_space<vmem_shared>>)
    %dma_wait3A_971 = arith.constant 1 : i32
    %dma_wait3A_972 = arith.constant 3 : i32
    %dma_wait3A_973 = arith.constant 0 : i32
    %dma_wait3A_974 = arith.constant 0 : i32
    %dma_wait3A_975 = tpu.memref_slice %arg14[%dma_wait3A_971, %dma_wait3A_973, %dma_wait3A_974] : memref<2x128x128xf32, #tpu.memory_space<vmem>> -> memref<1x128x128xf32, #tpu.memory_space<vmem>>
    %dma_wait3A_976 = tpu.memref_squeeze %dma_wait3A_975 : memref<1x128x128xf32, #tpu.memory_space<vmem>> -> memref<128x128xf32, #tpu.memory_space<vmem>>
    %dma_wait3A_977 = arith.constant 0 : i32
    %dma_wait3A_978 = tpu.memref_slice %arg13[%dma_wait3A_972, %dma_wait3A_977] : memref<8x128xi32, #tpu.memory_space<vmem>> -> memref<1x128xi32, #tpu.memory_space<vmem>>
    %dma_wait3A_979 = tpu.memref_squeeze %dma_wait3A_978 : memref<1x128xi32, #tpu.memory_space<vmem>> -> memref<128xi32, #tpu.memory_space<vmem>>
    %dma_wait3A_980 = arith.constant 0 : i32
    %dma_wait3A_981 = arith.constant 0 : i32
    %dma_wait3A_982 = tpu.memref_slice %arg16[%dma_wait3A_980, %dma_wait3A_981] : memref<8448x128xf32, #tpu.memory_space<vmem_shared>> -> memref<8448x128xf32, #tpu.memory_space<vmem_shared>>
    tpu.wait_indirect_dma semaphore(%arg19 : memref<!tpu.dma_semaphore, #tpu.memory_space<semaphore_mem>>) src(%dma_wait3A_976 : memref<128x128xf32, #tpu.memory_space<vmem>>) dst(%dma_wait3A_982 : memref<8448x128xf32, #tpu.memory_space<vmem_shared>>)
    %dma_start3A_983 = arith.constant 5 : i32
    %dma_start3A_984 = arith.constant 1 : i32
    %dma_start3A_985 = arith.constant 0 : i32
    %dma_start3A_986 = arith.constant 0 : i32
    %dma_start3A_987 = tpu.memref_slice %arg14[%dma_start3A_984, %dma_start3A_985, %dma_start3A_986] : memref<2x128x128xf32, #tpu.memory_space<vmem>> -> memref<1x128x128xf32, #tpu.memory_space<vmem>>
    %dma_start3A_988 = tpu.memref_squeeze %dma_start3A_987 : memref<1x128x128xf32, #tpu.memory_space<vmem>> -> memref<128x128xf32, #tpu.memory_space<vmem>>
    %dma_start3A_989 = arith.constant 0 : i32
    %dma_start3A_990 = tpu.memref_slice %arg11[%dma_start3A_983, %dma_start3A_989] : memref<8x128xi32, #tpu.memory_space<vmem>> -> memref<1x128xi32, #tpu.memory_space<vmem>>
    %dma_start3A_991 = tpu.memref_squeeze %dma_start3A_990 : memref<1x128xi32, #tpu.memory_space<vmem>> -> memref<128xi32, #tpu.memory_space<vmem>>
    %dma_start3A_992 = arith.constant 0 : i32
    %dma_start3A_993 = arith.constant 0 : i32
    %dma_start3A_994 = tpu.memref_slice %arg2[%dma_start3A_992, %dma_start3A_993] : memref<10240x128xf32, #tpu.memory_space<hbm>> -> memref<10240x128xf32, #tpu.memory_space<hbm>>
    tpu.enqueue_indirect_dma source(%dma_start3A_994 : memref<10240x128xf32, #tpu.memory_space<hbm>>) target(%dma_start3A_988 : memref<128x128xf32, #tpu.memory_space<vmem>>) offsets(%dma_start3A_991 : memref<128xi32, #tpu.memory_space<vmem>>) semaphore(%arg17 : memref<!tpu.dma_semaphore, #tpu.memory_space<semaphore_mem>>)
    %mul3A_995 = arith.constant 8 : i32
    %mul3A_996 = arith.muli %arg1, %mul3A_995 : i32
    %add3A_997 = arith.constant 4 : i32
    %add3A_998 = arith.addi %mul3A_996, %add3A_997 : i32
    %mul3A_999 = arith.constant 128 : i32
    %mul3A_1000 = arith.muli %add3A_998, %mul3A_999 : i32
    %dma_start3A_1001 = arith.constant 0 : i32
    %dma_start3A_1002 = tpu.memref_slice %arg3[%mul3A_1000, %dma_start3A_1001] : memref<16384x128xf32, #tpu.memory_space<hbm>> -> memref<128x128xf32, #tpu.memory_space<hbm>>
    %dma_start3A_1003 = arith.constant 0 : i32
    %dma_start3A_1004 = tpu.memref_slice %arg3[%mul3A_1000, %dma_start3A_1003] : memref<16384x128xf32, #tpu.memory_space<hbm>> -> memref<128x128xf32, #tpu.memory_space<hbm>>
    tpu.enqueue_dma source(%dma_start3A_1004 : memref<128x128xf32, #tpu.memory_space<hbm>>) target(%arg15 : memref<128x128xf32, #tpu.memory_space<vmem>>) target_semaphore(%arg18 : memref<!tpu.dma_semaphore, #tpu.memory_space<semaphore_mem>>)
    %dma_wait3A_1005 = arith.constant 4 : i32
    %dma_wait3A_1006 = arith.constant 0 : i32
    %dma_wait3A_1007 = arith.constant 0 : i32
    %dma_wait3A_1008 = arith.constant 0 : i32
    %dma_wait3A_1009 = tpu.memref_slice %arg14[%dma_wait3A_1006, %dma_wait3A_1007, %dma_wait3A_1008] : memref<2x128x128xf32, #tpu.memory_space<vmem>> -> memref<1x128x128xf32, #tpu.memory_space<vmem>>
    %dma_wait3A_1010 = tpu.memref_squeeze %dma_wait3A_1009 : memref<1x128x128xf32, #tpu.memory_space<vmem>> -> memref<128x128xf32, #tpu.memory_space<vmem>>
    %dma_wait3A_1011 = arith.constant 0 : i32
    %dma_wait3A_1012 = tpu.memref_slice %arg11[%dma_wait3A_1005, %dma_wait3A_1011] : memref<8x128xi32, #tpu.memory_space<vmem>> -> memref<1x128xi32, #tpu.memory_space<vmem>>
    %dma_wait3A_1013 = tpu.memref_squeeze %dma_wait3A_1012 : memref<1x128xi32, #tpu.memory_space<vmem>> -> memref<128xi32, #tpu.memory_space<vmem>>
    %dma_wait3A_1014 = arith.constant 0 : i32
    %dma_wait3A_1015 = arith.constant 0 : i32
    %dma_wait3A_1016 = tpu.memref_slice %arg2[%dma_wait3A_1014, %dma_wait3A_1015] : memref<10240x128xf32, #tpu.memory_space<hbm>> -> memref<10240x128xf32, #tpu.memory_space<hbm>>
    tpu.wait_indirect_dma semaphore(%arg17 : memref<!tpu.dma_semaphore, #tpu.memory_space<semaphore_mem>>) src(%dma_wait3A_1016 : memref<10240x128xf32, #tpu.memory_space<hbm>>) dst(%dma_wait3A_1010 : memref<128x128xf32, #tpu.memory_space<vmem>>)
    %dma_start3A_1017 = arith.constant 0 : i32
    %dma_start3A_1018 = arith.constant 4 : i32
    %dma_start3A_1019 = arith.constant 0 : i32
    %dma_start3A_1020 = arith.constant 0 : i32
    %dma_start3A_1021 = tpu.memref_slice %arg14[%dma_start3A_1017, %dma_start3A_1019, %dma_start3A_1020] : memref<2x128x128xf32, #tpu.memory_space<vmem>> -> memref<1x128x128xf32, #tpu.memory_space<vmem>>
    %dma_start3A_1022 = tpu.memref_squeeze %dma_start3A_1021 : memref<1x128x128xf32, #tpu.memory_space<vmem>> -> memref<128x128xf32, #tpu.memory_space<vmem>>
    %dma_start3A_1023 = arith.constant 0 : i32
    %dma_start3A_1024 = tpu.memref_slice %arg13[%dma_start3A_1018, %dma_start3A_1023] : memref<8x128xi32, #tpu.memory_space<vmem>> -> memref<1x128xi32, #tpu.memory_space<vmem>>
    %dma_start3A_1025 = tpu.memref_squeeze %dma_start3A_1024 : memref<1x128xi32, #tpu.memory_space<vmem>> -> memref<128xi32, #tpu.memory_space<vmem>>
    %dma_start3A_1026 = arith.constant 0 : i32
    %dma_start3A_1027 = arith.constant 0 : i32
    %dma_start3A_1028 = tpu.memref_slice %arg16[%dma_start3A_1026, %dma_start3A_1027] : memref<8448x128xf32, #tpu.memory_space<vmem_shared>> -> memref<8448x128xf32, #tpu.memory_space<vmem_shared>>
    tpu.enqueue_indirect_dma source(%dma_start3A_1022 : memref<128x128xf32, #tpu.memory_space<vmem>>) target(%dma_start3A_1028 : memref<8448x128xf32, #tpu.memory_space<vmem_shared>>) offsets(%dma_start3A_1025 : memref<128xi32, #tpu.memory_space<vmem>>) semaphore(%arg19 : memref<!tpu.dma_semaphore, #tpu.memory_space<semaphore_mem>>) {add = true}
    %dma_wait3A_1029 = arith.constant 0 : i32
    %dma_wait3A_1030 = tpu.memref_slice %arg3[%mul3A_1000, %dma_wait3A_1029] : memref<16384x128xf32, #tpu.memory_space<hbm>> -> memref<128x128xf32, #tpu.memory_space<hbm>>
    %dma_wait3A_1031 = arith.constant 0 : i32
    %dma_wait3A_1032 = tpu.memref_slice %arg3[%mul3A_1000, %dma_wait3A_1031] : memref<16384x128xf32, #tpu.memory_space<hbm>> -> memref<128x128xf32, #tpu.memory_space<hbm>>
    tpu.wait_dma2 semaphore(%arg18 : memref<!tpu.dma_semaphore, #tpu.memory_space<semaphore_mem>>) src(%dma_wait3A_1032 : memref<128x128xf32, #tpu.memory_space<hbm>>) dst(%arg15 : memref<128x128xf32, #tpu.memory_space<vmem>>)
    %dma_start3A_1033 = arith.constant 4 : i32
    %dma_start3A_1034 = arith.constant 0 : i32
    %dma_start3A_1035 = tpu.memref_slice %arg13[%dma_start3A_1033, %dma_start3A_1034] : memref<8x128xi32, #tpu.memory_space<vmem>> -> memref<1x128xi32, #tpu.memory_space<vmem>>
    %dma_start3A_1036 = tpu.memref_squeeze %dma_start3A_1035 : memref<1x128xi32, #tpu.memory_space<vmem>> -> memref<128xi32, #tpu.memory_space<vmem>>
    %dma_start3A_1037 = arith.constant 0 : i32
    %dma_start3A_1038 = arith.constant 0 : i32
    %dma_start3A_1039 = tpu.memref_slice %arg16[%dma_start3A_1037, %dma_start3A_1038] : memref<8448x128xf32, #tpu.memory_space<vmem_shared>> -> memref<8448x128xf32, #tpu.memory_space<vmem_shared>>
    tpu.enqueue_indirect_dma source(%arg15 : memref<128x128xf32, #tpu.memory_space<vmem>>) target(%dma_start3A_1039 : memref<8448x128xf32, #tpu.memory_space<vmem_shared>>) offsets(%dma_start3A_1036 : memref<128xi32, #tpu.memory_space<vmem>>) semaphore(%arg18 : memref<!tpu.dma_semaphore, #tpu.memory_space<semaphore_mem>>) {add = true}
    %dma_wait3A_1040 = arith.constant 4 : i32
    %dma_wait3A_1041 = arith.constant 0 : i32
    %dma_wait3A_1042 = tpu.memref_slice %arg13[%dma_wait3A_1040, %dma_wait3A_1041] : memref<8x128xi32, #tpu.memory_space<vmem>> -> memref<1x128xi32, #tpu.memory_space<vmem>>
    %dma_wait3A_1043 = tpu.memref_squeeze %dma_wait3A_1042 : memref<1x128xi32, #tpu.memory_space<vmem>> -> memref<128xi32, #tpu.memory_space<vmem>>
    %dma_wait3A_1044 = arith.constant 0 : i32
    %dma_wait3A_1045 = arith.constant 0 : i32
    %dma_wait3A_1046 = tpu.memref_slice %arg16[%dma_wait3A_1044, %dma_wait3A_1045] : memref<8448x128xf32, #tpu.memory_space<vmem_shared>> -> memref<8448x128xf32, #tpu.memory_space<vmem_shared>>
    tpu.wait_indirect_dma semaphore(%arg18 : memref<!tpu.dma_semaphore, #tpu.memory_space<semaphore_mem>>) src(%arg15 : memref<128x128xf32, #tpu.memory_space<vmem>>) dst(%dma_wait3A_1046 : memref<8448x128xf32, #tpu.memory_space<vmem_shared>>)
    %dma_wait3A_1047 = arith.constant 0 : i32
    %dma_wait3A_1048 = arith.constant 4 : i32
    %dma_wait3A_1049 = arith.constant 0 : i32
    %dma_wait3A_1050 = arith.constant 0 : i32
    %dma_wait3A_1051 = tpu.memref_slice %arg14[%dma_wait3A_1047, %dma_wait3A_1049, %dma_wait3A_1050] : memref<2x128x128xf32, #tpu.memory_space<vmem>> -> memref<1x128x128xf32, #tpu.memory_space<vmem>>
    %dma_wait3A_1052 = tpu.memref_squeeze %dma_wait3A_1051 : memref<1x128x128xf32, #tpu.memory_space<vmem>> -> memref<128x128xf32, #tpu.memory_space<vmem>>
    %dma_wait3A_1053 = arith.constant 0 : i32
    %dma_wait3A_1054 = tpu.memref_slice %arg13[%dma_wait3A_1048, %dma_wait3A_1053] : memref<8x128xi32, #tpu.memory_space<vmem>> -> memref<1x128xi32, #tpu.memory_space<vmem>>
    %dma_wait3A_1055 = tpu.memref_squeeze %dma_wait3A_1054 : memref<1x128xi32, #tpu.memory_space<vmem>> -> memref<128xi32, #tpu.memory_space<vmem>>
    %dma_wait3A_1056 = arith.constant 0 : i32
    %dma_wait3A_1057 = arith.constant 0 : i32
    %dma_wait3A_1058 = tpu.memref_slice %arg16[%dma_wait3A_1056, %dma_wait3A_1057] : memref<8448x128xf32, #tpu.memory_space<vmem_shared>> -> memref<8448x128xf32, #tpu.memory_space<vmem_shared>>
    tpu.wait_indirect_dma semaphore(%arg19 : memref<!tpu.dma_semaphore, #tpu.memory_space<semaphore_mem>>) src(%dma_wait3A_1052 : memref<128x128xf32, #tpu.memory_space<vmem>>) dst(%dma_wait3A_1058 : memref<8448x128xf32, #tpu.memory_space<vmem_shared>>)
    %dma_start3A_1059 = arith.constant 6 : i32
    %dma_start3A_1060 = arith.constant 0 : i32
    %dma_start3A_1061 = arith.constant 0 : i32
    %dma_start3A_1062 = arith.constant 0 : i32
    %dma_start3A_1063 = tpu.memref_slice %arg14[%dma_start3A_1060, %dma_start3A_1061, %dma_start3A_1062] : memref<2x128x128xf32, #tpu.memory_space<vmem>> -> memref<1x128x128xf32, #tpu.memory_space<vmem>>
    %dma_start3A_1064 = tpu.memref_squeeze %dma_start3A_1063 : memref<1x128x128xf32, #tpu.memory_space<vmem>> -> memref<128x128xf32, #tpu.memory_space<vmem>>
    %dma_start3A_1065 = arith.constant 0 : i32
    %dma_start3A_1066 = tpu.memref_slice %arg11[%dma_start3A_1059, %dma_start3A_1065] : memref<8x128xi32, #tpu.memory_space<vmem>> -> memref<1x128xi32, #tpu.memory_space<vmem>>
    %dma_start3A_1067 = tpu.memref_squeeze %dma_start3A_1066 : memref<1x128xi32, #tpu.memory_space<vmem>> -> memref<128xi32, #tpu.memory_space<vmem>>
    %dma_start3A_1068 = arith.constant 0 : i32
    %dma_start3A_1069 = arith.constant 0 : i32
    %dma_start3A_1070 = tpu.memref_slice %arg2[%dma_start3A_1068, %dma_start3A_1069] : memref<10240x128xf32, #tpu.memory_space<hbm>> -> memref<10240x128xf32, #tpu.memory_space<hbm>>
    tpu.enqueue_indirect_dma source(%dma_start3A_1070 : memref<10240x128xf32, #tpu.memory_space<hbm>>) target(%dma_start3A_1064 : memref<128x128xf32, #tpu.memory_space<vmem>>) offsets(%dma_start3A_1067 : memref<128xi32, #tpu.memory_space<vmem>>) semaphore(%arg17 : memref<!tpu.dma_semaphore, #tpu.memory_space<semaphore_mem>>)
    %mul3A_1071 = arith.constant 8 : i32
    %mul3A_1072 = arith.muli %arg1, %mul3A_1071 : i32
    %add3A_1073 = arith.constant 5 : i32
    %add3A_1074 = arith.addi %mul3A_1072, %add3A_1073 : i32
    %mul3A_1075 = arith.constant 128 : i32
    %mul3A_1076 = arith.muli %add3A_1074, %mul3A_1075 : i32
    %dma_start3A_1077 = arith.constant 0 : i32
    %dma_start3A_1078 = tpu.memref_slice %arg3[%mul3A_1076, %dma_start3A_1077] : memref<16384x128xf32, #tpu.memory_space<hbm>> -> memref<128x128xf32, #tpu.memory_space<hbm>>
    %dma_start3A_1079 = arith.constant 0 : i32
    %dma_start3A_1080 = tpu.memref_slice %arg3[%mul3A_1076, %dma_start3A_1079] : memref<16384x128xf32, #tpu.memory_space<hbm>> -> memref<128x128xf32, #tpu.memory_space<hbm>>
    tpu.enqueue_dma source(%dma_start3A_1080 : memref<128x128xf32, #tpu.memory_space<hbm>>) target(%arg15 : memref<128x128xf32, #tpu.memory_space<vmem>>) target_semaphore(%arg18 : memref<!tpu.dma_semaphore, #tpu.memory_space<semaphore_mem>>)
    %dma_wait3A_1081 = arith.constant 5 : i32
    %dma_wait3A_1082 = arith.constant 1 : i32
    %dma_wait3A_1083 = arith.constant 0 : i32
    %dma_wait3A_1084 = arith.constant 0 : i32
    %dma_wait3A_1085 = tpu.memref_slice %arg14[%dma_wait3A_1082, %dma_wait3A_1083, %dma_wait3A_1084] : memref<2x128x128xf32, #tpu.memory_space<vmem>> -> memref<1x128x128xf32, #tpu.memory_space<vmem>>
    %dma_wait3A_1086 = tpu.memref_squeeze %dma_wait3A_1085 : memref<1x128x128xf32, #tpu.memory_space<vmem>> -> memref<128x128xf32, #tpu.memory_space<vmem>>
    %dma_wait3A_1087 = arith.constant 0 : i32
    %dma_wait3A_1088 = tpu.memref_slice %arg11[%dma_wait3A_1081, %dma_wait3A_1087] : memref<8x128xi32, #tpu.memory_space<vmem>> -> memref<1x128xi32, #tpu.memory_space<vmem>>
    %dma_wait3A_1089 = tpu.memref_squeeze %dma_wait3A_1088 : memref<1x128xi32, #tpu.memory_space<vmem>> -> memref<128xi32, #tpu.memory_space<vmem>>
    %dma_wait3A_1090 = arith.constant 0 : i32
    %dma_wait3A_1091 = arith.constant 0 : i32
    %dma_wait3A_1092 = tpu.memref_slice %arg2[%dma_wait3A_1090, %dma_wait3A_1091] : memref<10240x128xf32, #tpu.memory_space<hbm>> -> memref<10240x128xf32, #tpu.memory_space<hbm>>
    tpu.wait_indirect_dma semaphore(%arg17 : memref<!tpu.dma_semaphore, #tpu.memory_space<semaphore_mem>>) src(%dma_wait3A_1092 : memref<10240x128xf32, #tpu.memory_space<hbm>>) dst(%dma_wait3A_1086 : memref<128x128xf32, #tpu.memory_space<vmem>>)
    %dma_start3A_1093 = arith.constant 1 : i32
    %dma_start3A_1094 = arith.constant 5 : i32
    %dma_start3A_1095 = arith.constant 0 : i32
    %dma_start3A_1096 = arith.constant 0 : i32
    %dma_start3A_1097 = tpu.memref_slice %arg14[%dma_start3A_1093, %dma_start3A_1095, %dma_start3A_1096] : memref<2x128x128xf32, #tpu.memory_space<vmem>> -> memref<1x128x128xf32, #tpu.memory_space<vmem>>
    %dma_start3A_1098 = tpu.memref_squeeze %dma_start3A_1097 : memref<1x128x128xf32, #tpu.memory_space<vmem>> -> memref<128x128xf32, #tpu.memory_space<vmem>>
    %dma_start3A_1099 = arith.constant 0 : i32
    %dma_start3A_1100 = tpu.memref_slice %arg13[%dma_start3A_1094, %dma_start3A_1099] : memref<8x128xi32, #tpu.memory_space<vmem>> -> memref<1x128xi32, #tpu.memory_space<vmem>>
    %dma_start3A_1101 = tpu.memref_squeeze %dma_start3A_1100 : memref<1x128xi32, #tpu.memory_space<vmem>> -> memref<128xi32, #tpu.memory_space<vmem>>
    %dma_start3A_1102 = arith.constant 0 : i32
    %dma_start3A_1103 = arith.constant 0 : i32
    %dma_start3A_1104 = tpu.memref_slice %arg16[%dma_start3A_1102, %dma_start3A_1103] : memref<8448x128xf32, #tpu.memory_space<vmem_shared>> -> memref<8448x128xf32, #tpu.memory_space<vmem_shared>>
    tpu.enqueue_indirect_dma source(%dma_start3A_1098 : memref<128x128xf32, #tpu.memory_space<vmem>>) target(%dma_start3A_1104 : memref<8448x128xf32, #tpu.memory_space<vmem_shared>>) offsets(%dma_start3A_1101 : memref<128xi32, #tpu.memory_space<vmem>>) semaphore(%arg19 : memref<!tpu.dma_semaphore, #tpu.memory_space<semaphore_mem>>) {add = true}
    %dma_wait3A_1105 = arith.constant 0 : i32
    %dma_wait3A_1106 = tpu.memref_slice %arg3[%mul3A_1076, %dma_wait3A_1105] : memref<16384x128xf32, #tpu.memory_space<hbm>> -> memref<128x128xf32, #tpu.memory_space<hbm>>
    %dma_wait3A_1107 = arith.constant 0 : i32
    %dma_wait3A_1108 = tpu.memref_slice %arg3[%mul3A_1076, %dma_wait3A_1107] : memref<16384x128xf32, #tpu.memory_space<hbm>> -> memref<128x128xf32, #tpu.memory_space<hbm>>
    tpu.wait_dma2 semaphore(%arg18 : memref<!tpu.dma_semaphore, #tpu.memory_space<semaphore_mem>>) src(%dma_wait3A_1108 : memref<128x128xf32, #tpu.memory_space<hbm>>) dst(%arg15 : memref<128x128xf32, #tpu.memory_space<vmem>>)
    %dma_start3A_1109 = arith.constant 5 : i32
    %dma_start3A_1110 = arith.constant 0 : i32
    %dma_start3A_1111 = tpu.memref_slice %arg13[%dma_start3A_1109, %dma_start3A_1110] : memref<8x128xi32, #tpu.memory_space<vmem>> -> memref<1x128xi32, #tpu.memory_space<vmem>>
    %dma_start3A_1112 = tpu.memref_squeeze %dma_start3A_1111 : memref<1x128xi32, #tpu.memory_space<vmem>> -> memref<128xi32, #tpu.memory_space<vmem>>
    %dma_start3A_1113 = arith.constant 0 : i32
    %dma_start3A_1114 = arith.constant 0 : i32
    %dma_start3A_1115 = tpu.memref_slice %arg16[%dma_start3A_1113, %dma_start3A_1114] : memref<8448x128xf32, #tpu.memory_space<vmem_shared>> -> memref<8448x128xf32, #tpu.memory_space<vmem_shared>>
    tpu.enqueue_indirect_dma source(%arg15 : memref<128x128xf32, #tpu.memory_space<vmem>>) target(%dma_start3A_1115 : memref<8448x128xf32, #tpu.memory_space<vmem_shared>>) offsets(%dma_start3A_1112 : memref<128xi32, #tpu.memory_space<vmem>>) semaphore(%arg18 : memref<!tpu.dma_semaphore, #tpu.memory_space<semaphore_mem>>) {add = true}
    %dma_wait3A_1116 = arith.constant 5 : i32
    %dma_wait3A_1117 = arith.constant 0 : i32
    %dma_wait3A_1118 = tpu.memref_slice %arg13[%dma_wait3A_1116, %dma_wait3A_1117] : memref<8x128xi32, #tpu.memory_space<vmem>> -> memref<1x128xi32, #tpu.memory_space<vmem>>
    %dma_wait3A_1119 = tpu.memref_squeeze %dma_wait3A_1118 : memref<1x128xi32, #tpu.memory_space<vmem>> -> memref<128xi32, #tpu.memory_space<vmem>>
    %dma_wait3A_1120 = arith.constant 0 : i32
    %dma_wait3A_1121 = arith.constant 0 : i32
    %dma_wait3A_1122 = tpu.memref_slice %arg16[%dma_wait3A_1120, %dma_wait3A_1121] : memref<8448x128xf32, #tpu.memory_space<vmem_shared>> -> memref<8448x128xf32, #tpu.memory_space<vmem_shared>>
    tpu.wait_indirect_dma semaphore(%arg18 : memref<!tpu.dma_semaphore, #tpu.memory_space<semaphore_mem>>) src(%arg15 : memref<128x128xf32, #tpu.memory_space<vmem>>) dst(%dma_wait3A_1122 : memref<8448x128xf32, #tpu.memory_space<vmem_shared>>)
    %dma_wait3A_1123 = arith.constant 1 : i32
    %dma_wait3A_1124 = arith.constant 5 : i32
    %dma_wait3A_1125 = arith.constant 0 : i32
    %dma_wait3A_1126 = arith.constant 0 : i32
    %dma_wait3A_1127 = tpu.memref_slice %arg14[%dma_wait3A_1123, %dma_wait3A_1125, %dma_wait3A_1126] : memref<2x128x128xf32, #tpu.memory_space<vmem>> -> memref<1x128x128xf32, #tpu.memory_space<vmem>>
    %dma_wait3A_1128 = tpu.memref_squeeze %dma_wait3A_1127 : memref<1x128x128xf32, #tpu.memory_space<vmem>> -> memref<128x128xf32, #tpu.memory_space<vmem>>
    %dma_wait3A_1129 = arith.constant 0 : i32
    %dma_wait3A_1130 = tpu.memref_slice %arg13[%dma_wait3A_1124, %dma_wait3A_1129] : memref<8x128xi32, #tpu.memory_space<vmem>> -> memref<1x128xi32, #tpu.memory_space<vmem>>
    %dma_wait3A_1131 = tpu.memref_squeeze %dma_wait3A_1130 : memref<1x128xi32, #tpu.memory_space<vmem>> -> memref<128xi32, #tpu.memory_space<vmem>>
    %dma_wait3A_1132 = arith.constant 0 : i32
    %dma_wait3A_1133 = arith.constant 0 : i32
    %dma_wait3A_1134 = tpu.memref_slice %arg16[%dma_wait3A_1132, %dma_wait3A_1133] : memref<8448x128xf32, #tpu.memory_space<vmem_shared>> -> memref<8448x128xf32, #tpu.memory_space<vmem_shared>>
    tpu.wait_indirect_dma semaphore(%arg19 : memref<!tpu.dma_semaphore, #tpu.memory_space<semaphore_mem>>) src(%dma_wait3A_1128 : memref<128x128xf32, #tpu.memory_space<vmem>>) dst(%dma_wait3A_1134 : memref<8448x128xf32, #tpu.memory_space<vmem_shared>>)
    %dma_start3A_1135 = arith.constant 7 : i32
    %dma_start3A_1136 = arith.constant 1 : i32
    %dma_start3A_1137 = arith.constant 0 : i32
    %dma_start3A_1138 = arith.constant 0 : i32
    %dma_start3A_1139 = tpu.memref_slice %arg14[%dma_start3A_1136, %dma_start3A_1137, %dma_start3A_1138] : memref<2x128x128xf32, #tpu.memory_space<vmem>> -> memref<1x128x128xf32, #tpu.memory_space<vmem>>
    %dma_start3A_1140 = tpu.memref_squeeze %dma_start3A_1139 : memref<1x128x128xf32, #tpu.memory_space<vmem>> -> memref<128x128xf32, #tpu.memory_space<vmem>>
    %dma_start3A_1141 = arith.constant 0 : i32
    %dma_start3A_1142 = tpu.memref_slice %arg11[%dma_start3A_1135, %dma_start3A_1141] : memref<8x128xi32, #tpu.memory_space<vmem>> -> memref<1x128xi32, #tpu.memory_space<vmem>>
    %dma_start3A_1143 = tpu.memref_squeeze %dma_start3A_1142 : memref<1x128xi32, #tpu.memory_space<vmem>> -> memref<128xi32, #tpu.memory_space<vmem>>
    %dma_start3A_1144 = arith.constant 0 : i32
    %dma_start3A_1145 = arith.constant 0 : i32
    %dma_start3A_1146 = tpu.memref_slice %arg2[%dma_start3A_1144, %dma_start3A_1145] : memref<10240x128xf32, #tpu.memory_space<hbm>> -> memref<10240x128xf32, #tpu.memory_space<hbm>>
    tpu.enqueue_indirect_dma source(%dma_start3A_1146 : memref<10240x128xf32, #tpu.memory_space<hbm>>) target(%dma_start3A_1140 : memref<128x128xf32, #tpu.memory_space<vmem>>) offsets(%dma_start3A_1143 : memref<128xi32, #tpu.memory_space<vmem>>) semaphore(%arg17 : memref<!tpu.dma_semaphore, #tpu.memory_space<semaphore_mem>>)
    %mul3A_1147 = arith.constant 8 : i32
    %mul3A_1148 = arith.muli %arg1, %mul3A_1147 : i32
    %add3A_1149 = arith.constant 6 : i32
    %add3A_1150 = arith.addi %mul3A_1148, %add3A_1149 : i32
    %mul3A_1151 = arith.constant 128 : i32
    %mul3A_1152 = arith.muli %add3A_1150, %mul3A_1151 : i32
    %dma_start3A_1153 = arith.constant 0 : i32
    %dma_start3A_1154 = tpu.memref_slice %arg3[%mul3A_1152, %dma_start3A_1153] : memref<16384x128xf32, #tpu.memory_space<hbm>> -> memref<128x128xf32, #tpu.memory_space<hbm>>
    %dma_start3A_1155 = arith.constant 0 : i32
    %dma_start3A_1156 = tpu.memref_slice %arg3[%mul3A_1152, %dma_start3A_1155] : memref<16384x128xf32, #tpu.memory_space<hbm>> -> memref<128x128xf32, #tpu.memory_space<hbm>>
    tpu.enqueue_dma source(%dma_start3A_1156 : memref<128x128xf32, #tpu.memory_space<hbm>>) target(%arg15 : memref<128x128xf32, #tpu.memory_space<vmem>>) target_semaphore(%arg18 : memref<!tpu.dma_semaphore, #tpu.memory_space<semaphore_mem>>)
    %dma_wait3A_1157 = arith.constant 6 : i32
    %dma_wait3A_1158 = arith.constant 0 : i32
    %dma_wait3A_1159 = arith.constant 0 : i32
    %dma_wait3A_1160 = arith.constant 0 : i32
    %dma_wait3A_1161 = tpu.memref_slice %arg14[%dma_wait3A_1158, %dma_wait3A_1159, %dma_wait3A_1160] : memref<2x128x128xf32, #tpu.memory_space<vmem>> -> memref<1x128x128xf32, #tpu.memory_space<vmem>>
    %dma_wait3A_1162 = tpu.memref_squeeze %dma_wait3A_1161 : memref<1x128x128xf32, #tpu.memory_space<vmem>> -> memref<128x128xf32, #tpu.memory_space<vmem>>
    %dma_wait3A_1163 = arith.constant 0 : i32
    %dma_wait3A_1164 = tpu.memref_slice %arg11[%dma_wait3A_1157, %dma_wait3A_1163] : memref<8x128xi32, #tpu.memory_space<vmem>> -> memref<1x128xi32, #tpu.memory_space<vmem>>
    %dma_wait3A_1165 = tpu.memref_squeeze %dma_wait3A_1164 : memref<1x128xi32, #tpu.memory_space<vmem>> -> memref<128xi32, #tpu.memory_space<vmem>>
    %dma_wait3A_1166 = arith.constant 0 : i32
    %dma_wait3A_1167 = arith.constant 0 : i32
    %dma_wait3A_1168 = tpu.memref_slice %arg2[%dma_wait3A_1166, %dma_wait3A_1167] : memref<10240x128xf32, #tpu.memory_space<hbm>> -> memref<10240x128xf32, #tpu.memory_space<hbm>>
    tpu.wait_indirect_dma semaphore(%arg17 : memref<!tpu.dma_semaphore, #tpu.memory_space<semaphore_mem>>) src(%dma_wait3A_1168 : memref<10240x128xf32, #tpu.memory_space<hbm>>) dst(%dma_wait3A_1162 : memref<128x128xf32, #tpu.memory_space<vmem>>)
    %dma_start3A_1169 = arith.constant 0 : i32
    %dma_start3A_1170 = arith.constant 6 : i32
    %dma_start3A_1171 = arith.constant 0 : i32
    %dma_start3A_1172 = arith.constant 0 : i32
    %dma_start3A_1173 = tpu.memref_slice %arg14[%dma_start3A_1169, %dma_start3A_1171, %dma_start3A_1172] : memref<2x128x128xf32, #tpu.memory_space<vmem>> -> memref<1x128x128xf32, #tpu.memory_space<vmem>>
    %dma_start3A_1174 = tpu.memref_squeeze %dma_start3A_1173 : memref<1x128x128xf32, #tpu.memory_space<vmem>> -> memref<128x128xf32, #tpu.memory_space<vmem>>
    %dma_start3A_1175 = arith.constant 0 : i32
    %dma_start3A_1176 = tpu.memref_slice %arg13[%dma_start3A_1170, %dma_start3A_1175] : memref<8x128xi32, #tpu.memory_space<vmem>> -> memref<1x128xi32, #tpu.memory_space<vmem>>
    %dma_start3A_1177 = tpu.memref_squeeze %dma_start3A_1176 : memref<1x128xi32, #tpu.memory_space<vmem>> -> memref<128xi32, #tpu.memory_space<vmem>>
    %dma_start3A_1178 = arith.constant 0 : i32
    %dma_start3A_1179 = arith.constant 0 : i32
    %dma_start3A_1180 = tpu.memref_slice %arg16[%dma_start3A_1178, %dma_start3A_1179] : memref<8448x128xf32, #tpu.memory_space<vmem_shared>> -> memref<8448x128xf32, #tpu.memory_space<vmem_shared>>
    tpu.enqueue_indirect_dma source(%dma_start3A_1174 : memref<128x128xf32, #tpu.memory_space<vmem>>) target(%dma_start3A_1180 : memref<8448x128xf32, #tpu.memory_space<vmem_shared>>) offsets(%dma_start3A_1177 : memref<128xi32, #tpu.memory_space<vmem>>) semaphore(%arg19 : memref<!tpu.dma_semaphore, #tpu.memory_space<semaphore_mem>>) {add = true}
    %dma_wait3A_1181 = arith.constant 0 : i32
    %dma_wait3A_1182 = tpu.memref_slice %arg3[%mul3A_1152, %dma_wait3A_1181] : memref<16384x128xf32, #tpu.memory_space<hbm>> -> memref<128x128xf32, #tpu.memory_space<hbm>>
    %dma_wait3A_1183 = arith.constant 0 : i32
    %dma_wait3A_1184 = tpu.memref_slice %arg3[%mul3A_1152, %dma_wait3A_1183] : memref<16384x128xf32, #tpu.memory_space<hbm>> -> memref<128x128xf32, #tpu.memory_space<hbm>>
    tpu.wait_dma2 semaphore(%arg18 : memref<!tpu.dma_semaphore, #tpu.memory_space<semaphore_mem>>) src(%dma_wait3A_1184 : memref<128x128xf32, #tpu.memory_space<hbm>>) dst(%arg15 : memref<128x128xf32, #tpu.memory_space<vmem>>)
    %dma_start3A_1185 = arith.constant 6 : i32
    %dma_start3A_1186 = arith.constant 0 : i32
    %dma_start3A_1187 = tpu.memref_slice %arg13[%dma_start3A_1185, %dma_start3A_1186] : memref<8x128xi32, #tpu.memory_space<vmem>> -> memref<1x128xi32, #tpu.memory_space<vmem>>
    %dma_start3A_1188 = tpu.memref_squeeze %dma_start3A_1187 : memref<1x128xi32, #tpu.memory_space<vmem>> -> memref<128xi32, #tpu.memory_space<vmem>>
    %dma_start3A_1189 = arith.constant 0 : i32
    %dma_start3A_1190 = arith.constant 0 : i32
    %dma_start3A_1191 = tpu.memref_slice %arg16[%dma_start3A_1189, %dma_start3A_1190] : memref<8448x128xf32, #tpu.memory_space<vmem_shared>> -> memref<8448x128xf32, #tpu.memory_space<vmem_shared>>
    tpu.enqueue_indirect_dma source(%arg15 : memref<128x128xf32, #tpu.memory_space<vmem>>) target(%dma_start3A_1191 : memref<8448x128xf32, #tpu.memory_space<vmem_shared>>) offsets(%dma_start3A_1188 : memref<128xi32, #tpu.memory_space<vmem>>) semaphore(%arg18 : memref<!tpu.dma_semaphore, #tpu.memory_space<semaphore_mem>>) {add = true}
    %dma_wait3A_1192 = arith.constant 6 : i32
    %dma_wait3A_1193 = arith.constant 0 : i32
    %dma_wait3A_1194 = tpu.memref_slice %arg13[%dma_wait3A_1192, %dma_wait3A_1193] : memref<8x128xi32, #tpu.memory_space<vmem>> -> memref<1x128xi32, #tpu.memory_space<vmem>>
    %dma_wait3A_1195 = tpu.memref_squeeze %dma_wait3A_1194 : memref<1x128xi32, #tpu.memory_space<vmem>> -> memref<128xi32, #tpu.memory_space<vmem>>
    %dma_wait3A_1196 = arith.constant 0 : i32
    %dma_wait3A_1197 = arith.constant 0 : i32
    %dma_wait3A_1198 = tpu.memref_slice %arg16[%dma_wait3A_1196, %dma_wait3A_1197] : memref<8448x128xf32, #tpu.memory_space<vmem_shared>> -> memref<8448x128xf32, #tpu.memory_space<vmem_shared>>
    tpu.wait_indirect_dma semaphore(%arg18 : memref<!tpu.dma_semaphore, #tpu.memory_space<semaphore_mem>>) src(%arg15 : memref<128x128xf32, #tpu.memory_space<vmem>>) dst(%dma_wait3A_1198 : memref<8448x128xf32, #tpu.memory_space<vmem_shared>>)
    %mul3A_1199 = arith.constant 8 : i32
    %mul3A_1200 = arith.muli %arg1, %mul3A_1199 : i32
    %add3A_1201 = arith.constant 7 : i32
    %add3A_1202 = arith.addi %mul3A_1200, %add3A_1201 : i32
    %mul3A_1203 = arith.constant 128 : i32
    %mul3A_1204 = arith.muli %add3A_1202, %mul3A_1203 : i32
    %dma_start3A_1205 = arith.constant 0 : i32
    %dma_start3A_1206 = tpu.memref_slice %arg3[%mul3A_1204, %dma_start3A_1205] : memref<16384x128xf32, #tpu.memory_space<hbm>> -> memref<128x128xf32, #tpu.memory_space<hbm>>
    %dma_start3A_1207 = arith.constant 0 : i32
    %dma_start3A_1208 = tpu.memref_slice %arg3[%mul3A_1204, %dma_start3A_1207] : memref<16384x128xf32, #tpu.memory_space<hbm>> -> memref<128x128xf32, #tpu.memory_space<hbm>>
    tpu.enqueue_dma source(%dma_start3A_1208 : memref<128x128xf32, #tpu.memory_space<hbm>>) target(%arg15 : memref<128x128xf32, #tpu.memory_space<vmem>>) target_semaphore(%arg18 : memref<!tpu.dma_semaphore, #tpu.memory_space<semaphore_mem>>)
    %dma_wait3A_1209 = arith.constant 7 : i32
    %dma_wait3A_1210 = arith.constant 1 : i32
    %dma_wait3A_1211 = arith.constant 0 : i32
    %dma_wait3A_1212 = arith.constant 0 : i32
    %dma_wait3A_1213 = tpu.memref_slice %arg14[%dma_wait3A_1210, %dma_wait3A_1211, %dma_wait3A_1212] : memref<2x128x128xf32, #tpu.memory_space<vmem>> -> memref<1x128x128xf32, #tpu.memory_space<vmem>>
    %dma_wait3A_1214 = tpu.memref_squeeze %dma_wait3A_1213 : memref<1x128x128xf32, #tpu.memory_space<vmem>> -> memref<128x128xf32, #tpu.memory_space<vmem>>
    %dma_wait3A_1215 = arith.constant 0 : i32
    %dma_wait3A_1216 = tpu.memref_slice %arg11[%dma_wait3A_1209, %dma_wait3A_1215] : memref<8x128xi32, #tpu.memory_space<vmem>> -> memref<1x128xi32, #tpu.memory_space<vmem>>
    %dma_wait3A_1217 = tpu.memref_squeeze %dma_wait3A_1216 : memref<1x128xi32, #tpu.memory_space<vmem>> -> memref<128xi32, #tpu.memory_space<vmem>>
    %dma_wait3A_1218 = arith.constant 0 : i32
    %dma_wait3A_1219 = arith.constant 0 : i32
    %dma_wait3A_1220 = tpu.memref_slice %arg2[%dma_wait3A_1218, %dma_wait3A_1219] : memref<10240x128xf32, #tpu.memory_space<hbm>> -> memref<10240x128xf32, #tpu.memory_space<hbm>>
    tpu.wait_indirect_dma semaphore(%arg17 : memref<!tpu.dma_semaphore, #tpu.memory_space<semaphore_mem>>) src(%dma_wait3A_1220 : memref<10240x128xf32, #tpu.memory_space<hbm>>) dst(%dma_wait3A_1214 : memref<128x128xf32, #tpu.memory_space<vmem>>)
    %dma_start3A_1221 = arith.constant 1 : i32
    %dma_start3A_1222 = arith.constant 7 : i32
    %dma_start3A_1223 = arith.constant 0 : i32
    %dma_start3A_1224 = arith.constant 0 : i32
    %dma_start3A_1225 = tpu.memref_slice %arg14[%dma_start3A_1221, %dma_start3A_1223, %dma_start3A_1224] : memref<2x128x128xf32, #tpu.memory_space<vmem>> -> memref<1x128x128xf32, #tpu.memory_space<vmem>>
    %dma_start3A_1226 = tpu.memref_squeeze %dma_start3A_1225 : memref<1x128x128xf32, #tpu.memory_space<vmem>> -> memref<128x128xf32, #tpu.memory_space<vmem>>
    %dma_start3A_1227 = arith.constant 0 : i32
    %dma_start3A_1228 = tpu.memref_slice %arg13[%dma_start3A_1222, %dma_start3A_1227] : memref<8x128xi32, #tpu.memory_space<vmem>> -> memref<1x128xi32, #tpu.memory_space<vmem>>
    %dma_start3A_1229 = tpu.memref_squeeze %dma_start3A_1228 : memref<1x128xi32, #tpu.memory_space<vmem>> -> memref<128xi32, #tpu.memory_space<vmem>>
    %dma_start3A_1230 = arith.constant 0 : i32
    %dma_start3A_1231 = arith.constant 0 : i32
    %dma_start3A_1232 = tpu.memref_slice %arg16[%dma_start3A_1230, %dma_start3A_1231] : memref<8448x128xf32, #tpu.memory_space<vmem_shared>> -> memref<8448x128xf32, #tpu.memory_space<vmem_shared>>
    tpu.enqueue_indirect_dma source(%dma_start3A_1226 : memref<128x128xf32, #tpu.memory_space<vmem>>) target(%dma_start3A_1232 : memref<8448x128xf32, #tpu.memory_space<vmem_shared>>) offsets(%dma_start3A_1229 : memref<128xi32, #tpu.memory_space<vmem>>) semaphore(%arg19 : memref<!tpu.dma_semaphore, #tpu.memory_space<semaphore_mem>>) {add = true}
    %dma_wait3A_1233 = arith.constant 0 : i32
    %dma_wait3A_1234 = tpu.memref_slice %arg3[%mul3A_1204, %dma_wait3A_1233] : memref<16384x128xf32, #tpu.memory_space<hbm>> -> memref<128x128xf32, #tpu.memory_space<hbm>>
    %dma_wait3A_1235 = arith.constant 0 : i32
    %dma_wait3A_1236 = tpu.memref_slice %arg3[%mul3A_1204, %dma_wait3A_1235] : memref<16384x128xf32, #tpu.memory_space<hbm>> -> memref<128x128xf32, #tpu.memory_space<hbm>>
    tpu.wait_dma2 semaphore(%arg18 : memref<!tpu.dma_semaphore, #tpu.memory_space<semaphore_mem>>) src(%dma_wait3A_1236 : memref<128x128xf32, #tpu.memory_space<hbm>>) dst(%arg15 : memref<128x128xf32, #tpu.memory_space<vmem>>)
    %dma_start3A_1237 = arith.constant 7 : i32
    %dma_start3A_1238 = arith.constant 0 : i32
    %dma_start3A_1239 = tpu.memref_slice %arg13[%dma_start3A_1237, %dma_start3A_1238] : memref<8x128xi32, #tpu.memory_space<vmem>> -> memref<1x128xi32, #tpu.memory_space<vmem>>
    %dma_start3A_1240 = tpu.memref_squeeze %dma_start3A_1239 : memref<1x128xi32, #tpu.memory_space<vmem>> -> memref<128xi32, #tpu.memory_space<vmem>>
    %dma_start3A_1241 = arith.constant 0 : i32
    %dma_start3A_1242 = arith.constant 0 : i32
    %dma_start3A_1243 = tpu.memref_slice %arg16[%dma_start3A_1241, %dma_start3A_1242] : memref<8448x128xf32, #tpu.memory_space<vmem_shared>> -> memref<8448x128xf32, #tpu.memory_space<vmem_shared>>
    tpu.enqueue_indirect_dma source(%arg15 : memref<128x128xf32, #tpu.memory_space<vmem>>) target(%dma_start3A_1243 : memref<8448x128xf32, #tpu.memory_space<vmem_shared>>) offsets(%dma_start3A_1240 : memref<128xi32, #tpu.memory_space<vmem>>) semaphore(%arg18 : memref<!tpu.dma_semaphore, #tpu.memory_space<semaphore_mem>>) {add = true}
    %dma_wait3A_1244 = arith.constant 7 : i32
    %dma_wait3A_1245 = arith.constant 0 : i32
    %dma_wait3A_1246 = tpu.memref_slice %arg13[%dma_wait3A_1244, %dma_wait3A_1245] : memref<8x128xi32, #tpu.memory_space<vmem>> -> memref<1x128xi32, #tpu.memory_space<vmem>>
    %dma_wait3A_1247 = tpu.memref_squeeze %dma_wait3A_1246 : memref<1x128xi32, #tpu.memory_space<vmem>> -> memref<128xi32, #tpu.memory_space<vmem>>
    %dma_wait3A_1248 = arith.constant 0 : i32
    %dma_wait3A_1249 = arith.constant 0 : i32
    %dma_wait3A_1250 = tpu.memref_slice %arg16[%dma_wait3A_1248, %dma_wait3A_1249] : memref<8448x128xf32, #tpu.memory_space<vmem_shared>> -> memref<8448x128xf32, #tpu.memory_space<vmem_shared>>
    tpu.wait_indirect_dma semaphore(%arg18 : memref<!tpu.dma_semaphore, #tpu.memory_space<semaphore_mem>>) src(%arg15 : memref<128x128xf32, #tpu.memory_space<vmem>>) dst(%dma_wait3A_1250 : memref<8448x128xf32, #tpu.memory_space<vmem_shared>>)
    %dma_wait3A_1251 = arith.constant 0 : i32
    %dma_wait3A_1252 = arith.constant 6 : i32
    %dma_wait3A_1253 = arith.constant 0 : i32
    %dma_wait3A_1254 = arith.constant 0 : i32
    %dma_wait3A_1255 = tpu.memref_slice %arg14[%dma_wait3A_1251, %dma_wait3A_1253, %dma_wait3A_1254] : memref<2x128x128xf32, #tpu.memory_space<vmem>> -> memref<1x128x128xf32, #tpu.memory_space<vmem>>
    %dma_wait3A_1256 = tpu.memref_squeeze %dma_wait3A_1255 : memref<1x128x128xf32, #tpu.memory_space<vmem>> -> memref<128x128xf32, #tpu.memory_space<vmem>>
    %dma_wait3A_1257 = arith.constant 0 : i32
    %dma_wait3A_1258 = tpu.memref_slice %arg13[%dma_wait3A_1252, %dma_wait3A_1257] : memref<8x128xi32, #tpu.memory_space<vmem>> -> memref<1x128xi32, #tpu.memory_space<vmem>>
    %dma_wait3A_1259 = tpu.memref_squeeze %dma_wait3A_1258 : memref<1x128xi32, #tpu.memory_space<vmem>> -> memref<128xi32, #tpu.memory_space<vmem>>
    %dma_wait3A_1260 = arith.constant 0 : i32
    %dma_wait3A_1261 = arith.constant 0 : i32
    %dma_wait3A_1262 = tpu.memref_slice %arg16[%dma_wait3A_1260, %dma_wait3A_1261] : memref<8448x128xf32, #tpu.memory_space<vmem_shared>> -> memref<8448x128xf32, #tpu.memory_space<vmem_shared>>
    tpu.wait_indirect_dma semaphore(%arg19 : memref<!tpu.dma_semaphore, #tpu.memory_space<semaphore_mem>>) src(%dma_wait3A_1256 : memref<128x128xf32, #tpu.memory_space<vmem>>) dst(%dma_wait3A_1262 : memref<8448x128xf32, #tpu.memory_space<vmem_shared>>)
    %dma_wait3A_1263 = arith.constant 1 : i32
    %dma_wait3A_1264 = arith.constant 7 : i32
    %dma_wait3A_1265 = arith.constant 0 : i32
    %dma_wait3A_1266 = arith.constant 0 : i32
    %dma_wait3A_1267 = tpu.memref_slice %arg14[%dma_wait3A_1263, %dma_wait3A_1265, %dma_wait3A_1266] : memref<2x128x128xf32, #tpu.memory_space<vmem>> -> memref<1x128x128xf32, #tpu.memory_space<vmem>>
    %dma_wait3A_1268 = tpu.memref_squeeze %dma_wait3A_1267 : memref<1x128x128xf32, #tpu.memory_space<vmem>> -> memref<128x128xf32, #tpu.memory_space<vmem>>
    %dma_wait3A_1269 = arith.constant 0 : i32
    %dma_wait3A_1270 = tpu.memref_slice %arg13[%dma_wait3A_1264, %dma_wait3A_1269] : memref<8x128xi32, #tpu.memory_space<vmem>> -> memref<1x128xi32, #tpu.memory_space<vmem>>
    %dma_wait3A_1271 = tpu.memref_squeeze %dma_wait3A_1270 : memref<1x128xi32, #tpu.memory_space<vmem>> -> memref<128xi32, #tpu.memory_space<vmem>>
    %dma_wait3A_1272 = arith.constant 0 : i32
    %dma_wait3A_1273 = arith.constant 0 : i32
    %dma_wait3A_1274 = tpu.memref_slice %arg16[%dma_wait3A_1272, %dma_wait3A_1273] : memref<8448x128xf32, #tpu.memory_space<vmem_shared>> -> memref<8448x128xf32, #tpu.memory_space<vmem_shared>>
    tpu.wait_indirect_dma semaphore(%arg19 : memref<!tpu.dma_semaphore, #tpu.memory_space<semaphore_mem>>) src(%dma_wait3A_1268 : memref<128x128xf32, #tpu.memory_space<vmem>>) dst(%dma_wait3A_1274 : memref<8448x128xf32, #tpu.memory_space<vmem_shared>>)
    %barrier3A_1275 = arith.constant 0 : index
    tpu.barrier barrier_id(%barrier3A_1275)
    %mul3A_1276 = arith.constant 520 : i32
    %mul3A_1277 = arith.muli %arg1, %mul3A_1276 : i32
    %mul3A_1278 = arith.constant 8320 : i32
    %mul3A_1279 = arith.muli %arg0, %mul3A_1278 : i32
    %mul3A_1280 = arith.constant 520 : i32
    %mul3A_1281 = arith.muli %arg1, %mul3A_1280 : i32
    %add3A_1282 = arith.addi %mul3A_1279, %mul3A_1281 : i32
    "tpu.region"() ({
      %run_scoped3A = tpu.sem_alloc : memref<!tpu.dma_semaphore, #tpu.memory_space<semaphore_mem>>
      %dma_start3A_1283 = arith.constant 0 : i32
      %dma_start3A_1284 = tpu.memref_slice %arg10[%add3A_1282, %dma_start3A_1283] : memref<16640x128xf32, #tpu.memory_space<hbm>> -> memref<520x128xf32, #tpu.memory_space<hbm>>
      %dma_start3A_1285 = arith.constant 0 : i32
      %dma_start3A_1286 = tpu.memref_slice %arg16[%mul3A_1277, %dma_start3A_1285] : memref<8448x128xf32, #tpu.memory_space<vmem_shared>> -> memref<520x128xf32, #tpu.memory_space<vmem_shared>>
      tpu.enqueue_dma source(%dma_start3A_1286 : memref<520x128xf32, #tpu.memory_space<vmem_shared>>) target(%dma_start3A_1284 : memref<520x128xf32, #tpu.memory_space<hbm>>) target_semaphore(%run_scoped3A : memref<!tpu.dma_semaphore, #tpu.memory_space<semaphore_mem>>)
      %dma_wait3A_1287 = arith.constant 0 : i32
      %dma_wait3A_1288 = tpu.memref_slice %arg10[%add3A_1282, %dma_wait3A_1287] : memref<16640x128xf32, #tpu.memory_space<hbm>> -> memref<520x128xf32, #tpu.memory_space<hbm>>
      %dma_wait3A_1289 = arith.constant 0 : i32
      %dma_wait3A_1290 = tpu.memref_slice %arg16[%mul3A_1277, %dma_wait3A_1289] : memref<8448x128xf32, #tpu.memory_space<vmem_shared>> -> memref<520x128xf32, #tpu.memory_space<vmem_shared>>
      tpu.wait_dma2 semaphore(%run_scoped3A : memref<!tpu.dma_semaphore, #tpu.memory_space<semaphore_mem>>) src(%dma_wait3A_1290 : memref<520x128xf32, #tpu.memory_space<vmem_shared>>) dst(%dma_wait3A_1288 : memref<520x128xf32, #tpu.memory_space<hbm>>)
      tpu.yield
    }) : () -> ()
    return
  }
}

#map = affine_map<(d0, d1) -> (0, 0)>
module attributes {stable_mosaic.version = 14 : i64} {
  func.func @_sc_gather(%arg0: i32, %arg1: i32, %arg2: memref<10240x128xf32, #tpu.memory_space<hbm>>, %arg3: memref<16640x128xf32, #tpu.memory_space<hbm>>, %arg4: memref<256x64xi32, #tpu.memory_space<hbm>>, %arg5: memref<256x64xi32, #tpu.memory_space<hbm>>, %arg6: memref<16384x128xf32, #tpu.memory_space<hbm>>, %arg7: memref<16384x128xf32, #tpu.memory_space<hbm>>, %arg8: memref<8x64xi32, #tpu.memory_space<vmem>>, %arg9: memref<8x64xi32, #tpu.memory_space<vmem>>, %arg10: memref<2x64x128xf32, #tpu.memory_space<vmem>>, %arg11: memref<2x64x128xf32, #tpu.memory_space<vmem>>, %arg12: memref<!tpu.dma_semaphore, #tpu.memory_space<semaphore_mem>>, %arg13: memref<!tpu.dma_semaphore, #tpu.memory_space<semaphore_mem>>) attributes {dimension_semantics = [#tpu.dimension_semantics<core_parallel>, #tpu.dimension_semantics<subcore_parallel>], iteration_bounds = array<i64: 2, 16>, scalar_prefetch = 0 : i64, scratch_operands = 6 : i64, tpu.core_type = #tpu.core_type<sc_vector_subcore>, window_params = [{transform_indices = #map}, {transform_indices = #map}, {transform_indices = #map}, {transform_indices = #map}, {transform_indices = #map}, {transform_indices = #map}]} {
    %mul3A = arith.constant 2 : i32
    %mul3A_0 = arith.muli %arg1, %mul3A : i32
    %add3A = arith.addi %mul3A_0, %arg0 : i32
    %mul3A_1 = arith.constant 8 : i32
    %mul3A_2 = arith.muli %add3A, %mul3A_1 : i32
    "tpu.region"() ({
      %run_scoped3A = tpu.sem_alloc : memref<!tpu.dma_semaphore, #tpu.memory_space<semaphore_mem>>
      %dma_start3A_867 = arith.constant 0 : i32
      %dma_start3A_868 = tpu.memref_slice %arg4[%mul3A_2, %dma_start3A_867] : memref<256x64xi32, #tpu.memory_space<hbm>> -> memref<8x64xi32, #tpu.memory_space<hbm>>
      %dma_start3A_869 = arith.constant 0 : i32
      %dma_start3A_870 = tpu.memref_slice %arg4[%mul3A_2, %dma_start3A_869] : memref<256x64xi32, #tpu.memory_space<hbm>> -> memref<8x64xi32, #tpu.memory_space<hbm>>
      tpu.enqueue_dma source(%dma_start3A_870 : memref<8x64xi32, #tpu.memory_space<hbm>>) target(%arg8 : memref<8x64xi32, #tpu.memory_space<vmem>>) target_semaphore(%run_scoped3A : memref<!tpu.dma_semaphore, #tpu.memory_space<semaphore_mem>>)
      %dma_wait3A_871 = arith.constant 0 : i32
      %dma_wait3A_872 = tpu.memref_slice %arg4[%mul3A_2, %dma_wait3A_871] : memref<256x64xi32, #tpu.memory_space<hbm>> -> memref<8x64xi32, #tpu.memory_space<hbm>>
      %dma_wait3A_873 = arith.constant 0 : i32
      %dma_wait3A_874 = tpu.memref_slice %arg4[%mul3A_2, %dma_wait3A_873] : memref<256x64xi32, #tpu.memory_space<hbm>> -> memref<8x64xi32, #tpu.memory_space<hbm>>
      tpu.wait_dma2 semaphore(%run_scoped3A : memref<!tpu.dma_semaphore, #tpu.memory_space<semaphore_mem>>) src(%dma_wait3A_874 : memref<8x64xi32, #tpu.memory_space<hbm>>) dst(%arg8 : memref<8x64xi32, #tpu.memory_space<vmem>>)
      tpu.yield
    }) : () -> ()
    %mul3A_3 = arith.constant 8 : i32
    %mul3A_4 = arith.muli %add3A, %mul3A_3 : i32
    "tpu.region"() ({
      %run_scoped3A = tpu.sem_alloc : memref<!tpu.dma_semaphore, #tpu.memory_space<semaphore_mem>>
      %dma_start3A_867 = arith.constant 0 : i32
      %dma_start3A_868 = tpu.memref_slice %arg5[%mul3A_4, %dma_start3A_867] : memref<256x64xi32, #tpu.memory_space<hbm>> -> memref<8x64xi32, #tpu.memory_space<hbm>>
      %dma_start3A_869 = arith.constant 0 : i32
      %dma_start3A_870 = tpu.memref_slice %arg5[%mul3A_4, %dma_start3A_869] : memref<256x64xi32, #tpu.memory_space<hbm>> -> memref<8x64xi32, #tpu.memory_space<hbm>>
      tpu.enqueue_dma source(%dma_start3A_870 : memref<8x64xi32, #tpu.memory_space<hbm>>) target(%arg9 : memref<8x64xi32, #tpu.memory_space<vmem>>) target_semaphore(%run_scoped3A : memref<!tpu.dma_semaphore, #tpu.memory_space<semaphore_mem>>)
      %dma_wait3A_871 = arith.constant 0 : i32
      %dma_wait3A_872 = tpu.memref_slice %arg5[%mul3A_4, %dma_wait3A_871] : memref<256x64xi32, #tpu.memory_space<hbm>> -> memref<8x64xi32, #tpu.memory_space<hbm>>
      %dma_wait3A_873 = arith.constant 0 : i32
      %dma_wait3A_874 = tpu.memref_slice %arg5[%mul3A_4, %dma_wait3A_873] : memref<256x64xi32, #tpu.memory_space<hbm>> -> memref<8x64xi32, #tpu.memory_space<hbm>>
      tpu.wait_dma2 semaphore(%run_scoped3A : memref<!tpu.dma_semaphore, #tpu.memory_space<semaphore_mem>>) src(%dma_wait3A_874 : memref<8x64xi32, #tpu.memory_space<hbm>>) dst(%arg9 : memref<8x64xi32, #tpu.memory_space<vmem>>)
      tpu.yield
    }) : () -> ()
    %dma_start3A = arith.constant 0 : i32
    %dma_start3A_5 = arith.constant 0 : i32
    %dma_start3A_6 = arith.constant 0 : i32
    %dma_start3A_7 = arith.constant 0 : i32
    %dma_start3A_8 = tpu.memref_slice %arg10[%dma_start3A_5, %dma_start3A_6, %dma_start3A_7] : memref<2x64x128xf32, #tpu.memory_space<vmem>> -> memref<1x64x128xf32, #tpu.memory_space<vmem>>
    %dma_start3A_9 = tpu.memref_squeeze %dma_start3A_8 : memref<1x64x128xf32, #tpu.memory_space<vmem>> -> memref<64x128xf32, #tpu.memory_space<vmem>>
    %dma_start3A_10 = arith.constant 0 : i32
    %dma_start3A_11 = tpu.memref_slice %arg8[%dma_start3A, %dma_start3A_10] : memref<8x64xi32, #tpu.memory_space<vmem>> -> memref<1x64xi32, #tpu.memory_space<vmem>>
    %dma_start3A_12 = tpu.memref_squeeze %dma_start3A_11 : memref<1x64xi32, #tpu.memory_space<vmem>> -> memref<64xi32, #tpu.memory_space<vmem>>
    %dma_start3A_13 = arith.constant 0 : i32
    %dma_start3A_14 = arith.constant 0 : i32
    %dma_start3A_15 = tpu.memref_slice %arg2[%dma_start3A_13, %dma_start3A_14] : memref<10240x128xf32, #tpu.memory_space<hbm>> -> memref<10240x128xf32, #tpu.memory_space<hbm>>
    tpu.enqueue_indirect_dma source(%dma_start3A_15 : memref<10240x128xf32, #tpu.memory_space<hbm>>) target(%dma_start3A_9 : memref<64x128xf32, #tpu.memory_space<vmem>>) offsets(%dma_start3A_12 : memref<64xi32, #tpu.memory_space<vmem>>) semaphore(%arg12 : memref<!tpu.dma_semaphore, #tpu.memory_space<semaphore_mem>>)
    %dma_start3A_16 = arith.constant 0 : i32
    %dma_start3A_17 = arith.constant 0 : i32
    %dma_start3A_18 = arith.constant 0 : i32
    %dma_start3A_19 = arith.constant 0 : i32
    %dma_start3A_20 = tpu.memref_slice %arg11[%dma_start3A_17, %dma_start3A_18, %dma_start3A_19] : memref<2x64x128xf32, #tpu.memory_space<vmem>> -> memref<1x64x128xf32, #tpu.memory_space<vmem>>
    %dma_start3A_21 = tpu.memref_squeeze %dma_start3A_20 : memref<1x64x128xf32, #tpu.memory_space<vmem>> -> memref<64x128xf32, #tpu.memory_space<vmem>>
    %dma_start3A_22 = arith.constant 0 : i32
    %dma_start3A_23 = tpu.memref_slice %arg9[%dma_start3A_16, %dma_start3A_22] : memref<8x64xi32, #tpu.memory_space<vmem>> -> memref<1x64xi32, #tpu.memory_space<vmem>>
    %dma_start3A_24 = tpu.memref_squeeze %dma_start3A_23 : memref<1x64xi32, #tpu.memory_space<vmem>> -> memref<64xi32, #tpu.memory_space<vmem>>
    %dma_start3A_25 = arith.constant 0 : i32
    %dma_start3A_26 = arith.constant 0 : i32
    %dma_start3A_27 = tpu.memref_slice %arg3[%dma_start3A_25, %dma_start3A_26] : memref<16640x128xf32, #tpu.memory_space<hbm>> -> memref<16640x128xf32, #tpu.memory_space<hbm>>
    tpu.enqueue_indirect_dma source(%dma_start3A_27 : memref<16640x128xf32, #tpu.memory_space<hbm>>) target(%dma_start3A_21 : memref<64x128xf32, #tpu.memory_space<vmem>>) offsets(%dma_start3A_24 : memref<64xi32, #tpu.memory_space<vmem>>) semaphore(%arg12 : memref<!tpu.dma_semaphore, #tpu.memory_space<semaphore_mem>>)
    %dma_start3A_28 = arith.constant 1 : i32
    %dma_start3A_29 = arith.constant 1 : i32
    %dma_start3A_30 = arith.constant 0 : i32
    %dma_start3A_31 = arith.constant 0 : i32
    %dma_start3A_32 = tpu.memref_slice %arg10[%dma_start3A_29, %dma_start3A_30, %dma_start3A_31] : memref<2x64x128xf32, #tpu.memory_space<vmem>> -> memref<1x64x128xf32, #tpu.memory_space<vmem>>
    %dma_start3A_33 = tpu.memref_squeeze %dma_start3A_32 : memref<1x64x128xf32, #tpu.memory_space<vmem>> -> memref<64x128xf32, #tpu.memory_space<vmem>>
    %dma_start3A_34 = arith.constant 0 : i32
    %dma_start3A_35 = tpu.memref_slice %arg8[%dma_start3A_28, %dma_start3A_34] : memref<8x64xi32, #tpu.memory_space<vmem>> -> memref<1x64xi32, #tpu.memory_space<vmem>>
    %dma_start3A_36 = tpu.memref_squeeze %dma_start3A_35 : memref<1x64xi32, #tpu.memory_space<vmem>> -> memref<64xi32, #tpu.memory_space<vmem>>
    %dma_start3A_37 = arith.constant 0 : i32
    %dma_start3A_38 = arith.constant 0 : i32
    %dma_start3A_39 = tpu.memref_slice %arg2[%dma_start3A_37, %dma_start3A_38] : memref<10240x128xf32, #tpu.memory_space<hbm>> -> memref<10240x128xf32, #tpu.memory_space<hbm>>
    tpu.enqueue_indirect_dma source(%dma_start3A_39 : memref<10240x128xf32, #tpu.memory_space<hbm>>) target(%dma_start3A_33 : memref<64x128xf32, #tpu.memory_space<vmem>>) offsets(%dma_start3A_36 : memref<64xi32, #tpu.memory_space<vmem>>) semaphore(%arg12 : memref<!tpu.dma_semaphore, #tpu.memory_space<semaphore_mem>>)
    %dma_start3A_40 = arith.constant 1 : i32
    %dma_start3A_41 = arith.constant 1 : i32
    %dma_start3A_42 = arith.constant 0 : i32
    %dma_start3A_43 = arith.constant 0 : i32
    %dma_start3A_44 = tpu.memref_slice %arg11[%dma_start3A_41, %dma_start3A_42, %dma_start3A_43] : memref<2x64x128xf32, #tpu.memory_space<vmem>> -> memref<1x64x128xf32, #tpu.memory_space<vmem>>
    %dma_start3A_45 = tpu.memref_squeeze %dma_start3A_44 : memref<1x64x128xf32, #tpu.memory_space<vmem>> -> memref<64x128xf32, #tpu.memory_space<vmem>>
    %dma_start3A_46 = arith.constant 0 : i32
    %dma_start3A_47 = tpu.memref_slice %arg9[%dma_start3A_40, %dma_start3A_46] : memref<8x64xi32, #tpu.memory_space<vmem>> -> memref<1x64xi32, #tpu.memory_space<vmem>>
    %dma_start3A_48 = tpu.memref_squeeze %dma_start3A_47 : memref<1x64xi32, #tpu.memory_space<vmem>> -> memref<64xi32, #tpu.memory_space<vmem>>
    %dma_start3A_49 = arith.constant 0 : i32
    %dma_start3A_50 = arith.constant 0 : i32
    %dma_start3A_51 = tpu.memref_slice %arg3[%dma_start3A_49, %dma_start3A_50] : memref<16640x128xf32, #tpu.memory_space<hbm>> -> memref<16640x128xf32, #tpu.memory_space<hbm>>
    tpu.enqueue_indirect_dma source(%dma_start3A_51 : memref<16640x128xf32, #tpu.memory_space<hbm>>) target(%dma_start3A_45 : memref<64x128xf32, #tpu.memory_space<vmem>>) offsets(%dma_start3A_48 : memref<64xi32, #tpu.memory_space<vmem>>) semaphore(%arg12 : memref<!tpu.dma_semaphore, #tpu.memory_space<semaphore_mem>>)
    %mul3A_52 = arith.constant 8 : i32
    %mul3A_53 = arith.muli %add3A, %mul3A_52 : i32
    %add3A_54 = arith.constant 0 : i32
    %add3A_55 = arith.addi %mul3A_53, %add3A_54 : i32
    %dma_wait3A = arith.constant 0 : i32
    %dma_wait3A_56 = arith.constant 0 : i32
    %dma_wait3A_57 = arith.constant 0 : i32
    %dma_wait3A_58 = arith.constant 0 : i32
    %dma_wait3A_59 = tpu.memref_slice %arg10[%dma_wait3A_56, %dma_wait3A_57, %dma_wait3A_58] : memref<2x64x128xf32, #tpu.memory_space<vmem>> -> memref<1x64x128xf32, #tpu.memory_space<vmem>>
    %dma_wait3A_60 = tpu.memref_squeeze %dma_wait3A_59 : memref<1x64x128xf32, #tpu.memory_space<vmem>> -> memref<64x128xf32, #tpu.memory_space<vmem>>
    %dma_wait3A_61 = arith.constant 0 : i32
    %dma_wait3A_62 = tpu.memref_slice %arg8[%dma_wait3A, %dma_wait3A_61] : memref<8x64xi32, #tpu.memory_space<vmem>> -> memref<1x64xi32, #tpu.memory_space<vmem>>
    %dma_wait3A_63 = tpu.memref_squeeze %dma_wait3A_62 : memref<1x64xi32, #tpu.memory_space<vmem>> -> memref<64xi32, #tpu.memory_space<vmem>>
    %dma_wait3A_64 = arith.constant 0 : i32
    %dma_wait3A_65 = arith.constant 0 : i32
    %dma_wait3A_66 = tpu.memref_slice %arg2[%dma_wait3A_64, %dma_wait3A_65] : memref<10240x128xf32, #tpu.memory_space<hbm>> -> memref<10240x128xf32, #tpu.memory_space<hbm>>
    tpu.wait_indirect_dma semaphore(%arg12 : memref<!tpu.dma_semaphore, #tpu.memory_space<semaphore_mem>>) src(%dma_wait3A_66 : memref<10240x128xf32, #tpu.memory_space<hbm>>) dst(%dma_wait3A_60 : memref<64x128xf32, #tpu.memory_space<vmem>>)
    %dma_wait3A_67 = arith.constant 0 : i32
    %dma_wait3A_68 = arith.constant 0 : i32
    %dma_wait3A_69 = arith.constant 0 : i32
    %dma_wait3A_70 = arith.constant 0 : i32
    %dma_wait3A_71 = tpu.memref_slice %arg11[%dma_wait3A_68, %dma_wait3A_69, %dma_wait3A_70] : memref<2x64x128xf32, #tpu.memory_space<vmem>> -> memref<1x64x128xf32, #tpu.memory_space<vmem>>
    %dma_wait3A_72 = tpu.memref_squeeze %dma_wait3A_71 : memref<1x64x128xf32, #tpu.memory_space<vmem>> -> memref<64x128xf32, #tpu.memory_space<vmem>>
    %dma_wait3A_73 = arith.constant 0 : i32
    %dma_wait3A_74 = tpu.memref_slice %arg9[%dma_wait3A_67, %dma_wait3A_73] : memref<8x64xi32, #tpu.memory_space<vmem>> -> memref<1x64xi32, #tpu.memory_space<vmem>>
    %dma_wait3A_75 = tpu.memref_squeeze %dma_wait3A_74 : memref<1x64xi32, #tpu.memory_space<vmem>> -> memref<64xi32, #tpu.memory_space<vmem>>
    %dma_wait3A_76 = arith.constant 0 : i32
    %dma_wait3A_77 = arith.constant 0 : i32
    %dma_wait3A_78 = tpu.memref_slice %arg3[%dma_wait3A_76, %dma_wait3A_77] : memref<16640x128xf32, #tpu.memory_space<hbm>> -> memref<16640x128xf32, #tpu.memory_space<hbm>>
    tpu.wait_indirect_dma semaphore(%arg12 : memref<!tpu.dma_semaphore, #tpu.memory_space<semaphore_mem>>) src(%dma_wait3A_78 : memref<16640x128xf32, #tpu.memory_space<hbm>>) dst(%dma_wait3A_72 : memref<64x128xf32, #tpu.memory_space<vmem>>)
    %mul3A_79 = arith.constant 64 : i32
    %mul3A_80 = arith.muli %add3A_55, %mul3A_79 : i32
    %dma_start3A_81 = arith.constant 0 : i32
    %dma_start3A_82 = arith.constant 0 : i32
    %dma_start3A_83 = arith.constant 0 : i32
    %dma_start3A_84 = tpu.memref_slice %arg10[%dma_start3A_81, %dma_start3A_82, %dma_start3A_83] : memref<2x64x128xf32, #tpu.memory_space<vmem>> -> memref<1x64x128xf32, #tpu.memory_space<vmem>>
    %dma_start3A_85 = tpu.memref_squeeze %dma_start3A_84 : memref<1x64x128xf32, #tpu.memory_space<vmem>> -> memref<64x128xf32, #tpu.memory_space<vmem>>
    %dma_start3A_86 = arith.constant 0 : i32
    %dma_start3A_87 = tpu.memref_slice %arg6[%mul3A_80, %dma_start3A_86] : memref<16384x128xf32, #tpu.memory_space<hbm>> -> memref<64x128xf32, #tpu.memory_space<hbm>>
    %dma_start3A_88 = arith.constant 0 : i32
    %dma_start3A_89 = tpu.memref_slice %arg6[%mul3A_80, %dma_start3A_88] : memref<16384x128xf32, #tpu.memory_space<hbm>> -> memref<64x128xf32, #tpu.memory_space<hbm>>
    %dma_start3A_90 = arith.constant 0 : i32
    %dma_start3A_91 = arith.constant 0 : i32
    %dma_start3A_92 = tpu.memref_slice %arg10[%dma_start3A_81, %dma_start3A_90, %dma_start3A_91] : memref<2x64x128xf32, #tpu.memory_space<vmem>> -> memref<1x64x128xf32, #tpu.memory_space<vmem>>
    %dma_start3A_93 = tpu.memref_squeeze %dma_start3A_92 : memref<1x64x128xf32, #tpu.memory_space<vmem>> -> memref<64x128xf32, #tpu.memory_space<vmem>>
    tpu.enqueue_dma source(%dma_start3A_93 : memref<64x128xf32, #tpu.memory_space<vmem>>) target(%dma_start3A_89 : memref<64x128xf32, #tpu.memory_space<hbm>>) target_semaphore(%arg13 : memref<!tpu.dma_semaphore, #tpu.memory_space<semaphore_mem>>)
    %mul3A_94 = arith.constant 64 : i32
    %mul3A_95 = arith.muli %add3A_55, %mul3A_94 : i32
    %dma_start3A_96 = arith.constant 0 : i32
    %dma_start3A_97 = arith.constant 0 : i32
    %dma_start3A_98 = arith.constant 0 : i32
    %dma_start3A_99 = tpu.memref_slice %arg11[%dma_start3A_96, %dma_start3A_97, %dma_start3A_98] : memref<2x64x128xf32, #tpu.memory_space<vmem>> -> memref<1x64x128xf32, #tpu.memory_space<vmem>>
    %dma_start3A_100 = tpu.memref_squeeze %dma_start3A_99 : memref<1x64x128xf32, #tpu.memory_space<vmem>> -> memref<64x128xf32, #tpu.memory_space<vmem>>
    %dma_start3A_101 = arith.constant 0 : i32
    %dma_start3A_102 = tpu.memref_slice %arg7[%mul3A_95, %dma_start3A_101] : memref<16384x128xf32, #tpu.memory_space<hbm>> -> memref<64x128xf32, #tpu.memory_space<hbm>>
    %dma_start3A_103 = arith.constant 0 : i32
    %dma_start3A_104 = tpu.memref_slice %arg7[%mul3A_95, %dma_start3A_103] : memref<16384x128xf32, #tpu.memory_space<hbm>> -> memref<64x128xf32, #tpu.memory_space<hbm>>
    %dma_start3A_105 = arith.constant 0 : i32
    %dma_start3A_106 = arith.constant 0 : i32
    %dma_start3A_107 = tpu.memref_slice %arg11[%dma_start3A_96, %dma_start3A_105, %dma_start3A_106] : memref<2x64x128xf32, #tpu.memory_space<vmem>> -> memref<1x64x128xf32, #tpu.memory_space<vmem>>
    %dma_start3A_108 = tpu.memref_squeeze %dma_start3A_107 : memref<1x64x128xf32, #tpu.memory_space<vmem>> -> memref<64x128xf32, #tpu.memory_space<vmem>>
    tpu.enqueue_dma source(%dma_start3A_108 : memref<64x128xf32, #tpu.memory_space<vmem>>) target(%dma_start3A_104 : memref<64x128xf32, #tpu.memory_space<hbm>>) target_semaphore(%arg13 : memref<!tpu.dma_semaphore, #tpu.memory_space<semaphore_mem>>)
    %dma_wait3A_109 = arith.constant 0 : i32
    %dma_wait3A_110 = arith.constant 0 : i32
    %dma_wait3A_111 = arith.constant 0 : i32
    %dma_wait3A_112 = tpu.memref_slice %arg10[%dma_wait3A_109, %dma_wait3A_110, %dma_wait3A_111] : memref<2x64x128xf32, #tpu.memory_space<vmem>> -> memref<1x64x128xf32, #tpu.memory_space<vmem>>
    %dma_wait3A_113 = tpu.memref_squeeze %dma_wait3A_112 : memref<1x64x128xf32, #tpu.memory_space<vmem>> -> memref<64x128xf32, #tpu.memory_space<vmem>>
    %dma_wait3A_114 = arith.constant 0 : i32
    %dma_wait3A_115 = tpu.memref_slice %arg6[%mul3A_80, %dma_wait3A_114] : memref<16384x128xf32, #tpu.memory_space<hbm>> -> memref<64x128xf32, #tpu.memory_space<hbm>>
    %dma_wait3A_116 = arith.constant 0 : i32
    %dma_wait3A_117 = tpu.memref_slice %arg6[%mul3A_80, %dma_wait3A_116] : memref<16384x128xf32, #tpu.memory_space<hbm>> -> memref<64x128xf32, #tpu.memory_space<hbm>>
    %dma_wait3A_118 = arith.constant 0 : i32
    %dma_wait3A_119 = arith.constant 0 : i32
    %dma_wait3A_120 = tpu.memref_slice %arg10[%dma_wait3A_109, %dma_wait3A_118, %dma_wait3A_119] : memref<2x64x128xf32, #tpu.memory_space<vmem>> -> memref<1x64x128xf32, #tpu.memory_space<vmem>>
    %dma_wait3A_121 = tpu.memref_squeeze %dma_wait3A_120 : memref<1x64x128xf32, #tpu.memory_space<vmem>> -> memref<64x128xf32, #tpu.memory_space<vmem>>
    tpu.wait_dma2 semaphore(%arg13 : memref<!tpu.dma_semaphore, #tpu.memory_space<semaphore_mem>>) src(%dma_wait3A_121 : memref<64x128xf32, #tpu.memory_space<vmem>>) dst(%dma_wait3A_117 : memref<64x128xf32, #tpu.memory_space<hbm>>)
    %dma_wait3A_122 = arith.constant 0 : i32
    %dma_wait3A_123 = arith.constant 0 : i32
    %dma_wait3A_124 = arith.constant 0 : i32
    %dma_wait3A_125 = tpu.memref_slice %arg11[%dma_wait3A_122, %dma_wait3A_123, %dma_wait3A_124] : memref<2x64x128xf32, #tpu.memory_space<vmem>> -> memref<1x64x128xf32, #tpu.memory_space<vmem>>
    %dma_wait3A_126 = tpu.memref_squeeze %dma_wait3A_125 : memref<1x64x128xf32, #tpu.memory_space<vmem>> -> memref<64x128xf32, #tpu.memory_space<vmem>>
    %dma_wait3A_127 = arith.constant 0 : i32
    %dma_wait3A_128 = tpu.memref_slice %arg7[%mul3A_95, %dma_wait3A_127] : memref<16384x128xf32, #tpu.memory_space<hbm>> -> memref<64x128xf32, #tpu.memory_space<hbm>>
    %dma_wait3A_129 = arith.constant 0 : i32
    %dma_wait3A_130 = tpu.memref_slice %arg7[%mul3A_95, %dma_wait3A_129] : memref<16384x128xf32, #tpu.memory_space<hbm>> -> memref<64x128xf32, #tpu.memory_space<hbm>>
    %dma_wait3A_131 = arith.constant 0 : i32
    %dma_wait3A_132 = arith.constant 0 : i32
    %dma_wait3A_133 = tpu.memref_slice %arg11[%dma_wait3A_122, %dma_wait3A_131, %dma_wait3A_132] : memref<2x64x128xf32, #tpu.memory_space<vmem>> -> memref<1x64x128xf32, #tpu.memory_space<vmem>>
    %dma_wait3A_134 = tpu.memref_squeeze %dma_wait3A_133 : memref<1x64x128xf32, #tpu.memory_space<vmem>> -> memref<64x128xf32, #tpu.memory_space<vmem>>
    tpu.wait_dma2 semaphore(%arg13 : memref<!tpu.dma_semaphore, #tpu.memory_space<semaphore_mem>>) src(%dma_wait3A_134 : memref<64x128xf32, #tpu.memory_space<vmem>>) dst(%dma_wait3A_130 : memref<64x128xf32, #tpu.memory_space<hbm>>)
    %dma_start3A_135 = arith.constant 2 : i32
    %dma_start3A_136 = arith.constant 0 : i32
    %dma_start3A_137 = arith.constant 0 : i32
    %dma_start3A_138 = arith.constant 0 : i32
    %dma_start3A_139 = tpu.memref_slice %arg10[%dma_start3A_136, %dma_start3A_137, %dma_start3A_138] : memref<2x64x128xf32, #tpu.memory_space<vmem>> -> memref<1x64x128xf32, #tpu.memory_space<vmem>>
    %dma_start3A_140 = tpu.memref_squeeze %dma_start3A_139 : memref<1x64x128xf32, #tpu.memory_space<vmem>> -> memref<64x128xf32, #tpu.memory_space<vmem>>
    %dma_start3A_141 = arith.constant 0 : i32
    %dma_start3A_142 = tpu.memref_slice %arg8[%dma_start3A_135, %dma_start3A_141] : memref<8x64xi32, #tpu.memory_space<vmem>> -> memref<1x64xi32, #tpu.memory_space<vmem>>
    %dma_start3A_143 = tpu.memref_squeeze %dma_start3A_142 : memref<1x64xi32, #tpu.memory_space<vmem>> -> memref<64xi32, #tpu.memory_space<vmem>>
    %dma_start3A_144 = arith.constant 0 : i32
    %dma_start3A_145 = arith.constant 0 : i32
    %dma_start3A_146 = tpu.memref_slice %arg2[%dma_start3A_144, %dma_start3A_145] : memref<10240x128xf32, #tpu.memory_space<hbm>> -> memref<10240x128xf32, #tpu.memory_space<hbm>>
    tpu.enqueue_indirect_dma source(%dma_start3A_146 : memref<10240x128xf32, #tpu.memory_space<hbm>>) target(%dma_start3A_140 : memref<64x128xf32, #tpu.memory_space<vmem>>) offsets(%dma_start3A_143 : memref<64xi32, #tpu.memory_space<vmem>>) semaphore(%arg12 : memref<!tpu.dma_semaphore, #tpu.memory_space<semaphore_mem>>)
    %dma_start3A_147 = arith.constant 2 : i32
    %dma_start3A_148 = arith.constant 0 : i32
    %dma_start3A_149 = arith.constant 0 : i32
    %dma_start3A_150 = arith.constant 0 : i32
    %dma_start3A_151 = tpu.memref_slice %arg11[%dma_start3A_148, %dma_start3A_149, %dma_start3A_150] : memref<2x64x128xf32, #tpu.memory_space<vmem>> -> memref<1x64x128xf32, #tpu.memory_space<vmem>>
    %dma_start3A_152 = tpu.memref_squeeze %dma_start3A_151 : memref<1x64x128xf32, #tpu.memory_space<vmem>> -> memref<64x128xf32, #tpu.memory_space<vmem>>
    %dma_start3A_153 = arith.constant 0 : i32
    %dma_start3A_154 = tpu.memref_slice %arg9[%dma_start3A_147, %dma_start3A_153] : memref<8x64xi32, #tpu.memory_space<vmem>> -> memref<1x64xi32, #tpu.memory_space<vmem>>
    %dma_start3A_155 = tpu.memref_squeeze %dma_start3A_154 : memref<1x64xi32, #tpu.memory_space<vmem>> -> memref<64xi32, #tpu.memory_space<vmem>>
    %dma_start3A_156 = arith.constant 0 : i32
    %dma_start3A_157 = arith.constant 0 : i32
    %dma_start3A_158 = tpu.memref_slice %arg3[%dma_start3A_156, %dma_start3A_157] : memref<16640x128xf32, #tpu.memory_space<hbm>> -> memref<16640x128xf32, #tpu.memory_space<hbm>>
    tpu.enqueue_indirect_dma source(%dma_start3A_158 : memref<16640x128xf32, #tpu.memory_space<hbm>>) target(%dma_start3A_152 : memref<64x128xf32, #tpu.memory_space<vmem>>) offsets(%dma_start3A_155 : memref<64xi32, #tpu.memory_space<vmem>>) semaphore(%arg12 : memref<!tpu.dma_semaphore, #tpu.memory_space<semaphore_mem>>)
    %mul3A_159 = arith.constant 8 : i32
    %mul3A_160 = arith.muli %add3A, %mul3A_159 : i32
    %add3A_161 = arith.constant 1 : i32
    %add3A_162 = arith.addi %mul3A_160, %add3A_161 : i32
    %dma_wait3A_163 = arith.constant 1 : i32
    %dma_wait3A_164 = arith.constant 1 : i32
    %dma_wait3A_165 = arith.constant 0 : i32
    %dma_wait3A_166 = arith.constant 0 : i32
    %dma_wait3A_167 = tpu.memref_slice %arg10[%dma_wait3A_164, %dma_wait3A_165, %dma_wait3A_166] : memref<2x64x128xf32, #tpu.memory_space<vmem>> -> memref<1x64x128xf32, #tpu.memory_space<vmem>>
    %dma_wait3A_168 = tpu.memref_squeeze %dma_wait3A_167 : memref<1x64x128xf32, #tpu.memory_space<vmem>> -> memref<64x128xf32, #tpu.memory_space<vmem>>
    %dma_wait3A_169 = arith.constant 0 : i32
    %dma_wait3A_170 = tpu.memref_slice %arg8[%dma_wait3A_163, %dma_wait3A_169] : memref<8x64xi32, #tpu.memory_space<vmem>> -> memref<1x64xi32, #tpu.memory_space<vmem>>
    %dma_wait3A_171 = tpu.memref_squeeze %dma_wait3A_170 : memref<1x64xi32, #tpu.memory_space<vmem>> -> memref<64xi32, #tpu.memory_space<vmem>>
    %dma_wait3A_172 = arith.constant 0 : i32
    %dma_wait3A_173 = arith.constant 0 : i32
    %dma_wait3A_174 = tpu.memref_slice %arg2[%dma_wait3A_172, %dma_wait3A_173] : memref<10240x128xf32, #tpu.memory_space<hbm>> -> memref<10240x128xf32, #tpu.memory_space<hbm>>
    tpu.wait_indirect_dma semaphore(%arg12 : memref<!tpu.dma_semaphore, #tpu.memory_space<semaphore_mem>>) src(%dma_wait3A_174 : memref<10240x128xf32, #tpu.memory_space<hbm>>) dst(%dma_wait3A_168 : memref<64x128xf32, #tpu.memory_space<vmem>>)
    %dma_wait3A_175 = arith.constant 1 : i32
    %dma_wait3A_176 = arith.constant 1 : i32
    %dma_wait3A_177 = arith.constant 0 : i32
    %dma_wait3A_178 = arith.constant 0 : i32
    %dma_wait3A_179 = tpu.memref_slice %arg11[%dma_wait3A_176, %dma_wait3A_177, %dma_wait3A_178] : memref<2x64x128xf32, #tpu.memory_space<vmem>> -> memref<1x64x128xf32, #tpu.memory_space<vmem>>
    %dma_wait3A_180 = tpu.memref_squeeze %dma_wait3A_179 : memref<1x64x128xf32, #tpu.memory_space<vmem>> -> memref<64x128xf32, #tpu.memory_space<vmem>>
    %dma_wait3A_181 = arith.constant 0 : i32
    %dma_wait3A_182 = tpu.memref_slice %arg9[%dma_wait3A_175, %dma_wait3A_181] : memref<8x64xi32, #tpu.memory_space<vmem>> -> memref<1x64xi32, #tpu.memory_space<vmem>>
    %dma_wait3A_183 = tpu.memref_squeeze %dma_wait3A_182 : memref<1x64xi32, #tpu.memory_space<vmem>> -> memref<64xi32, #tpu.memory_space<vmem>>
    %dma_wait3A_184 = arith.constant 0 : i32
    %dma_wait3A_185 = arith.constant 0 : i32
    %dma_wait3A_186 = tpu.memref_slice %arg3[%dma_wait3A_184, %dma_wait3A_185] : memref<16640x128xf32, #tpu.memory_space<hbm>> -> memref<16640x128xf32, #tpu.memory_space<hbm>>
    tpu.wait_indirect_dma semaphore(%arg12 : memref<!tpu.dma_semaphore, #tpu.memory_space<semaphore_mem>>) src(%dma_wait3A_186 : memref<16640x128xf32, #tpu.memory_space<hbm>>) dst(%dma_wait3A_180 : memref<64x128xf32, #tpu.memory_space<vmem>>)
    %mul3A_187 = arith.constant 64 : i32
    %mul3A_188 = arith.muli %add3A_162, %mul3A_187 : i32
    %dma_start3A_189 = arith.constant 1 : i32
    %dma_start3A_190 = arith.constant 0 : i32
    %dma_start3A_191 = arith.constant 0 : i32
    %dma_start3A_192 = tpu.memref_slice %arg10[%dma_start3A_189, %dma_start3A_190, %dma_start3A_191] : memref<2x64x128xf32, #tpu.memory_space<vmem>> -> memref<1x64x128xf32, #tpu.memory_space<vmem>>
    %dma_start3A_193 = tpu.memref_squeeze %dma_start3A_192 : memref<1x64x128xf32, #tpu.memory_space<vmem>> -> memref<64x128xf32, #tpu.memory_space<vmem>>
    %dma_start3A_194 = arith.constant 0 : i32
    %dma_start3A_195 = tpu.memref_slice %arg6[%mul3A_188, %dma_start3A_194] : memref<16384x128xf32, #tpu.memory_space<hbm>> -> memref<64x128xf32, #tpu.memory_space<hbm>>
    %dma_start3A_196 = arith.constant 0 : i32
    %dma_start3A_197 = tpu.memref_slice %arg6[%mul3A_188, %dma_start3A_196] : memref<16384x128xf32, #tpu.memory_space<hbm>> -> memref<64x128xf32, #tpu.memory_space<hbm>>
    %dma_start3A_198 = arith.constant 0 : i32
    %dma_start3A_199 = arith.constant 0 : i32
    %dma_start3A_200 = tpu.memref_slice %arg10[%dma_start3A_189, %dma_start3A_198, %dma_start3A_199] : memref<2x64x128xf32, #tpu.memory_space<vmem>> -> memref<1x64x128xf32, #tpu.memory_space<vmem>>
    %dma_start3A_201 = tpu.memref_squeeze %dma_start3A_200 : memref<1x64x128xf32, #tpu.memory_space<vmem>> -> memref<64x128xf32, #tpu.memory_space<vmem>>
    tpu.enqueue_dma source(%dma_start3A_201 : memref<64x128xf32, #tpu.memory_space<vmem>>) target(%dma_start3A_197 : memref<64x128xf32, #tpu.memory_space<hbm>>) target_semaphore(%arg13 : memref<!tpu.dma_semaphore, #tpu.memory_space<semaphore_mem>>)
    %mul3A_202 = arith.constant 64 : i32
    %mul3A_203 = arith.muli %add3A_162, %mul3A_202 : i32
    %dma_start3A_204 = arith.constant 1 : i32
    %dma_start3A_205 = arith.constant 0 : i32
    %dma_start3A_206 = arith.constant 0 : i32
    %dma_start3A_207 = tpu.memref_slice %arg11[%dma_start3A_204, %dma_start3A_205, %dma_start3A_206] : memref<2x64x128xf32, #tpu.memory_space<vmem>> -> memref<1x64x128xf32, #tpu.memory_space<vmem>>
    %dma_start3A_208 = tpu.memref_squeeze %dma_start3A_207 : memref<1x64x128xf32, #tpu.memory_space<vmem>> -> memref<64x128xf32, #tpu.memory_space<vmem>>
    %dma_start3A_209 = arith.constant 0 : i32
    %dma_start3A_210 = tpu.memref_slice %arg7[%mul3A_203, %dma_start3A_209] : memref<16384x128xf32, #tpu.memory_space<hbm>> -> memref<64x128xf32, #tpu.memory_space<hbm>>
    %dma_start3A_211 = arith.constant 0 : i32
    %dma_start3A_212 = tpu.memref_slice %arg7[%mul3A_203, %dma_start3A_211] : memref<16384x128xf32, #tpu.memory_space<hbm>> -> memref<64x128xf32, #tpu.memory_space<hbm>>
    %dma_start3A_213 = arith.constant 0 : i32
    %dma_start3A_214 = arith.constant 0 : i32
    %dma_start3A_215 = tpu.memref_slice %arg11[%dma_start3A_204, %dma_start3A_213, %dma_start3A_214] : memref<2x64x128xf32, #tpu.memory_space<vmem>> -> memref<1x64x128xf32, #tpu.memory_space<vmem>>
    %dma_start3A_216 = tpu.memref_squeeze %dma_start3A_215 : memref<1x64x128xf32, #tpu.memory_space<vmem>> -> memref<64x128xf32, #tpu.memory_space<vmem>>
    tpu.enqueue_dma source(%dma_start3A_216 : memref<64x128xf32, #tpu.memory_space<vmem>>) target(%dma_start3A_212 : memref<64x128xf32, #tpu.memory_space<hbm>>) target_semaphore(%arg13 : memref<!tpu.dma_semaphore, #tpu.memory_space<semaphore_mem>>)
    %dma_wait3A_217 = arith.constant 1 : i32
    %dma_wait3A_218 = arith.constant 0 : i32
    %dma_wait3A_219 = arith.constant 0 : i32
    %dma_wait3A_220 = tpu.memref_slice %arg10[%dma_wait3A_217, %dma_wait3A_218, %dma_wait3A_219] : memref<2x64x128xf32, #tpu.memory_space<vmem>> -> memref<1x64x128xf32, #tpu.memory_space<vmem>>
    %dma_wait3A_221 = tpu.memref_squeeze %dma_wait3A_220 : memref<1x64x128xf32, #tpu.memory_space<vmem>> -> memref<64x128xf32, #tpu.memory_space<vmem>>
    %dma_wait3A_222 = arith.constant 0 : i32
    %dma_wait3A_223 = tpu.memref_slice %arg6[%mul3A_188, %dma_wait3A_222] : memref<16384x128xf32, #tpu.memory_space<hbm>> -> memref<64x128xf32, #tpu.memory_space<hbm>>
    %dma_wait3A_224 = arith.constant 0 : i32
    %dma_wait3A_225 = tpu.memref_slice %arg6[%mul3A_188, %dma_wait3A_224] : memref<16384x128xf32, #tpu.memory_space<hbm>> -> memref<64x128xf32, #tpu.memory_space<hbm>>
    %dma_wait3A_226 = arith.constant 0 : i32
    %dma_wait3A_227 = arith.constant 0 : i32
    %dma_wait3A_228 = tpu.memref_slice %arg10[%dma_wait3A_217, %dma_wait3A_226, %dma_wait3A_227] : memref<2x64x128xf32, #tpu.memory_space<vmem>> -> memref<1x64x128xf32, #tpu.memory_space<vmem>>
    %dma_wait3A_229 = tpu.memref_squeeze %dma_wait3A_228 : memref<1x64x128xf32, #tpu.memory_space<vmem>> -> memref<64x128xf32, #tpu.memory_space<vmem>>
    tpu.wait_dma2 semaphore(%arg13 : memref<!tpu.dma_semaphore, #tpu.memory_space<semaphore_mem>>) src(%dma_wait3A_229 : memref<64x128xf32, #tpu.memory_space<vmem>>) dst(%dma_wait3A_225 : memref<64x128xf32, #tpu.memory_space<hbm>>)
    %dma_wait3A_230 = arith.constant 1 : i32
    %dma_wait3A_231 = arith.constant 0 : i32
    %dma_wait3A_232 = arith.constant 0 : i32
    %dma_wait3A_233 = tpu.memref_slice %arg11[%dma_wait3A_230, %dma_wait3A_231, %dma_wait3A_232] : memref<2x64x128xf32, #tpu.memory_space<vmem>> -> memref<1x64x128xf32, #tpu.memory_space<vmem>>
    %dma_wait3A_234 = tpu.memref_squeeze %dma_wait3A_233 : memref<1x64x128xf32, #tpu.memory_space<vmem>> -> memref<64x128xf32, #tpu.memory_space<vmem>>
    %dma_wait3A_235 = arith.constant 0 : i32
    %dma_wait3A_236 = tpu.memref_slice %arg7[%mul3A_203, %dma_wait3A_235] : memref<16384x128xf32, #tpu.memory_space<hbm>> -> memref<64x128xf32, #tpu.memory_space<hbm>>
    %dma_wait3A_237 = arith.constant 0 : i32
    %dma_wait3A_238 = tpu.memref_slice %arg7[%mul3A_203, %dma_wait3A_237] : memref<16384x128xf32, #tpu.memory_space<hbm>> -> memref<64x128xf32, #tpu.memory_space<hbm>>
    %dma_wait3A_239 = arith.constant 0 : i32
    %dma_wait3A_240 = arith.constant 0 : i32
    %dma_wait3A_241 = tpu.memref_slice %arg11[%dma_wait3A_230, %dma_wait3A_239, %dma_wait3A_240] : memref<2x64x128xf32, #tpu.memory_space<vmem>> -> memref<1x64x128xf32, #tpu.memory_space<vmem>>
    %dma_wait3A_242 = tpu.memref_squeeze %dma_wait3A_241 : memref<1x64x128xf32, #tpu.memory_space<vmem>> -> memref<64x128xf32, #tpu.memory_space<vmem>>
    tpu.wait_dma2 semaphore(%arg13 : memref<!tpu.dma_semaphore, #tpu.memory_space<semaphore_mem>>) src(%dma_wait3A_242 : memref<64x128xf32, #tpu.memory_space<vmem>>) dst(%dma_wait3A_238 : memref<64x128xf32, #tpu.memory_space<hbm>>)
    %dma_start3A_243 = arith.constant 3 : i32
    %dma_start3A_244 = arith.constant 1 : i32
    %dma_start3A_245 = arith.constant 0 : i32
    %dma_start3A_246 = arith.constant 0 : i32
    %dma_start3A_247 = tpu.memref_slice %arg10[%dma_start3A_244, %dma_start3A_245, %dma_start3A_246] : memref<2x64x128xf32, #tpu.memory_space<vmem>> -> memref<1x64x128xf32, #tpu.memory_space<vmem>>
    %dma_start3A_248 = tpu.memref_squeeze %dma_start3A_247 : memref<1x64x128xf32, #tpu.memory_space<vmem>> -> memref<64x128xf32, #tpu.memory_space<vmem>>
    %dma_start3A_249 = arith.constant 0 : i32
    %dma_start3A_250 = tpu.memref_slice %arg8[%dma_start3A_243, %dma_start3A_249] : memref<8x64xi32, #tpu.memory_space<vmem>> -> memref<1x64xi32, #tpu.memory_space<vmem>>
    %dma_start3A_251 = tpu.memref_squeeze %dma_start3A_250 : memref<1x64xi32, #tpu.memory_space<vmem>> -> memref<64xi32, #tpu.memory_space<vmem>>
    %dma_start3A_252 = arith.constant 0 : i32
    %dma_start3A_253 = arith.constant 0 : i32
    %dma_start3A_254 = tpu.memref_slice %arg2[%dma_start3A_252, %dma_start3A_253] : memref<10240x128xf32, #tpu.memory_space<hbm>> -> memref<10240x128xf32, #tpu.memory_space<hbm>>
    tpu.enqueue_indirect_dma source(%dma_start3A_254 : memref<10240x128xf32, #tpu.memory_space<hbm>>) target(%dma_start3A_248 : memref<64x128xf32, #tpu.memory_space<vmem>>) offsets(%dma_start3A_251 : memref<64xi32, #tpu.memory_space<vmem>>) semaphore(%arg12 : memref<!tpu.dma_semaphore, #tpu.memory_space<semaphore_mem>>)
    %dma_start3A_255 = arith.constant 3 : i32
    %dma_start3A_256 = arith.constant 1 : i32
    %dma_start3A_257 = arith.constant 0 : i32
    %dma_start3A_258 = arith.constant 0 : i32
    %dma_start3A_259 = tpu.memref_slice %arg11[%dma_start3A_256, %dma_start3A_257, %dma_start3A_258] : memref<2x64x128xf32, #tpu.memory_space<vmem>> -> memref<1x64x128xf32, #tpu.memory_space<vmem>>
    %dma_start3A_260 = tpu.memref_squeeze %dma_start3A_259 : memref<1x64x128xf32, #tpu.memory_space<vmem>> -> memref<64x128xf32, #tpu.memory_space<vmem>>
    %dma_start3A_261 = arith.constant 0 : i32
    %dma_start3A_262 = tpu.memref_slice %arg9[%dma_start3A_255, %dma_start3A_261] : memref<8x64xi32, #tpu.memory_space<vmem>> -> memref<1x64xi32, #tpu.memory_space<vmem>>
    %dma_start3A_263 = tpu.memref_squeeze %dma_start3A_262 : memref<1x64xi32, #tpu.memory_space<vmem>> -> memref<64xi32, #tpu.memory_space<vmem>>
    %dma_start3A_264 = arith.constant 0 : i32
    %dma_start3A_265 = arith.constant 0 : i32
    %dma_start3A_266 = tpu.memref_slice %arg3[%dma_start3A_264, %dma_start3A_265] : memref<16640x128xf32, #tpu.memory_space<hbm>> -> memref<16640x128xf32, #tpu.memory_space<hbm>>
    tpu.enqueue_indirect_dma source(%dma_start3A_266 : memref<16640x128xf32, #tpu.memory_space<hbm>>) target(%dma_start3A_260 : memref<64x128xf32, #tpu.memory_space<vmem>>) offsets(%dma_start3A_263 : memref<64xi32, #tpu.memory_space<vmem>>) semaphore(%arg12 : memref<!tpu.dma_semaphore, #tpu.memory_space<semaphore_mem>>)
    %mul3A_267 = arith.constant 8 : i32
    %mul3A_268 = arith.muli %add3A, %mul3A_267 : i32
    %add3A_269 = arith.constant 2 : i32
    %add3A_270 = arith.addi %mul3A_268, %add3A_269 : i32
    %dma_wait3A_271 = arith.constant 2 : i32
    %dma_wait3A_272 = arith.constant 0 : i32
    %dma_wait3A_273 = arith.constant 0 : i32
    %dma_wait3A_274 = arith.constant 0 : i32
    %dma_wait3A_275 = tpu.memref_slice %arg10[%dma_wait3A_272, %dma_wait3A_273, %dma_wait3A_274] : memref<2x64x128xf32, #tpu.memory_space<vmem>> -> memref<1x64x128xf32, #tpu.memory_space<vmem>>
    %dma_wait3A_276 = tpu.memref_squeeze %dma_wait3A_275 : memref<1x64x128xf32, #tpu.memory_space<vmem>> -> memref<64x128xf32, #tpu.memory_space<vmem>>
    %dma_wait3A_277 = arith.constant 0 : i32
    %dma_wait3A_278 = tpu.memref_slice %arg8[%dma_wait3A_271, %dma_wait3A_277] : memref<8x64xi32, #tpu.memory_space<vmem>> -> memref<1x64xi32, #tpu.memory_space<vmem>>
    %dma_wait3A_279 = tpu.memref_squeeze %dma_wait3A_278 : memref<1x64xi32, #tpu.memory_space<vmem>> -> memref<64xi32, #tpu.memory_space<vmem>>
    %dma_wait3A_280 = arith.constant 0 : i32
    %dma_wait3A_281 = arith.constant 0 : i32
    %dma_wait3A_282 = tpu.memref_slice %arg2[%dma_wait3A_280, %dma_wait3A_281] : memref<10240x128xf32, #tpu.memory_space<hbm>> -> memref<10240x128xf32, #tpu.memory_space<hbm>>
    tpu.wait_indirect_dma semaphore(%arg12 : memref<!tpu.dma_semaphore, #tpu.memory_space<semaphore_mem>>) src(%dma_wait3A_282 : memref<10240x128xf32, #tpu.memory_space<hbm>>) dst(%dma_wait3A_276 : memref<64x128xf32, #tpu.memory_space<vmem>>)
    %dma_wait3A_283 = arith.constant 2 : i32
    %dma_wait3A_284 = arith.constant 0 : i32
    %dma_wait3A_285 = arith.constant 0 : i32
    %dma_wait3A_286 = arith.constant 0 : i32
    %dma_wait3A_287 = tpu.memref_slice %arg11[%dma_wait3A_284, %dma_wait3A_285, %dma_wait3A_286] : memref<2x64x128xf32, #tpu.memory_space<vmem>> -> memref<1x64x128xf32, #tpu.memory_space<vmem>>
    %dma_wait3A_288 = tpu.memref_squeeze %dma_wait3A_287 : memref<1x64x128xf32, #tpu.memory_space<vmem>> -> memref<64x128xf32, #tpu.memory_space<vmem>>
    %dma_wait3A_289 = arith.constant 0 : i32
    %dma_wait3A_290 = tpu.memref_slice %arg9[%dma_wait3A_283, %dma_wait3A_289] : memref<8x64xi32, #tpu.memory_space<vmem>> -> memref<1x64xi32, #tpu.memory_space<vmem>>
    %dma_wait3A_291 = tpu.memref_squeeze %dma_wait3A_290 : memref<1x64xi32, #tpu.memory_space<vmem>> -> memref<64xi32, #tpu.memory_space<vmem>>
    %dma_wait3A_292 = arith.constant 0 : i32
    %dma_wait3A_293 = arith.constant 0 : i32
    %dma_wait3A_294 = tpu.memref_slice %arg3[%dma_wait3A_292, %dma_wait3A_293] : memref<16640x128xf32, #tpu.memory_space<hbm>> -> memref<16640x128xf32, #tpu.memory_space<hbm>>
    tpu.wait_indirect_dma semaphore(%arg12 : memref<!tpu.dma_semaphore, #tpu.memory_space<semaphore_mem>>) src(%dma_wait3A_294 : memref<16640x128xf32, #tpu.memory_space<hbm>>) dst(%dma_wait3A_288 : memref<64x128xf32, #tpu.memory_space<vmem>>)
    %mul3A_295 = arith.constant 64 : i32
    %mul3A_296 = arith.muli %add3A_270, %mul3A_295 : i32
    %dma_start3A_297 = arith.constant 0 : i32
    %dma_start3A_298 = arith.constant 0 : i32
    %dma_start3A_299 = arith.constant 0 : i32
    %dma_start3A_300 = tpu.memref_slice %arg10[%dma_start3A_297, %dma_start3A_298, %dma_start3A_299] : memref<2x64x128xf32, #tpu.memory_space<vmem>> -> memref<1x64x128xf32, #tpu.memory_space<vmem>>
    %dma_start3A_301 = tpu.memref_squeeze %dma_start3A_300 : memref<1x64x128xf32, #tpu.memory_space<vmem>> -> memref<64x128xf32, #tpu.memory_space<vmem>>
    %dma_start3A_302 = arith.constant 0 : i32
    %dma_start3A_303 = tpu.memref_slice %arg6[%mul3A_296, %dma_start3A_302] : memref<16384x128xf32, #tpu.memory_space<hbm>> -> memref<64x128xf32, #tpu.memory_space<hbm>>
    %dma_start3A_304 = arith.constant 0 : i32
    %dma_start3A_305 = tpu.memref_slice %arg6[%mul3A_296, %dma_start3A_304] : memref<16384x128xf32, #tpu.memory_space<hbm>> -> memref<64x128xf32, #tpu.memory_space<hbm>>
    %dma_start3A_306 = arith.constant 0 : i32
    %dma_start3A_307 = arith.constant 0 : i32
    %dma_start3A_308 = tpu.memref_slice %arg10[%dma_start3A_297, %dma_start3A_306, %dma_start3A_307] : memref<2x64x128xf32, #tpu.memory_space<vmem>> -> memref<1x64x128xf32, #tpu.memory_space<vmem>>
    %dma_start3A_309 = tpu.memref_squeeze %dma_start3A_308 : memref<1x64x128xf32, #tpu.memory_space<vmem>> -> memref<64x128xf32, #tpu.memory_space<vmem>>
    tpu.enqueue_dma source(%dma_start3A_309 : memref<64x128xf32, #tpu.memory_space<vmem>>) target(%dma_start3A_305 : memref<64x128xf32, #tpu.memory_space<hbm>>) target_semaphore(%arg13 : memref<!tpu.dma_semaphore, #tpu.memory_space<semaphore_mem>>)
    %mul3A_310 = arith.constant 64 : i32
    %mul3A_311 = arith.muli %add3A_270, %mul3A_310 : i32
    %dma_start3A_312 = arith.constant 0 : i32
    %dma_start3A_313 = arith.constant 0 : i32
    %dma_start3A_314 = arith.constant 0 : i32
    %dma_start3A_315 = tpu.memref_slice %arg11[%dma_start3A_312, %dma_start3A_313, %dma_start3A_314] : memref<2x64x128xf32, #tpu.memory_space<vmem>> -> memref<1x64x128xf32, #tpu.memory_space<vmem>>
    %dma_start3A_316 = tpu.memref_squeeze %dma_start3A_315 : memref<1x64x128xf32, #tpu.memory_space<vmem>> -> memref<64x128xf32, #tpu.memory_space<vmem>>
    %dma_start3A_317 = arith.constant 0 : i32
    %dma_start3A_318 = tpu.memref_slice %arg7[%mul3A_311, %dma_start3A_317] : memref<16384x128xf32, #tpu.memory_space<hbm>> -> memref<64x128xf32, #tpu.memory_space<hbm>>
    %dma_start3A_319 = arith.constant 0 : i32
    %dma_start3A_320 = tpu.memref_slice %arg7[%mul3A_311, %dma_start3A_319] : memref<16384x128xf32, #tpu.memory_space<hbm>> -> memref<64x128xf32, #tpu.memory_space<hbm>>
    %dma_start3A_321 = arith.constant 0 : i32
    %dma_start3A_322 = arith.constant 0 : i32
    %dma_start3A_323 = tpu.memref_slice %arg11[%dma_start3A_312, %dma_start3A_321, %dma_start3A_322] : memref<2x64x128xf32, #tpu.memory_space<vmem>> -> memref<1x64x128xf32, #tpu.memory_space<vmem>>
    %dma_start3A_324 = tpu.memref_squeeze %dma_start3A_323 : memref<1x64x128xf32, #tpu.memory_space<vmem>> -> memref<64x128xf32, #tpu.memory_space<vmem>>
    tpu.enqueue_dma source(%dma_start3A_324 : memref<64x128xf32, #tpu.memory_space<vmem>>) target(%dma_start3A_320 : memref<64x128xf32, #tpu.memory_space<hbm>>) target_semaphore(%arg13 : memref<!tpu.dma_semaphore, #tpu.memory_space<semaphore_mem>>)
    %dma_wait3A_325 = arith.constant 0 : i32
    %dma_wait3A_326 = arith.constant 0 : i32
    %dma_wait3A_327 = arith.constant 0 : i32
    %dma_wait3A_328 = tpu.memref_slice %arg10[%dma_wait3A_325, %dma_wait3A_326, %dma_wait3A_327] : memref<2x64x128xf32, #tpu.memory_space<vmem>> -> memref<1x64x128xf32, #tpu.memory_space<vmem>>
    %dma_wait3A_329 = tpu.memref_squeeze %dma_wait3A_328 : memref<1x64x128xf32, #tpu.memory_space<vmem>> -> memref<64x128xf32, #tpu.memory_space<vmem>>
    %dma_wait3A_330 = arith.constant 0 : i32
    %dma_wait3A_331 = tpu.memref_slice %arg6[%mul3A_296, %dma_wait3A_330] : memref<16384x128xf32, #tpu.memory_space<hbm>> -> memref<64x128xf32, #tpu.memory_space<hbm>>
    %dma_wait3A_332 = arith.constant 0 : i32
    %dma_wait3A_333 = tpu.memref_slice %arg6[%mul3A_296, %dma_wait3A_332] : memref<16384x128xf32, #tpu.memory_space<hbm>> -> memref<64x128xf32, #tpu.memory_space<hbm>>
    %dma_wait3A_334 = arith.constant 0 : i32
    %dma_wait3A_335 = arith.constant 0 : i32
    %dma_wait3A_336 = tpu.memref_slice %arg10[%dma_wait3A_325, %dma_wait3A_334, %dma_wait3A_335] : memref<2x64x128xf32, #tpu.memory_space<vmem>> -> memref<1x64x128xf32, #tpu.memory_space<vmem>>
    %dma_wait3A_337 = tpu.memref_squeeze %dma_wait3A_336 : memref<1x64x128xf32, #tpu.memory_space<vmem>> -> memref<64x128xf32, #tpu.memory_space<vmem>>
    tpu.wait_dma2 semaphore(%arg13 : memref<!tpu.dma_semaphore, #tpu.memory_space<semaphore_mem>>) src(%dma_wait3A_337 : memref<64x128xf32, #tpu.memory_space<vmem>>) dst(%dma_wait3A_333 : memref<64x128xf32, #tpu.memory_space<hbm>>)
    %dma_wait3A_338 = arith.constant 0 : i32
    %dma_wait3A_339 = arith.constant 0 : i32
    %dma_wait3A_340 = arith.constant 0 : i32
    %dma_wait3A_341 = tpu.memref_slice %arg11[%dma_wait3A_338, %dma_wait3A_339, %dma_wait3A_340] : memref<2x64x128xf32, #tpu.memory_space<vmem>> -> memref<1x64x128xf32, #tpu.memory_space<vmem>>
    %dma_wait3A_342 = tpu.memref_squeeze %dma_wait3A_341 : memref<1x64x128xf32, #tpu.memory_space<vmem>> -> memref<64x128xf32, #tpu.memory_space<vmem>>
    %dma_wait3A_343 = arith.constant 0 : i32
    %dma_wait3A_344 = tpu.memref_slice %arg7[%mul3A_311, %dma_wait3A_343] : memref<16384x128xf32, #tpu.memory_space<hbm>> -> memref<64x128xf32, #tpu.memory_space<hbm>>
    %dma_wait3A_345 = arith.constant 0 : i32
    %dma_wait3A_346 = tpu.memref_slice %arg7[%mul3A_311, %dma_wait3A_345] : memref<16384x128xf32, #tpu.memory_space<hbm>> -> memref<64x128xf32, #tpu.memory_space<hbm>>
    %dma_wait3A_347 = arith.constant 0 : i32
    %dma_wait3A_348 = arith.constant 0 : i32
    %dma_wait3A_349 = tpu.memref_slice %arg11[%dma_wait3A_338, %dma_wait3A_347, %dma_wait3A_348] : memref<2x64x128xf32, #tpu.memory_space<vmem>> -> memref<1x64x128xf32, #tpu.memory_space<vmem>>
    %dma_wait3A_350 = tpu.memref_squeeze %dma_wait3A_349 : memref<1x64x128xf32, #tpu.memory_space<vmem>> -> memref<64x128xf32, #tpu.memory_space<vmem>>
    tpu.wait_dma2 semaphore(%arg13 : memref<!tpu.dma_semaphore, #tpu.memory_space<semaphore_mem>>) src(%dma_wait3A_350 : memref<64x128xf32, #tpu.memory_space<vmem>>) dst(%dma_wait3A_346 : memref<64x128xf32, #tpu.memory_space<hbm>>)
    %dma_start3A_351 = arith.constant 4 : i32
    %dma_start3A_352 = arith.constant 0 : i32
    %dma_start3A_353 = arith.constant 0 : i32
    %dma_start3A_354 = arith.constant 0 : i32
    %dma_start3A_355 = tpu.memref_slice %arg10[%dma_start3A_352, %dma_start3A_353, %dma_start3A_354] : memref<2x64x128xf32, #tpu.memory_space<vmem>> -> memref<1x64x128xf32, #tpu.memory_space<vmem>>
    %dma_start3A_356 = tpu.memref_squeeze %dma_start3A_355 : memref<1x64x128xf32, #tpu.memory_space<vmem>> -> memref<64x128xf32, #tpu.memory_space<vmem>>
    %dma_start3A_357 = arith.constant 0 : i32
    %dma_start3A_358 = tpu.memref_slice %arg8[%dma_start3A_351, %dma_start3A_357] : memref<8x64xi32, #tpu.memory_space<vmem>> -> memref<1x64xi32, #tpu.memory_space<vmem>>
    %dma_start3A_359 = tpu.memref_squeeze %dma_start3A_358 : memref<1x64xi32, #tpu.memory_space<vmem>> -> memref<64xi32, #tpu.memory_space<vmem>>
    %dma_start3A_360 = arith.constant 0 : i32
    %dma_start3A_361 = arith.constant 0 : i32
    %dma_start3A_362 = tpu.memref_slice %arg2[%dma_start3A_360, %dma_start3A_361] : memref<10240x128xf32, #tpu.memory_space<hbm>> -> memref<10240x128xf32, #tpu.memory_space<hbm>>
    tpu.enqueue_indirect_dma source(%dma_start3A_362 : memref<10240x128xf32, #tpu.memory_space<hbm>>) target(%dma_start3A_356 : memref<64x128xf32, #tpu.memory_space<vmem>>) offsets(%dma_start3A_359 : memref<64xi32, #tpu.memory_space<vmem>>) semaphore(%arg12 : memref<!tpu.dma_semaphore, #tpu.memory_space<semaphore_mem>>)
    %dma_start3A_363 = arith.constant 4 : i32
    %dma_start3A_364 = arith.constant 0 : i32
    %dma_start3A_365 = arith.constant 0 : i32
    %dma_start3A_366 = arith.constant 0 : i32
    %dma_start3A_367 = tpu.memref_slice %arg11[%dma_start3A_364, %dma_start3A_365, %dma_start3A_366] : memref<2x64x128xf32, #tpu.memory_space<vmem>> -> memref<1x64x128xf32, #tpu.memory_space<vmem>>
    %dma_start3A_368 = tpu.memref_squeeze %dma_start3A_367 : memref<1x64x128xf32, #tpu.memory_space<vmem>> -> memref<64x128xf32, #tpu.memory_space<vmem>>
    %dma_start3A_369 = arith.constant 0 : i32
    %dma_start3A_370 = tpu.memref_slice %arg9[%dma_start3A_363, %dma_start3A_369] : memref<8x64xi32, #tpu.memory_space<vmem>> -> memref<1x64xi32, #tpu.memory_space<vmem>>
    %dma_start3A_371 = tpu.memref_squeeze %dma_start3A_370 : memref<1x64xi32, #tpu.memory_space<vmem>> -> memref<64xi32, #tpu.memory_space<vmem>>
    %dma_start3A_372 = arith.constant 0 : i32
    %dma_start3A_373 = arith.constant 0 : i32
    %dma_start3A_374 = tpu.memref_slice %arg3[%dma_start3A_372, %dma_start3A_373] : memref<16640x128xf32, #tpu.memory_space<hbm>> -> memref<16640x128xf32, #tpu.memory_space<hbm>>
    tpu.enqueue_indirect_dma source(%dma_start3A_374 : memref<16640x128xf32, #tpu.memory_space<hbm>>) target(%dma_start3A_368 : memref<64x128xf32, #tpu.memory_space<vmem>>) offsets(%dma_start3A_371 : memref<64xi32, #tpu.memory_space<vmem>>) semaphore(%arg12 : memref<!tpu.dma_semaphore, #tpu.memory_space<semaphore_mem>>)
    %mul3A_375 = arith.constant 8 : i32
    %mul3A_376 = arith.muli %add3A, %mul3A_375 : i32
    %add3A_377 = arith.constant 3 : i32
    %add3A_378 = arith.addi %mul3A_376, %add3A_377 : i32
    %dma_wait3A_379 = arith.constant 3 : i32
    %dma_wait3A_380 = arith.constant 1 : i32
    %dma_wait3A_381 = arith.constant 0 : i32
    %dma_wait3A_382 = arith.constant 0 : i32
    %dma_wait3A_383 = tpu.memref_slice %arg10[%dma_wait3A_380, %dma_wait3A_381, %dma_wait3A_382] : memref<2x64x128xf32, #tpu.memory_space<vmem>> -> memref<1x64x128xf32, #tpu.memory_space<vmem>>
    %dma_wait3A_384 = tpu.memref_squeeze %dma_wait3A_383 : memref<1x64x128xf32, #tpu.memory_space<vmem>> -> memref<64x128xf32, #tpu.memory_space<vmem>>
    %dma_wait3A_385 = arith.constant 0 : i32
    %dma_wait3A_386 = tpu.memref_slice %arg8[%dma_wait3A_379, %dma_wait3A_385] : memref<8x64xi32, #tpu.memory_space<vmem>> -> memref<1x64xi32, #tpu.memory_space<vmem>>
    %dma_wait3A_387 = tpu.memref_squeeze %dma_wait3A_386 : memref<1x64xi32, #tpu.memory_space<vmem>> -> memref<64xi32, #tpu.memory_space<vmem>>
    %dma_wait3A_388 = arith.constant 0 : i32
    %dma_wait3A_389 = arith.constant 0 : i32
    %dma_wait3A_390 = tpu.memref_slice %arg2[%dma_wait3A_388, %dma_wait3A_389] : memref<10240x128xf32, #tpu.memory_space<hbm>> -> memref<10240x128xf32, #tpu.memory_space<hbm>>
    tpu.wait_indirect_dma semaphore(%arg12 : memref<!tpu.dma_semaphore, #tpu.memory_space<semaphore_mem>>) src(%dma_wait3A_390 : memref<10240x128xf32, #tpu.memory_space<hbm>>) dst(%dma_wait3A_384 : memref<64x128xf32, #tpu.memory_space<vmem>>)
    %dma_wait3A_391 = arith.constant 3 : i32
    %dma_wait3A_392 = arith.constant 1 : i32
    %dma_wait3A_393 = arith.constant 0 : i32
    %dma_wait3A_394 = arith.constant 0 : i32
    %dma_wait3A_395 = tpu.memref_slice %arg11[%dma_wait3A_392, %dma_wait3A_393, %dma_wait3A_394] : memref<2x64x128xf32, #tpu.memory_space<vmem>> -> memref<1x64x128xf32, #tpu.memory_space<vmem>>
    %dma_wait3A_396 = tpu.memref_squeeze %dma_wait3A_395 : memref<1x64x128xf32, #tpu.memory_space<vmem>> -> memref<64x128xf32, #tpu.memory_space<vmem>>
    %dma_wait3A_397 = arith.constant 0 : i32
    %dma_wait3A_398 = tpu.memref_slice %arg9[%dma_wait3A_391, %dma_wait3A_397] : memref<8x64xi32, #tpu.memory_space<vmem>> -> memref<1x64xi32, #tpu.memory_space<vmem>>
    %dma_wait3A_399 = tpu.memref_squeeze %dma_wait3A_398 : memref<1x64xi32, #tpu.memory_space<vmem>> -> memref<64xi32, #tpu.memory_space<vmem>>
    %dma_wait3A_400 = arith.constant 0 : i32
    %dma_wait3A_401 = arith.constant 0 : i32
    %dma_wait3A_402 = tpu.memref_slice %arg3[%dma_wait3A_400, %dma_wait3A_401] : memref<16640x128xf32, #tpu.memory_space<hbm>> -> memref<16640x128xf32, #tpu.memory_space<hbm>>
    tpu.wait_indirect_dma semaphore(%arg12 : memref<!tpu.dma_semaphore, #tpu.memory_space<semaphore_mem>>) src(%dma_wait3A_402 : memref<16640x128xf32, #tpu.memory_space<hbm>>) dst(%dma_wait3A_396 : memref<64x128xf32, #tpu.memory_space<vmem>>)
    %mul3A_403 = arith.constant 64 : i32
    %mul3A_404 = arith.muli %add3A_378, %mul3A_403 : i32
    %dma_start3A_405 = arith.constant 1 : i32
    %dma_start3A_406 = arith.constant 0 : i32
    %dma_start3A_407 = arith.constant 0 : i32
    %dma_start3A_408 = tpu.memref_slice %arg10[%dma_start3A_405, %dma_start3A_406, %dma_start3A_407] : memref<2x64x128xf32, #tpu.memory_space<vmem>> -> memref<1x64x128xf32, #tpu.memory_space<vmem>>
    %dma_start3A_409 = tpu.memref_squeeze %dma_start3A_408 : memref<1x64x128xf32, #tpu.memory_space<vmem>> -> memref<64x128xf32, #tpu.memory_space<vmem>>
    %dma_start3A_410 = arith.constant 0 : i32
    %dma_start3A_411 = tpu.memref_slice %arg6[%mul3A_404, %dma_start3A_410] : memref<16384x128xf32, #tpu.memory_space<hbm>> -> memref<64x128xf32, #tpu.memory_space<hbm>>
    %dma_start3A_412 = arith.constant 0 : i32
    %dma_start3A_413 = tpu.memref_slice %arg6[%mul3A_404, %dma_start3A_412] : memref<16384x128xf32, #tpu.memory_space<hbm>> -> memref<64x128xf32, #tpu.memory_space<hbm>>
    %dma_start3A_414 = arith.constant 0 : i32
    %dma_start3A_415 = arith.constant 0 : i32
    %dma_start3A_416 = tpu.memref_slice %arg10[%dma_start3A_405, %dma_start3A_414, %dma_start3A_415] : memref<2x64x128xf32, #tpu.memory_space<vmem>> -> memref<1x64x128xf32, #tpu.memory_space<vmem>>
    %dma_start3A_417 = tpu.memref_squeeze %dma_start3A_416 : memref<1x64x128xf32, #tpu.memory_space<vmem>> -> memref<64x128xf32, #tpu.memory_space<vmem>>
    tpu.enqueue_dma source(%dma_start3A_417 : memref<64x128xf32, #tpu.memory_space<vmem>>) target(%dma_start3A_413 : memref<64x128xf32, #tpu.memory_space<hbm>>) target_semaphore(%arg13 : memref<!tpu.dma_semaphore, #tpu.memory_space<semaphore_mem>>)
    %mul3A_418 = arith.constant 64 : i32
    %mul3A_419 = arith.muli %add3A_378, %mul3A_418 : i32
    %dma_start3A_420 = arith.constant 1 : i32
    %dma_start3A_421 = arith.constant 0 : i32
    %dma_start3A_422 = arith.constant 0 : i32
    %dma_start3A_423 = tpu.memref_slice %arg11[%dma_start3A_420, %dma_start3A_421, %dma_start3A_422] : memref<2x64x128xf32, #tpu.memory_space<vmem>> -> memref<1x64x128xf32, #tpu.memory_space<vmem>>
    %dma_start3A_424 = tpu.memref_squeeze %dma_start3A_423 : memref<1x64x128xf32, #tpu.memory_space<vmem>> -> memref<64x128xf32, #tpu.memory_space<vmem>>
    %dma_start3A_425 = arith.constant 0 : i32
    %dma_start3A_426 = tpu.memref_slice %arg7[%mul3A_419, %dma_start3A_425] : memref<16384x128xf32, #tpu.memory_space<hbm>> -> memref<64x128xf32, #tpu.memory_space<hbm>>
    %dma_start3A_427 = arith.constant 0 : i32
    %dma_start3A_428 = tpu.memref_slice %arg7[%mul3A_419, %dma_start3A_427] : memref<16384x128xf32, #tpu.memory_space<hbm>> -> memref<64x128xf32, #tpu.memory_space<hbm>>
    %dma_start3A_429 = arith.constant 0 : i32
    %dma_start3A_430 = arith.constant 0 : i32
    %dma_start3A_431 = tpu.memref_slice %arg11[%dma_start3A_420, %dma_start3A_429, %dma_start3A_430] : memref<2x64x128xf32, #tpu.memory_space<vmem>> -> memref<1x64x128xf32, #tpu.memory_space<vmem>>
    %dma_start3A_432 = tpu.memref_squeeze %dma_start3A_431 : memref<1x64x128xf32, #tpu.memory_space<vmem>> -> memref<64x128xf32, #tpu.memory_space<vmem>>
    tpu.enqueue_dma source(%dma_start3A_432 : memref<64x128xf32, #tpu.memory_space<vmem>>) target(%dma_start3A_428 : memref<64x128xf32, #tpu.memory_space<hbm>>) target_semaphore(%arg13 : memref<!tpu.dma_semaphore, #tpu.memory_space<semaphore_mem>>)
    %dma_wait3A_433 = arith.constant 1 : i32
    %dma_wait3A_434 = arith.constant 0 : i32
    %dma_wait3A_435 = arith.constant 0 : i32
    %dma_wait3A_436 = tpu.memref_slice %arg10[%dma_wait3A_433, %dma_wait3A_434, %dma_wait3A_435] : memref<2x64x128xf32, #tpu.memory_space<vmem>> -> memref<1x64x128xf32, #tpu.memory_space<vmem>>
    %dma_wait3A_437 = tpu.memref_squeeze %dma_wait3A_436 : memref<1x64x128xf32, #tpu.memory_space<vmem>> -> memref<64x128xf32, #tpu.memory_space<vmem>>
    %dma_wait3A_438 = arith.constant 0 : i32
    %dma_wait3A_439 = tpu.memref_slice %arg6[%mul3A_404, %dma_wait3A_438] : memref<16384x128xf32, #tpu.memory_space<hbm>> -> memref<64x128xf32, #tpu.memory_space<hbm>>
    %dma_wait3A_440 = arith.constant 0 : i32
    %dma_wait3A_441 = tpu.memref_slice %arg6[%mul3A_404, %dma_wait3A_440] : memref<16384x128xf32, #tpu.memory_space<hbm>> -> memref<64x128xf32, #tpu.memory_space<hbm>>
    %dma_wait3A_442 = arith.constant 0 : i32
    %dma_wait3A_443 = arith.constant 0 : i32
    %dma_wait3A_444 = tpu.memref_slice %arg10[%dma_wait3A_433, %dma_wait3A_442, %dma_wait3A_443] : memref<2x64x128xf32, #tpu.memory_space<vmem>> -> memref<1x64x128xf32, #tpu.memory_space<vmem>>
    %dma_wait3A_445 = tpu.memref_squeeze %dma_wait3A_444 : memref<1x64x128xf32, #tpu.memory_space<vmem>> -> memref<64x128xf32, #tpu.memory_space<vmem>>
    tpu.wait_dma2 semaphore(%arg13 : memref<!tpu.dma_semaphore, #tpu.memory_space<semaphore_mem>>) src(%dma_wait3A_445 : memref<64x128xf32, #tpu.memory_space<vmem>>) dst(%dma_wait3A_441 : memref<64x128xf32, #tpu.memory_space<hbm>>)
    %dma_wait3A_446 = arith.constant 1 : i32
    %dma_wait3A_447 = arith.constant 0 : i32
    %dma_wait3A_448 = arith.constant 0 : i32
    %dma_wait3A_449 = tpu.memref_slice %arg11[%dma_wait3A_446, %dma_wait3A_447, %dma_wait3A_448] : memref<2x64x128xf32, #tpu.memory_space<vmem>> -> memref<1x64x128xf32, #tpu.memory_space<vmem>>
    %dma_wait3A_450 = tpu.memref_squeeze %dma_wait3A_449 : memref<1x64x128xf32, #tpu.memory_space<vmem>> -> memref<64x128xf32, #tpu.memory_space<vmem>>
    %dma_wait3A_451 = arith.constant 0 : i32
    %dma_wait3A_452 = tpu.memref_slice %arg7[%mul3A_419, %dma_wait3A_451] : memref<16384x128xf32, #tpu.memory_space<hbm>> -> memref<64x128xf32, #tpu.memory_space<hbm>>
    %dma_wait3A_453 = arith.constant 0 : i32
    %dma_wait3A_454 = tpu.memref_slice %arg7[%mul3A_419, %dma_wait3A_453] : memref<16384x128xf32, #tpu.memory_space<hbm>> -> memref<64x128xf32, #tpu.memory_space<hbm>>
    %dma_wait3A_455 = arith.constant 0 : i32
    %dma_wait3A_456 = arith.constant 0 : i32
    %dma_wait3A_457 = tpu.memref_slice %arg11[%dma_wait3A_446, %dma_wait3A_455, %dma_wait3A_456] : memref<2x64x128xf32, #tpu.memory_space<vmem>> -> memref<1x64x128xf32, #tpu.memory_space<vmem>>
    %dma_wait3A_458 = tpu.memref_squeeze %dma_wait3A_457 : memref<1x64x128xf32, #tpu.memory_space<vmem>> -> memref<64x128xf32, #tpu.memory_space<vmem>>
    tpu.wait_dma2 semaphore(%arg13 : memref<!tpu.dma_semaphore, #tpu.memory_space<semaphore_mem>>) src(%dma_wait3A_458 : memref<64x128xf32, #tpu.memory_space<vmem>>) dst(%dma_wait3A_454 : memref<64x128xf32, #tpu.memory_space<hbm>>)
    %dma_start3A_459 = arith.constant 5 : i32
    %dma_start3A_460 = arith.constant 1 : i32
    %dma_start3A_461 = arith.constant 0 : i32
    %dma_start3A_462 = arith.constant 0 : i32
    %dma_start3A_463 = tpu.memref_slice %arg10[%dma_start3A_460, %dma_start3A_461, %dma_start3A_462] : memref<2x64x128xf32, #tpu.memory_space<vmem>> -> memref<1x64x128xf32, #tpu.memory_space<vmem>>
    %dma_start3A_464 = tpu.memref_squeeze %dma_start3A_463 : memref<1x64x128xf32, #tpu.memory_space<vmem>> -> memref<64x128xf32, #tpu.memory_space<vmem>>
    %dma_start3A_465 = arith.constant 0 : i32
    %dma_start3A_466 = tpu.memref_slice %arg8[%dma_start3A_459, %dma_start3A_465] : memref<8x64xi32, #tpu.memory_space<vmem>> -> memref<1x64xi32, #tpu.memory_space<vmem>>
    %dma_start3A_467 = tpu.memref_squeeze %dma_start3A_466 : memref<1x64xi32, #tpu.memory_space<vmem>> -> memref<64xi32, #tpu.memory_space<vmem>>
    %dma_start3A_468 = arith.constant 0 : i32
    %dma_start3A_469 = arith.constant 0 : i32
    %dma_start3A_470 = tpu.memref_slice %arg2[%dma_start3A_468, %dma_start3A_469] : memref<10240x128xf32, #tpu.memory_space<hbm>> -> memref<10240x128xf32, #tpu.memory_space<hbm>>
    tpu.enqueue_indirect_dma source(%dma_start3A_470 : memref<10240x128xf32, #tpu.memory_space<hbm>>) target(%dma_start3A_464 : memref<64x128xf32, #tpu.memory_space<vmem>>) offsets(%dma_start3A_467 : memref<64xi32, #tpu.memory_space<vmem>>) semaphore(%arg12 : memref<!tpu.dma_semaphore, #tpu.memory_space<semaphore_mem>>)
    %dma_start3A_471 = arith.constant 5 : i32
    %dma_start3A_472 = arith.constant 1 : i32
    %dma_start3A_473 = arith.constant 0 : i32
    %dma_start3A_474 = arith.constant 0 : i32
    %dma_start3A_475 = tpu.memref_slice %arg11[%dma_start3A_472, %dma_start3A_473, %dma_start3A_474] : memref<2x64x128xf32, #tpu.memory_space<vmem>> -> memref<1x64x128xf32, #tpu.memory_space<vmem>>
    %dma_start3A_476 = tpu.memref_squeeze %dma_start3A_475 : memref<1x64x128xf32, #tpu.memory_space<vmem>> -> memref<64x128xf32, #tpu.memory_space<vmem>>
    %dma_start3A_477 = arith.constant 0 : i32
    %dma_start3A_478 = tpu.memref_slice %arg9[%dma_start3A_471, %dma_start3A_477] : memref<8x64xi32, #tpu.memory_space<vmem>> -> memref<1x64xi32, #tpu.memory_space<vmem>>
    %dma_start3A_479 = tpu.memref_squeeze %dma_start3A_478 : memref<1x64xi32, #tpu.memory_space<vmem>> -> memref<64xi32, #tpu.memory_space<vmem>>
    %dma_start3A_480 = arith.constant 0 : i32
    %dma_start3A_481 = arith.constant 0 : i32
    %dma_start3A_482 = tpu.memref_slice %arg3[%dma_start3A_480, %dma_start3A_481] : memref<16640x128xf32, #tpu.memory_space<hbm>> -> memref<16640x128xf32, #tpu.memory_space<hbm>>
    tpu.enqueue_indirect_dma source(%dma_start3A_482 : memref<16640x128xf32, #tpu.memory_space<hbm>>) target(%dma_start3A_476 : memref<64x128xf32, #tpu.memory_space<vmem>>) offsets(%dma_start3A_479 : memref<64xi32, #tpu.memory_space<vmem>>) semaphore(%arg12 : memref<!tpu.dma_semaphore, #tpu.memory_space<semaphore_mem>>)
    %mul3A_483 = arith.constant 8 : i32
    %mul3A_484 = arith.muli %add3A, %mul3A_483 : i32
    %add3A_485 = arith.constant 4 : i32
    %add3A_486 = arith.addi %mul3A_484, %add3A_485 : i32
    %dma_wait3A_487 = arith.constant 4 : i32
    %dma_wait3A_488 = arith.constant 0 : i32
    %dma_wait3A_489 = arith.constant 0 : i32
    %dma_wait3A_490 = arith.constant 0 : i32
    %dma_wait3A_491 = tpu.memref_slice %arg10[%dma_wait3A_488, %dma_wait3A_489, %dma_wait3A_490] : memref<2x64x128xf32, #tpu.memory_space<vmem>> -> memref<1x64x128xf32, #tpu.memory_space<vmem>>
    %dma_wait3A_492 = tpu.memref_squeeze %dma_wait3A_491 : memref<1x64x128xf32, #tpu.memory_space<vmem>> -> memref<64x128xf32, #tpu.memory_space<vmem>>
    %dma_wait3A_493 = arith.constant 0 : i32
    %dma_wait3A_494 = tpu.memref_slice %arg8[%dma_wait3A_487, %dma_wait3A_493] : memref<8x64xi32, #tpu.memory_space<vmem>> -> memref<1x64xi32, #tpu.memory_space<vmem>>
    %dma_wait3A_495 = tpu.memref_squeeze %dma_wait3A_494 : memref<1x64xi32, #tpu.memory_space<vmem>> -> memref<64xi32, #tpu.memory_space<vmem>>
    %dma_wait3A_496 = arith.constant 0 : i32
    %dma_wait3A_497 = arith.constant 0 : i32
    %dma_wait3A_498 = tpu.memref_slice %arg2[%dma_wait3A_496, %dma_wait3A_497] : memref<10240x128xf32, #tpu.memory_space<hbm>> -> memref<10240x128xf32, #tpu.memory_space<hbm>>
    tpu.wait_indirect_dma semaphore(%arg12 : memref<!tpu.dma_semaphore, #tpu.memory_space<semaphore_mem>>) src(%dma_wait3A_498 : memref<10240x128xf32, #tpu.memory_space<hbm>>) dst(%dma_wait3A_492 : memref<64x128xf32, #tpu.memory_space<vmem>>)
    %dma_wait3A_499 = arith.constant 4 : i32
    %dma_wait3A_500 = arith.constant 0 : i32
    %dma_wait3A_501 = arith.constant 0 : i32
    %dma_wait3A_502 = arith.constant 0 : i32
    %dma_wait3A_503 = tpu.memref_slice %arg11[%dma_wait3A_500, %dma_wait3A_501, %dma_wait3A_502] : memref<2x64x128xf32, #tpu.memory_space<vmem>> -> memref<1x64x128xf32, #tpu.memory_space<vmem>>
    %dma_wait3A_504 = tpu.memref_squeeze %dma_wait3A_503 : memref<1x64x128xf32, #tpu.memory_space<vmem>> -> memref<64x128xf32, #tpu.memory_space<vmem>>
    %dma_wait3A_505 = arith.constant 0 : i32
    %dma_wait3A_506 = tpu.memref_slice %arg9[%dma_wait3A_499, %dma_wait3A_505] : memref<8x64xi32, #tpu.memory_space<vmem>> -> memref<1x64xi32, #tpu.memory_space<vmem>>
    %dma_wait3A_507 = tpu.memref_squeeze %dma_wait3A_506 : memref<1x64xi32, #tpu.memory_space<vmem>> -> memref<64xi32, #tpu.memory_space<vmem>>
    %dma_wait3A_508 = arith.constant 0 : i32
    %dma_wait3A_509 = arith.constant 0 : i32
    %dma_wait3A_510 = tpu.memref_slice %arg3[%dma_wait3A_508, %dma_wait3A_509] : memref<16640x128xf32, #tpu.memory_space<hbm>> -> memref<16640x128xf32, #tpu.memory_space<hbm>>
    tpu.wait_indirect_dma semaphore(%arg12 : memref<!tpu.dma_semaphore, #tpu.memory_space<semaphore_mem>>) src(%dma_wait3A_510 : memref<16640x128xf32, #tpu.memory_space<hbm>>) dst(%dma_wait3A_504 : memref<64x128xf32, #tpu.memory_space<vmem>>)
    %mul3A_511 = arith.constant 64 : i32
    %mul3A_512 = arith.muli %add3A_486, %mul3A_511 : i32
    %dma_start3A_513 = arith.constant 0 : i32
    %dma_start3A_514 = arith.constant 0 : i32
    %dma_start3A_515 = arith.constant 0 : i32
    %dma_start3A_516 = tpu.memref_slice %arg10[%dma_start3A_513, %dma_start3A_514, %dma_start3A_515] : memref<2x64x128xf32, #tpu.memory_space<vmem>> -> memref<1x64x128xf32, #tpu.memory_space<vmem>>
    %dma_start3A_517 = tpu.memref_squeeze %dma_start3A_516 : memref<1x64x128xf32, #tpu.memory_space<vmem>> -> memref<64x128xf32, #tpu.memory_space<vmem>>
    %dma_start3A_518 = arith.constant 0 : i32
    %dma_start3A_519 = tpu.memref_slice %arg6[%mul3A_512, %dma_start3A_518] : memref<16384x128xf32, #tpu.memory_space<hbm>> -> memref<64x128xf32, #tpu.memory_space<hbm>>
    %dma_start3A_520 = arith.constant 0 : i32
    %dma_start3A_521 = tpu.memref_slice %arg6[%mul3A_512, %dma_start3A_520] : memref<16384x128xf32, #tpu.memory_space<hbm>> -> memref<64x128xf32, #tpu.memory_space<hbm>>
    %dma_start3A_522 = arith.constant 0 : i32
    %dma_start3A_523 = arith.constant 0 : i32
    %dma_start3A_524 = tpu.memref_slice %arg10[%dma_start3A_513, %dma_start3A_522, %dma_start3A_523] : memref<2x64x128xf32, #tpu.memory_space<vmem>> -> memref<1x64x128xf32, #tpu.memory_space<vmem>>
    %dma_start3A_525 = tpu.memref_squeeze %dma_start3A_524 : memref<1x64x128xf32, #tpu.memory_space<vmem>> -> memref<64x128xf32, #tpu.memory_space<vmem>>
    tpu.enqueue_dma source(%dma_start3A_525 : memref<64x128xf32, #tpu.memory_space<vmem>>) target(%dma_start3A_521 : memref<64x128xf32, #tpu.memory_space<hbm>>) target_semaphore(%arg13 : memref<!tpu.dma_semaphore, #tpu.memory_space<semaphore_mem>>)
    %mul3A_526 = arith.constant 64 : i32
    %mul3A_527 = arith.muli %add3A_486, %mul3A_526 : i32
    %dma_start3A_528 = arith.constant 0 : i32
    %dma_start3A_529 = arith.constant 0 : i32
    %dma_start3A_530 = arith.constant 0 : i32
    %dma_start3A_531 = tpu.memref_slice %arg11[%dma_start3A_528, %dma_start3A_529, %dma_start3A_530] : memref<2x64x128xf32, #tpu.memory_space<vmem>> -> memref<1x64x128xf32, #tpu.memory_space<vmem>>
    %dma_start3A_532 = tpu.memref_squeeze %dma_start3A_531 : memref<1x64x128xf32, #tpu.memory_space<vmem>> -> memref<64x128xf32, #tpu.memory_space<vmem>>
    %dma_start3A_533 = arith.constant 0 : i32
    %dma_start3A_534 = tpu.memref_slice %arg7[%mul3A_527, %dma_start3A_533] : memref<16384x128xf32, #tpu.memory_space<hbm>> -> memref<64x128xf32, #tpu.memory_space<hbm>>
    %dma_start3A_535 = arith.constant 0 : i32
    %dma_start3A_536 = tpu.memref_slice %arg7[%mul3A_527, %dma_start3A_535] : memref<16384x128xf32, #tpu.memory_space<hbm>> -> memref<64x128xf32, #tpu.memory_space<hbm>>
    %dma_start3A_537 = arith.constant 0 : i32
    %dma_start3A_538 = arith.constant 0 : i32
    %dma_start3A_539 = tpu.memref_slice %arg11[%dma_start3A_528, %dma_start3A_537, %dma_start3A_538] : memref<2x64x128xf32, #tpu.memory_space<vmem>> -> memref<1x64x128xf32, #tpu.memory_space<vmem>>
    %dma_start3A_540 = tpu.memref_squeeze %dma_start3A_539 : memref<1x64x128xf32, #tpu.memory_space<vmem>> -> memref<64x128xf32, #tpu.memory_space<vmem>>
    tpu.enqueue_dma source(%dma_start3A_540 : memref<64x128xf32, #tpu.memory_space<vmem>>) target(%dma_start3A_536 : memref<64x128xf32, #tpu.memory_space<hbm>>) target_semaphore(%arg13 : memref<!tpu.dma_semaphore, #tpu.memory_space<semaphore_mem>>)
    %dma_wait3A_541 = arith.constant 0 : i32
    %dma_wait3A_542 = arith.constant 0 : i32
    %dma_wait3A_543 = arith.constant 0 : i32
    %dma_wait3A_544 = tpu.memref_slice %arg10[%dma_wait3A_541, %dma_wait3A_542, %dma_wait3A_543] : memref<2x64x128xf32, #tpu.memory_space<vmem>> -> memref<1x64x128xf32, #tpu.memory_space<vmem>>
    %dma_wait3A_545 = tpu.memref_squeeze %dma_wait3A_544 : memref<1x64x128xf32, #tpu.memory_space<vmem>> -> memref<64x128xf32, #tpu.memory_space<vmem>>
    %dma_wait3A_546 = arith.constant 0 : i32
    %dma_wait3A_547 = tpu.memref_slice %arg6[%mul3A_512, %dma_wait3A_546] : memref<16384x128xf32, #tpu.memory_space<hbm>> -> memref<64x128xf32, #tpu.memory_space<hbm>>
    %dma_wait3A_548 = arith.constant 0 : i32
    %dma_wait3A_549 = tpu.memref_slice %arg6[%mul3A_512, %dma_wait3A_548] : memref<16384x128xf32, #tpu.memory_space<hbm>> -> memref<64x128xf32, #tpu.memory_space<hbm>>
    %dma_wait3A_550 = arith.constant 0 : i32
    %dma_wait3A_551 = arith.constant 0 : i32
    %dma_wait3A_552 = tpu.memref_slice %arg10[%dma_wait3A_541, %dma_wait3A_550, %dma_wait3A_551] : memref<2x64x128xf32, #tpu.memory_space<vmem>> -> memref<1x64x128xf32, #tpu.memory_space<vmem>>
    %dma_wait3A_553 = tpu.memref_squeeze %dma_wait3A_552 : memref<1x64x128xf32, #tpu.memory_space<vmem>> -> memref<64x128xf32, #tpu.memory_space<vmem>>
    tpu.wait_dma2 semaphore(%arg13 : memref<!tpu.dma_semaphore, #tpu.memory_space<semaphore_mem>>) src(%dma_wait3A_553 : memref<64x128xf32, #tpu.memory_space<vmem>>) dst(%dma_wait3A_549 : memref<64x128xf32, #tpu.memory_space<hbm>>)
    %dma_wait3A_554 = arith.constant 0 : i32
    %dma_wait3A_555 = arith.constant 0 : i32
    %dma_wait3A_556 = arith.constant 0 : i32
    %dma_wait3A_557 = tpu.memref_slice %arg11[%dma_wait3A_554, %dma_wait3A_555, %dma_wait3A_556] : memref<2x64x128xf32, #tpu.memory_space<vmem>> -> memref<1x64x128xf32, #tpu.memory_space<vmem>>
    %dma_wait3A_558 = tpu.memref_squeeze %dma_wait3A_557 : memref<1x64x128xf32, #tpu.memory_space<vmem>> -> memref<64x128xf32, #tpu.memory_space<vmem>>
    %dma_wait3A_559 = arith.constant 0 : i32
    %dma_wait3A_560 = tpu.memref_slice %arg7[%mul3A_527, %dma_wait3A_559] : memref<16384x128xf32, #tpu.memory_space<hbm>> -> memref<64x128xf32, #tpu.memory_space<hbm>>
    %dma_wait3A_561 = arith.constant 0 : i32
    %dma_wait3A_562 = tpu.memref_slice %arg7[%mul3A_527, %dma_wait3A_561] : memref<16384x128xf32, #tpu.memory_space<hbm>> -> memref<64x128xf32, #tpu.memory_space<hbm>>
    %dma_wait3A_563 = arith.constant 0 : i32
    %dma_wait3A_564 = arith.constant 0 : i32
    %dma_wait3A_565 = tpu.memref_slice %arg11[%dma_wait3A_554, %dma_wait3A_563, %dma_wait3A_564] : memref<2x64x128xf32, #tpu.memory_space<vmem>> -> memref<1x64x128xf32, #tpu.memory_space<vmem>>
    %dma_wait3A_566 = tpu.memref_squeeze %dma_wait3A_565 : memref<1x64x128xf32, #tpu.memory_space<vmem>> -> memref<64x128xf32, #tpu.memory_space<vmem>>
    tpu.wait_dma2 semaphore(%arg13 : memref<!tpu.dma_semaphore, #tpu.memory_space<semaphore_mem>>) src(%dma_wait3A_566 : memref<64x128xf32, #tpu.memory_space<vmem>>) dst(%dma_wait3A_562 : memref<64x128xf32, #tpu.memory_space<hbm>>)
    %dma_start3A_567 = arith.constant 6 : i32
    %dma_start3A_568 = arith.constant 0 : i32
    %dma_start3A_569 = arith.constant 0 : i32
    %dma_start3A_570 = arith.constant 0 : i32
    %dma_start3A_571 = tpu.memref_slice %arg10[%dma_start3A_568, %dma_start3A_569, %dma_start3A_570] : memref<2x64x128xf32, #tpu.memory_space<vmem>> -> memref<1x64x128xf32, #tpu.memory_space<vmem>>
    %dma_start3A_572 = tpu.memref_squeeze %dma_start3A_571 : memref<1x64x128xf32, #tpu.memory_space<vmem>> -> memref<64x128xf32, #tpu.memory_space<vmem>>
    %dma_start3A_573 = arith.constant 0 : i32
    %dma_start3A_574 = tpu.memref_slice %arg8[%dma_start3A_567, %dma_start3A_573] : memref<8x64xi32, #tpu.memory_space<vmem>> -> memref<1x64xi32, #tpu.memory_space<vmem>>
    %dma_start3A_575 = tpu.memref_squeeze %dma_start3A_574 : memref<1x64xi32, #tpu.memory_space<vmem>> -> memref<64xi32, #tpu.memory_space<vmem>>
    %dma_start3A_576 = arith.constant 0 : i32
    %dma_start3A_577 = arith.constant 0 : i32
    %dma_start3A_578 = tpu.memref_slice %arg2[%dma_start3A_576, %dma_start3A_577] : memref<10240x128xf32, #tpu.memory_space<hbm>> -> memref<10240x128xf32, #tpu.memory_space<hbm>>
    tpu.enqueue_indirect_dma source(%dma_start3A_578 : memref<10240x128xf32, #tpu.memory_space<hbm>>) target(%dma_start3A_572 : memref<64x128xf32, #tpu.memory_space<vmem>>) offsets(%dma_start3A_575 : memref<64xi32, #tpu.memory_space<vmem>>) semaphore(%arg12 : memref<!tpu.dma_semaphore, #tpu.memory_space<semaphore_mem>>)
    %dma_start3A_579 = arith.constant 6 : i32
    %dma_start3A_580 = arith.constant 0 : i32
    %dma_start3A_581 = arith.constant 0 : i32
    %dma_start3A_582 = arith.constant 0 : i32
    %dma_start3A_583 = tpu.memref_slice %arg11[%dma_start3A_580, %dma_start3A_581, %dma_start3A_582] : memref<2x64x128xf32, #tpu.memory_space<vmem>> -> memref<1x64x128xf32, #tpu.memory_space<vmem>>
    %dma_start3A_584 = tpu.memref_squeeze %dma_start3A_583 : memref<1x64x128xf32, #tpu.memory_space<vmem>> -> memref<64x128xf32, #tpu.memory_space<vmem>>
    %dma_start3A_585 = arith.constant 0 : i32
    %dma_start3A_586 = tpu.memref_slice %arg9[%dma_start3A_579, %dma_start3A_585] : memref<8x64xi32, #tpu.memory_space<vmem>> -> memref<1x64xi32, #tpu.memory_space<vmem>>
    %dma_start3A_587 = tpu.memref_squeeze %dma_start3A_586 : memref<1x64xi32, #tpu.memory_space<vmem>> -> memref<64xi32, #tpu.memory_space<vmem>>
    %dma_start3A_588 = arith.constant 0 : i32
    %dma_start3A_589 = arith.constant 0 : i32
    %dma_start3A_590 = tpu.memref_slice %arg3[%dma_start3A_588, %dma_start3A_589] : memref<16640x128xf32, #tpu.memory_space<hbm>> -> memref<16640x128xf32, #tpu.memory_space<hbm>>
    tpu.enqueue_indirect_dma source(%dma_start3A_590 : memref<16640x128xf32, #tpu.memory_space<hbm>>) target(%dma_start3A_584 : memref<64x128xf32, #tpu.memory_space<vmem>>) offsets(%dma_start3A_587 : memref<64xi32, #tpu.memory_space<vmem>>) semaphore(%arg12 : memref<!tpu.dma_semaphore, #tpu.memory_space<semaphore_mem>>)
    %mul3A_591 = arith.constant 8 : i32
    %mul3A_592 = arith.muli %add3A, %mul3A_591 : i32
    %add3A_593 = arith.constant 5 : i32
    %add3A_594 = arith.addi %mul3A_592, %add3A_593 : i32
    %dma_wait3A_595 = arith.constant 5 : i32
    %dma_wait3A_596 = arith.constant 1 : i32
    %dma_wait3A_597 = arith.constant 0 : i32
    %dma_wait3A_598 = arith.constant 0 : i32
    %dma_wait3A_599 = tpu.memref_slice %arg10[%dma_wait3A_596, %dma_wait3A_597, %dma_wait3A_598] : memref<2x64x128xf32, #tpu.memory_space<vmem>> -> memref<1x64x128xf32, #tpu.memory_space<vmem>>
    %dma_wait3A_600 = tpu.memref_squeeze %dma_wait3A_599 : memref<1x64x128xf32, #tpu.memory_space<vmem>> -> memref<64x128xf32, #tpu.memory_space<vmem>>
    %dma_wait3A_601 = arith.constant 0 : i32
    %dma_wait3A_602 = tpu.memref_slice %arg8[%dma_wait3A_595, %dma_wait3A_601] : memref<8x64xi32, #tpu.memory_space<vmem>> -> memref<1x64xi32, #tpu.memory_space<vmem>>
    %dma_wait3A_603 = tpu.memref_squeeze %dma_wait3A_602 : memref<1x64xi32, #tpu.memory_space<vmem>> -> memref<64xi32, #tpu.memory_space<vmem>>
    %dma_wait3A_604 = arith.constant 0 : i32
    %dma_wait3A_605 = arith.constant 0 : i32
    %dma_wait3A_606 = tpu.memref_slice %arg2[%dma_wait3A_604, %dma_wait3A_605] : memref<10240x128xf32, #tpu.memory_space<hbm>> -> memref<10240x128xf32, #tpu.memory_space<hbm>>
    tpu.wait_indirect_dma semaphore(%arg12 : memref<!tpu.dma_semaphore, #tpu.memory_space<semaphore_mem>>) src(%dma_wait3A_606 : memref<10240x128xf32, #tpu.memory_space<hbm>>) dst(%dma_wait3A_600 : memref<64x128xf32, #tpu.memory_space<vmem>>)
    %dma_wait3A_607 = arith.constant 5 : i32
    %dma_wait3A_608 = arith.constant 1 : i32
    %dma_wait3A_609 = arith.constant 0 : i32
    %dma_wait3A_610 = arith.constant 0 : i32
    %dma_wait3A_611 = tpu.memref_slice %arg11[%dma_wait3A_608, %dma_wait3A_609, %dma_wait3A_610] : memref<2x64x128xf32, #tpu.memory_space<vmem>> -> memref<1x64x128xf32, #tpu.memory_space<vmem>>
    %dma_wait3A_612 = tpu.memref_squeeze %dma_wait3A_611 : memref<1x64x128xf32, #tpu.memory_space<vmem>> -> memref<64x128xf32, #tpu.memory_space<vmem>>
    %dma_wait3A_613 = arith.constant 0 : i32
    %dma_wait3A_614 = tpu.memref_slice %arg9[%dma_wait3A_607, %dma_wait3A_613] : memref<8x64xi32, #tpu.memory_space<vmem>> -> memref<1x64xi32, #tpu.memory_space<vmem>>
    %dma_wait3A_615 = tpu.memref_squeeze %dma_wait3A_614 : memref<1x64xi32, #tpu.memory_space<vmem>> -> memref<64xi32, #tpu.memory_space<vmem>>
    %dma_wait3A_616 = arith.constant 0 : i32
    %dma_wait3A_617 = arith.constant 0 : i32
    %dma_wait3A_618 = tpu.memref_slice %arg3[%dma_wait3A_616, %dma_wait3A_617] : memref<16640x128xf32, #tpu.memory_space<hbm>> -> memref<16640x128xf32, #tpu.memory_space<hbm>>
    tpu.wait_indirect_dma semaphore(%arg12 : memref<!tpu.dma_semaphore, #tpu.memory_space<semaphore_mem>>) src(%dma_wait3A_618 : memref<16640x128xf32, #tpu.memory_space<hbm>>) dst(%dma_wait3A_612 : memref<64x128xf32, #tpu.memory_space<vmem>>)
    %mul3A_619 = arith.constant 64 : i32
    %mul3A_620 = arith.muli %add3A_594, %mul3A_619 : i32
    %dma_start3A_621 = arith.constant 1 : i32
    %dma_start3A_622 = arith.constant 0 : i32
    %dma_start3A_623 = arith.constant 0 : i32
    %dma_start3A_624 = tpu.memref_slice %arg10[%dma_start3A_621, %dma_start3A_622, %dma_start3A_623] : memref<2x64x128xf32, #tpu.memory_space<vmem>> -> memref<1x64x128xf32, #tpu.memory_space<vmem>>
    %dma_start3A_625 = tpu.memref_squeeze %dma_start3A_624 : memref<1x64x128xf32, #tpu.memory_space<vmem>> -> memref<64x128xf32, #tpu.memory_space<vmem>>
    %dma_start3A_626 = arith.constant 0 : i32
    %dma_start3A_627 = tpu.memref_slice %arg6[%mul3A_620, %dma_start3A_626] : memref<16384x128xf32, #tpu.memory_space<hbm>> -> memref<64x128xf32, #tpu.memory_space<hbm>>
    %dma_start3A_628 = arith.constant 0 : i32
    %dma_start3A_629 = tpu.memref_slice %arg6[%mul3A_620, %dma_start3A_628] : memref<16384x128xf32, #tpu.memory_space<hbm>> -> memref<64x128xf32, #tpu.memory_space<hbm>>
    %dma_start3A_630 = arith.constant 0 : i32
    %dma_start3A_631 = arith.constant 0 : i32
    %dma_start3A_632 = tpu.memref_slice %arg10[%dma_start3A_621, %dma_start3A_630, %dma_start3A_631] : memref<2x64x128xf32, #tpu.memory_space<vmem>> -> memref<1x64x128xf32, #tpu.memory_space<vmem>>
    %dma_start3A_633 = tpu.memref_squeeze %dma_start3A_632 : memref<1x64x128xf32, #tpu.memory_space<vmem>> -> memref<64x128xf32, #tpu.memory_space<vmem>>
    tpu.enqueue_dma source(%dma_start3A_633 : memref<64x128xf32, #tpu.memory_space<vmem>>) target(%dma_start3A_629 : memref<64x128xf32, #tpu.memory_space<hbm>>) target_semaphore(%arg13 : memref<!tpu.dma_semaphore, #tpu.memory_space<semaphore_mem>>)
    %mul3A_634 = arith.constant 64 : i32
    %mul3A_635 = arith.muli %add3A_594, %mul3A_634 : i32
    %dma_start3A_636 = arith.constant 1 : i32
    %dma_start3A_637 = arith.constant 0 : i32
    %dma_start3A_638 = arith.constant 0 : i32
    %dma_start3A_639 = tpu.memref_slice %arg11[%dma_start3A_636, %dma_start3A_637, %dma_start3A_638] : memref<2x64x128xf32, #tpu.memory_space<vmem>> -> memref<1x64x128xf32, #tpu.memory_space<vmem>>
    %dma_start3A_640 = tpu.memref_squeeze %dma_start3A_639 : memref<1x64x128xf32, #tpu.memory_space<vmem>> -> memref<64x128xf32, #tpu.memory_space<vmem>>
    %dma_start3A_641 = arith.constant 0 : i32
    %dma_start3A_642 = tpu.memref_slice %arg7[%mul3A_635, %dma_start3A_641] : memref<16384x128xf32, #tpu.memory_space<hbm>> -> memref<64x128xf32, #tpu.memory_space<hbm>>
    %dma_start3A_643 = arith.constant 0 : i32
    %dma_start3A_644 = tpu.memref_slice %arg7[%mul3A_635, %dma_start3A_643] : memref<16384x128xf32, #tpu.memory_space<hbm>> -> memref<64x128xf32, #tpu.memory_space<hbm>>
    %dma_start3A_645 = arith.constant 0 : i32
    %dma_start3A_646 = arith.constant 0 : i32
    %dma_start3A_647 = tpu.memref_slice %arg11[%dma_start3A_636, %dma_start3A_645, %dma_start3A_646] : memref<2x64x128xf32, #tpu.memory_space<vmem>> -> memref<1x64x128xf32, #tpu.memory_space<vmem>>
    %dma_start3A_648 = tpu.memref_squeeze %dma_start3A_647 : memref<1x64x128xf32, #tpu.memory_space<vmem>> -> memref<64x128xf32, #tpu.memory_space<vmem>>
    tpu.enqueue_dma source(%dma_start3A_648 : memref<64x128xf32, #tpu.memory_space<vmem>>) target(%dma_start3A_644 : memref<64x128xf32, #tpu.memory_space<hbm>>) target_semaphore(%arg13 : memref<!tpu.dma_semaphore, #tpu.memory_space<semaphore_mem>>)
    %dma_wait3A_649 = arith.constant 1 : i32
    %dma_wait3A_650 = arith.constant 0 : i32
    %dma_wait3A_651 = arith.constant 0 : i32
    %dma_wait3A_652 = tpu.memref_slice %arg10[%dma_wait3A_649, %dma_wait3A_650, %dma_wait3A_651] : memref<2x64x128xf32, #tpu.memory_space<vmem>> -> memref<1x64x128xf32, #tpu.memory_space<vmem>>
    %dma_wait3A_653 = tpu.memref_squeeze %dma_wait3A_652 : memref<1x64x128xf32, #tpu.memory_space<vmem>> -> memref<64x128xf32, #tpu.memory_space<vmem>>
    %dma_wait3A_654 = arith.constant 0 : i32
    %dma_wait3A_655 = tpu.memref_slice %arg6[%mul3A_620, %dma_wait3A_654] : memref<16384x128xf32, #tpu.memory_space<hbm>> -> memref<64x128xf32, #tpu.memory_space<hbm>>
    %dma_wait3A_656 = arith.constant 0 : i32
    %dma_wait3A_657 = tpu.memref_slice %arg6[%mul3A_620, %dma_wait3A_656] : memref<16384x128xf32, #tpu.memory_space<hbm>> -> memref<64x128xf32, #tpu.memory_space<hbm>>
    %dma_wait3A_658 = arith.constant 0 : i32
    %dma_wait3A_659 = arith.constant 0 : i32
    %dma_wait3A_660 = tpu.memref_slice %arg10[%dma_wait3A_649, %dma_wait3A_658, %dma_wait3A_659] : memref<2x64x128xf32, #tpu.memory_space<vmem>> -> memref<1x64x128xf32, #tpu.memory_space<vmem>>
    %dma_wait3A_661 = tpu.memref_squeeze %dma_wait3A_660 : memref<1x64x128xf32, #tpu.memory_space<vmem>> -> memref<64x128xf32, #tpu.memory_space<vmem>>
    tpu.wait_dma2 semaphore(%arg13 : memref<!tpu.dma_semaphore, #tpu.memory_space<semaphore_mem>>) src(%dma_wait3A_661 : memref<64x128xf32, #tpu.memory_space<vmem>>) dst(%dma_wait3A_657 : memref<64x128xf32, #tpu.memory_space<hbm>>)
    %dma_wait3A_662 = arith.constant 1 : i32
    %dma_wait3A_663 = arith.constant 0 : i32
    %dma_wait3A_664 = arith.constant 0 : i32
    %dma_wait3A_665 = tpu.memref_slice %arg11[%dma_wait3A_662, %dma_wait3A_663, %dma_wait3A_664] : memref<2x64x128xf32, #tpu.memory_space<vmem>> -> memref<1x64x128xf32, #tpu.memory_space<vmem>>
    %dma_wait3A_666 = tpu.memref_squeeze %dma_wait3A_665 : memref<1x64x128xf32, #tpu.memory_space<vmem>> -> memref<64x128xf32, #tpu.memory_space<vmem>>
    %dma_wait3A_667 = arith.constant 0 : i32
    %dma_wait3A_668 = tpu.memref_slice %arg7[%mul3A_635, %dma_wait3A_667] : memref<16384x128xf32, #tpu.memory_space<hbm>> -> memref<64x128xf32, #tpu.memory_space<hbm>>
    %dma_wait3A_669 = arith.constant 0 : i32
    %dma_wait3A_670 = tpu.memref_slice %arg7[%mul3A_635, %dma_wait3A_669] : memref<16384x128xf32, #tpu.memory_space<hbm>> -> memref<64x128xf32, #tpu.memory_space<hbm>>
    %dma_wait3A_671 = arith.constant 0 : i32
    %dma_wait3A_672 = arith.constant 0 : i32
    %dma_wait3A_673 = tpu.memref_slice %arg11[%dma_wait3A_662, %dma_wait3A_671, %dma_wait3A_672] : memref<2x64x128xf32, #tpu.memory_space<vmem>> -> memref<1x64x128xf32, #tpu.memory_space<vmem>>
    %dma_wait3A_674 = tpu.memref_squeeze %dma_wait3A_673 : memref<1x64x128xf32, #tpu.memory_space<vmem>> -> memref<64x128xf32, #tpu.memory_space<vmem>>
    tpu.wait_dma2 semaphore(%arg13 : memref<!tpu.dma_semaphore, #tpu.memory_space<semaphore_mem>>) src(%dma_wait3A_674 : memref<64x128xf32, #tpu.memory_space<vmem>>) dst(%dma_wait3A_670 : memref<64x128xf32, #tpu.memory_space<hbm>>)
    %dma_start3A_675 = arith.constant 7 : i32
    %dma_start3A_676 = arith.constant 1 : i32
    %dma_start3A_677 = arith.constant 0 : i32
    %dma_start3A_678 = arith.constant 0 : i32
    %dma_start3A_679 = tpu.memref_slice %arg10[%dma_start3A_676, %dma_start3A_677, %dma_start3A_678] : memref<2x64x128xf32, #tpu.memory_space<vmem>> -> memref<1x64x128xf32, #tpu.memory_space<vmem>>
    %dma_start3A_680 = tpu.memref_squeeze %dma_start3A_679 : memref<1x64x128xf32, #tpu.memory_space<vmem>> -> memref<64x128xf32, #tpu.memory_space<vmem>>
    %dma_start3A_681 = arith.constant 0 : i32
    %dma_start3A_682 = tpu.memref_slice %arg8[%dma_start3A_675, %dma_start3A_681] : memref<8x64xi32, #tpu.memory_space<vmem>> -> memref<1x64xi32, #tpu.memory_space<vmem>>
    %dma_start3A_683 = tpu.memref_squeeze %dma_start3A_682 : memref<1x64xi32, #tpu.memory_space<vmem>> -> memref<64xi32, #tpu.memory_space<vmem>>
    %dma_start3A_684 = arith.constant 0 : i32
    %dma_start3A_685 = arith.constant 0 : i32
    %dma_start3A_686 = tpu.memref_slice %arg2[%dma_start3A_684, %dma_start3A_685] : memref<10240x128xf32, #tpu.memory_space<hbm>> -> memref<10240x128xf32, #tpu.memory_space<hbm>>
    tpu.enqueue_indirect_dma source(%dma_start3A_686 : memref<10240x128xf32, #tpu.memory_space<hbm>>) target(%dma_start3A_680 : memref<64x128xf32, #tpu.memory_space<vmem>>) offsets(%dma_start3A_683 : memref<64xi32, #tpu.memory_space<vmem>>) semaphore(%arg12 : memref<!tpu.dma_semaphore, #tpu.memory_space<semaphore_mem>>)
    %dma_start3A_687 = arith.constant 7 : i32
    %dma_start3A_688 = arith.constant 1 : i32
    %dma_start3A_689 = arith.constant 0 : i32
    %dma_start3A_690 = arith.constant 0 : i32
    %dma_start3A_691 = tpu.memref_slice %arg11[%dma_start3A_688, %dma_start3A_689, %dma_start3A_690] : memref<2x64x128xf32, #tpu.memory_space<vmem>> -> memref<1x64x128xf32, #tpu.memory_space<vmem>>
    %dma_start3A_692 = tpu.memref_squeeze %dma_start3A_691 : memref<1x64x128xf32, #tpu.memory_space<vmem>> -> memref<64x128xf32, #tpu.memory_space<vmem>>
    %dma_start3A_693 = arith.constant 0 : i32
    %dma_start3A_694 = tpu.memref_slice %arg9[%dma_start3A_687, %dma_start3A_693] : memref<8x64xi32, #tpu.memory_space<vmem>> -> memref<1x64xi32, #tpu.memory_space<vmem>>
    %dma_start3A_695 = tpu.memref_squeeze %dma_start3A_694 : memref<1x64xi32, #tpu.memory_space<vmem>> -> memref<64xi32, #tpu.memory_space<vmem>>
    %dma_start3A_696 = arith.constant 0 : i32
    %dma_start3A_697 = arith.constant 0 : i32
    %dma_start3A_698 = tpu.memref_slice %arg3[%dma_start3A_696, %dma_start3A_697] : memref<16640x128xf32, #tpu.memory_space<hbm>> -> memref<16640x128xf32, #tpu.memory_space<hbm>>
    tpu.enqueue_indirect_dma source(%dma_start3A_698 : memref<16640x128xf32, #tpu.memory_space<hbm>>) target(%dma_start3A_692 : memref<64x128xf32, #tpu.memory_space<vmem>>) offsets(%dma_start3A_695 : memref<64xi32, #tpu.memory_space<vmem>>) semaphore(%arg12 : memref<!tpu.dma_semaphore, #tpu.memory_space<semaphore_mem>>)
    %mul3A_699 = arith.constant 8 : i32
    %mul3A_700 = arith.muli %add3A, %mul3A_699 : i32
    %add3A_701 = arith.constant 6 : i32
    %add3A_702 = arith.addi %mul3A_700, %add3A_701 : i32
    %dma_wait3A_703 = arith.constant 6 : i32
    %dma_wait3A_704 = arith.constant 0 : i32
    %dma_wait3A_705 = arith.constant 0 : i32
    %dma_wait3A_706 = arith.constant 0 : i32
    %dma_wait3A_707 = tpu.memref_slice %arg10[%dma_wait3A_704, %dma_wait3A_705, %dma_wait3A_706] : memref<2x64x128xf32, #tpu.memory_space<vmem>> -> memref<1x64x128xf32, #tpu.memory_space<vmem>>
    %dma_wait3A_708 = tpu.memref_squeeze %dma_wait3A_707 : memref<1x64x128xf32, #tpu.memory_space<vmem>> -> memref<64x128xf32, #tpu.memory_space<vmem>>
    %dma_wait3A_709 = arith.constant 0 : i32
    %dma_wait3A_710 = tpu.memref_slice %arg8[%dma_wait3A_703, %dma_wait3A_709] : memref<8x64xi32, #tpu.memory_space<vmem>> -> memref<1x64xi32, #tpu.memory_space<vmem>>
    %dma_wait3A_711 = tpu.memref_squeeze %dma_wait3A_710 : memref<1x64xi32, #tpu.memory_space<vmem>> -> memref<64xi32, #tpu.memory_space<vmem>>
    %dma_wait3A_712 = arith.constant 0 : i32
    %dma_wait3A_713 = arith.constant 0 : i32
    %dma_wait3A_714 = tpu.memref_slice %arg2[%dma_wait3A_712, %dma_wait3A_713] : memref<10240x128xf32, #tpu.memory_space<hbm>> -> memref<10240x128xf32, #tpu.memory_space<hbm>>
    tpu.wait_indirect_dma semaphore(%arg12 : memref<!tpu.dma_semaphore, #tpu.memory_space<semaphore_mem>>) src(%dma_wait3A_714 : memref<10240x128xf32, #tpu.memory_space<hbm>>) dst(%dma_wait3A_708 : memref<64x128xf32, #tpu.memory_space<vmem>>)
    %dma_wait3A_715 = arith.constant 6 : i32
    %dma_wait3A_716 = arith.constant 0 : i32
    %dma_wait3A_717 = arith.constant 0 : i32
    %dma_wait3A_718 = arith.constant 0 : i32
    %dma_wait3A_719 = tpu.memref_slice %arg11[%dma_wait3A_716, %dma_wait3A_717, %dma_wait3A_718] : memref<2x64x128xf32, #tpu.memory_space<vmem>> -> memref<1x64x128xf32, #tpu.memory_space<vmem>>
    %dma_wait3A_720 = tpu.memref_squeeze %dma_wait3A_719 : memref<1x64x128xf32, #tpu.memory_space<vmem>> -> memref<64x128xf32, #tpu.memory_space<vmem>>
    %dma_wait3A_721 = arith.constant 0 : i32
    %dma_wait3A_722 = tpu.memref_slice %arg9[%dma_wait3A_715, %dma_wait3A_721] : memref<8x64xi32, #tpu.memory_space<vmem>> -> memref<1x64xi32, #tpu.memory_space<vmem>>
    %dma_wait3A_723 = tpu.memref_squeeze %dma_wait3A_722 : memref<1x64xi32, #tpu.memory_space<vmem>> -> memref<64xi32, #tpu.memory_space<vmem>>
    %dma_wait3A_724 = arith.constant 0 : i32
    %dma_wait3A_725 = arith.constant 0 : i32
    %dma_wait3A_726 = tpu.memref_slice %arg3[%dma_wait3A_724, %dma_wait3A_725] : memref<16640x128xf32, #tpu.memory_space<hbm>> -> memref<16640x128xf32, #tpu.memory_space<hbm>>
    tpu.wait_indirect_dma semaphore(%arg12 : memref<!tpu.dma_semaphore, #tpu.memory_space<semaphore_mem>>) src(%dma_wait3A_726 : memref<16640x128xf32, #tpu.memory_space<hbm>>) dst(%dma_wait3A_720 : memref<64x128xf32, #tpu.memory_space<vmem>>)
    %mul3A_727 = arith.constant 64 : i32
    %mul3A_728 = arith.muli %add3A_702, %mul3A_727 : i32
    %dma_start3A_729 = arith.constant 0 : i32
    %dma_start3A_730 = arith.constant 0 : i32
    %dma_start3A_731 = arith.constant 0 : i32
    %dma_start3A_732 = tpu.memref_slice %arg10[%dma_start3A_729, %dma_start3A_730, %dma_start3A_731] : memref<2x64x128xf32, #tpu.memory_space<vmem>> -> memref<1x64x128xf32, #tpu.memory_space<vmem>>
    %dma_start3A_733 = tpu.memref_squeeze %dma_start3A_732 : memref<1x64x128xf32, #tpu.memory_space<vmem>> -> memref<64x128xf32, #tpu.memory_space<vmem>>
    %dma_start3A_734 = arith.constant 0 : i32
    %dma_start3A_735 = tpu.memref_slice %arg6[%mul3A_728, %dma_start3A_734] : memref<16384x128xf32, #tpu.memory_space<hbm>> -> memref<64x128xf32, #tpu.memory_space<hbm>>
    %dma_start3A_736 = arith.constant 0 : i32
    %dma_start3A_737 = tpu.memref_slice %arg6[%mul3A_728, %dma_start3A_736] : memref<16384x128xf32, #tpu.memory_space<hbm>> -> memref<64x128xf32, #tpu.memory_space<hbm>>
    %dma_start3A_738 = arith.constant 0 : i32
    %dma_start3A_739 = arith.constant 0 : i32
    %dma_start3A_740 = tpu.memref_slice %arg10[%dma_start3A_729, %dma_start3A_738, %dma_start3A_739] : memref<2x64x128xf32, #tpu.memory_space<vmem>> -> memref<1x64x128xf32, #tpu.memory_space<vmem>>
    %dma_start3A_741 = tpu.memref_squeeze %dma_start3A_740 : memref<1x64x128xf32, #tpu.memory_space<vmem>> -> memref<64x128xf32, #tpu.memory_space<vmem>>
    tpu.enqueue_dma source(%dma_start3A_741 : memref<64x128xf32, #tpu.memory_space<vmem>>) target(%dma_start3A_737 : memref<64x128xf32, #tpu.memory_space<hbm>>) target_semaphore(%arg13 : memref<!tpu.dma_semaphore, #tpu.memory_space<semaphore_mem>>)
    %mul3A_742 = arith.constant 64 : i32
    %mul3A_743 = arith.muli %add3A_702, %mul3A_742 : i32
    %dma_start3A_744 = arith.constant 0 : i32
    %dma_start3A_745 = arith.constant 0 : i32
    %dma_start3A_746 = arith.constant 0 : i32
    %dma_start3A_747 = tpu.memref_slice %arg11[%dma_start3A_744, %dma_start3A_745, %dma_start3A_746] : memref<2x64x128xf32, #tpu.memory_space<vmem>> -> memref<1x64x128xf32, #tpu.memory_space<vmem>>
    %dma_start3A_748 = tpu.memref_squeeze %dma_start3A_747 : memref<1x64x128xf32, #tpu.memory_space<vmem>> -> memref<64x128xf32, #tpu.memory_space<vmem>>
    %dma_start3A_749 = arith.constant 0 : i32
    %dma_start3A_750 = tpu.memref_slice %arg7[%mul3A_743, %dma_start3A_749] : memref<16384x128xf32, #tpu.memory_space<hbm>> -> memref<64x128xf32, #tpu.memory_space<hbm>>
    %dma_start3A_751 = arith.constant 0 : i32
    %dma_start3A_752 = tpu.memref_slice %arg7[%mul3A_743, %dma_start3A_751] : memref<16384x128xf32, #tpu.memory_space<hbm>> -> memref<64x128xf32, #tpu.memory_space<hbm>>
    %dma_start3A_753 = arith.constant 0 : i32
    %dma_start3A_754 = arith.constant 0 : i32
    %dma_start3A_755 = tpu.memref_slice %arg11[%dma_start3A_744, %dma_start3A_753, %dma_start3A_754] : memref<2x64x128xf32, #tpu.memory_space<vmem>> -> memref<1x64x128xf32, #tpu.memory_space<vmem>>
    %dma_start3A_756 = tpu.memref_squeeze %dma_start3A_755 : memref<1x64x128xf32, #tpu.memory_space<vmem>> -> memref<64x128xf32, #tpu.memory_space<vmem>>
    tpu.enqueue_dma source(%dma_start3A_756 : memref<64x128xf32, #tpu.memory_space<vmem>>) target(%dma_start3A_752 : memref<64x128xf32, #tpu.memory_space<hbm>>) target_semaphore(%arg13 : memref<!tpu.dma_semaphore, #tpu.memory_space<semaphore_mem>>)
    %mul3A_757 = arith.constant 8 : i32
    %mul3A_758 = arith.muli %add3A, %mul3A_757 : i32
    %add3A_759 = arith.constant 7 : i32
    %add3A_760 = arith.addi %mul3A_758, %add3A_759 : i32
    %dma_wait3A_761 = arith.constant 7 : i32
    %dma_wait3A_762 = arith.constant 1 : i32
    %dma_wait3A_763 = arith.constant 0 : i32
    %dma_wait3A_764 = arith.constant 0 : i32
    %dma_wait3A_765 = tpu.memref_slice %arg10[%dma_wait3A_762, %dma_wait3A_763, %dma_wait3A_764] : memref<2x64x128xf32, #tpu.memory_space<vmem>> -> memref<1x64x128xf32, #tpu.memory_space<vmem>>
    %dma_wait3A_766 = tpu.memref_squeeze %dma_wait3A_765 : memref<1x64x128xf32, #tpu.memory_space<vmem>> -> memref<64x128xf32, #tpu.memory_space<vmem>>
    %dma_wait3A_767 = arith.constant 0 : i32
    %dma_wait3A_768 = tpu.memref_slice %arg8[%dma_wait3A_761, %dma_wait3A_767] : memref<8x64xi32, #tpu.memory_space<vmem>> -> memref<1x64xi32, #tpu.memory_space<vmem>>
    %dma_wait3A_769 = tpu.memref_squeeze %dma_wait3A_768 : memref<1x64xi32, #tpu.memory_space<vmem>> -> memref<64xi32, #tpu.memory_space<vmem>>
    %dma_wait3A_770 = arith.constant 0 : i32
    %dma_wait3A_771 = arith.constant 0 : i32
    %dma_wait3A_772 = tpu.memref_slice %arg2[%dma_wait3A_770, %dma_wait3A_771] : memref<10240x128xf32, #tpu.memory_space<hbm>> -> memref<10240x128xf32, #tpu.memory_space<hbm>>
    tpu.wait_indirect_dma semaphore(%arg12 : memref<!tpu.dma_semaphore, #tpu.memory_space<semaphore_mem>>) src(%dma_wait3A_772 : memref<10240x128xf32, #tpu.memory_space<hbm>>) dst(%dma_wait3A_766 : memref<64x128xf32, #tpu.memory_space<vmem>>)
    %dma_wait3A_773 = arith.constant 7 : i32
    %dma_wait3A_774 = arith.constant 1 : i32
    %dma_wait3A_775 = arith.constant 0 : i32
    %dma_wait3A_776 = arith.constant 0 : i32
    %dma_wait3A_777 = tpu.memref_slice %arg11[%dma_wait3A_774, %dma_wait3A_775, %dma_wait3A_776] : memref<2x64x128xf32, #tpu.memory_space<vmem>> -> memref<1x64x128xf32, #tpu.memory_space<vmem>>
    %dma_wait3A_778 = tpu.memref_squeeze %dma_wait3A_777 : memref<1x64x128xf32, #tpu.memory_space<vmem>> -> memref<64x128xf32, #tpu.memory_space<vmem>>
    %dma_wait3A_779 = arith.constant 0 : i32
    %dma_wait3A_780 = tpu.memref_slice %arg9[%dma_wait3A_773, %dma_wait3A_779] : memref<8x64xi32, #tpu.memory_space<vmem>> -> memref<1x64xi32, #tpu.memory_space<vmem>>
    %dma_wait3A_781 = tpu.memref_squeeze %dma_wait3A_780 : memref<1x64xi32, #tpu.memory_space<vmem>> -> memref<64xi32, #tpu.memory_space<vmem>>
    %dma_wait3A_782 = arith.constant 0 : i32
    %dma_wait3A_783 = arith.constant 0 : i32
    %dma_wait3A_784 = tpu.memref_slice %arg3[%dma_wait3A_782, %dma_wait3A_783] : memref<16640x128xf32, #tpu.memory_space<hbm>> -> memref<16640x128xf32, #tpu.memory_space<hbm>>
    tpu.wait_indirect_dma semaphore(%arg12 : memref<!tpu.dma_semaphore, #tpu.memory_space<semaphore_mem>>) src(%dma_wait3A_784 : memref<16640x128xf32, #tpu.memory_space<hbm>>) dst(%dma_wait3A_778 : memref<64x128xf32, #tpu.memory_space<vmem>>)
    %mul3A_785 = arith.constant 64 : i32
    %mul3A_786 = arith.muli %add3A_760, %mul3A_785 : i32
    %dma_start3A_787 = arith.constant 1 : i32
    %dma_start3A_788 = arith.constant 0 : i32
    %dma_start3A_789 = arith.constant 0 : i32
    %dma_start3A_790 = tpu.memref_slice %arg10[%dma_start3A_787, %dma_start3A_788, %dma_start3A_789] : memref<2x64x128xf32, #tpu.memory_space<vmem>> -> memref<1x64x128xf32, #tpu.memory_space<vmem>>
    %dma_start3A_791 = tpu.memref_squeeze %dma_start3A_790 : memref<1x64x128xf32, #tpu.memory_space<vmem>> -> memref<64x128xf32, #tpu.memory_space<vmem>>
    %dma_start3A_792 = arith.constant 0 : i32
    %dma_start3A_793 = tpu.memref_slice %arg6[%mul3A_786, %dma_start3A_792] : memref<16384x128xf32, #tpu.memory_space<hbm>> -> memref<64x128xf32, #tpu.memory_space<hbm>>
    %dma_start3A_794 = arith.constant 0 : i32
    %dma_start3A_795 = tpu.memref_slice %arg6[%mul3A_786, %dma_start3A_794] : memref<16384x128xf32, #tpu.memory_space<hbm>> -> memref<64x128xf32, #tpu.memory_space<hbm>>
    %dma_start3A_796 = arith.constant 0 : i32
    %dma_start3A_797 = arith.constant 0 : i32
    %dma_start3A_798 = tpu.memref_slice %arg10[%dma_start3A_787, %dma_start3A_796, %dma_start3A_797] : memref<2x64x128xf32, #tpu.memory_space<vmem>> -> memref<1x64x128xf32, #tpu.memory_space<vmem>>
    %dma_start3A_799 = tpu.memref_squeeze %dma_start3A_798 : memref<1x64x128xf32, #tpu.memory_space<vmem>> -> memref<64x128xf32, #tpu.memory_space<vmem>>
    tpu.enqueue_dma source(%dma_start3A_799 : memref<64x128xf32, #tpu.memory_space<vmem>>) target(%dma_start3A_795 : memref<64x128xf32, #tpu.memory_space<hbm>>) target_semaphore(%arg13 : memref<!tpu.dma_semaphore, #tpu.memory_space<semaphore_mem>>)
    %mul3A_800 = arith.constant 64 : i32
    %mul3A_801 = arith.muli %add3A_760, %mul3A_800 : i32
    %dma_start3A_802 = arith.constant 1 : i32
    %dma_start3A_803 = arith.constant 0 : i32
    %dma_start3A_804 = arith.constant 0 : i32
    %dma_start3A_805 = tpu.memref_slice %arg11[%dma_start3A_802, %dma_start3A_803, %dma_start3A_804] : memref<2x64x128xf32, #tpu.memory_space<vmem>> -> memref<1x64x128xf32, #tpu.memory_space<vmem>>
    %dma_start3A_806 = tpu.memref_squeeze %dma_start3A_805 : memref<1x64x128xf32, #tpu.memory_space<vmem>> -> memref<64x128xf32, #tpu.memory_space<vmem>>
    %dma_start3A_807 = arith.constant 0 : i32
    %dma_start3A_808 = tpu.memref_slice %arg7[%mul3A_801, %dma_start3A_807] : memref<16384x128xf32, #tpu.memory_space<hbm>> -> memref<64x128xf32, #tpu.memory_space<hbm>>
    %dma_start3A_809 = arith.constant 0 : i32
    %dma_start3A_810 = tpu.memref_slice %arg7[%mul3A_801, %dma_start3A_809] : memref<16384x128xf32, #tpu.memory_space<hbm>> -> memref<64x128xf32, #tpu.memory_space<hbm>>
    %dma_start3A_811 = arith.constant 0 : i32
    %dma_start3A_812 = arith.constant 0 : i32
    %dma_start3A_813 = tpu.memref_slice %arg11[%dma_start3A_802, %dma_start3A_811, %dma_start3A_812] : memref<2x64x128xf32, #tpu.memory_space<vmem>> -> memref<1x64x128xf32, #tpu.memory_space<vmem>>
    %dma_start3A_814 = tpu.memref_squeeze %dma_start3A_813 : memref<1x64x128xf32, #tpu.memory_space<vmem>> -> memref<64x128xf32, #tpu.memory_space<vmem>>
    tpu.enqueue_dma source(%dma_start3A_814 : memref<64x128xf32, #tpu.memory_space<vmem>>) target(%dma_start3A_810 : memref<64x128xf32, #tpu.memory_space<hbm>>) target_semaphore(%arg13 : memref<!tpu.dma_semaphore, #tpu.memory_space<semaphore_mem>>)
    %dma_wait3A_815 = arith.constant 0 : i32
    %dma_wait3A_816 = arith.constant 0 : i32
    %dma_wait3A_817 = arith.constant 0 : i32
    %dma_wait3A_818 = tpu.memref_slice %arg10[%dma_wait3A_815, %dma_wait3A_816, %dma_wait3A_817] : memref<2x64x128xf32, #tpu.memory_space<vmem>> -> memref<1x64x128xf32, #tpu.memory_space<vmem>>
    %dma_wait3A_819 = tpu.memref_squeeze %dma_wait3A_818 : memref<1x64x128xf32, #tpu.memory_space<vmem>> -> memref<64x128xf32, #tpu.memory_space<vmem>>
    %dma_wait3A_820 = arith.constant 0 : i32
    %dma_wait3A_821 = tpu.memref_slice %arg6[%mul3A_728, %dma_wait3A_820] : memref<16384x128xf32, #tpu.memory_space<hbm>> -> memref<64x128xf32, #tpu.memory_space<hbm>>
    %dma_wait3A_822 = arith.constant 0 : i32
    %dma_wait3A_823 = tpu.memref_slice %arg6[%mul3A_728, %dma_wait3A_822] : memref<16384x128xf32, #tpu.memory_space<hbm>> -> memref<64x128xf32, #tpu.memory_space<hbm>>
    %dma_wait3A_824 = arith.constant 0 : i32
    %dma_wait3A_825 = arith.constant 0 : i32
    %dma_wait3A_826 = tpu.memref_slice %arg10[%dma_wait3A_815, %dma_wait3A_824, %dma_wait3A_825] : memref<2x64x128xf32, #tpu.memory_space<vmem>> -> memref<1x64x128xf32, #tpu.memory_space<vmem>>
    %dma_wait3A_827 = tpu.memref_squeeze %dma_wait3A_826 : memref<1x64x128xf32, #tpu.memory_space<vmem>> -> memref<64x128xf32, #tpu.memory_space<vmem>>
    tpu.wait_dma2 semaphore(%arg13 : memref<!tpu.dma_semaphore, #tpu.memory_space<semaphore_mem>>) src(%dma_wait3A_827 : memref<64x128xf32, #tpu.memory_space<vmem>>) dst(%dma_wait3A_823 : memref<64x128xf32, #tpu.memory_space<hbm>>)
    %dma_wait3A_828 = arith.constant 0 : i32
    %dma_wait3A_829 = arith.constant 0 : i32
    %dma_wait3A_830 = arith.constant 0 : i32
    %dma_wait3A_831 = tpu.memref_slice %arg11[%dma_wait3A_828, %dma_wait3A_829, %dma_wait3A_830] : memref<2x64x128xf32, #tpu.memory_space<vmem>> -> memref<1x64x128xf32, #tpu.memory_space<vmem>>
    %dma_wait3A_832 = tpu.memref_squeeze %dma_wait3A_831 : memref<1x64x128xf32, #tpu.memory_space<vmem>> -> memref<64x128xf32, #tpu.memory_space<vmem>>
    %dma_wait3A_833 = arith.constant 0 : i32
    %dma_wait3A_834 = tpu.memref_slice %arg7[%mul3A_743, %dma_wait3A_833] : memref<16384x128xf32, #tpu.memory_space<hbm>> -> memref<64x128xf32, #tpu.memory_space<hbm>>
    %dma_wait3A_835 = arith.constant 0 : i32
    %dma_wait3A_836 = tpu.memref_slice %arg7[%mul3A_743, %dma_wait3A_835] : memref<16384x128xf32, #tpu.memory_space<hbm>> -> memref<64x128xf32, #tpu.memory_space<hbm>>
    %dma_wait3A_837 = arith.constant 0 : i32
    %dma_wait3A_838 = arith.constant 0 : i32
    %dma_wait3A_839 = tpu.memref_slice %arg11[%dma_wait3A_828, %dma_wait3A_837, %dma_wait3A_838] : memref<2x64x128xf32, #tpu.memory_space<vmem>> -> memref<1x64x128xf32, #tpu.memory_space<vmem>>
    %dma_wait3A_840 = tpu.memref_squeeze %dma_wait3A_839 : memref<1x64x128xf32, #tpu.memory_space<vmem>> -> memref<64x128xf32, #tpu.memory_space<vmem>>
    tpu.wait_dma2 semaphore(%arg13 : memref<!tpu.dma_semaphore, #tpu.memory_space<semaphore_mem>>) src(%dma_wait3A_840 : memref<64x128xf32, #tpu.memory_space<vmem>>) dst(%dma_wait3A_836 : memref<64x128xf32, #tpu.memory_space<hbm>>)
    %dma_wait3A_841 = arith.constant 1 : i32
    %dma_wait3A_842 = arith.constant 0 : i32
    %dma_wait3A_843 = arith.constant 0 : i32
    %dma_wait3A_844 = tpu.memref_slice %arg10[%dma_wait3A_841, %dma_wait3A_842, %dma_wait3A_843] : memref<2x64x128xf32, #tpu.memory_space<vmem>> -> memref<1x64x128xf32, #tpu.memory_space<vmem>>
    %dma_wait3A_845 = tpu.memref_squeeze %dma_wait3A_844 : memref<1x64x128xf32, #tpu.memory_space<vmem>> -> memref<64x128xf32, #tpu.memory_space<vmem>>
    %dma_wait3A_846 = arith.constant 0 : i32
    %dma_wait3A_847 = tpu.memref_slice %arg6[%mul3A_786, %dma_wait3A_846] : memref<16384x128xf32, #tpu.memory_space<hbm>> -> memref<64x128xf32, #tpu.memory_space<hbm>>
    %dma_wait3A_848 = arith.constant 0 : i32
    %dma_wait3A_849 = tpu.memref_slice %arg6[%mul3A_786, %dma_wait3A_848] : memref<16384x128xf32, #tpu.memory_space<hbm>> -> memref<64x128xf32, #tpu.memory_space<hbm>>
    %dma_wait3A_850 = arith.constant 0 : i32
    %dma_wait3A_851 = arith.constant 0 : i32
    %dma_wait3A_852 = tpu.memref_slice %arg10[%dma_wait3A_841, %dma_wait3A_850, %dma_wait3A_851] : memref<2x64x128xf32, #tpu.memory_space<vmem>> -> memref<1x64x128xf32, #tpu.memory_space<vmem>>
    %dma_wait3A_853 = tpu.memref_squeeze %dma_wait3A_852 : memref<1x64x128xf32, #tpu.memory_space<vmem>> -> memref<64x128xf32, #tpu.memory_space<vmem>>
    tpu.wait_dma2 semaphore(%arg13 : memref<!tpu.dma_semaphore, #tpu.memory_space<semaphore_mem>>) src(%dma_wait3A_853 : memref<64x128xf32, #tpu.memory_space<vmem>>) dst(%dma_wait3A_849 : memref<64x128xf32, #tpu.memory_space<hbm>>)
    %dma_wait3A_854 = arith.constant 1 : i32
    %dma_wait3A_855 = arith.constant 0 : i32
    %dma_wait3A_856 = arith.constant 0 : i32
    %dma_wait3A_857 = tpu.memref_slice %arg11[%dma_wait3A_854, %dma_wait3A_855, %dma_wait3A_856] : memref<2x64x128xf32, #tpu.memory_space<vmem>> -> memref<1x64x128xf32, #tpu.memory_space<vmem>>
    %dma_wait3A_858 = tpu.memref_squeeze %dma_wait3A_857 : memref<1x64x128xf32, #tpu.memory_space<vmem>> -> memref<64x128xf32, #tpu.memory_space<vmem>>
    %dma_wait3A_859 = arith.constant 0 : i32
    %dma_wait3A_860 = tpu.memref_slice %arg7[%mul3A_801, %dma_wait3A_859] : memref<16384x128xf32, #tpu.memory_space<hbm>> -> memref<64x128xf32, #tpu.memory_space<hbm>>
    %dma_wait3A_861 = arith.constant 0 : i32
    %dma_wait3A_862 = tpu.memref_slice %arg7[%mul3A_801, %dma_wait3A_861] : memref<16384x128xf32, #tpu.memory_space<hbm>> -> memref<64x128xf32, #tpu.memory_space<hbm>>
    %dma_wait3A_863 = arith.constant 0 : i32
    %dma_wait3A_864 = arith.constant 0 : i32
    %dma_wait3A_865 = tpu.memref_slice %arg11[%dma_wait3A_854, %dma_wait3A_863, %dma_wait3A_864] : memref<2x64x128xf32, #tpu.memory_space<vmem>> -> memref<1x64x128xf32, #tpu.memory_space<vmem>>
    %dma_wait3A_866 = tpu.memref_squeeze %dma_wait3A_865 : memref<1x64x128xf32, #tpu.memory_space<vmem>> -> memref<64x128xf32, #tpu.memory_space<vmem>>
    tpu.wait_dma2 semaphore(%arg13 : memref<!tpu.dma_semaphore, #tpu.memory_space<semaphore_mem>>) src(%dma_wait3A_866 : memref<64x128xf32, #tpu.memory_space<vmem>>) dst(%dma_wait3A_862 : memref<64x128xf32, #tpu.memory_space<hbm>>)
    return
  }
}

module attributes {stable_mosaic.version = 14 : i64} {
  func.func @body(%arg0: i32, %arg1: memref<512x128xf32, #tpu.memory_space<vmem>>, %arg2: memref<128x128xf32, #tpu.memory_space<vmem>>, %arg3: memref<1x128xf32, #tpu.memory_space<vmem>>, %arg4: memref<512x128xf32, #tpu.memory_space<vmem>>) attributes {dimension_semantics = [#tpu.dimension_semantics<arbitrary>], iteration_bounds = array<i64: 20>, scalar_prefetch = 0 : i64, scratch_operands = 0 : i64, tpu.core_type = #tpu.core_type<tc>, window_params = [{transform_indices = @transform_0, window_bounds = array<i64: 512, 128>}, {pipeline_mode = #tpu.pipeline_mode<synchronous>, transform_indices = @transform_1, window_bounds = array<i64: 128, 128>}, {pipeline_mode = #tpu.pipeline_mode<synchronous>, transform_indices = @transform_2, window_bounds = array<i64: 1, 128>}, {transform_indices = @transform_3, window_bounds = array<i64: 512, 128>}]} {
    %get3A = arith.constant 0 : index
    %get3A_0 = arith.constant 0 : index
    %get3A_1 = vector.load %arg1[%get3A, %get3A_0] : memref<512x128xf32, #tpu.memory_space<vmem>>, vector<512x128xf32>
    %get3A_2 = arith.constant 0 : index
    %get3A_3 = arith.constant 0 : index
    %get3A_4 = vector.load %arg2[%get3A_2, %get3A_3] : memref<128x128xf32, #tpu.memory_space<vmem>>, vector<128x128xf32>
    %dot_general3A = arith.constant dense<0.000000e+00> : vector<512x128xf32>
    %dot_general3A_5 = tpu.matmul %get3A_1, %get3A_4, %dot_general3A {dimension_numbers = #tpu.dot_dimension_numbers<[1], [0], [0], [1], [0, 0, 1, 1], [], []>, precision = #tpu.contract_precision<fp32>, transpose_lhs_hint = false} : vector<512x128xf32>, vector<128x128xf32>, vector<512x128xf32> -> vector<512x128xf32>
    %get3A_6 = arith.constant 0 : index
    %get3A_7 = arith.constant 0 : index
    %get3A_8 = vector.load %arg3[%get3A_6, %get3A_7] : memref<1x128xf32, #tpu.memory_space<vmem>>, vector<1x128xf32>
    %add3A = vector.broadcast %get3A_8 : vector<1x128xf32> to vector<512x128xf32>
    %add3A_9 = arith.addf %dot_general3A_5, %add3A : vector<512x128xf32>
    %swap3A = arith.constant 0 : index
    %swap3A_10 = arith.constant 0 : index
    %swap3A_11 = vector.load %arg4[%swap3A, %swap3A_10] : memref<512x128xf32, #tpu.memory_space<vmem>>, vector<512x128xf32>
    tpu.vector_store %arg4[%swap3A, %swap3A_10], %add3A_9 {strides = array<i32>} : memref<512x128xf32, #tpu.memory_space<vmem>>, vector<512x128xf32>,
    return
  }
  func.func @transform_0(%arg0: i32) -> (i32, i32) {
    %c0_i32 = arith.constant 0 : i32
    %c0_i32_0 = arith.constant 0 : i32
    return %arg0, %c0_i32 : i32, i32
  }
  func.func @transform_1(%arg0: i32) -> (i32, i32) {
    %c0_i32 = arith.constant 0 : i32
    %c0_i32_0 = arith.constant 0 : i32
    %c0_i32_1 = arith.constant 0 : i32
    return %c0_i32, %c0_i32_0 : i32, i32
  }
  func.func @transform_2(%arg0: i32) -> (i32, i32) {
    %c0_i32 = arith.constant 0 : i32
    %c0_i32_0 = arith.constant 0 : i32
    %c0_i32_1 = arith.constant 0 : i32
    return %c0_i32, %c0_i32_0 : i32, i32
  }
  func.func @transform_3(%arg0: i32) -> (i32, i32) {
    %c0_i32 = arith.constant 0 : i32
    %c0_i32_0 = arith.constant 0 : i32
    return %arg0, %c0_i32 : i32, i32
  }
}

module attributes {stable_mosaic.version = 14 : i64} {
  func.func @body(%arg0: i32, %arg1: memref<2048x128xf32, #tpu.memory_space<vmem>>, %arg2: memref<128x128xf32, #tpu.memory_space<vmem>>, %arg3: memref<1x128xf32, #tpu.memory_space<vmem>>, %arg4: memref<2048x128xf32, #tpu.memory_space<vmem>>) attributes {dimension_semantics = [#tpu.dimension_semantics<arbitrary>], iteration_bounds = array<i64: 8>, scalar_prefetch = 0 : i64, scratch_operands = 0 : i64, tpu.core_type = #tpu.core_type<tc>, window_params = [{transform_indices = @transform_0, window_bounds = array<i64: 2048, 128>}, {pipeline_mode = #tpu.pipeline_mode<synchronous>, transform_indices = @transform_1, window_bounds = array<i64: 128, 128>}, {pipeline_mode = #tpu.pipeline_mode<synchronous>, transform_indices = @transform_2, window_bounds = array<i64: 1, 128>}, {transform_indices = @transform_3, window_bounds = array<i64: 2048, 128>}]} {
    %get3A = arith.constant 0 : index
    %get3A_0 = arith.constant 0 : index
    %get3A_1 = vector.load %arg1[%get3A, %get3A_0] : memref<2048x128xf32, #tpu.memory_space<vmem>>, vector<2048x128xf32>
    %get3A_2 = arith.constant 0 : index
    %get3A_3 = arith.constant 0 : index
    %get3A_4 = vector.load %arg2[%get3A_2, %get3A_3] : memref<128x128xf32, #tpu.memory_space<vmem>>, vector<128x128xf32>
    %dot_general3A = arith.constant dense<0.000000e+00> : vector<2048x128xf32>
    %dot_general3A_5 = tpu.matmul %get3A_1, %get3A_4, %dot_general3A {dimension_numbers = #tpu.dot_dimension_numbers<[1], [0], [0], [1], [0, 0, 1, 1], [], []>, precision = #tpu.contract_precision<fp32>, transpose_lhs_hint = false} : vector<2048x128xf32>, vector<128x128xf32>, vector<2048x128xf32> -> vector<2048x128xf32>
    %get3A_6 = arith.constant 0 : index
    %get3A_7 = arith.constant 0 : index
    %get3A_8 = vector.load %arg3[%get3A_6, %get3A_7] : memref<1x128xf32, #tpu.memory_space<vmem>>, vector<1x128xf32>
    %add3A = vector.broadcast %get3A_8 : vector<1x128xf32> to vector<2048x128xf32>
    %add3A_9 = arith.addf %dot_general3A_5, %add3A : vector<2048x128xf32>
    %swap3A = arith.constant 0 : index
    %swap3A_10 = arith.constant 0 : index
    %swap3A_11 = vector.load %arg4[%swap3A, %swap3A_10] : memref<2048x128xf32, #tpu.memory_space<vmem>>, vector<2048x128xf32>
    tpu.vector_store %arg4[%swap3A, %swap3A_10], %add3A_9 {strides = array<i32>} : memref<2048x128xf32, #tpu.memory_space<vmem>>, vector<2048x128xf32>,
    return
  }
  func.func @transform_0(%arg0: i32) -> (i32, i32) {
    %c0_i32 = arith.constant 0 : i32
    %c0_i32_0 = arith.constant 0 : i32
    return %arg0, %c0_i32 : i32, i32
  }
  func.func @transform_1(%arg0: i32) -> (i32, i32) {
    %c0_i32 = arith.constant 0 : i32
    %c0_i32_0 = arith.constant 0 : i32
    %c0_i32_1 = arith.constant 0 : i32
    return %c0_i32, %c0_i32_0 : i32, i32
  }
  func.func @transform_2(%arg0: i32) -> (i32, i32) {
    %c0_i32 = arith.constant 0 : i32
    %c0_i32_0 = arith.constant 0 : i32
    %c0_i32_1 = arith.constant 0 : i32
    return %c0_i32, %c0_i32_0 : i32, i32
  }
  func.func @transform_3(%arg0: i32) -> (i32, i32) {
    %c0_i32 = arith.constant 0 : i32
    %c0_i32_0 = arith.constant 0 : i32
    return %arg0, %c0_i32 : i32, i32
  }
}

module attributes {stable_mosaic.version = 14 : i64} {
  func.func @body(%arg0: i32, %arg1: memref<512x128xf32, #tpu.memory_space<vmem>>, %arg2: memref<512x128xf32, #tpu.memory_space<vmem>>, %arg3: memref<512x128xf32, #tpu.memory_space<vmem>>, %arg4: memref<512x128xf32, #tpu.memory_space<vmem>>, %arg5: memref<128x128xf32, #tpu.memory_space<vmem>>, %arg6: memref<128x128xf32, #tpu.memory_space<vmem>>, %arg7: memref<1x128xf32, #tpu.memory_space<vmem>>, %arg8: memref<512x128xf32, #tpu.memory_space<vmem>>) attributes {dimension_semantics = [#tpu.dimension_semantics<arbitrary>], iteration_bounds = array<i64: 32>, scalar_prefetch = 0 : i64, scratch_operands = 0 : i64, tpu.core_type = #tpu.core_type<tc>, window_params = [{transform_indices = @transform_0, window_bounds = array<i64: 512, 128>}, {transform_indices = @transform_1, window_bounds = array<i64: 512, 128>}, {transform_indices = @transform_2, window_bounds = array<i64: 512, 128>}, {transform_indices = @transform_3, window_bounds = array<i64: 512, 128>}, {pipeline_mode = #tpu.pipeline_mode<synchronous>, transform_indices = @transform_4, window_bounds = array<i64: 128, 128>}, {pipeline_mode = #tpu.pipeline_mode<synchronous>, transform_indices = @transform_5, window_bounds = array<i64: 128, 128>}, {pipeline_mode = #tpu.pipeline_mode<synchronous>, transform_indices = @transform_6, window_bounds = array<i64: 1, 128>}, {transform_indices = @transform_7, window_bounds = array<i64: 512, 128>}]} {
    %get3A = arith.constant 0 : index
    %get3A_0 = arith.constant 0 : index
    %get3A_1 = vector.load %arg1[%get3A, %get3A_0] : memref<512x128xf32, #tpu.memory_space<vmem>>, vector<512x128xf32>
    %get3A_2 = arith.constant 0 : index
    %get3A_3 = arith.constant 0 : index
    %get3A_4 = vector.load %arg2[%get3A_2, %get3A_3] : memref<512x128xf32, #tpu.memory_space<vmem>>, vector<512x128xf32>
    %add3A = arith.addf %get3A_1, %get3A_4 : vector<512x128xf32>
    %get3A_5 = arith.constant 0 : index
    %get3A_6 = arith.constant 0 : index
    %get3A_7 = vector.load %arg3[%get3A_5, %get3A_6] : memref<512x128xf32, #tpu.memory_space<vmem>>, vector<512x128xf32>
    %get3A_8 = arith.constant 0 : index
    %get3A_9 = arith.constant 0 : index
    %get3A_10 = vector.load %arg4[%get3A_8, %get3A_9] : memref<512x128xf32, #tpu.memory_space<vmem>>, vector<512x128xf32>
    %sub3A = arith.subf %get3A_7, %get3A_10 : vector<512x128xf32>
    %get3A_11 = arith.constant 0 : index
    %get3A_12 = arith.constant 0 : index
    %get3A_13 = vector.load %arg5[%get3A_11, %get3A_12] : memref<128x128xf32, #tpu.memory_space<vmem>>, vector<128x128xf32>
    %dot_general3A = arith.constant dense<0.000000e+00> : vector<512x128xf32>
    %dot_general3A_14 = tpu.matmul %add3A, %get3A_13, %dot_general3A {dimension_numbers = #tpu.dot_dimension_numbers<[1], [0], [0], [1], [0, 0, 1, 1], [], []>, precision = #tpu.contract_precision<fp32>, transpose_lhs_hint = false} : vector<512x128xf32>, vector<128x128xf32>, vector<512x128xf32> -> vector<512x128xf32>
    %get3A_15 = arith.constant 0 : index
    %get3A_16 = arith.constant 0 : index
    %get3A_17 = vector.load %arg6[%get3A_15, %get3A_16] : memref<128x128xf32, #tpu.memory_space<vmem>>, vector<128x128xf32>
    %dot_general3A_18 = arith.constant dense<0.000000e+00> : vector<512x128xf32>
    %dot_general3A_19 = tpu.matmul %sub3A, %get3A_17, %dot_general3A_18 {dimension_numbers = #tpu.dot_dimension_numbers<[1], [0], [0], [1], [0, 0, 1, 1], [], []>, precision = #tpu.contract_precision<fp32>, transpose_lhs_hint = false} : vector<512x128xf32>, vector<128x128xf32>, vector<512x128xf32> -> vector<512x128xf32>
    %add3A_20 = arith.addf %dot_general3A_14, %dot_general3A_19 : vector<512x128xf32>
    %get3A_21 = arith.constant 0 : index
    %get3A_22 = arith.constant 0 : index
    %get3A_23 = vector.load %arg7[%get3A_21, %get3A_22] : memref<1x128xf32, #tpu.memory_space<vmem>>, vector<1x128xf32>
    %add3A_24 = vector.broadcast %get3A_23 : vector<1x128xf32> to vector<512x128xf32>
    %add3A_25 = arith.addf %add3A_20, %add3A_24 : vector<512x128xf32>
    %swap3A = arith.constant 0 : index
    %swap3A_26 = arith.constant 0 : index
    %swap3A_27 = vector.load %arg8[%swap3A, %swap3A_26] : memref<512x128xf32, #tpu.memory_space<vmem>>, vector<512x128xf32>
    tpu.vector_store %arg8[%swap3A, %swap3A_26], %add3A_25 {strides = array<i32>} : memref<512x128xf32, #tpu.memory_space<vmem>>, vector<512x128xf32>,
    return
  }
  func.func @transform_0(%arg0: i32) -> (i32, i32) {
    %c0_i32 = arith.constant 0 : i32
    %c0_i32_0 = arith.constant 0 : i32
    return %arg0, %c0_i32 : i32, i32
  }
  func.func @transform_1(%arg0: i32) -> (i32, i32) {
    %c0_i32 = arith.constant 0 : i32
    %c0_i32_0 = arith.constant 0 : i32
    return %arg0, %c0_i32 : i32, i32
  }
  func.func @transform_2(%arg0: i32) -> (i32, i32) {
    %c0_i32 = arith.constant 0 : i32
    %c0_i32_0 = arith.constant 0 : i32
    return %arg0, %c0_i32 : i32, i32
  }
  func.func @transform_3(%arg0: i32) -> (i32, i32) {
    %c0_i32 = arith.constant 0 : i32
    %c0_i32_0 = arith.constant 0 : i32
    return %arg0, %c0_i32 : i32, i32
  }
  func.func @transform_4(%arg0: i32) -> (i32, i32) {
    %c0_i32 = arith.constant 0 : i32
    %c0_i32_0 = arith.constant 0 : i32
    %c0_i32_1 = arith.constant 0 : i32
    return %c0_i32, %c0_i32_0 : i32, i32
  }
  func.func @transform_5(%arg0: i32) -> (i32, i32) {
    %c0_i32 = arith.constant 0 : i32
    %c0_i32_0 = arith.constant 0 : i32
    %c0_i32_1 = arith.constant 0 : i32
    return %c0_i32, %c0_i32_0 : i32, i32
  }
  func.func @transform_6(%arg0: i32) -> (i32, i32) {
    %c0_i32 = arith.constant 0 : i32
    %c0_i32_0 = arith.constant 0 : i32
    %c0_i32_1 = arith.constant 0 : i32
    return %c0_i32, %c0_i32_0 : i32, i32
  }
  func.func @transform_7(%arg0: i32) -> (i32, i32) {
    %c0_i32 = arith.constant 0 : i32
    %c0_i32_0 = arith.constant 0 : i32
    return %arg0, %c0_i32 : i32, i32
  }
}

</mosaic_0001>

<sc_bundles>
// kernel: kernel.10.cloned.1.call-start
scs
__scs_entry_jumppad:
0x0: {  	(pc) =	sbr.rel $0x88, $3  }
0x1: {  	(tag) =	ssettag $0x0;
	lr =	simm.s32 $0x1  }
0x2: {  	[smem:$0x3F99] =	sst lr;
	_ =	strace $0xD0000000  }
0x3: {  	_ = 	snop  }
0x4: {  	_ = 	snop  }
0x5: {  	_ = 	snop  }
0x6: {  	_ = 	snop  }
0x7: {  	_ = 	snop  }
__scs_overlays_trampoline_lowered:
0x8: {  	[smem:$0x3FA8] =	sst s0  }
0x9: {  	[smem:$0x3FA9] =	sst s1  }
0xa: {  	[smem:$0x3FAA] =	sst s2  }
0xb: {  	[smem:$0x3FAB] =	sst s3  }
0xc: {  	[smem:$0x3FAC] =	sst s4  }
0xd: {  	[smem:$0x3FAD] =	sst s5  }
0xe: {  	[smem:$0x3FAE] =	sst s6  }
0xf: {  	[smem:$0x3FAF] =	sst s7  }
0x10: {  	[smem:$0x3FB0] =	sst s8  }
0x11: {  	[smem:$0x3FB1] =	sst s9;
	s0 =	simm.s32 @!p0 $0x0  }
0x12: {  	s1 =	sld [smem:$0x3F97];
	s0 =	simm.s32 @p0 $0x1  }
0x13: {  	[smem:$0x3FB2] =	sst s0;
	s0 =	simm.s32 @!p1 $0x0  }
0x14: {  	s2 =	sld [smem:$0x3F96];
	s0 =	simm.s32 @p1 $0x1  }
0x15: {  	[smem:$0x3FB3] =	sst s0;
	s0 =	simm.s32 @!p2 $0x0  }
0x16: {  	s3 =	sld [smem:$0x3FDB];
	s0 =	simm.s32 @p2 $0x1  }
0x17: {  	s4 =	simm.s32 $0x1BF5;
	[smem:$0x3FB5] =	sst s0  }
0x18: {  	s0 =	sld [smem:$0x3F98];
	_ =	swait.ge [sflag:s4], $0x0  }
0x19: {  	s7 =	sld [smem:$0x3F99]  }
0x1a: {  	s8 =	sadd.s32 $0xFFFFE003, lr  }
0x1b: {  	s9 =	sadd.s32 $0xFFFFFEF7, lr;
	s5 =	simm.s32 $0xFFFFFFFF;
	p2 =	slt.u32 s8, $0xFFFFF086  }
0x1c: {  	p1 =	slt.u32 s9, $0xF7A;
	s5 =	simm.s32 @!p2 $0x0  }
0x1d: {  	s5 =	simm.s32 @p1 $0x1;
	p0 =	seq.s32 s7, s2  }
0x1e: {  	s7 =	smul.u32 @!p0 $0xF7A, s2;
	p2 =	seq.s32 @!p0 s5, $0x0  }
0x1f: {  	s9 =	smul.u32 $0xF7A, s1;
	s8 =	simm.s32 @!p0 $0x1BF5;
	p2 =	por !p2, p0  }
0x20: {  	[sflag:s8] =	ssyncset.s32 @!p0 $0xFFFFF086;
	s6 =	sadd.s32 @!p0 s3, s7;
	s7 =	simm.s32 @!p0 $0x108  }
0x21: {  	s3 =	sadd.s32 s3, s9;
	s6 =	sadd.s32 @!p0 $0x88, s6;
	s7 =	simm.s32 @p2 $0x1082  }
0x22: {  	[simem:s7], [sflag:s8] =	dma.local @!p0 [hbm:s6], $0xF7A  }
0x23: {  	s9 =	sor.u32 $0xD0000000, s2;
	s6 =	simm.s32 $0x108;
	_ =	swait.ge @!p0 [sflag:s8], $0x0  }
0x24: {  	s3 =	sadd.s32 $0x88, s3;
	s6 =	simm.s32 @!p1 $0x1082;
	[sflag:s4] =	ssyncset.s32 $0xFFFFF086  }
0x25: {  	[simem:s6], [sflag:s4] =	dma.local [hbm:s3], $0xF7A  }
0x26: {  	[smem:$0x3F99] =	sst s1;
	(tag) =	ssettag s2;
	_ =	strace s9  }
0x27: {  	s1 =	sld [smem:$0x3FA9]  }
0x28: {  	s2 =	sld [smem:$0x3FAA]  }
0x29: {  	s4 =	sld [smem:$0x3FAC]  }
0x2a: {  	p0 =	seq.s32 s5, $0x0;
	s5 =	sld [smem:$0x3FAD]  }
0x2b: {  	s6 =	sld [smem:$0x3FAE]  }
0x2c: {  	s7 =	sld [smem:$0x3FAF]  }
0x2d: {  	s3 =	simm.s32 $0x108;
	s8 =	sld [smem:$0x3FB0]  }
0x2e: {  	s3 =	simm.s32 @!p0 $0x1082;
	s9 =	sld [smem:$0x3FB1]  }
0x2f: {  	lr =	sadd.s32 s0, s3;
	s0 =	sld [smem:$0x3FA8]  }
0x30: {  	s3 =	sld [smem:$0x3FAB]  }
0x31: {  	[smem:$0x3FB4] =	sst s10  }
0x32: {  	s10 =	sld [smem:$0x3FB2];
	_ =	sdelay $0x3  }
0x33: {  	p0 =	seq.s32 s10, $0x1;
	s10 =	sld [smem:$0x3FB4];
	_ =	sdelay $0x3  }
0x34: {  	[smem:$0x3FB4] =	sst s10  }
0x35: {  	s10 =	sld [smem:$0x3FB3];
	_ =	sdelay $0x3  }
0x36: {  	p1 =	seq.s32 s10, $0x1;
	s10 =	sld [smem:$0x3FB4];
	_ =	sdelay $0x3  }
0x37: {  	[smem:$0x3FB4] =	sst s10  }
0x38: {  	s10 =	sld [smem:$0x3FB5]  }
0x39: {  	_ = 	snop;
	(pc) =	sbr.ind lr, $3  }
0x3a: {  	_ = 	snop  }
0x3b: {  	_ = 	snop  }
0x3c: {  	p2 =	seq.s32 s10, $0x1;
	s10 =	sld [smem:$0x3FB4]  }
0x3d: {  	_ =	shalt  }
0x3e: {  	_ =	shalt  }
0x3f: {  	_ =	shalt  }
0x40: {  	_ =	shalt  }
0x41: {  	_ =	shalt  }
0x42: {  	_ =	shalt  }
0x43: {  	_ =	shalt  }
0x44: {  	_ =	shalt  }
0x45: {  	_ =	shalt  }
0x46: {  	_ =	shalt  }
0x47: {  	_ =	shalt  }
0x48: {  	_ =	shalt  }
0x49: {  	_ =	shalt  }
0x4a: {  	_ =	shalt  }
0x4b: {  	_ =	shalt  }
0x4c: {  	_ =	shalt  }
0x4d: {  	_ =	shalt  }
0x4e: {  	_ =	shalt  }
0x4f: {  	_ =	shalt  }
0x50: {  	_ =	shalt  }
0x51: {  	_ =	shalt  }
0x52: {  	_ =	shalt  }
0x53: {  	_ =	shalt  }
0x54: {  	_ =	shalt  }
0x55: {  	_ =	shalt  }
0x56: {  	_ =	shalt  }
0x57: {  	_ =	shalt  }
0x58: {  	_ =	shalt  }
0x59: {  	_ =	shalt  }
0x5a: {  	_ =	shalt  }
0x5b: {  	_ =	shalt  }
0x5c: {  	_ =	shalt  }
0x5d: {  	_ =	shalt  }
0x5e: {  	_ =	shalt  }
0x5f: {  	_ =	shalt  }
0x60: {  	_ =	shalt  }
0x61: {  	_ =	shalt  }
0x62: {  	_ =	shalt  }
0x63: {  	_ =	shalt  }
0x64: {  	_ =	shalt  }
0x65: {  	_ =	shalt  }
0x66: {  	_ =	shalt  }
0x67: {  	_ =	shalt  }
0x68: {  	_ =	shalt  }
0x69: {  	_ =	shalt  }
0x6a: {  	_ =	shalt  }
0x6b: {  	_ =	shalt  }
0x6c: {  	_ =	shalt  }
0x6d: {  	_ =	shalt  }
0x6e: {  	_ =	shalt  }
0x6f: {  	_ =	shalt  }
0x70: {  	_ =	shalt  }
0x71: {  	_ =	shalt  }
0x72: {  	_ =	shalt  }
0x73: {  	_ =	shalt  }
0x74: {  	_ =	shalt  }
0x75: {  	_ =	shalt  }
0x76: {  	_ =	shalt  }
0x77: {  	_ =	shalt  }
0x78: {  	_ =	shalt  }
0x79: {  	_ =	shalt  }
0x7a: {  	_ =	shalt  }
0x7b: {  	_ =	shalt  }
0x7c: {  	_ =	shalt  }
0x7d: {  	_ =	shalt  }
0x7e: {  	_ =	shalt  }
0x7f: {  	_ =	shalt  }
0x80: {  	_ =	shalt  }
0x81: {  	_ =	shalt  }
0x82: {  	_ =	shalt  }
0x83: {  	_ =	shalt  }
0x84: {  	_ =	shalt  }
0x85: {  	_ =	shalt  }
0x86: {  	_ =	shalt  }
0x87: {  	_ =	shalt  }
.Lfunc_end0:
.L_simem_size_0:
called_computation.1_lowered:
.L_overlay_start_0:
0x88: {  	s2 =	sld [smem:$0x3FD9]  }
0x89: {  	s3 =	sld [smem:$0x3FFE];
	_ =	sdelay $0x1  }
0x8a: {  	s1 =	srdreg.scid  }
0x8b: {  	s0 =	sand.u32 $0x1, s1  }
0x8c: {  	s16 =	sshll.u32 s0, $0xA;
	s2 =	sadd.s32 s3, s2  }
0x8d: {  	s2 =	sadd.s32 s2, s16  }
0x8e: {  	[smem:$0x3FC0] =	sst s2  }
0x8f: {  	_ = 	snop  }
0x90: {  	(tm) =	ssettm $0x1  }
0x91: {  	s17 =	sld [smem:$0x3FFB];
	_ =	sdelay $0x3  }
0x92: {  	_ =	strace s17  }
0x93: {  	s2 =	sld [smem:$0x3FFC];
	_ =	sdelay $0x3  }
0x94: {  	_ =	strace s2  }
0x95: {  	s2 =	sld [smem:$0x3FFD];
	_ =	sdelay $0x3  }
0x96: {  	_ =	strace s2  }
0x97: {  	_ =	strace $0x8FFFFFFF  }
0x98: {  	s18 =	sld [smem:$0x3FDB];
	_ =	sdelay $0x1  }
0x99: {  	s19 =	simm.s32 $_scs_section_size  }
0x9a: {  	s4 =	simm.s32 $_size__tile_overlayer_lowered;
	s5 =	simm.s32 $_tile_overlayer_lowered  }
0x9b: {  	s22 =	simm.s32 $0x1BFF;
	s21 =	sshll.u32 s5, $0x1;
	s2 =	sadd.s32 s19, s18  }
0x9c: {  	s6 =	simm.s32 $0x0;
	s20 =	sshll.u32 s4, $0x1;
	s4 =	sadd.s32 s21, s2  }
0x9d: {  	[timem:s6], [sflag:s22] =	dma.local [hbm:s4], s20  }
0x9e: {  	_ =	swait.ge [sflag:s22], s20  }
0x9f: {  	s3 =	ssub.s32 $0x0, s20;
	[sflag:s22] =	ssyncset.done $0x0  }
0xa0: {  	[sflag:s22] =	ssyncadd.s32 s3;
	_ =	sdelay $0x1  }
0xa1: {  	s23 =	simm.s32 $0x1B8B  }
0xa2: {  	_ =	swait.ge [sflag:s23], $0x1  }
0xa3: {  	[sflag:s23] =	ssyncset.done $0x0  }
0xa4: {  	s25 =	simm.s32 $0x1B8E;
	s24 =	sld [smem:$0x3FFE];
	[sflag:s23] =	ssyncadd.s32 $0xFFFFFFFF  }
0xa5: {  	s26 =	simm.s32 $execute0_lowered;
	[smem:$0x3FD2] =	sst s25  }
0xa6: {  	s4 =	sshll.u32 s26, $0x1;
	_ =	strace $0x80000049;
	[dreg:$0x1] =	wrdreg $0xFFFFFFFF  }
0xa7: {  	s28 =	simm.s32 $_size_execute0_lowered;
	s2 =	sadd.s32 s2, s4;
	[dreg:$0x0] =	wrdreg $0x0  }
0xa8: {  	s4 =	sshll.u32 s28, $0x1;
	[dreg:$0x2] =	wrdreg s2  }
0xa9: {  	[dreg:$0x3] =	wrdreg s4  }
0xaa: {  	[dreg:$0x4] =	wrdreg $0xC0  }
0xab: {  	_ =	task [dreg:s6], $0x5FFFF  }
0xac: {  	[dreg:$0x1] =	wrdreg $0xFFFFFFFF  }
0xad: {  	[dreg:$0x0] =	wrdreg $0x60  }
0xae: {  	[dreg:$0x2] =	wrdreg s24  }
0xaf: {  	[dreg:$0x3] =	wrdreg $0x9  }
0xb0: {  	_ =	task.clear_ibuf [dreg:s6], $0x4FFFF;
	_ =	strace $0x90000049  }
0xb1: {  	s29 =	simm.s32 $0x9;
	_ =	strace $0x8000004B  }
0xb2: {  	_ =	swait.ge [sflag:s29], $0x1  }
0xb3: {  	[sflag:s29] =	ssyncadd.s32 $0xFFFFFFFF  }
0xb4: {  	_ =	strace $0x9000004B  }
0xb5: {  	_ =	sfence  }
0xb6: {  	s30 =	sld [smem:$0x0];
	_ =	sdelay $0x2  }
0xb7: {  	s31 =	sshll.u32 s1, $0xD;
	s1 =	sshrl.u32 s1, $0x2  }
0xb8: {  	s3 =	sand.u32 $0x4000, s31;
	s1 =	sadd.s32 s1, s30  }
0xb9: {  	s0 =	sor.u32 s3, s0;
	s1 =	sshll.u32 s1, $0x11  }
0xba: {  	s0 =	sor.u32 s1, s0  }
0xbb: {  	s0 =	sadd.s32 $0x8F2B, s0  }
0xbc: {  	[sflag:s0] =	ssyncadd.remote.s32 $0x1  }
0xbd: {  	_ =	sfence.sel $0xFFFF  }
0xbe: {  	[dreg:$0x0] =	wrdreg $0xFFFFFFFF;
	(pc) =	sbr.abs _section_cstart, $3  }
0xbf: {  	[dreg:$0x1] =	wrdreg $0xFFFFFFFF  }
0xc0: {  	_ =	task.clear_ibuf [dreg:s6], $0x2FFFF;
	_ =	strace $0x9FFFFFFF  }
0xc1: {  	(tm) =	ssettm $0x7FFFFFFF  }
tec
execute0_lowered:
.L_overlay_start_1:
0x0: {  	(tag) =	ssettag $0x1  }
0x1: {  	s0 =	srdreg.scid  }
0x2: {  	s15 =	stileid.u32;
	s4 =	rddreg [dreg:$0x0]  }
0x3: {  	s2 =	simm.s32 $0x0;
	s29 =	simm.s32 $0x3;
	s28 =	simm.s32 $0x400  }
0x4: {  	s31 =	simm.s32 $0x480;
	s30 =	simm.s32 $0x500;
	p0 =	por $0x0, $0x0  }
0x5: {  	s0 =	sand.u32 $0x1, s0;
	s1 =	sshll.u32 s15, $0x1;
	[smem:$0x7FF] =	sst s2  }
0x6: {  	s5 =	sadd.s32 $0xD7200, s4;
	s1 =	sor.u32 s0, s1;
	_ =	strace $0x8000004A  }
0x7: {  	s0 =	ssub.s32 $0x2, s0;
	s3 =	sshll.u32 s1, $0x7;
	s1 =	sshll.u32 s1, $0xD  }
0x8: {  	s9 =	sshrl.u32 s0, $0x1;
	s3 =	sadd.s32 s3, s4;
	s10 =	sadd.s32 s5, s1  }
0x9: {  	s7 =	sor.u32 $0x400, s1;
	s8 =	sor.u32 $0x800, s1;
	s16 =	sor.u32 $0xC00, s1  }
0xa: {  	s19 =	sor.u32 $0x1000, s1;
	s6 =	sadd.s32 $0xD5200, s3;
	[dreg:$0x4] =	wrdreg s10  }
0xb: {  	s22 =	sor.u32 $0x1400, s1;
	s3 =	sadd.s32 $0xD6200, s3;
	[dreg:$0x2] =	wrdreg s6  }
0xc: {  	s25 =	sor.u32 $0x1800, s1;
	s12 =	sadd.s32 s5, s7;
	[dreg:$0x3] =	wrdreg s3  }
0xd: {  	s0 =	ssub.s32 s0, s9;
	s13 =	sadd.s32 s5, s8;
	[dreg:$0x6] =	wrdreg s12  }
0xe: {  	s9 =	simm.s32 $0x2800;
	s17 =	sadd.s32 s5, s16;
	[dreg:$0x8] =	wrdreg s13  }
0xf: {  	s20 =	sadd.s32 s5, s19;
	s23 =	sadd.s32 s5, s22;
	[dreg:$0xa] =	wrdreg s17  }
0x10: {  	s26 =	sadd.s32 s5, s25;
	s0 =	smax.u32 s0, $0x1;
	[dreg:$0xc] =	wrdreg s20  }
0x11: {  	s10 =	simm.s32 $0x6800;
	s6 =	sadd.s32 $0x117200, s4;
	[dreg:$0xe] =	wrdreg s23  }
0x12: {  	s3 =	sadd.s32 $0x2C200, s4;
	s4 =	sadd.s32 $0x54200, s4;
	[dreg:$0x10] =	wrdreg s26  }
0x13: {  	s12 =	simm.s32 $0x800;
	s13 =	simm.s32 $0x4800;
	s26 =	simm.s32 $0x100  }
0x14: {  	s23 =	simm.s32 $0x600;
	p1 =	sne.s32 s0, $0x1;
	s11 =	sadd.s32 s6, s1  }
0x15: {  	s24 =	sadd.s32 s6, s22;
	s22 =	sadd.s32 $0xFFFFFFFF, s0;
	s0 =	rddreg [dreg:$0x2]  }
0x16: {  	s20 =	simm.s32 $0x280;
	s7 =	sadd.s32 s6, s7;
	[dreg:$0x5] =	wrdreg s11  }
0x17: {  	s17 =	simm.s32 $0x780;
	s14 =	sadd.s32 s6, s8;
	[dreg:$0x7] =	wrdreg s7  }
0x18: {  	s18 =	sadd.s32 s6, s16;
	s21 =	sadd.s32 s6, s19;
	[dreg:$0x9] =	wrdreg s14  }
0x19: {  	s8 =	sadd.s32 s6, s25;
	s1 =	sor.u32 $0x1C00, s1;
	[dreg:$0xb] =	wrdreg s18  }
.Ltmp0:
0x1a: {  	s25 =	simm.s32 $0x580;
	[dreg:$0xd] =	wrdreg s21;
	(pc) =	sbr.rel @!p1 .LBB2_1-.Ltmp0, $4  }
0x1b: {  	s19 =	simm.s32 $0x700;
	s16 =	simm.s32 $0x380;
	[dreg:$0xf] =	wrdreg s24  }
0x1c: {  	s5 =	sadd.s32 s5, s1;
	s6 =	sadd.s32 s6, s1;
	s14 =	simm.s32 $0x40  }
0x1d: {  	s1 =	simm.s32 $0x80;
	s11 =	simm.s32 $0x1;
	s7 =	simm.s32 $0x2  }
0x1e: {  	s24 =	simm.s32 $0x180;
	s21 =	simm.s32 $0x680;
	s18 =	simm.s32 $0x300  }
0x1f: {  	[tilespmem:s2], [sflag:$0x3] =	stream.linear.gather [hbm4b:s0+s2], $0x400, $0x38;
	[tilespmem:$0x8800] =	vst v63  }
0x20: {  	_ =	swait.ge [sflag:s29], $0x400  }
0x21: {  	[sflag:s29] =	ssyncset.done $0x0  }
0x22: {  	s15 =	rddreg [dreg:$0x3];
	[sflag:s29] =	ssyncadd.s32 $0xFFFFFC00  }
0x23: {  	[tilespmem:s28], [sflag:$0x3] =	stream.linear.gather [hbm4b:s15+s2], $0x400, $0x38;
	[tilespmem:$0x8800] =	vst v63  }
0x24: {  	_ =	swait.ge [sflag:s29], $0x400  }
0x25: {  	[sflag:s29] =	ssyncset.done $0x0  }
0x26: {  	[sflag:s29] =	ssyncadd.s32 $0xFFFFFC00  }
0x27: {  	[tilespmem:s12], [sflag:$0x1] =	stream.indirect.gather [hbm4b:s3+s14], $0x80, s2, s14, $0xb8;
	[tilespmem:$0x8800] =	vst v63  }
0x28: {  	_ = 	snop  }
0x29: {  	[tilespmem:s13], [sflag:$0x1] =	stream.indirect.gather [hbm4b:s4+s14], $0x80, s28, s14, $0xb8;
	[tilespmem:$0x8800] =	vst v63  }
0x2a: {  	_ = 	snop  }
0x2b: {  	[tilespmem:s9], [sflag:$0x1] =	stream.indirect.gather [hbm4b:s3+s14], $0x80, s1, s14, $0xb8;
	[tilespmem:$0x8800] =	vst v63  }
0x2c: {  	_ = 	snop  }
0x2d: {  	[tilespmem:s10], [sflag:$0x1] =	stream.indirect.gather [hbm4b:s4+s14], $0x80, s31, s14, $0xb8;
	[tilespmem:$0x8800] =	vst v63  }
0x2e: {  	_ =	swait.ge [sflag:s11], $0x2000  }
0x2f: {  	[sflag:s11] =	ssyncset.done $0x0  }
0x30: {  	[sflag:s11] =	ssyncadd.s32 $0xFFFFE000  }
0x31: {  	_ =	swait.ge [sflag:s11], $0x2000  }
0x32: {  	[sflag:s11] =	ssyncset.done $0x0  }
0x33: {  	s0 =	rddreg [dreg:$0x4];
	[sflag:s11] =	ssyncadd.s32 $0xFFFFE000  }
0x34: {  	[hbm4b:s0+s2] =	stream.linear.scatter [tilespmem:s12], [sflag:$0x2], $0x2000, $0x38;
	[tilespmem:$0x8800] =	vst v63  }
0x35: {  	s1 =	rddreg [dreg:$0x5]  }
0x36: {  	[hbm4b:s1+s2] =	stream.linear.scatter [tilespmem:s13], [sflag:$0x2], $0x2000, $0x38;
	[tilespmem:$0x8800] =	vst v63  }
0x37: {  	_ =	swait.ge [sflag:s7], $0x2000  }
0x38: {  	[sflag:s7] =	ssyncset.done $0x0  }
0x39: {  	[sflag:s7] =	ssyncadd.s32 $0xFFFFE000  }
0x3a: {  	_ =	swait.ge [sflag:s7], $0x2000  }
0x3b: {  	[sflag:s7] =	ssyncset.done $0x0  }
0x3c: {  	[sflag:s7] =	ssyncadd.s32 $0xFFFFE000  }
0x3d: {  	[tilespmem:s12], [sflag:$0x1] =	stream.indirect.gather [hbm4b:s3+s14], $0x80, s26, s14, $0xb8;
	[tilespmem:$0x8800] =	vst v63  }
0x3e: {  	_ = 	snop  }
0x3f: {  	[tilespmem:s13], [sflag:$0x1] =	stream.indirect.gather [hbm4b:s4+s14], $0x80, s30, s14, $0xb8;
	[tilespmem:$0x8800] =	vst v63  }
0x40: {  	_ =	swait.ge [sflag:s11], $0x2000  }
0x41: {  	[sflag:s11] =	ssyncset.done $0x0  }
0x42: {  	[sflag:s11] =	ssyncadd.s32 $0xFFFFE000  }
0x43: {  	_ =	swait.ge [sflag:s11], $0x2000  }
0x44: {  	[sflag:s11] =	ssyncset.done $0x0  }
0x45: {  	s0 =	rddreg [dreg:$0x6];
	[sflag:s11] =	ssyncadd.s32 $0xFFFFE000  }
0x46: {  	[hbm4b:s0+s2] =	stream.linear.scatter [tilespmem:s9], [sflag:$0x2], $0x2000, $0x38;
	[tilespmem:$0x8800] =	vst v63  }
0x47: {  	s1 =	rddreg [dreg:$0x7]  }
0x48: {  	[hbm4b:s1+s2] =	stream.linear.scatter [tilespmem:s10], [sflag:$0x2], $0x2000, $0x38;
	[tilespmem:$0x8800] =	vst v63  }
0x49: {  	_ =	swait.ge [sflag:s7], $0x2000  }
0x4a: {  	[sflag:s7] =	ssyncset.done $0x0  }
0x4b: {  	[sflag:s7] =	ssyncadd.s32 $0xFFFFE000  }
0x4c: {  	_ =	swait.ge [sflag:s7], $0x2000  }
0x4d: {  	[sflag:s7] =	ssyncset.done $0x0  }
0x4e: {  	[sflag:s7] =	ssyncadd.s32 $0xFFFFE000  }
0x4f: {  	[tilespmem:s9], [sflag:$0x1] =	stream.indirect.gather [hbm4b:s3+s14], $0x80, s24, s14, $0xb8;
	[tilespmem:$0x8800] =	vst v63  }
0x50: {  	_ = 	snop  }
0x51: {  	[tilespmem:s10], [sflag:$0x1] =	stream.indirect.gather [hbm4b:s4+s14], $0x80, s25, s14, $0xb8;
	[tilespmem:$0x8800] =	vst v63  }
0x52: {  	_ =	swait.ge [sflag:s11], $0x2000  }
0x53: {  	[sflag:s11] =	ssyncset.done $0x0  }
0x54: {  	[sflag:s11] =	ssyncadd.s32 $0xFFFFE000  }
0x55: {  	_ =	swait.ge [sflag:s11], $0x2000  }
0x56: {  	[sflag:s11] =	ssyncset.done $0x0  }
0x57: {  	s0 =	rddreg [dreg:$0x8];
	[sflag:s11] =	ssyncadd.s32 $0xFFFFE000  }
0x58: {  	[hbm4b:s0+s2] =	stream.linear.scatter [tilespmem:s12], [sflag:$0x2], $0x2000, $0x38;
	[tilespmem:$0x8800] =	vst v63  }
0x59: {  	s1 =	rddreg [dreg:$0x9]  }
0x5a: {  	[hbm4b:s1+s2] =	stream.linear.scatter [tilespmem:s13], [sflag:$0x2], $0x2000, $0x38;
	[tilespmem:$0x8800] =	vst v63  }
0x5b: {  	_ =	swait.ge [sflag:s7], $0x2000  }
0x5c: {  	[sflag:s7] =	ssyncset.done $0x0  }
0x5d: {  	[sflag:s7] =	ssyncadd.s32 $0xFFFFE000  }
0x5e: {  	_ =	swait.ge [sflag:s7], $0x2000  }
0x5f: {  	[sflag:s7] =	ssyncset.done $0x0  }
0x60: {  	s1 =	simm.s32 $0x200;
	[sflag:s7] =	ssyncadd.s32 $0xFFFFE000  }
0x61: {  	[tilespmem:s12], [sflag:$0x1] =	stream.indirect.gather [hbm4b:s3+s14], $0x80, s1, s14, $0xb8;
	[tilespmem:$0x8800] =	vst v63  }
0x62: {  	_ = 	snop  }
0x63: {  	[tilespmem:s13], [sflag:$0x1] =	stream.indirect.gather [hbm4b:s4+s14], $0x80, s23, s14, $0xb8;
	[tilespmem:$0x8800] =	vst v63  }
0x64: {  	_ =	swait.ge [sflag:s11], $0x2000  }
0x65: {  	[sflag:s11] =	ssyncset.done $0x0  }
0x66: {  	[sflag:s11] =	ssyncadd.s32 $0xFFFFE000  }
0x67: {  	_ =	swait.ge [sflag:s11], $0x2000  }
0x68: {  	[sflag:s11] =	ssyncset.done $0x0  }
0x69: {  	s0 =	rddreg [dreg:$0xa];
	[sflag:s11] =	ssyncadd.s32 $0xFFFFE000  }
0x6a: {  	[hbm4b:s0+s2] =	stream.linear.scatter [tilespmem:s9], [sflag:$0x2], $0x2000, $0x38;
	[tilespmem:$0x8800] =	vst v63  }
0x6b: {  	s1 =	rddreg [dreg:$0xb]  }
0x6c: {  	[hbm4b:s1+s2] =	stream.linear.scatter [tilespmem:s10], [sflag:$0x2], $0x2000, $0x38;
	[tilespmem:$0x8800] =	vst v63  }
0x6d: {  	_ =	swait.ge [sflag:s7], $0x2000  }
0x6e: {  	[sflag:s7] =	ssyncset.done $0x0  }
0x6f: {  	[sflag:s7] =	ssyncadd.s32 $0xFFFFE000  }
0x70: {  	_ =	swait.ge [sflag:s7], $0x2000  }
0x71: {  	[sflag:s7] =	ssyncset.done $0x0  }
0x72: {  	[sflag:s7] =	ssyncadd.s32 $0xFFFFE000  }
0x73: {  	[tilespmem:s9], [sflag:$0x1] =	stream.indirect.gather [hbm4b:s3+s14], $0x80, s20, s14, $0xb8;
	[tilespmem:$0x8800] =	vst v63  }
0x74: {  	_ = 	snop  }
0x75: {  	[tilespmem:s10], [sflag:$0x1] =	stream.indirect.gather [hbm4b:s4+s14], $0x80, s21, s14, $0xb8;
	[tilespmem:$0x8800] =	vst v63  }
0x76: {  	_ =	swait.ge [sflag:s11], $0x2000  }
0x77: {  	[sflag:s11] =	ssyncset.done $0x0  }
0x78: {  	[sflag:s11] =	ssyncadd.s32 $0xFFFFE000  }
0x79: {  	_ =	swait.ge [sflag:s11], $0x2000  }
0x7a: {  	[sflag:s11] =	ssyncset.done $0x0  }
0x7b: {  	s0 =	rddreg [dreg:$0xc];
	[sflag:s11] =	ssyncadd.s32 $0xFFFFE000  }
0x7c: {  	[hbm4b:s0+s2] =	stream.linear.scatter [tilespmem:s12], [sflag:$0x2], $0x2000, $0x38;
	[tilespmem:$0x8800] =	vst v63  }
0x7d: {  	s1 =	rddreg [dreg:$0xd]  }
0x7e: {  	[hbm4b:s1+s2] =	stream.linear.scatter [tilespmem:s13], [sflag:$0x2], $0x2000, $0x38;
	[tilespmem:$0x8800] =	vst v63  }
0x7f: {  	_ =	swait.ge [sflag:s7], $0x2000  }
0x80: {  	[sflag:s7] =	ssyncset.done $0x0  }
0x81: {  	[sflag:s7] =	ssyncadd.s32 $0xFFFFE000  }
0x82: {  	_ =	swait.ge [sflag:s7], $0x2000  }
0x83: {  	[sflag:s7] =	ssyncset.done $0x0  }
0x84: {  	[sflag:s7] =	ssyncadd.s32 $0xFFFFE000  }
0x85: {  	[tilespmem:s12], [sflag:$0x1] =	stream.indirect.gather [hbm4b:s3+s14], $0x80, s18, s14, $0xb8;
	[tilespmem:$0x8800] =	vst v63  }
0x86: {  	_ = 	snop  }
0x87: {  	[tilespmem:s13], [sflag:$0x1] =	stream.indirect.gather [hbm4b:s4+s14], $0x80, s19, s14, $0xb8;
	[tilespmem:$0x8800] =	vst v63  }
0x88: {  	_ =	swait.ge [sflag:s11], $0x2000  }
0x89: {  	[sflag:s11] =	ssyncset.done $0x0  }
0x8a: {  	[sflag:s11] =	ssyncadd.s32 $0xFFFFE000  }
0x8b: {  	_ =	swait.ge [sflag:s11], $0x2000  }
0x8c: {  	[sflag:s11] =	ssyncset.done $0x0  }
0x8d: {  	s0 =	rddreg [dreg:$0xe];
	[sflag:s11] =	ssyncadd.s32 $0xFFFFE000  }
0x8e: {  	[hbm4b:s0+s2] =	stream.linear.scatter [tilespmem:s9], [sflag:$0x2], $0x2000, $0x38;
	[tilespmem:$0x8800] =	vst v63  }
0x8f: {  	s1 =	rddreg [dreg:$0xf]  }
0x90: {  	[hbm4b:s1+s2] =	stream.linear.scatter [tilespmem:s10], [sflag:$0x2], $0x2000, $0x38;
	[tilespmem:$0x8800] =	vst v63  }
0x91: {  	_ =	swait.ge [sflag:s7], $0x2000  }
0x92: {  	[sflag:s7] =	ssyncset.done $0x0  }
0x93: {  	[sflag:s7] =	ssyncadd.s32 $0xFFFFE000  }
0x94: {  	_ =	swait.ge [sflag:s7], $0x2000  }
0x95: {  	[sflag:s7] =	ssyncset.done $0x0  }
0x96: {  	[sflag:s7] =	ssyncadd.s32 $0xFFFFE000  }
0x97: {  	[tilespmem:s9], [sflag:$0x1] =	stream.indirect.gather [hbm4b:s3+s14], $0x80, s16, s14, $0xb8;
	[tilespmem:$0x8800] =	vst v63  }
0x98: {  	_ = 	snop  }
0x99: {  	[tilespmem:s10], [sflag:$0x1] =	stream.indirect.gather [hbm4b:s4+s14], $0x80, s17, s14, $0xb8;
	[tilespmem:$0x8800] =	vst v63  }
0x9a: {  	_ =	swait.ge [sflag:s11], $0x2000  }
0x9b: {  	[sflag:s11] =	ssyncset.done $0x0  }
0x9c: {  	[sflag:s11] =	ssyncadd.s32 $0xFFFFE000  }
0x9d: {  	_ =	swait.ge [sflag:s11], $0x2000  }
0x9e: {  	[sflag:s11] =	ssyncset.done $0x0  }
0x9f: {  	s1 =	rddreg [dreg:$0x10];
	[sflag:s11] =	ssyncadd.s32 $0xFFFFE000  }
0xa0: {  	[hbm4b:s1+s2] =	stream.linear.scatter [tilespmem:s12], [sflag:$0x2], $0x2000, $0x38;
	[tilespmem:$0x8800] =	vst v63  }
0xa1: {  	_ = 	snop  }
0xa2: {  	[hbm4b:s8+s2] =	stream.linear.scatter [tilespmem:s13], [sflag:$0x2], $0x2000, $0x38;
	[tilespmem:$0x8800] =	vst v63  }
0xa3: {  	_ =	swait.ge [sflag:s11], $0x2000  }
0xa4: {  	[sflag:s11] =	ssyncset.done $0x0  }
0xa5: {  	[sflag:s11] =	ssyncadd.s32 $0xFFFFE000  }
0xa6: {  	_ =	swait.ge [sflag:s11], $0x2000  }
0xa7: {  	[sflag:s11] =	ssyncset.done $0x0  }
0xa8: {  	[sflag:s11] =	ssyncadd.s32 $0xFFFFE000  }
0xa9: {  	[hbm4b:s5+s2] =	stream.linear.scatter [tilespmem:s9], [sflag:$0x2], $0x2000, $0x38;
	[tilespmem:$0x8800] =	vst v63  }
0xaa: {  	_ = 	snop  }
0xab: {  	[hbm4b:s6+s2] =	stream.linear.scatter [tilespmem:s10], [sflag:$0x2], $0x2000, $0x38;
	[tilespmem:$0x8800] =	vst v63  }
0xac: {  	_ =	swait.ge [sflag:s7], $0x2000  }
0xad: {  	[sflag:s7] =	ssyncset.done $0x0  }
0xae: {  	[sflag:s7] =	ssyncadd.s32 $0xFFFFE000  }
0xaf: {  	_ =	swait.ge [sflag:s7], $0x2000  }
0xb0: {  	s15 =	smov.u32 s22;
	[sflag:s7] =	ssyncset.done $0x0  }
0xb1: {  	p1 =	sne.s32 s15, $0x1;
	[sflag:s7] =	ssyncadd.s32 $0xFFFFE000  }
.Ltmp1:
0xb2: {  	_ =	swait.ge [sflag:s7], $0x2000;
	(pc) =	sbr.rel @!p1 .LBB2_3-.Ltmp1, $4  }
0xb3: {  	[sflag:s7] =	ssyncset.done $0x0  }
0xb4: {  	p0 =	por $0x1, $0x1;
	[sflag:s7] =	ssyncadd.s32 $0xFFFFE000  }
0xb5: {  	s22 =	simm.s32 $0x480;
	s31 =	simm.s32 $0x80;
	_ =	swait.ge [sflag:s7], $0x2000  }
0xb6: {  	s1 =	sadd.s32 $0xFFFFFFFF, s15;
	s0 =	rddreg [dreg:$0x2];
	[sflag:s7] =	ssyncset.done $0x0  }
.LBB2_4:
0xb7: {  	[sflag:s7] =	ssyncadd.s32 $0xFFFFE000  }
0xb8: {  	[tilespmem:s2], [sflag:$0x3] =	stream.linear.gather [hbm4b:s0+s2], $0x400, $0x38;
	[tilespmem:$0x8800] =	vst v63  }
0xb9: {  	_ =	swait.ge [sflag:s29], $0x400  }
0xba: {  	[sflag:s29] =	ssyncset.done $0x0  }
0xbb: {  	s15 =	rddreg [dreg:$0x3];
	[sflag:s29] =	ssyncadd.s32 $0xFFFFFC00  }
0xbc: {  	[tilespmem:s28], [sflag:$0x3] =	stream.linear.gather [hbm4b:s15+s2], $0x400, $0x38;
	[tilespmem:$0x8800] =	vst v63  }
0xbd: {  	_ =	swait.ge [sflag:s29], $0x400  }
0xbe: {  	[sflag:s29] =	ssyncset.done $0x0  }
0xbf: {  	[sflag:s29] =	ssyncadd.s32 $0xFFFFFC00  }
0xc0: {  	[tilespmem:s12], [sflag:$0x1] =	stream.indirect.gather [hbm4b:s3+s14], $0x80, s2, s14, $0xb8;
	[tilespmem:$0x8800] =	vst v63  }
0xc1: {  	_ = 	snop  }
0xc2: {  	[tilespmem:s13], [sflag:$0x1] =	stream.indirect.gather [hbm4b:s4+s14], $0x80, s28, s14, $0xb8;
	[tilespmem:$0x8800] =	vst v63  }
0xc3: {  	_ = 	snop  }
0xc4: {  	[tilespmem:s9], [sflag:$0x1] =	stream.indirect.gather [hbm4b:s3+s14], $0x80, s31, s14, $0xb8;
	[tilespmem:$0x8800] =	vst v63  }
0xc5: {  	_ = 	snop  }
0xc6: {  	[tilespmem:s10], [sflag:$0x1] =	stream.indirect.gather [hbm4b:s4+s14], $0x80, s22, s14, $0xb8;
	[tilespmem:$0x8800] =	vst v63  }
0xc7: {  	_ =	swait.ge [sflag:s11], $0x2000  }
0xc8: {  	[sflag:s11] =	ssyncset.done $0x0  }
0xc9: {  	[sflag:s11] =	ssyncadd.s32 $0xFFFFE000  }
0xca: {  	_ =	swait.ge [sflag:s11], $0x2000  }
0xcb: {  	[sflag:s11] =	ssyncset.done $0x0  }
0xcc: {  	s0 =	rddreg [dreg:$0x4];
	[sflag:s11] =	ssyncadd.s32 $0xFFFFE000  }
0xcd: {  	[hbm4b:s0+s2] =	stream.linear.scatter [tilespmem:s12], [sflag:$0x2], $0x2000, $0x38;
	[tilespmem:$0x8800] =	vst v63  }
0xce: {  	s15 =	rddreg [dreg:$0x5]  }
0xcf: {  	[hbm4b:s15+s2] =	stream.linear.scatter [tilespmem:s13], [sflag:$0x2], $0x2000, $0x38;
	[tilespmem:$0x8800] =	vst v63  }
0xd0: {  	_ =	swait.ge [sflag:s7], $0x2000  }
0xd1: {  	[sflag:s7] =	ssyncset.done $0x0  }
0xd2: {  	[sflag:s7] =	ssyncadd.s32 $0xFFFFE000  }
0xd3: {  	_ =	swait.ge [sflag:s7], $0x2000  }
0xd4: {  	[sflag:s7] =	ssyncset.done $0x0  }
0xd5: {  	[sflag:s7] =	ssyncadd.s32 $0xFFFFE000  }
0xd6: {  	[tilespmem:s12], [sflag:$0x1] =	stream.indirect.gather [hbm4b:s3+s14], $0x80, s26, s14, $0xb8;
	[tilespmem:$0x8800] =	vst v63  }
0xd7: {  	_ = 	snop  }
0xd8: {  	[tilespmem:s13], [sflag:$0x1] =	stream.indirect.gather [hbm4b:s4+s14], $0x80, s30, s14, $0xb8;
	[tilespmem:$0x8800] =	vst v63  }
0xd9: {  	_ =	swait.ge [sflag:s11], $0x2000  }
0xda: {  	[sflag:s11] =	ssyncset.done $0x0  }
0xdb: {  	[sflag:s11] =	ssyncadd.s32 $0xFFFFE000  }
0xdc: {  	_ =	swait.ge [sflag:s11], $0x2000  }
0xdd: {  	[sflag:s11] =	ssyncset.done $0x0  }
0xde: {  	s0 =	rddreg [dreg:$0x6];
	[sflag:s11] =	ssyncadd.s32 $0xFFFFE000  }
0xdf: {  	[hbm4b:s0+s2] =	stream.linear.scatter [tilespmem:s9], [sflag:$0x2], $0x2000, $0x38;
	[tilespmem:$0x8800] =	vst v63  }
0xe0: {  	s15 =	rddreg [dreg:$0x7]  }
0xe1: {  	[hbm4b:s15+s2] =	stream.linear.scatter [tilespmem:s10], [sflag:$0x2], $0x2000, $0x38;
	[tilespmem:$0x8800] =	vst v63  }
0xe2: {  	_ =	swait.ge [sflag:s7], $0x2000  }
0xe3: {  	[sflag:s7] =	ssyncset.done $0x0  }
0xe4: {  	[sflag:s7] =	ssyncadd.s32 $0xFFFFE000  }
0xe5: {  	_ =	swait.ge [sflag:s7], $0x2000  }
0xe6: {  	[sflag:s7] =	ssyncset.done $0x0  }
0xe7: {  	[sflag:s7] =	ssyncadd.s32 $0xFFFFE000  }
0xe8: {  	[tilespmem:s9], [sflag:$0x1] =	stream.indirect.gather [hbm4b:s3+s14], $0x80, s24, s14, $0xb8;
	[tilespmem:$0x8800] =	vst v63  }
0xe9: {  	_ = 	snop  }
0xea: {  	[tilespmem:s10], [sflag:$0x1] =	stream.indirect.gather [hbm4b:s4+s14], $0x80, s25, s14, $0xb8;
	[tilespmem:$0x8800] =	vst v63  }
0xeb: {  	_ =	swait.ge [sflag:s11], $0x2000  }
0xec: {  	[sflag:s11] =	ssyncset.done $0x0  }
0xed: {  	[sflag:s11] =	ssyncadd.s32 $0xFFFFE000  }
0xee: {  	_ =	swait.ge [sflag:s11], $0x2000  }
0xef: {  	[sflag:s11] =	ssyncset.done $0x0  }
0xf0: {  	s0 =	rddreg [dreg:$0x8];
	[sflag:s11] =	ssyncadd.s32 $0xFFFFE000  }
0xf1: {  	[hbm4b:s0+s2] =	stream.linear.scatter [tilespmem:s12], [sflag:$0x2], $0x2000, $0x38;
	[tilespmem:$0x8800] =	vst v63  }
0xf2: {  	s15 =	rddreg [dreg:$0x9]  }
0xf3: {  	[hbm4b:s15+s2] =	stream.linear.scatter [tilespmem:s13], [sflag:$0x2], $0x2000, $0x38;
	[tilespmem:$0x8800] =	vst v63  }
0xf4: {  	_ =	swait.ge [sflag:s7], $0x2000  }
0xf5: {  	[sflag:s7] =	ssyncset.done $0x0  }
0xf6: {  	[sflag:s7] =	ssyncadd.s32 $0xFFFFE000  }
0xf7: {  	_ =	swait.ge [sflag:s7], $0x2000  }
0xf8: {  	[sflag:s7] =	ssyncset.done $0x0  }
0xf9: {  	s15 =	simm.s32 $0x200;
	[sflag:s7] =	ssyncadd.s32 $0xFFFFE000  }
0xfa: {  	[tilespmem:s12], [sflag:$0x1] =	stream.indirect.gather [hbm4b:s3+s14], $0x80, s15, s14, $0xb8;
	[tilespmem:$0x8800] =	vst v63  }
0xfb: {  	_ = 	snop  }
0xfc: {  	[tilespmem:s13], [sflag:$0x1] =	stream.indirect.gather [hbm4b:s4+s14], $0x80, s23, s14, $0xb8;
	[tilespmem:$0x8800] =	vst v63  }
0xfd: {  	_ =	swait.ge [sflag:s11], $0x2000  }
0xfe: {  	[sflag:s11] =	ssyncset.done $0x0  }
0xff: {  	[sflag:s11] =	ssyncadd.s32 $0xFFFFE000  }
0x100: {  	_ =	swait.ge [sflag:s11], $0x2000  }
0x101: {  	[sflag:s11] =	ssyncset.done $0x0  }
0x102: {  	s0 =	rddreg [dreg:$0xa];
	[sflag:s11] =	ssyncadd.s32 $0xFFFFE000  }
0x103: {  	[hbm4b:s0+s2] =	stream.linear.scatter [tilespmem:s9], [sflag:$0x2], $0x2000, $0x38;
	[tilespmem:$0x8800] =	vst v63  }
0x104: {  	s15 =	rddreg [dreg:$0xb]  }
0x105: {  	[hbm4b:s15+s2] =	stream.linear.scatter [tilespmem:s10], [sflag:$0x2], $0x2000, $0x38;
	[tilespmem:$0x8800] =	vst v63  }
0x106: {  	_ =	swait.ge [sflag:s7], $0x2000  }
0x107: {  	[sflag:s7] =	ssyncset.done $0x0  }
0x108: {  	[sflag:s7] =	ssyncadd.s32 $0xFFFFE000  }
0x109: {  	_ =	swait.ge [sflag:s7], $0x2000  }
0x10a: {  	[sflag:s7] =	ssyncset.done $0x0  }
0x10b: {  	[sflag:s7] =	ssyncadd.s32 $0xFFFFE000  }
0x10c: {  	[tilespmem:s9], [sflag:$0x1] =	stream.indirect.gather [hbm4b:s3+s14], $0x80, s20, s14, $0xb8;
	[tilespmem:$0x8800] =	vst v63  }
0x10d: {  	_ = 	snop  }
0x10e: {  	[tilespmem:s10], [sflag:$0x1] =	stream.indirect.gather [hbm4b:s4+s14], $0x80, s21, s14, $0xb8;
	[tilespmem:$0x8800] =	vst v63  }
0x10f: {  	_ =	swait.ge [sflag:s11], $0x2000  }
0x110: {  	[sflag:s11] =	ssyncset.done $0x0  }
0x111: {  	[sflag:s11] =	ssyncadd.s32 $0xFFFFE000  }
0x112: {  	_ =	swait.ge [sflag:s11], $0x2000  }
0x113: {  	[sflag:s11] =	ssyncset.done $0x0  }
0x114: {  	s0 =	rddreg [dreg:$0xc];
	[sflag:s11] =	ssyncadd.s32 $0xFFFFE000  }
0x115: {  	[hbm4b:s0+s2] =	stream.linear.scatter [tilespmem:s12], [sflag:$0x2], $0x2000, $0x38;
	[tilespmem:$0x8800] =	vst v63  }
0x116: {  	s15 =	rddreg [dreg:$0xd]  }
0x117: {  	[hbm4b:s15+s2] =	stream.linear.scatter [tilespmem:s13], [sflag:$0x2], $0x2000, $0x38;
	[tilespmem:$0x8800] =	vst v63  }
0x118: {  	_ =	swait.ge [sflag:s7], $0x2000  }
0x119: {  	[sflag:s7] =	ssyncset.done $0x0  }
0x11a: {  	[sflag:s7] =	ssyncadd.s32 $0xFFFFE000  }
0x11b: {  	_ =	swait.ge [sflag:s7], $0x2000  }
0x11c: {  	[sflag:s7] =	ssyncset.done $0x0  }
0x11d: {  	[sflag:s7] =	ssyncadd.s32 $0xFFFFE000  }
0x11e: {  	[tilespmem:s12], [sflag:$0x1] =	stream.indirect.gather [hbm4b:s3+s14], $0x80, s18, s14, $0xb8;
	[tilespmem:$0x8800] =	vst v63  }
0x11f: {  	_ = 	snop  }
0x120: {  	[tilespmem:s13], [sflag:$0x1] =	stream.indirect.gather [hbm4b:s4+s14], $0x80, s19, s14, $0xb8;
	[tilespmem:$0x8800] =	vst v63  }
0x121: {  	_ =	swait.ge [sflag:s11], $0x2000  }
0x122: {  	[sflag:s11] =	ssyncset.done $0x0  }
0x123: {  	[sflag:s11] =	ssyncadd.s32 $0xFFFFE000  }
0x124: {  	_ =	swait.ge [sflag:s11], $0x2000  }
0x125: {  	[sflag:s11] =	ssyncset.done $0x0  }
0x126: {  	s0 =	rddreg [dreg:$0xe];
	[sflag:s11] =	ssyncadd.s32 $0xFFFFE000  }
0x127: {  	[hbm4b:s0+s2] =	stream.linear.scatter [tilespmem:s9], [sflag:$0x2], $0x2000, $0x38;
	[tilespmem:$0x8800] =	vst v63  }
0x128: {  	s15 =	rddreg [dreg:$0xf]  }
0x129: {  	[hbm4b:s15+s2] =	stream.linear.scatter [tilespmem:s10], [sflag:$0x2], $0x2000, $0x38;
	[tilespmem:$0x8800] =	vst v63  }
0x12a: {  	_ =	swait.ge [sflag:s7], $0x2000  }
0x12b: {  	[sflag:s7] =	ssyncset.done $0x0  }
0x12c: {  	[sflag:s7] =	ssyncadd.s32 $0xFFFFE000  }
0x12d: {  	_ =	swait.ge [sflag:s7], $0x2000  }
0x12e: {  	[sflag:s7] =	ssyncset.done $0x0  }
0x12f: {  	[sflag:s7] =	ssyncadd.s32 $0xFFFFE000  }
0x130: {  	[tilespmem:s9], [sflag:$0x1] =	stream.indirect.gather [hbm4b:s3+s14], $0x80, s16, s14, $0xb8;
	[tilespmem:$0x8800] =	vst v63  }
0x131: {  	_ = 	snop  }
0x132: {  	[tilespmem:s10], [sflag:$0x1] =	stream.indirect.gather [hbm4b:s4+s14], $0x80, s17, s14, $0xb8;
	[tilespmem:$0x8800] =	vst v63  }
0x133: {  	_ =	swait.ge [sflag:s11], $0x2000  }
0x134: {  	[sflag:s11] =	ssyncset.done $0x0  }
0x135: {  	[sflag:s11] =	ssyncadd.s32 $0xFFFFE000  }
0x136: {  	_ =	swait.ge [sflag:s11], $0x2000  }
0x137: {  	[sflag:s11] =	ssyncset.done $0x0  }
0x138: {  	s15 =	rddreg [dreg:$0x10];
	[sflag:s11] =	ssyncadd.s32 $0xFFFFE000  }
0x139: {  	[hbm4b:s15+s2] =	stream.linear.scatter [tilespmem:s12], [sflag:$0x2], $0x2000, $0x38;
	[tilespmem:$0x8800] =	vst v63  }
0x13a: {  	_ = 	snop  }
0x13b: {  	[hbm4b:s8+s2] =	stream.linear.scatter [tilespmem:s13], [sflag:$0x2], $0x2000, $0x38;
	[tilespmem:$0x8800] =	vst v63  }
0x13c: {  	_ =	swait.ge [sflag:s11], $0x2000  }
0x13d: {  	[sflag:s11] =	ssyncset.done $0x0  }
0x13e: {  	[sflag:s11] =	ssyncadd.s32 $0xFFFFE000  }
0x13f: {  	_ =	swait.ge [sflag:s11], $0x2000  }
0x140: {  	[sflag:s11] =	ssyncset.done $0x0  }
0x141: {  	[sflag:s11] =	ssyncadd.s32 $0xFFFFE000  }
0x142: {  	[hbm4b:s5+s2] =	stream.linear.scatter [tilespmem:s9], [sflag:$0x2], $0x2000, $0x38;
	[tilespmem:$0x8800] =	vst v63  }
0x143: {  	_ = 	snop  }
0x144: {  	[hbm4b:s6+s2] =	stream.linear.scatter [tilespmem:s10], [sflag:$0x2], $0x2000, $0x38;
	[tilespmem:$0x8800] =	vst v63  }
0x145: {  	_ =	swait.ge [sflag:s7], $0x2000  }
0x146: {  	[sflag:s7] =	ssyncset.done $0x0  }
0x147: {  	[sflag:s7] =	ssyncadd.s32 $0xFFFFE000  }
0x148: {  	_ =	swait.ge [sflag:s7], $0x2000  }
0x149: {  	[sflag:s7] =	ssyncset.done $0x0  }
0x14a: {  	p1 =	sne.s32 s1, $0x1;
	[sflag:s7] =	ssyncadd.s32 $0xFFFFE000  }
.Ltmp2:
0x14b: {  	_ =	swait.ge [sflag:s7], $0x2000;
	(pc) =	sbr.rel @p1 .LBB2_4-.Ltmp2, $4  }
0x14c: {  	[sflag:s7] =	ssyncset.done $0x0  }
0x14d: {  	[sflag:s7] =	ssyncadd.s32 $0xFFFFE000  }
0x14e: {  	_ =	swait.ge [sflag:s7], $0x2000  }
0x14f: {  	s1 =	sadd.s32 $0xFFFFFFFF, s1;
	s0 =	rddreg [dreg:$0x2];
	[sflag:s7] =	ssyncset.done $0x0  }
0x150: {  	s30 =	simm.s32 $0x500;
	s26 =	simm.s32 $0x100;
	s25 =	simm.s32 $0x580  }
0x151: {  	s24 =	simm.s32 $0x180;
	s23 =	simm.s32 $0x600;
	s22 =	simm.s32 $0x200  }
0x152: {  	s21 =	simm.s32 $0x680;
	s20 =	simm.s32 $0x280;
	s19 =	simm.s32 $0x700  }
0x153: {  	s18 =	simm.s32 $0x300;
	s17 =	simm.s32 $0x780;
	s16 =	simm.s32 $0x380  }
0x154: {  	s15 =	stileid.u32;
	s1 =	simm.s32 $0x80;
	s31 =	simm.s32 $0x480  }
.LBB2_6:
0x155: {  	[sflag:s7] =	ssyncadd.s32 @p0 $0xFFFFE000  }
0x156: {  	[tilespmem:s2], [sflag:$0x3] =	stream.linear.gather [hbm4b:s0+s2], $0x400, $0x38;
	[tilespmem:$0x8800] =	vst v63  }
0x157: {  	_ =	swait.ge [sflag:s29], $0x400  }
0x158: {  	[sflag:s29] =	ssyncset.done $0x0  }
0x159: {  	s0 =	rddreg [dreg:$0x3];
	[sflag:s29] =	ssyncadd.s32 $0xFFFFFC00  }
0x15a: {  	[tilespmem:s28], [sflag:$0x3] =	stream.linear.gather [hbm4b:s0+s2], $0x400, $0x38;
	[tilespmem:$0x8800] =	vst v63  }
0x15b: {  	_ =	swait.ge [sflag:s29], $0x400  }
0x15c: {  	[sflag:s29] =	ssyncset.done $0x0  }
0x15d: {  	[sflag:s29] =	ssyncadd.s32 $0xFFFFFC00  }
0x15e: {  	[tilespmem:s12], [sflag:$0x1] =	stream.indirect.gather [hbm4b:s3+s14], $0x80, s2, s14, $0xb8;
	[tilespmem:$0x8800] =	vst v63  }
0x15f: {  	_ = 	snop  }
0x160: {  	[tilespmem:s13], [sflag:$0x1] =	stream.indirect.gather [hbm4b:s4+s14], $0x80, s28, s14, $0xb8;
	[tilespmem:$0x8800] =	vst v63  }
0x161: {  	_ = 	snop  }
0x162: {  	[tilespmem:s9], [sflag:$0x1] =	stream.indirect.gather [hbm4b:s3+s14], $0x80, s1, s14, $0xb8;
	[tilespmem:$0x8800] =	vst v63  }
0x163: {  	_ = 	snop  }
0x164: {  	[tilespmem:s10], [sflag:$0x1] =	stream.indirect.gather [hbm4b:s4+s14], $0x80, s31, s14, $0xb8;
	[tilespmem:$0x8800] =	vst v63  }
0x165: {  	_ =	swait.ge [sflag:s11], $0x2000  }
0x166: {  	[sflag:s11] =	ssyncset.done $0x0  }
0x167: {  	[sflag:s11] =	ssyncadd.s32 $0xFFFFE000  }
0x168: {  	_ =	swait.ge [sflag:s11], $0x2000  }
0x169: {  	[sflag:s11] =	ssyncset.done $0x0  }
0x16a: {  	s29 =	rddreg [dreg:$0x4];
	[sflag:s11] =	ssyncadd.s32 $0xFFFFE000  }
0x16b: {  	[hbm4b:s29+s2] =	stream.linear.scatter [tilespmem:s12], [sflag:$0x2], $0x2000, $0x38;
	[tilespmem:$0x8800] =	vst v63  }
0x16c: {  	s31 =	rddreg [dreg:$0x5]  }
0x16d: {  	[hbm4b:s31+s2] =	stream.linear.scatter [tilespmem:s13], [sflag:$0x2], $0x2000, $0x38;
	[tilespmem:$0x8800] =	vst v63  }
0x16e: {  	_ =	swait.ge [sflag:s7], $0x2000  }
0x16f: {  	[sflag:s7] =	ssyncset.done $0x0  }
0x170: {  	[sflag:s7] =	ssyncadd.s32 $0xFFFFE000  }
0x171: {  	_ =	swait.ge [sflag:s7], $0x2000  }
0x172: {  	[sflag:s7] =	ssyncset.done $0x0  }
0x173: {  	[sflag:s7] =	ssyncadd.s32 $0xFFFFE000  }
0x174: {  	[tilespmem:s12], [sflag:$0x1] =	stream.indirect.gather [hbm4b:s3+s14], $0x80, s26, s14, $0xb8;
	[tilespmem:$0x8800] =	vst v63  }
0x175: {  	_ = 	snop  }
0x176: {  	[tilespmem:s13], [sflag:$0x1] =	stream.indirect.gather [hbm4b:s4+s14], $0x80, s30, s14, $0xb8;
	[tilespmem:$0x8800] =	vst v63  }
0x177: {  	_ =	swait.ge [sflag:s11], $0x2000  }
0x178: {  	[sflag:s11] =	ssyncset.done $0x0  }
0x179: {  	[sflag:s11] =	ssyncadd.s32 $0xFFFFE000  }
0x17a: {  	_ =	swait.ge [sflag:s11], $0x2000  }
0x17b: {  	[sflag:s11] =	ssyncset.done $0x0  }
0x17c: {  	s28 =	rddreg [dreg:$0x6];
	[sflag:s11] =	ssyncadd.s32 $0xFFFFE000  }
0x17d: {  	[hbm4b:s28+s2] =	stream.linear.scatter [tilespmem:s9], [sflag:$0x2], $0x2000, $0x38;
	[tilespmem:$0x8800] =	vst v63  }
0x17e: {  	s29 =	rddreg [dreg:$0x7]  }
0x17f: {  	[hbm4b:s29+s2] =	stream.linear.scatter [tilespmem:s10], [sflag:$0x2], $0x2000, $0x38;
	[tilespmem:$0x8800] =	vst v63  }
0x180: {  	_ =	swait.ge [sflag:s7], $0x2000  }
0x181: {  	[sflag:s7] =	ssyncset.done $0x0  }
0x182: {  	[sflag:s7] =	ssyncadd.s32 $0xFFFFE000  }
0x183: {  	_ =	swait.ge [sflag:s7], $0x2000  }
0x184: {  	[sflag:s7] =	ssyncset.done $0x0  }
0x185: {  	[sflag:s7] =	ssyncadd.s32 $0xFFFFE000  }
0x186: {  	[tilespmem:s9], [sflag:$0x1] =	stream.indirect.gather [hbm4b:s3+s14], $0x80, s24, s14, $0xb8;
	[tilespmem:$0x8800] =	vst v63  }
0x187: {  	_ = 	snop  }
0x188: {  	[tilespmem:s10], [sflag:$0x1] =	stream.indirect.gather [hbm4b:s4+s14], $0x80, s25, s14, $0xb8;
	[tilespmem:$0x8800] =	vst v63  }
0x189: {  	_ =	swait.ge [sflag:s11], $0x2000  }
0x18a: {  	[sflag:s11] =	ssyncset.done $0x0  }
0x18b: {  	[sflag:s11] =	ssyncadd.s32 $0xFFFFE000  }
0x18c: {  	_ =	swait.ge [sflag:s11], $0x2000  }
0x18d: {  	[sflag:s11] =	ssyncset.done $0x0  }
0x18e: {  	s30 =	rddreg [dreg:$0x8];
	[sflag:s11] =	ssyncadd.s32 $0xFFFFE000  }
0x18f: {  	[hbm4b:s30+s2] =	stream.linear.scatter [tilespmem:s12], [sflag:$0x2], $0x2000, $0x38;
	[tilespmem:$0x8800] =	vst v63  }
0x190: {  	s31 =	rddreg [dreg:$0x9]  }
0x191: {  	[hbm4b:s31+s2] =	stream.linear.scatter [tilespmem:s13], [sflag:$0x2], $0x2000, $0x38;
	[tilespmem:$0x8800] =	vst v63  }
0x192: {  	_ =	swait.ge [sflag:s7], $0x2000  }
0x193: {  	[sflag:s7] =	ssyncset.done $0x0  }
0x194: {  	[sflag:s7] =	ssyncadd.s32 $0xFFFFE000  }
0x195: {  	_ =	swait.ge [sflag:s7], $0x2000  }
0x196: {  	[sflag:s7] =	ssyncset.done $0x0  }
0x197: {  	[sflag:s7] =	ssyncadd.s32 $0xFFFFE000  }
0x198: {  	[tilespmem:s12], [sflag:$0x1] =	stream.indirect.gather [hbm4b:s3+s14], $0x80, s22, s14, $0xb8;
	[tilespmem:$0x8800] =	vst v63  }
0x199: {  	_ = 	snop  }
0x19a: {  	[tilespmem:s13], [sflag:$0x1] =	stream.indirect.gather [hbm4b:s4+s14], $0x80, s23, s14, $0xb8;
	[tilespmem:$0x8800] =	vst v63  }
0x19b: {  	_ =	swait.ge [sflag:s11], $0x2000  }
0x19c: {  	[sflag:s11] =	ssyncset.done $0x0  }
0x19d: {  	[sflag:s11] =	ssyncadd.s32 $0xFFFFE000  }
0x19e: {  	_ =	swait.ge [sflag:s11], $0x2000  }
0x19f: {  	[sflag:s11] =	ssyncset.done $0x0  }
0x1a0: {  	s24 =	rddreg [dreg:$0xa];
	[sflag:s11] =	ssyncadd.s32 $0xFFFFE000  }
0x1a1: {  	[hbm4b:s24+s2] =	stream.linear.scatter [tilespmem:s9], [sflag:$0x2], $0x2000, $0x38;
	[tilespmem:$0x8800] =	vst v63  }
0x1a2: {  	s25 =	rddreg [dreg:$0xb]  }
0x1a3: {  	[hbm4b:s25+s2] =	stream.linear.scatter [tilespmem:s10], [sflag:$0x2], $0x2000, $0x38;
	[tilespmem:$0x8800] =	vst v63  }
0x1a4: {  	_ =	swait.ge [sflag:s7], $0x2000  }
0x1a5: {  	[sflag:s7] =	ssyncset.done $0x0  }
0x1a6: {  	[sflag:s7] =	ssyncadd.s32 $0xFFFFE000  }
0x1a7: {  	_ =	swait.ge [sflag:s7], $0x2000  }
0x1a8: {  	[sflag:s7] =	ssyncset.done $0x0  }
0x1a9: {  	[sflag:s7] =	ssyncadd.s32 $0xFFFFE000  }
0x1aa: {  	[tilespmem:s9], [sflag:$0x1] =	stream.indirect.gather [hbm4b:s3+s14], $0x80, s20, s14, $0xb8;
	[tilespmem:$0x8800] =	vst v63  }
0x1ab: {  	_ = 	snop  }
0x1ac: {  	[tilespmem:s10], [sflag:$0x1] =	stream.indirect.gather [hbm4b:s4+s14], $0x80, s21, s14, $0xb8;
	[tilespmem:$0x8800] =	vst v63  }
0x1ad: {  	_ =	swait.ge [sflag:s11], $0x2000  }
0x1ae: {  	[sflag:s11] =	ssyncset.done $0x0  }
0x1af: {  	[sflag:s11] =	ssyncadd.s32 $0xFFFFE000  }
0x1b0: {  	_ =	swait.ge [sflag:s11], $0x2000  }
0x1b1: {  	[sflag:s11] =	ssyncset.done $0x0  }
0x1b2: {  	s26 =	rddreg [dreg:$0xc];
	[sflag:s11] =	ssyncadd.s32 $0xFFFFE000  }
0x1b3: {  	[hbm4b:s26+s2] =	stream.linear.scatter [tilespmem:s12], [sflag:$0x2], $0x2000, $0x38;
	[tilespmem:$0x8800] =	vst v63  }
0x1b4: {  	s28 =	rddreg [dreg:$0xd]  }
0x1b5: {  	[hbm4b:s28+s2] =	stream.linear.scatter [tilespmem:s13], [sflag:$0x2], $0x2000, $0x38;
	[tilespmem:$0x8800] =	vst v63  }
0x1b6: {  	_ =	swait.ge [sflag:s7], $0x2000  }
0x1b7: {  	[sflag:s7] =	ssyncset.done $0x0  }
0x1b8: {  	[sflag:s7] =	ssyncadd.s32 $0xFFFFE000  }
0x1b9: {  	_ =	swait.ge [sflag:s7], $0x2000  }
0x1ba: {  	[sflag:s7] =	ssyncset.done $0x0  }
0x1bb: {  	[sflag:s7] =	ssyncadd.s32 $0xFFFFE000  }
0x1bc: {  	[tilespmem:s12], [sflag:$0x1] =	stream.indirect.gather [hbm4b:s3+s14], $0x80, s18, s14, $0xb8;
	[tilespmem:$0x8800] =	vst v63  }
0x1bd: {  	_ = 	snop  }
0x1be: {  	[tilespmem:s13], [sflag:$0x1] =	stream.indirect.gather [hbm4b:s4+s14], $0x80, s19, s14, $0xb8;
	[tilespmem:$0x8800] =	vst v63  }
0x1bf: {  	_ =	swait.ge [sflag:s11], $0x2000  }
0x1c0: {  	[sflag:s11] =	ssyncset.done $0x0  }
0x1c1: {  	[sflag:s11] =	ssyncadd.s32 $0xFFFFE000  }
0x1c2: {  	_ =	swait.ge [sflag:s11], $0x2000  }
0x1c3: {  	[sflag:s11] =	ssyncset.done $0x0  }
0x1c4: {  	s29 =	rddreg [dreg:$0xe];
	[sflag:s11] =	ssyncadd.s32 $0xFFFFE000  }
0x1c5: {  	[hbm4b:s29+s2] =	stream.linear.scatter [tilespmem:s9], [sflag:$0x2], $0x2000, $0x38;
	[tilespmem:$0x8800] =	vst v63  }
0x1c6: {  	s30 =	rddreg [dreg:$0xf]  }
0x1c7: {  	[hbm4b:s30+s2] =	stream.linear.scatter [tilespmem:s10], [sflag:$0x2], $0x2000, $0x38;
	[tilespmem:$0x8800] =	vst v63  }
0x1c8: {  	_ =	swait.ge [sflag:s7], $0x2000  }
0x1c9: {  	[sflag:s7] =	ssyncset.done $0x0  }
0x1ca: {  	[sflag:s7] =	ssyncadd.s32 $0xFFFFE000  }
0x1cb: {  	_ =	swait.ge [sflag:s7], $0x2000  }
0x1cc: {  	[sflag:s7] =	ssyncset.done $0x0  }
0x1cd: {  	[sflag:s7] =	ssyncadd.s32 $0xFFFFE000  }
0x1ce: {  	[tilespmem:s9], [sflag:$0x1] =	stream.indirect.gather [hbm4b:s3+s14], $0x80, s16, s14, $0xb8;
	[tilespmem:$0x8800] =	vst v63  }
0x1cf: {  	_ = 	snop  }
0x1d0: {  	[tilespmem:s10], [sflag:$0x1] =	stream.indirect.gather [hbm4b:s4+s14], $0x80, s17, s14, $0xb8;
	[tilespmem:$0x8800] =	vst v63  }
0x1d1: {  	_ =	swait.ge [sflag:s11], $0x2000  }
0x1d2: {  	[sflag:s11] =	ssyncset.done $0x0  }
0x1d3: {  	[sflag:s11] =	ssyncadd.s32 $0xFFFFE000  }
0x1d4: {  	_ =	swait.ge [sflag:s11], $0x2000  }
0x1d5: {  	[sflag:s11] =	ssyncset.done $0x0  }
0x1d6: {  	s31 =	rddreg [dreg:$0x10];
	[sflag:s11] =	ssyncadd.s32 $0xFFFFE000  }
0x1d7: {  	[hbm4b:s31+s2] =	stream.linear.scatter [tilespmem:s12], [sflag:$0x2], $0x2000, $0x38;
	[tilespmem:$0x8800] =	vst v63  }
0x1d8: {  	_ = 	snop  }
0x1d9: {  	[hbm4b:s8+s2] =	stream.linear.scatter [tilespmem:s13], [sflag:$0x2], $0x2000, $0x38;
	[tilespmem:$0x8800] =	vst v63  }
0x1da: {  	_ =	swait.ge [sflag:s11], $0x2000  }
0x1db: {  	[sflag:s11] =	ssyncset.done $0x0  }
0x1dc: {  	[sflag:s11] =	ssyncadd.s32 $0xFFFFE000  }
0x1dd: {  	_ =	swait.ge [sflag:s11], $0x2000  }
0x1de: {  	[sflag:s11] =	ssyncset.done $0x0  }
0x1df: {  	[sflag:s11] =	ssyncadd.s32 $0xFFFFE000  }
0x1e0: {  	[hbm4b:s5+s2] =	stream.linear.scatter [tilespmem:s9], [sflag:$0x2], $0x2000, $0x38;
	[tilespmem:$0x8800] =	vst v63  }
0x1e1: {  	_ = 	snop  }
0x1e2: {  	[hbm4b:s6+s2] =	stream.linear.scatter [tilespmem:s10], [sflag:$0x2], $0x2000, $0x38;
	[tilespmem:$0x8800] =	vst v63  }
0x1e3: {  	_ =	swait.ge [sflag:s7], $0x2000  }
0x1e4: {  	[sflag:s7] =	ssyncset.done $0x0  }
0x1e5: {  	[sflag:s7] =	ssyncadd.s32 $0xFFFFE000  }
0x1e6: {  	_ =	swait.ge [sflag:s7], $0x2000  }
0x1e7: {  	[sflag:s7] =	ssyncset.done $0x0  }
0x1e8: {  	[sflag:s7] =	ssyncadd.s32 $0xFFFFE000  }
0x1e9: {  	_ =	swait.ge [sflag:s7], $0x2000  }
0x1ea: {  	[sflag:s7] =	ssyncset.done $0x0  }
0x1eb: {  	[sflag:s7] =	ssyncadd.s32 $0xFFFFE000  }
0x1ec: {  	_ =	swait.ge [sflag:s7], $0x2000  }
0x1ed: {  	[sflag:s7] =	ssyncset.done $0x0  }
0x1ee: {  	[sflag:s7] =	ssyncadd.s32 $0xFFFFE000  }
0x1ef: {  	_ =	sfence.sel $0x180000  }
0x1f0: {  	[bflag:$0x0] =	sbarrier.arrive $0xFFFF  }
0x1f1: {  	_ =	strace $0x9000004A  }
0x1f2: {  	[bflag:$0x2] =	sbarrier.arrive $0xFFFF  }
0x1f3: {  	p0 =	sne.s32 s15, $0x0;
	s0 =	rddreg [dreg:$0x1]  }
0x1f4: {  	s0 =	sadd.s32 @!p0 $0x100000, s0  }
0x1f5: {  	[sflag:s0] =	ssyncadd.tile.s32 @!p0 $0x1;
	_ =	shalt  }
.LBB2_1:
.Ltmp3:
0x1f6: {  	(pc) =	sbr.rel .LBB2_6-.Ltmp3, $4  }
0x1f7: {  	s30 =	simm.s32 $0x500;
	s26 =	simm.s32 $0x100;
	s25 =	simm.s32 $0x580  }
0x1f8: {  	s24 =	simm.s32 $0x180;
	s23 =	simm.s32 $0x600;
	s22 =	simm.s32 $0x200  }
0x1f9: {  	s21 =	simm.s32 $0x680;
	s20 =	simm.s32 $0x280;
	s19 =	simm.s32 $0x700  }
0x1fa: {  	s18 =	simm.s32 $0x300;
	s17 =	simm.s32 $0x780;
	s16 =	simm.s32 $0x380  }
.LBB2_3:
0x1fb: {  	s30 =	simm.s32 $0x500  }
.Ltmp4:
0x1fc: {  	s26 =	simm.s32 $0x100;
	s25 =	simm.s32 $0x580;
	(pc) =	sbr.rel .LBB2_6-.Ltmp4, $4  }
0x1fd: {  	s24 =	simm.s32 $0x180;
	s23 =	simm.s32 $0x600;
	s22 =	simm.s32 $0x200  }
0x1fe: {  	s21 =	simm.s32 $0x680;
	s20 =	simm.s32 $0x280;
	s19 =	simm.s32 $0x700  }
0x1ff: {  	s18 =	simm.s32 $0x300;
	s17 =	simm.s32 $0x780;
	s16 =	simm.s32 $0x380  }
0x200: {  	s15 =	stileid.u32;
	s1 =	simm.s32 $0x80;
	s31 =	simm.s32 $0x480  }
.Lfunc_end2:
_tile_overlayer_lowered:
.L_overlay_start_2:
0x201: {  	(tag) =	ssettag $0x2  }
0x202: {  	s0 =	rddreg [dreg:$0x0];
	s2 =	stileid.u32  }
0x203: {  	s1 =	rddreg [dreg:$0x1];
	p0 =	sne.s32 s2, $0x0  }
0x204: {  	s3 =	rddreg [dreg:$0x2];
	[bflag:$0x3] =	sbarrier.arrive $0xFFFF;
	s2 =	simm.s32 @!p0 $0x1C03  }
0x205: {  	[timem:s3], [sflag:s2] =	dma.local @!p0 [hbm:s0], s1  }
0x206: {  	s0 =	simm.s32 @!p0 $0x3  }
0x207: {  	_ =	swait.ge @!p0 [sflag:s0], s1  }
0x208: {  	s1 =	ssub.s32 @!p0 $0x0, s1;
	[sflag:s0] =	ssyncset.done @!p0 $0x0  }
0x209: {  	[sflag:s0] =	ssyncadd.s32 @!p0 s1  }
0x20a: {  	[bflag:$0x3] =	sbarrier.arrive $0xFFFF  }
0x20b: {  	_ =	shalt  }

// kernel: kernel.7.cloned.1.call-start
scs
__scs_entry_jumppad:
0x0: {  	(pc) =	sbr.rel $0x88, $3  }
0x1: {  	(tag) =	ssettag $0x0;
	lr =	simm.s32 $0x1  }
0x2: {  	[smem:$0x3F99] =	sst lr;
	_ =	strace $0xD0000000  }
0x3: {  	_ = 	snop  }
0x4: {  	_ = 	snop  }
0x5: {  	_ = 	snop  }
0x6: {  	_ = 	snop  }
0x7: {  	_ = 	snop  }
__scs_overlays_trampoline_lowered:
0x8: {  	[smem:$0x3FA8] =	sst s0  }
0x9: {  	[smem:$0x3FA9] =	sst s1  }
0xa: {  	[smem:$0x3FAA] =	sst s2  }
0xb: {  	[smem:$0x3FAB] =	sst s3  }
0xc: {  	[smem:$0x3FAC] =	sst s4  }
0xd: {  	[smem:$0x3FAD] =	sst s5  }
0xe: {  	[smem:$0x3FAE] =	sst s6  }
0xf: {  	[smem:$0x3FAF] =	sst s7  }
0x10: {  	[smem:$0x3FB0] =	sst s8  }
0x11: {  	[smem:$0x3FB1] =	sst s9;
	s0 =	simm.s32 @!p0 $0x0  }
0x12: {  	s1 =	sld [smem:$0x3F97];
	s0 =	simm.s32 @p0 $0x1  }
0x13: {  	[smem:$0x3FB2] =	sst s0;
	s0 =	simm.s32 @!p1 $0x0  }
0x14: {  	s2 =	sld [smem:$0x3F96];
	s0 =	simm.s32 @p1 $0x1  }
0x15: {  	[smem:$0x3FB3] =	sst s0;
	s0 =	simm.s32 @!p2 $0x0  }
0x16: {  	s3 =	sld [smem:$0x3FDB];
	s0 =	simm.s32 @p2 $0x1  }
0x17: {  	s4 =	simm.s32 $0x1BF5;
	[smem:$0x3FB5] =	sst s0  }
0x18: {  	s0 =	sld [smem:$0x3F98];
	_ =	swait.ge [sflag:s4], $0x0  }
0x19: {  	s7 =	sld [smem:$0x3F99]  }
0x1a: {  	s8 =	sadd.s32 $0xFFFFE003, lr  }
0x1b: {  	s9 =	sadd.s32 $0xFFFFFEF7, lr;
	s5 =	simm.s32 $0xFFFFFFFF;
	p2 =	slt.u32 s8, $0xFFFFF086  }
0x1c: {  	p1 =	slt.u32 s9, $0xF7A;
	s5 =	simm.s32 @!p2 $0x0  }
0x1d: {  	s5 =	simm.s32 @p1 $0x1;
	p0 =	seq.s32 s7, s2  }
0x1e: {  	s7 =	smul.u32 @!p0 $0xF7A, s2;
	p2 =	seq.s32 @!p0 s5, $0x0  }
0x1f: {  	s9 =	smul.u32 $0xF7A, s1;
	s8 =	simm.s32 @!p0 $0x1BF5;
	p2 =	por !p2, p0  }
0x20: {  	[sflag:s8] =	ssyncset.s32 @!p0 $0xFFFFF086;
	s6 =	sadd.s32 @!p0 s3, s7;
	s7 =	simm.s32 @!p0 $0x108  }
0x21: {  	s3 =	sadd.s32 s3, s9;
	s6 =	sadd.s32 @!p0 $0x88, s6;
	s7 =	simm.s32 @p2 $0x1082  }
0x22: {  	[simem:s7], [sflag:s8] =	dma.local @!p0 [hbm:s6], $0xF7A  }
0x23: {  	s9 =	sor.u32 $0xD0000000, s2;
	s6 =	simm.s32 $0x108;
	_ =	swait.ge @!p0 [sflag:s8], $0x0  }
0x24: {  	s3 =	sadd.s32 $0x88, s3;
	s6 =	simm.s32 @!p1 $0x1082;
	[sflag:s4] =	ssyncset.s32 $0xFFFFF086  }
0x25: {  	[simem:s6], [sflag:s4] =	dma.local [hbm:s3], $0xF7A  }
0x26: {  	[smem:$0x3F99] =	sst s1;
	(tag) =	ssettag s2;
	_ =	strace s9  }
0x27: {  	s1 =	sld [smem:$0x3FA9]  }
0x28: {  	s2 =	sld [smem:$0x3FAA]  }
0x29: {  	s4 =	sld [smem:$0x3FAC]  }
0x2a: {  	p0 =	seq.s32 s5, $0x0;
	s5 =	sld [smem:$0x3FAD]  }
0x2b: {  	s6 =	sld [smem:$0x3FAE]  }
0x2c: {  	s7 =	sld [smem:$0x3FAF]  }
0x2d: {  	s3 =	simm.s32 $0x108;
	s8 =	sld [smem:$0x3FB0]  }
0x2e: {  	s3 =	simm.s32 @!p0 $0x1082;
	s9 =	sld [smem:$0x3FB1]  }
0x2f: {  	lr =	sadd.s32 s0, s3;
	s0 =	sld [smem:$0x3FA8]  }
0x30: {  	s3 =	sld [smem:$0x3FAB]  }
0x31: {  	[smem:$0x3FB4] =	sst s10  }
0x32: {  	s10 =	sld [smem:$0x3FB2];
	_ =	sdelay $0x3  }
0x33: {  	p0 =	seq.s32 s10, $0x1;
	s10 =	sld [smem:$0x3FB4];
	_ =	sdelay $0x3  }
0x34: {  	[smem:$0x3FB4] =	sst s10  }
0x35: {  	s10 =	sld [smem:$0x3FB3];
	_ =	sdelay $0x3  }
0x36: {  	p1 =	seq.s32 s10, $0x1;
	s10 =	sld [smem:$0x3FB4];
	_ =	sdelay $0x3  }
0x37: {  	[smem:$0x3FB4] =	sst s10  }
0x38: {  	s10 =	sld [smem:$0x3FB5]  }
0x39: {  	_ = 	snop;
	(pc) =	sbr.ind lr, $3  }
0x3a: {  	_ = 	snop  }
0x3b: {  	_ = 	snop  }
0x3c: {  	p2 =	seq.s32 s10, $0x1;
	s10 =	sld [smem:$0x3FB4]  }
0x3d: {  	_ =	shalt  }
0x3e: {  	_ =	shalt  }
0x3f: {  	_ =	shalt  }
0x40: {  	_ =	shalt  }
0x41: {  	_ =	shalt  }
0x42: {  	_ =	shalt  }
0x43: {  	_ =	shalt  }
0x44: {  	_ =	shalt  }
0x45: {  	_ =	shalt  }
0x46: {  	_ =	shalt  }
0x47: {  	_ =	shalt  }
0x48: {  	_ =	shalt  }
0x49: {  	_ =	shalt  }
0x4a: {  	_ =	shalt  }
0x4b: {  	_ =	shalt  }
0x4c: {  	_ =	shalt  }
0x4d: {  	_ =	shalt  }
0x4e: {  	_ =	shalt  }
0x4f: {  	_ =	shalt  }
0x50: {  	_ =	shalt  }
0x51: {  	_ =	shalt  }
0x52: {  	_ =	shalt  }
0x53: {  	_ =	shalt  }
0x54: {  	_ =	shalt  }
0x55: {  	_ =	shalt  }
0x56: {  	_ =	shalt  }
0x57: {  	_ =	shalt  }
0x58: {  	_ =	shalt  }
0x59: {  	_ =	shalt  }
0x5a: {  	_ =	shalt  }
0x5b: {  	_ =	shalt  }
0x5c: {  	_ =	shalt  }
0x5d: {  	_ =	shalt  }
0x5e: {  	_ =	shalt  }
0x5f: {  	_ =	shalt  }
0x60: {  	_ =	shalt  }
0x61: {  	_ =	shalt  }
0x62: {  	_ =	shalt  }
0x63: {  	_ =	shalt  }
0x64: {  	_ =	shalt  }
0x65: {  	_ =	shalt  }
0x66: {  	_ =	shalt  }
0x67: {  	_ =	shalt  }
0x68: {  	_ =	shalt  }
0x69: {  	_ =	shalt  }
0x6a: {  	_ =	shalt  }
0x6b: {  	_ =	shalt  }
0x6c: {  	_ =	shalt  }
0x6d: {  	_ =	shalt  }
0x6e: {  	_ =	shalt  }
0x6f: {  	_ =	shalt  }
0x70: {  	_ =	shalt  }
0x71: {  	_ =	shalt  }
0x72: {  	_ =	shalt  }
0x73: {  	_ =	shalt  }
0x74: {  	_ =	shalt  }
0x75: {  	_ =	shalt  }
0x76: {  	_ =	shalt  }
0x77: {  	_ =	shalt  }
0x78: {  	_ =	shalt  }
0x79: {  	_ =	shalt  }
0x7a: {  	_ =	shalt  }
0x7b: {  	_ =	shalt  }
0x7c: {  	_ =	shalt  }
0x7d: {  	_ =	shalt  }
0x7e: {  	_ =	shalt  }
0x7f: {  	_ =	shalt  }
0x80: {  	_ =	shalt  }
0x81: {  	_ =	shalt  }
0x82: {  	_ =	shalt  }
0x83: {  	_ =	shalt  }
0x84: {  	_ =	shalt  }
0x85: {  	_ =	shalt  }
0x86: {  	_ =	shalt  }
0x87: {  	_ =	shalt  }
.Lfunc_end0:
.L_simem_size_0:
called_computation_lowered:
.L_overlay_start_0:
0x88: {  	s2 =	sld [smem:$0x3FD9]  }
0x89: {  	s3 =	sld [smem:$0x3FFE];
	_ =	sdelay $0x1  }
0x8a: {  	s1 =	srdreg.scid  }
0x8b: {  	s0 =	sand.u32 $0x1, s1  }
0x8c: {  	s17 =	sshll.u32 s0, $0xA;
	s2 =	sadd.s32 s3, s2  }
0x8d: {  	s2 =	sadd.s32 s2, s17  }
0x8e: {  	[smem:$0x3FC0] =	sst s2  }
0x8f: {  	_ = 	snop  }
0x90: {  	s2 =	sld [smem:$0x3FC7]  }
0x91: {  	s18 =	sld [smem:$0x3FD0];
	(tm) =	ssettm $0x1  }
0x92: {  	s4 =	sld [smem:$0x3FFB];
	_ =	sdelay $0x3  }
0x93: {  	_ =	strace s4  }
0x94: {  	s4 =	sld [smem:$0x3FFC];
	_ =	sdelay $0x3  }
0x95: {  	_ =	strace s4  }
0x96: {  	s4 =	sld [smem:$0x3FFD];
	_ =	sdelay $0x3  }
0x97: {  	_ =	strace s4  }
0x98: {  	_ =	strace $0x8FFFFFFF  }
0x99: {  	s19 =	sld [smem:$0x3FDB];
	_ =	sdelay $0x1  }
0x9a: {  	s5 =	simm.s32 $_scs_section_size  }
0x9b: {  	s6 =	simm.s32 $_size__tile_overlayer_lowered;
	s7 =	simm.s32 $_tile_overlayer_lowered  }
0x9c: {  	s22 =	simm.s32 $0x1BFF;
	s21 =	sshll.u32 s7, $0x1;
	s4 =	sadd.s32 s5, s19  }
0x9d: {  	s8 =	simm.s32 $0x0;
	s20 =	sshll.u32 s6, $0x1;
	s6 =	sadd.s32 s21, s4  }
0x9e: {  	[timem:s8], [sflag:s22] =	dma.local [hbm:s6], s20  }
0x9f: {  	_ =	swait.ge [sflag:s22], s20  }
0xa0: {  	s5 =	ssub.s32 $0x0, s20;
	[sflag:s22] =	ssyncset.done $0x0  }
0xa1: {  	[sflag:s22] =	ssyncadd.s32 s5;
	_ =	sdelay $0x1  }
0xa2: {  	s23 =	simm.s32 $0x1B8B  }
0xa3: {  	_ =	swait.ge [sflag:s23], $0x1  }
0xa4: {  	[sflag:s23] =	ssyncset.done $0x0  }
0xa5: {  	s25 =	simm.s32 $0x1B8E;
	s24 =	sld [smem:$0x3FFE];
	[sflag:s23] =	ssyncadd.s32 $0xFFFFFFFF  }
0xa6: {  	s26 =	simm.s32 $execute0_lowered;
	[smem:$0x3FD2] =	sst s25  }
0xa7: {  	s6 =	sshll.u32 s26, $0x1;
	_ =	strace $0x80000046;
	[dreg:$0x1] =	wrdreg $0xFFFFFFFF  }
0xa8: {  	s28 =	simm.s32 $_size_execute0_lowered;
	s4 =	sadd.s32 s4, s6;
	[dreg:$0x0] =	wrdreg $0x0  }
0xa9: {  	s6 =	sshll.u32 s28, $0x1;
	[dreg:$0x2] =	wrdreg s4  }
0xaa: {  	[dreg:$0x3] =	wrdreg s6  }
0xab: {  	[dreg:$0x4] =	wrdreg $0xC0  }
0xac: {  	_ =	task [dreg:s8], $0x5FFFF  }
0xad: {  	[dreg:$0x1] =	wrdreg $0xFFFFFFFF  }
0xae: {  	[dreg:$0x0] =	wrdreg $0x60  }
0xaf: {  	[dreg:$0x2] =	wrdreg s24  }
0xb0: {  	[dreg:$0x3] =	wrdreg s18  }
0xb1: {  	[dreg:$0x4] =	wrdreg s2  }
0xb2: {  	[dreg:$0x5] =	wrdreg $0xCC000  }
0xb3: {  	[dreg:$0x6] =	wrdreg $0x9  }
0xb4: {  	_ =	task.clear_ibuf [dreg:s8], $0x7FFFF;
	_ =	strace $0x90000046  }
0xb5: {  	s29 =	simm.s32 $0x9;
	_ =	strace $0x80000048  }
0xb6: {  	_ =	swait.ge [sflag:s29], $0x1  }
0xb7: {  	[sflag:s29] =	ssyncadd.s32 $0xFFFFFFFF  }
0xb8: {  	_ =	strace $0x90000048  }
0xb9: {  	_ =	sfence  }
0xba: {  	s30 =	sld [smem:$0x0];
	_ =	sdelay $0x2  }
0xbb: {  	s31 =	sshll.u32 s1, $0xD;
	s1 =	sshrl.u32 s1, $0x2  }
0xbc: {  	s3 =	sand.u32 $0x4000, s31;
	s1 =	sadd.s32 s1, s30  }
0xbd: {  	s0 =	sor.u32 s3, s0;
	s1 =	sshll.u32 s1, $0x11  }
0xbe: {  	s0 =	sor.u32 s1, s0  }
0xbf: {  	s0 =	sadd.s32 $0x8F2B, s0  }
0xc0: {  	[sflag:s0] =	ssyncadd.remote.s32 $0x1  }
0xc1: {  	_ =	sfence.sel $0xFFFF  }
0xc2: {  	[dreg:$0x0] =	wrdreg $0xFFFFFFFF;
	(pc) =	sbr.abs _section_cstart, $3  }
0xc3: {  	[dreg:$0x1] =	wrdreg $0xFFFFFFFF  }
0xc4: {  	_ =	task.clear_ibuf [dreg:s8], $0x2FFFF;
	_ =	strace $0x9FFFFFFF  }
0xc5: {  	(tm) =	ssettm $0x7FFFFFFF  }
tec
execute0_lowered:
.L_overlay_start_1:
0x0: {  	(tag) =	ssettag $0x1  }
0x1: {  	s31 =	rddreg [dreg:$0x0]  }
0x2: {  	s0 =	rddreg [dreg:$0x1];
	s11 =	stileid.u32  }
0x3: {  	s2 =	rddreg [dreg:$0x2];
	s8 =	smul.u32 $0x1400, s11  }
0x4: {  	s3 =	rddreg [dreg:$0x3];
	s12 =	smul.u32 $0x2080, s11  }
0x5: {  	s4 =	simm.s32 $0x0;
	s5 =	srdreg.scid;
	s16 =	smul.u32 $0x29000, s11  }
0x6: {  	[smem:$0x7FF] =	sst s4;
	s1 =	sand.u32 $0x1, s5;
	s24 =	smul.u32 $0x28000, s11  }
0x7: {  	s30 =	sshll.u32 s11, $0x7;
	s9 =	sadd.s32 $0x95200, s31;
	s7 =	smul.u32 $0x14000, s1  }
0x8: {  	s6 =	sshll.u32 s1, $0xB;
	_ =	strace $0x80000047;
	s10 =	smul.u32 $0x20800, s1  }
0x9: {  	[smem:$0x7FD] =	sst s1;
	s2 =	sadd.s32 s2, s30;
	s6 =	sor.u32 s30, s6  }
0xa: {  	[dreg:$0x5] =	wrdreg s2;
	s6 =	sadd.s32 s6, s31;
	s7 =	sadd.s32 s8, s7  }
0xb: {  	s14 =	sadd.s32 s12, s10;
	s12 =	sshrl.u32 s24, $0x2;
	s5 =	sadd.s32 s7, s31  }
0xc: {  	s13 =	sadd.s32 $0x28000, s6;
	s15 =	sadd.s32 $0x29000, s6;
	s6 =	sadd.s32 s14, s31  }
0xd: {  	s7 =	sshrl.u32 s16, $0x2;
	s14 =	sadd.s32 s12, s3;
	[dreg:$0x6] =	wrdreg s13  }
0xe: {  	[dreg:$0x7] =	wrdreg s15;
	s13 =	sshll.u32 s11, $0xE;
	s5 =	sadd.s32 $0x2C200, s5  }
0xf: {  	s7 =	sadd.s32 s7, s3;
	s6 =	sadd.s32 $0x54200, s6;
	[dreg:$0x10] =	wrdreg s5  }
0x10: {  	s17 =	sadd.s32 s9, s13;
	s23 =	sor.u32 $0x800, s13;
	[dreg:$0x11] =	wrdreg s6  }
0x11: {  	s26 =	sor.u32 $0x1000, s13;
	[dreg:$0x8] =	wrdreg s17;
	s18 =	sadd.s32 s9, s23  }
0x12: {  	s29 =	sor.u32 $0x1800, s13;
	s19 =	sadd.s32 s9, s26;
	[dreg:$0x9] =	wrdreg s18  }
0x13: {  	s2 =	sor.u32 $0x2000, s13;
	s20 =	sadd.s32 s9, s29;
	[dreg:$0xa] =	wrdreg s19  }
0x14: {  	s25 =	sor.u32 $0x2800, s13;
	s21 =	sadd.s32 s9, s2;
	[dreg:$0xb] =	wrdreg s20  }
0x15: {  	s28 =	sor.u32 $0x3000, s13;
	s22 =	sadd.s32 s9, s25;
	[dreg:$0xc] =	wrdreg s21  }
0x16: {  	s15 =	smul.u32 $0x42000, s11;
	s30 =	sadd.s32 s9, s28;
	[dreg:$0xd] =	wrdreg s22  }
0x17: {  	s16 =	smul.u32 $0x41000, s11;
	s17 =	sshrl.u32 s7, $0x3;
	[dreg:$0xe] =	wrdreg s30  }
0x18: {  	s5 =	sshrl.u32 s15, $0x2;
	s21 =	sor.u32 $0x3800, s13;
	[dreg:$0x12] =	wrdreg s17  }
0x19: {  	s18 =	sshrl.u32 s14, $0x3;
	s5 =	sadd.s32 s5, s3;
	s22 =	rddreg [dreg:$0x5]  }
0x1a: {  	s19 =	sshrl.u32 s16, $0x2;
	s9 =	sadd.s32 s9, s21;
	[dreg:$0x13] =	wrdreg s18  }
0x1b: {  	[tilespmem:s4], [sflag:$0x5] =	stream.linear.gather [hbm4b:s22+s4], $0x400, $0x38;
	[tilespmem:$0x1D400] =	vst v63  }
0x1c: {  	s20 =	sadd.s32 s19, s3;
	s5 =	sshrl.u32 s5, $0x3;
	[dreg:$0xf] =	wrdreg s9  }
0x1d: {  	[dreg:$0x14] =	wrdreg s5;
	s6 =	sshrl.u32 s20, $0x3  }
0x1e: {  	s5 =	simm.s32 $0x5;
	[dreg:$0x15] =	wrdreg s6  }
0x1f: {  	_ =	swait.ge [sflag:s5], $0x400  }
0x20: {  	[sflag:s5] =	ssyncset.done $0x0  }
0x21: {  	s30 =	simm.s32 $0x400;
	s24 =	rddreg [dreg:$0x6];
	[sflag:s5] =	ssyncadd.s32 $0xFFFFFC00  }
0x22: {  	[tilespmem:s30], [sflag:$0x5] =	stream.linear.gather [hbm4b:s24+s4], $0x400, $0x38;
	[tilespmem:$0x1D400] =	vst v63  }
0x23: {  	_ =	swait.ge [sflag:s5], $0x400  }
0x24: {  	[sflag:s5] =	ssyncset.done $0x0  }
0x25: {  	s24 =	simm.s32 $0x800;
	s19 =	rddreg [dreg:$0x7];
	[sflag:s5] =	ssyncadd.s32 $0xFFFFFC00  }
0x26: {  	[tilespmem:s24], [sflag:$0x5] =	stream.linear.gather [hbm4b:s19+s4], $0x400, $0x38;
	[tilespmem:$0x1D400] =	vst v63  }
0x27: {  	_ =	swait.ge [sflag:s5], $0x400  }
0x28: {  	s8 =	sadd.s32 $0x2A000, s31;
	s22 =	sshll.u32 s11, $0x6;
	[sflag:s5] =	ssyncset.done $0x0  }
0x29: {  	s16 =	sor.u32 $0x1C05, s22;
	s20 =	rddreg [dreg:$0x12];
	[sflag:s5] =	ssyncadd.s32 $0xFFFFFC00  }
0x2a: {  	[spmem:s20], [sflag:s16] =	dma.local [hbm:s8], $0x1480  }
0x2b: {  	_ =	swait.ge [sflag:s5], $0x1480  }
0x2c: {  	[sflag:s5] =	ssyncset.done $0x0  }
0x2d: {  	[sflag:s5] =	ssyncadd.s32 $0xFFFFEB80  }
0x2e: {  	s10 =	simm.s32 $0x80;
	s11 =	simm.s32 $0xC00;
	[bflag:$0x0] =	sbarrier.arrive $0xFFFF  }
0x2f: {  	[tilespmem:s11], [sflag:$0x1] =	stream.indirect.gather [hbm4b:s31+s10], $0x80, s4, s10, $0xb8;
	[tilespmem:$0x1D400] =	vst v63  }
0x30: {  	s12 =	simm.s32 $0x4C00  }
0x31: {  	[tilespmem:s12], [sflag:$0x1] =	stream.indirect.gather [hbm4b:s31+s10], $0x80, s10, s10, $0xb8;
	[tilespmem:$0x1D400] =	vst v63  }
0x32: {  	s15 =	simm.s32 $0x1;
	s17 =	sadd.s32 s0, s13;
	s14 =	simm.s32 $0x8C00  }
0x33: {  	[tilespmem:s14], [sflag:$0x2] =	stream.linear.gather [hbm4b:s17+s4], $0x4000, $0x38;
	[tilespmem:$0x1D400] =	vst v63  }
0x34: {  	p0 =	sne.s32 s1, $0x0;
	_ =	swait.ge [sflag:s15], $0x4000  }
0x35: {  	s1 =	simm.s32 @!p0 $0x0;
	[sflag:s15] =	ssyncset.done $0x0  }
0x36: {  	s13 =	simm.s32 @!p0 $0xC00;
	s18 =	rddreg [dreg:$0x8];
	[sflag:s15] =	ssyncadd.s32 $0xFFFFC000  }
0x37: {  	[hbm4b:s18+s1] =	stream.linear.scatter @!p0 [tilespmem:s13], [sflag:$0x4], $0x4000, $0x38;
	[tilespmem:$0x1D400] =	vst v63  }
0x38: {  	s18 =	simm.s32 @!p0 $0x4  }
0x39: {  	_ =	swait.ge @!p0 [sflag:s18], $0x4000  }
0x3a: {  	[sflag:s18] =	ssyncset.done @!p0 $0x0  }
0x3b: {  	s19 =	simm.s32 $0x2;
	[sflag:s18] =	ssyncadd.s32 @!p0 $0xFFFFC000  }
0x3c: {  	[spmem:s3] =	stream.indirect.scatter.add.f32 [tilespmem:s11], [sflag:$0x3], $0x80, s30, s10, $0xb8;
	[tilespmem:$0x1D400] =	vst v63  }
0x3d: {  	_ =	swait.ge [sflag:s19], $0x4000  }
0x3e: {  	[sflag:s19] =	ssyncset.done $0x0  }
0x3f: {  	[sflag:s19] =	ssyncadd.s32 $0xFFFFC000  }
0x40: {  	[spmem:s3] =	stream.indirect.scatter.add.f32 [tilespmem:s14], [sflag:$0x2], $0x80, s30, s10, $0xb8;
	[tilespmem:$0x1D400] =	vst v63  }
0x41: {  	_ =	swait.ge [sflag:s19], $0x4000  }
0x42: {  	[sflag:s19] =	ssyncset.done $0x0  }
0x43: {  	s20 =	simm.s32 $0x3;
	[sflag:s19] =	ssyncadd.s32 $0xFFFFC000  }
0x44: {  	_ =	swait.ge [sflag:s20], $0x4000  }
0x45: {  	[sflag:s20] =	ssyncset.done $0x0  }
0x46: {  	s30 =	simm.s32 $0x100;
	[sflag:s20] =	ssyncadd.s32 $0xFFFFC000  }
0x47: {  	[tilespmem:s11], [sflag:$0x1] =	stream.indirect.gather [hbm4b:s31+s10], $0x80, s30, s10, $0xb8;
	[tilespmem:$0x1D400] =	vst v63  }
0x48: {  	s23 =	sadd.s32 s0, s23  }
0x49: {  	[tilespmem:s14], [sflag:$0x2] =	stream.linear.gather [hbm4b:s23+s4], $0x4000, $0x38;
	[tilespmem:$0x1D400] =	vst v63  }
0x4a: {  	_ =	swait.ge [sflag:s15], $0x4000  }
0x4b: {  	[sflag:s15] =	ssyncset.done $0x0  }
0x4c: {  	s7 =	simm.s32 @!p0 $0x4C00;
	s30 =	rddreg [dreg:$0x9];
	[sflag:s15] =	ssyncadd.s32 $0xFFFFC000  }
0x4d: {  	[hbm4b:s30+s1] =	stream.linear.scatter @!p0 [tilespmem:s7], [sflag:$0x4], $0x4000, $0x38;
	[tilespmem:$0x1D400] =	vst v63  }
0x4e: {  	_ =	swait.ge @!p0 [sflag:s18], $0x4000  }
0x4f: {  	[sflag:s18] =	ssyncset.done @!p0 $0x0  }
0x50: {  	s6 =	simm.s32 $0x480;
	[sflag:s18] =	ssyncadd.s32 @!p0 $0xFFFFC000  }
0x51: {  	[spmem:s3] =	stream.indirect.scatter.add.f32 [tilespmem:s12], [sflag:$0x3], $0x80, s6, s10, $0xb8;
	[tilespmem:$0x1D400] =	vst v63  }
0x52: {  	_ =	swait.ge [sflag:s19], $0x4000  }
0x53: {  	[sflag:s19] =	ssyncset.done $0x0  }
0x54: {  	[sflag:s19] =	ssyncadd.s32 $0xFFFFC000  }
0x55: {  	[spmem:s3] =	stream.indirect.scatter.add.f32 [tilespmem:s14], [sflag:$0x2], $0x80, s6, s10, $0xb8;
	[tilespmem:$0x1D400] =	vst v63  }
0x56: {  	_ =	swait.ge [sflag:s19], $0x4000  }
0x57: {  	[sflag:s19] =	ssyncset.done $0x0  }
0x58: {  	[sflag:s19] =	ssyncadd.s32 $0xFFFFC000  }
0x59: {  	_ =	swait.ge [sflag:s20], $0x4000  }
0x5a: {  	[sflag:s20] =	ssyncset.done $0x0  }
0x5b: {  	s9 =	simm.s32 $0x180;
	[sflag:s20] =	ssyncadd.s32 $0xFFFFC000  }
0x5c: {  	[tilespmem:s12], [sflag:$0x1] =	stream.indirect.gather [hbm4b:s31+s10], $0x80, s9, s10, $0xb8;
	[tilespmem:$0x1D400] =	vst v63  }
0x5d: {  	s26 =	sadd.s32 s0, s26  }
0x5e: {  	[tilespmem:s14], [sflag:$0x2] =	stream.linear.gather [hbm4b:s26+s4], $0x4000, $0x38;
	[tilespmem:$0x1D400] =	vst v63  }
0x5f: {  	_ =	swait.ge [sflag:s15], $0x4000  }
0x60: {  	[sflag:s15] =	ssyncset.done $0x0  }
0x61: {  	s30 =	rddreg [dreg:$0xa];
	[sflag:s15] =	ssyncadd.s32 $0xFFFFC000  }
0x62: {  	[hbm4b:s30+s1] =	stream.linear.scatter @!p0 [tilespmem:s13], [sflag:$0x4], $0x4000, $0x38;
	[tilespmem:$0x1D400] =	vst v63  }
0x63: {  	_ =	swait.ge @!p0 [sflag:s18], $0x4000  }
0x64: {  	[sflag:s18] =	ssyncset.done @!p0 $0x0  }
0x65: {  	s22 =	simm.s32 $0x500;
	[sflag:s18] =	ssyncadd.s32 @!p0 $0xFFFFC000  }
0x66: {  	[spmem:s3] =	stream.indirect.scatter.add.f32 [tilespmem:s11], [sflag:$0x3], $0x80, s22, s10, $0xb8;
	[tilespmem:$0x1D400] =	vst v63  }
0x67: {  	_ =	swait.ge [sflag:s19], $0x4000  }
0x68: {  	[sflag:s19] =	ssyncset.done $0x0  }
0x69: {  	[sflag:s19] =	ssyncadd.s32 $0xFFFFC000  }
0x6a: {  	[spmem:s3] =	stream.indirect.scatter.add.f32 [tilespmem:s14], [sflag:$0x2], $0x80, s22, s10, $0xb8;
	[tilespmem:$0x1D400] =	vst v63  }
0x6b: {  	_ =	swait.ge [sflag:s19], $0x4000  }
0x6c: {  	[sflag:s19] =	ssyncset.done $0x0  }
0x6d: {  	[sflag:s19] =	ssyncadd.s32 $0xFFFFC000  }
0x6e: {  	_ =	swait.ge [sflag:s20], $0x4000  }
0x6f: {  	[sflag:s20] =	ssyncset.done $0x0  }
0x70: {  	s30 =	simm.s32 $0x200;
	[sflag:s20] =	ssyncadd.s32 $0xFFFFC000  }
0x71: {  	[tilespmem:s11], [sflag:$0x1] =	stream.indirect.gather [hbm4b:s31+s10], $0x80, s30, s10, $0xb8;
	[tilespmem:$0x1D400] =	vst v63  }
0x72: {  	s6 =	sadd.s32 s0, s29  }
0x73: {  	[tilespmem:s14], [sflag:$0x2] =	stream.linear.gather [hbm4b:s6+s4], $0x4000, $0x38;
	[tilespmem:$0x1D400] =	vst v63  }
0x74: {  	_ =	swait.ge [sflag:s15], $0x4000  }
0x75: {  	[sflag:s15] =	ssyncset.done $0x0  }
0x76: {  	s29 =	rddreg [dreg:$0xb];
	[sflag:s15] =	ssyncadd.s32 $0xFFFFC000  }
0x77: {  	[hbm4b:s29+s1] =	stream.linear.scatter @!p0 [tilespmem:s7], [sflag:$0x4], $0x4000, $0x38;
	[tilespmem:$0x1D400] =	vst v63  }
0x78: {  	_ =	swait.ge @!p0 [sflag:s18], $0x4000  }
0x79: {  	[sflag:s18] =	ssyncset.done @!p0 $0x0  }
0x7a: {  	s9 =	simm.s32 $0x580;
	[sflag:s18] =	ssyncadd.s32 @!p0 $0xFFFFC000  }
0x7b: {  	[spmem:s3] =	stream.indirect.scatter.add.f32 [tilespmem:s12], [sflag:$0x3], $0x80, s9, s10, $0xb8;
	[tilespmem:$0x1D400] =	vst v63  }
0x7c: {  	_ =	swait.ge [sflag:s19], $0x4000  }
0x7d: {  	[sflag:s19] =	ssyncset.done $0x0  }
0x7e: {  	[sflag:s19] =	ssyncadd.s32 $0xFFFFC000  }
0x7f: {  	[spmem:s3] =	stream.indirect.scatter.add.f32 [tilespmem:s14], [sflag:$0x2], $0x80, s9, s10, $0xb8;
	[tilespmem:$0x1D400] =	vst v63  }
0x80: {  	_ =	swait.ge [sflag:s19], $0x4000  }
0x81: {  	[sflag:s19] =	ssyncset.done $0x0  }
0x82: {  	[sflag:s19] =	ssyncadd.s32 $0xFFFFC000  }
0x83: {  	_ =	swait.ge [sflag:s20], $0x4000  }
0x84: {  	[sflag:s20] =	ssyncset.done $0x0  }
0x85: {  	s30 =	simm.s32 $0x280;
	[sflag:s20] =	ssyncadd.s32 $0xFFFFC000  }
0x86: {  	[tilespmem:s12], [sflag:$0x1] =	stream.indirect.gather [hbm4b:s31+s10], $0x80, s30, s10, $0xb8;
	[tilespmem:$0x1D400] =	vst v63  }
0x87: {  	s2 =	sadd.s32 s0, s2  }
0x88: {  	[tilespmem:s14], [sflag:$0x2] =	stream.linear.gather [hbm4b:s2+s4], $0x4000, $0x38;
	[tilespmem:$0x1D400] =	vst v63  }
0x89: {  	_ =	swait.ge [sflag:s15], $0x4000  }
0x8a: {  	[sflag:s15] =	ssyncset.done $0x0  }
0x8b: {  	s29 =	rddreg [dreg:$0xc];
	[sflag:s15] =	ssyncadd.s32 $0xFFFFC000  }
0x8c: {  	[hbm4b:s29+s1] =	stream.linear.scatter @!p0 [tilespmem:s13], [sflag:$0x4], $0x4000, $0x38;
	[tilespmem:$0x1D400] =	vst v63  }
0x8d: {  	_ =	swait.ge @!p0 [sflag:s18], $0x4000  }
0x8e: {  	[sflag:s18] =	ssyncset.done @!p0 $0x0  }
0x8f: {  	s22 =	simm.s32 $0x600;
	[sflag:s18] =	ssyncadd.s32 @!p0 $0xFFFFC000  }
0x90: {  	[spmem:s3] =	stream.indirect.scatter.add.f32 [tilespmem:s11], [sflag:$0x3], $0x80, s22, s10, $0xb8;
	[tilespmem:$0x1D400] =	vst v63  }
0x91: {  	_ =	swait.ge [sflag:s19], $0x4000  }
0x92: {  	[sflag:s19] =	ssyncset.done $0x0  }
0x93: {  	[sflag:s19] =	ssyncadd.s32 $0xFFFFC000  }
0x94: {  	[spmem:s3] =	stream.indirect.scatter.add.f32 [tilespmem:s14], [sflag:$0x2], $0x80, s22, s10, $0xb8;
	[tilespmem:$0x1D400] =	vst v63  }
0x95: {  	_ =	swait.ge [sflag:s19], $0x4000  }
0x96: {  	[sflag:s19] =	ssyncset.done $0x0  }
0x97: {  	[sflag:s19] =	ssyncadd.s32 $0xFFFFC000  }
0x98: {  	_ =	swait.ge [sflag:s20], $0x4000  }
0x99: {  	[sflag:s20] =	ssyncset.done $0x0  }
0x9a: {  	s22 =	simm.s32 $0x300;
	[sflag:s20] =	ssyncadd.s32 $0xFFFFC000  }
0x9b: {  	[tilespmem:s11], [sflag:$0x1] =	stream.indirect.gather [hbm4b:s31+s10], $0x80, s22, s10, $0xb8;
	[tilespmem:$0x1D400] =	vst v63  }
0x9c: {  	s25 =	sadd.s32 s0, s25  }
0x9d: {  	[tilespmem:s14], [sflag:$0x2] =	stream.linear.gather [hbm4b:s25+s4], $0x4000, $0x38;
	[tilespmem:$0x1D400] =	vst v63  }
0x9e: {  	_ =	swait.ge [sflag:s15], $0x4000  }
0x9f: {  	[sflag:s15] =	ssyncset.done $0x0  }
0xa0: {  	s29 =	rddreg [dreg:$0xd];
	[sflag:s15] =	ssyncadd.s32 $0xFFFFC000  }
0xa1: {  	[hbm4b:s29+s1] =	stream.linear.scatter @!p0 [tilespmem:s7], [sflag:$0x4], $0x4000, $0x38;
	[tilespmem:$0x1D400] =	vst v63  }
0xa2: {  	_ =	swait.ge @!p0 [sflag:s18], $0x4000  }
0xa3: {  	[sflag:s18] =	ssyncset.done @!p0 $0x0  }
0xa4: {  	s9 =	simm.s32 $0x680;
	[sflag:s18] =	ssyncadd.s32 @!p0 $0xFFFFC000  }
0xa5: {  	[spmem:s3] =	stream.indirect.scatter.add.f32 [tilespmem:s12], [sflag:$0x3], $0x80, s9, s10, $0xb8;
	[tilespmem:$0x1D400] =	vst v63  }
0xa6: {  	_ =	swait.ge [sflag:s19], $0x4000  }
0xa7: {  	[sflag:s19] =	ssyncset.done $0x0  }
0xa8: {  	[sflag:s19] =	ssyncadd.s32 $0xFFFFC000  }
0xa9: {  	[spmem:s3] =	stream.indirect.scatter.add.f32 [tilespmem:s14], [sflag:$0x2], $0x80, s9, s10, $0xb8;
	[tilespmem:$0x1D400] =	vst v63  }
0xaa: {  	_ =	swait.ge [sflag:s19], $0x4000  }
0xab: {  	[sflag:s19] =	ssyncset.done $0x0  }
0xac: {  	[sflag:s19] =	ssyncadd.s32 $0xFFFFC000  }
0xad: {  	_ =	swait.ge [sflag:s20], $0x4000  }
0xae: {  	[sflag:s20] =	ssyncset.done $0x0  }
0xaf: {  	s9 =	simm.s32 $0x380;
	[sflag:s20] =	ssyncadd.s32 $0xFFFFC000  }
0xb0: {  	[tilespmem:s12], [sflag:$0x1] =	stream.indirect.gather [hbm4b:s31+s10], $0x80, s9, s10, $0xb8;
	[tilespmem:$0x1D400] =	vst v63  }
0xb1: {  	s29 =	sadd.s32 s0, s28  }
0xb2: {  	[tilespmem:s14], [sflag:$0x2] =	stream.linear.gather [hbm4b:s29+s4], $0x4000, $0x38;
	[tilespmem:$0x1D400] =	vst v63  }
0xb3: {  	_ =	swait.ge [sflag:s15], $0x4000  }
0xb4: {  	[sflag:s15] =	ssyncset.done $0x0  }
0xb5: {  	s28 =	rddreg [dreg:$0xe];
	[sflag:s15] =	ssyncadd.s32 $0xFFFFC000  }
0xb6: {  	[hbm4b:s28+s1] =	stream.linear.scatter @!p0 [tilespmem:s13], [sflag:$0x4], $0x4000, $0x38;
	[tilespmem:$0x1D400] =	vst v63  }
0xb7: {  	_ =	swait.ge @!p0 [sflag:s18], $0x4000  }
0xb8: {  	[sflag:s18] =	ssyncset.done @!p0 $0x0  }
0xb9: {  	s28 =	simm.s32 $0x700;
	[sflag:s18] =	ssyncadd.s32 @!p0 $0xFFFFC000  }
0xba: {  	[spmem:s3] =	stream.indirect.scatter.add.f32 [tilespmem:s11], [sflag:$0x3], $0x80, s28, s10, $0xb8;
	[tilespmem:$0x1D400] =	vst v63  }
0xbb: {  	_ =	swait.ge [sflag:s19], $0x4000  }
0xbc: {  	[sflag:s19] =	ssyncset.done $0x0  }
0xbd: {  	[sflag:s19] =	ssyncadd.s32 $0xFFFFC000  }
0xbe: {  	[spmem:s3] =	stream.indirect.scatter.add.f32 [tilespmem:s14], [sflag:$0x2], $0x80, s28, s10, $0xb8;
	[tilespmem:$0x1D400] =	vst v63  }
0xbf: {  	_ =	swait.ge [sflag:s19], $0x4000  }
0xc0: {  	[sflag:s19] =	ssyncset.done $0x0  }
0xc1: {  	s13 =	sadd.s32 s0, s21;
	[sflag:s19] =	ssyncadd.s32 $0xFFFFC000  }
0xc2: {  	[tilespmem:s14], [sflag:$0x2] =	stream.linear.gather [hbm4b:s13+s4], $0x4000, $0x38;
	[tilespmem:$0x1D400] =	vst v63  }
0xc3: {  	_ =	swait.ge [sflag:s15], $0x4000  }
0xc4: {  	[sflag:s15] =	ssyncset.done $0x0  }
0xc5: {  	s0 =	rddreg [dreg:$0xf];
	[sflag:s15] =	ssyncadd.s32 $0xFFFFC000  }
0xc6: {  	[hbm4b:s0+s1] =	stream.linear.scatter @!p0 [tilespmem:s7], [sflag:$0x4], $0x4000, $0x38;
	[tilespmem:$0x1D400] =	vst v63  }
0xc7: {  	_ =	swait.ge @!p0 [sflag:s18], $0x4000  }
0xc8: {  	[sflag:s18] =	ssyncset.done @!p0 $0x0  }
0xc9: {  	s28 =	simm.s32 $0x780;
	[sflag:s18] =	ssyncadd.s32 @!p0 $0xFFFFC000  }
0xca: {  	[spmem:s3] =	stream.indirect.scatter.add.f32 [tilespmem:s12], [sflag:$0x3], $0x80, s28, s10, $0xb8;
	[tilespmem:$0x1D400] =	vst v63  }
0xcb: {  	_ =	swait.ge [sflag:s19], $0x4000  }
0xcc: {  	[sflag:s19] =	ssyncset.done $0x0  }
0xcd: {  	[sflag:s19] =	ssyncadd.s32 $0xFFFFC000  }
0xce: {  	[spmem:s3] =	stream.indirect.scatter.add.f32 [tilespmem:s14], [sflag:$0x2], $0x80, s28, s10, $0xb8;
	[tilespmem:$0x1D400] =	vst v63  }
0xcf: {  	_ =	swait.ge [sflag:s19], $0x4000  }
0xd0: {  	[sflag:s19] =	ssyncset.done $0x0  }
0xd1: {  	[sflag:s19] =	ssyncadd.s32 $0xFFFFC000  }
0xd2: {  	_ =	swait.ge [sflag:s20], $0x4000  }
0xd3: {  	[sflag:s20] =	ssyncset.done $0x0  }
0xd4: {  	[sflag:s20] =	ssyncadd.s32 $0xFFFFC000  }
0xd5: {  	_ =	swait.ge [sflag:s20], $0x4000  }
0xd6: {  	[sflag:s20] =	ssyncset.done $0x0  }
0xd7: {  	[sflag:s20] =	ssyncadd.s32 $0xFFFFC000  }
0xd8: {  	[bflag:$0x0] =	sbarrier.arrive $0xFFFF  }
0xd9: {  	s1 =	rddreg [dreg:$0x10]  }
0xda: {  	s7 =	rddreg [dreg:$0x13]  }
0xdb: {  	[hbm:s1], [sflag:s16] =	dma.local [spmem:s7], $0x1400  }
0xdc: {  	_ =	swait.ge [sflag:s5], $0x1400  }
0xdd: {  	[sflag:s5] =	ssyncset.done $0x0  }
0xde: {  	[sflag:s5] =	ssyncadd.s32 $0xFFFFEC00  }
0xdf: {  	[bflag:$0x0] =	sbarrier.arrive $0xFFFF  }
0xe0: {  	s21 =	rddreg [dreg:$0x14]  }
0xe1: {  	[dreg:$0x16] =	wrdreg s8  }
0xe2: {  	[spmem:s21], [sflag:s16] =	dma.local [hbm:s8], $0x2100  }
0xe3: {  	_ =	swait.ge [sflag:s5], $0x2100  }
0xe4: {  	[sflag:s5] =	ssyncset.done $0x0  }
0xe5: {  	[sflag:s5] =	ssyncadd.s32 $0xFFFFDF00  }
0xe6: {  	[bflag:$0x0] =	sbarrier.arrive $0xFFFF  }
0xe7: {  	[tilespmem:s11], [sflag:$0x1] =	stream.indirect.gather [hbm4b:s31+s10], $0x80, s4, s10, $0xb8;
	[tilespmem:$0x1D400] =	vst v63  }
0xe8: {  	_ = 	snop  }
0xe9: {  	[tilespmem:s12], [sflag:$0x1] =	stream.indirect.gather [hbm4b:s31+s10], $0x80, s10, s10, $0xb8;
	[tilespmem:$0x1D400] =	vst v63  }
0xea: {  	[dreg:$0x17] =	wrdreg s17  }
0xeb: {  	[tilespmem:s14], [sflag:$0x2] =	stream.linear.gather [hbm4b:s17+s4], $0x4000, $0x38;
	[tilespmem:$0x1D400] =	vst v63  }
0xec: {  	_ =	swait.ge [sflag:s15], $0x4000  }
0xed: {  	[sflag:s15] =	ssyncset.done $0x0  }
0xee: {  	[sflag:s15] =	ssyncadd.s32 $0xFFFFC000  }
0xef: {  	[spmem:s3] =	stream.indirect.scatter.add.f32 [tilespmem:s11], [sflag:$0x3], $0x80, s24, s10, $0xb8;
	[tilespmem:$0x1D400] =	vst v63  }
0xf0: {  	_ =	swait.ge [sflag:s19], $0x4000  }
0xf1: {  	[sflag:s19] =	ssyncset.done $0x0  }
0xf2: {  	[sflag:s19] =	ssyncadd.s32 $0xFFFFC000  }
0xf3: {  	[spmem:s3] =	stream.indirect.scatter.add.f32 [tilespmem:s14], [sflag:$0x2], $0x80, s24, s10, $0xb8;
	[tilespmem:$0x1D400] =	vst v63  }
0xf4: {  	_ =	swait.ge [sflag:s19], $0x4000  }
0xf5: {  	[sflag:s19] =	ssyncset.done $0x0  }
0xf6: {  	[sflag:s19] =	ssyncadd.s32 $0xFFFFC000  }
0xf7: {  	_ =	swait.ge [sflag:s20], $0x4000  }
0xf8: {  	[sflag:s20] =	ssyncset.done $0x0  }
0xf9: {  	s28 =	simm.s32 $0x100;
	[sflag:s20] =	ssyncadd.s32 $0xFFFFC000  }
0xfa: {  	[tilespmem:s11], [sflag:$0x1] =	stream.indirect.gather [hbm4b:s31+s10], $0x80, s28, s10, $0xb8;
	[tilespmem:$0x1D400] =	vst v63  }
0xfb: {  	[dreg:$0x18] =	wrdreg s23  }
0xfc: {  	[tilespmem:s14], [sflag:$0x2] =	stream.linear.gather [hbm4b:s23+s4], $0x4000, $0x38;
	[tilespmem:$0x1D400] =	vst v63  }
0xfd: {  	_ =	swait.ge [sflag:s15], $0x4000  }
0xfe: {  	[sflag:s15] =	ssyncset.done $0x0  }
0xff: {  	s1 =	simm.s32 $0x880;
	[sflag:s15] =	ssyncadd.s32 $0xFFFFC000  }
0x100: {  	[spmem:s3] =	stream.indirect.scatter.add.f32 [tilespmem:s12], [sflag:$0x3], $0x80, s1, s10, $0xb8;
	[tilespmem:$0x1D400] =	vst v63  }
0x101: {  	_ =	swait.ge [sflag:s19], $0x4000  }
0x102: {  	[sflag:s19] =	ssyncset.done $0x0  }
0x103: {  	[sflag:s19] =	ssyncadd.s32 $0xFFFFC000  }
0x104: {  	[spmem:s3] =	stream.indirect.scatter.add.f32 [tilespmem:s14], [sflag:$0x2], $0x80, s1, s10, $0xb8;
	[tilespmem:$0x1D400] =	vst v63  }
0x105: {  	_ =	swait.ge [sflag:s19], $0x4000  }
0x106: {  	[sflag:s19] =	ssyncset.done $0x0  }
0x107: {  	[sflag:s19] =	ssyncadd.s32 $0xFFFFC000  }
0x108: {  	_ =	swait.ge [sflag:s20], $0x4000  }
0x109: {  	[sflag:s20] =	ssyncset.done $0x0  }
0x10a: {  	s7 =	simm.s32 $0x180;
	[sflag:s20] =	ssyncadd.s32 $0xFFFFC000  }
0x10b: {  	[tilespmem:s12], [sflag:$0x1] =	stream.indirect.gather [hbm4b:s31+s10], $0x80, s7, s10, $0xb8;
	[tilespmem:$0x1D400] =	vst v63  }
0x10c: {  	[dreg:$0x19] =	wrdreg s26  }
0x10d: {  	[tilespmem:s14], [sflag:$0x2] =	stream.linear.gather [hbm4b:s26+s4], $0x4000, $0x38;
	[tilespmem:$0x1D400] =	vst v63  }
0x10e: {  	_ =	swait.ge [sflag:s15], $0x4000  }
0x10f: {  	[sflag:s15] =	ssyncset.done $0x0  }
0x110: {  	s8 =	simm.s32 $0x900;
	[sflag:s15] =	ssyncadd.s32 $0xFFFFC000  }
0x111: {  	[spmem:s3] =	stream.indirect.scatter.add.f32 [tilespmem:s11], [sflag:$0x3], $0x80, s8, s10, $0xb8;
	[tilespmem:$0x1D400] =	vst v63  }
0x112: {  	_ =	swait.ge [sflag:s19], $0x4000  }
0x113: {  	[sflag:s19] =	ssyncset.done $0x0  }
0x114: {  	[sflag:s19] =	ssyncadd.s32 $0xFFFFC000  }
0x115: {  	[spmem:s3] =	stream.indirect.scatter.add.f32 [tilespmem:s14], [sflag:$0x2], $0x80, s8, s10, $0xb8;
	[tilespmem:$0x1D400] =	vst v63  }
0x116: {  	_ =	swait.ge [sflag:s19], $0x4000  }
0x117: {  	[sflag:s19] =	ssyncset.done $0x0  }
0x118: {  	[sflag:s19] =	ssyncadd.s32 $0xFFFFC000  }
0x119: {  	_ =	swait.ge [sflag:s20], $0x4000  }
0x11a: {  	[sflag:s20] =	ssyncset.done $0x0  }
0x11b: {  	s17 =	simm.s32 $0x200;
	[sflag:s20] =	ssyncadd.s32 $0xFFFFC000  }
0x11c: {  	[tilespmem:s11], [sflag:$0x1] =	stream.indirect.gather [hbm4b:s31+s10], $0x80, s17, s10, $0xb8;
	[tilespmem:$0x1D400] =	vst v63  }
0x11d: {  	[dreg:$0x1a] =	wrdreg s6  }
0x11e: {  	[tilespmem:s14], [sflag:$0x2] =	stream.linear.gather [hbm4b:s6+s4], $0x4000, $0x38;
	[tilespmem:$0x1D400] =	vst v63  }
0x11f: {  	_ =	swait.ge [sflag:s15], $0x4000  }
0x120: {  	[sflag:s15] =	ssyncset.done $0x0  }
0x121: {  	s21 =	simm.s32 $0x980;
	[sflag:s15] =	ssyncadd.s32 $0xFFFFC000  }
0x122: {  	[spmem:s3] =	stream.indirect.scatter.add.f32 [tilespmem:s12], [sflag:$0x3], $0x80, s21, s10, $0xb8;
	[tilespmem:$0x1D400] =	vst v63  }
0x123: {  	_ =	swait.ge [sflag:s19], $0x4000  }
0x124: {  	[sflag:s19] =	ssyncset.done $0x0  }
0x125: {  	[sflag:s19] =	ssyncadd.s32 $0xFFFFC000  }
0x126: {  	[spmem:s3] =	stream.indirect.scatter.add.f32 [tilespmem:s14], [sflag:$0x2], $0x80, s21, s10, $0xb8;
	[tilespmem:$0x1D400] =	vst v63  }
0x127: {  	_ =	swait.ge [sflag:s19], $0x4000  }
0x128: {  	[sflag:s19] =	ssyncset.done $0x0  }
0x129: {  	[sflag:s19] =	ssyncadd.s32 $0xFFFFC000  }
0x12a: {  	_ =	swait.ge [sflag:s20], $0x4000  }
0x12b: {  	[sflag:s20] =	ssyncset.done $0x0  }
0x12c: {  	[sflag:s20] =	ssyncadd.s32 $0xFFFFC000  }
0x12d: {  	[tilespmem:s12], [sflag:$0x1] =	stream.indirect.gather [hbm4b:s31+s10], $0x80, s30, s10, $0xb8;
	[tilespmem:$0x1D400] =	vst v63  }
0x12e: {  	[dreg:$0x1b] =	wrdreg s2  }
0x12f: {  	[tilespmem:s14], [sflag:$0x2] =	stream.linear.gather [hbm4b:s2+s4], $0x4000, $0x38;
	[tilespmem:$0x1D400] =	vst v63  }
0x130: {  	_ =	swait.ge [sflag:s15], $0x4000  }
0x131: {  	[sflag:s15] =	ssyncset.done $0x0  }
0x132: {  	s23 =	simm.s32 $0xA00;
	[sflag:s15] =	ssyncadd.s32 $0xFFFFC000  }
0x133: {  	[spmem:s3] =	stream.indirect.scatter.add.f32 [tilespmem:s11], [sflag:$0x3], $0x80, s23, s10, $0xb8;
	[tilespmem:$0x1D400] =	vst v63  }
0x134: {  	_ =	swait.ge [sflag:s19], $0x4000  }
0x135: {  	[sflag:s19] =	ssyncset.done $0x0  }
0x136: {  	[sflag:s19] =	ssyncadd.s32 $0xFFFFC000  }
0x137: {  	[spmem:s3] =	stream.indirect.scatter.add.f32 [tilespmem:s14], [sflag:$0x2], $0x80, s23, s10, $0xb8;
	[tilespmem:$0x1D400] =	vst v63  }
0x138: {  	_ =	swait.ge [sflag:s19], $0x4000  }
0x139: {  	[sflag:s19] =	ssyncset.done $0x0  }
0x13a: {  	[sflag:s19] =	ssyncadd.s32 $0xFFFFC000  }
0x13b: {  	_ =	swait.ge [sflag:s20], $0x4000  }
0x13c: {  	[sflag:s20] =	ssyncset.done $0x0  }
0x13d: {  	[sflag:s20] =	ssyncadd.s32 $0xFFFFC000  }
0x13e: {  	[tilespmem:s11], [sflag:$0x1] =	stream.indirect.gather [hbm4b:s31+s10], $0x80, s22, s10, $0xb8;
	[tilespmem:$0x1D400] =	vst v63  }
0x13f: {  	[dreg:$0x1c] =	wrdreg s25  }
0x140: {  	[tilespmem:s14], [sflag:$0x2] =	stream.linear.gather [hbm4b:s25+s4], $0x4000, $0x38;
	[tilespmem:$0x1D400] =	vst v63  }
0x141: {  	_ =	swait.ge [sflag:s15], $0x4000  }
0x142: {  	[sflag:s15] =	ssyncset.done $0x0  }
0x143: {  	s24 =	simm.s32 $0xA80;
	[sflag:s15] =	ssyncadd.s32 $0xFFFFC000  }
0x144: {  	[spmem:s3] =	stream.indirect.scatter.add.f32 [tilespmem:s12], [sflag:$0x3], $0x80, s24, s10, $0xb8;
	[tilespmem:$0x1D400] =	vst v63  }
0x145: {  	_ =	swait.ge [sflag:s19], $0x4000  }
0x146: {  	[sflag:s19] =	ssyncset.done $0x0  }
0x147: {  	[sflag:s19] =	ssyncadd.s32 $0xFFFFC000  }
0x148: {  	[spmem:s3] =	stream.indirect.scatter.add.f32 [tilespmem:s14], [sflag:$0x2], $0x80, s24, s10, $0xb8;
	[tilespmem:$0x1D400] =	vst v63  }
0x149: {  	_ =	swait.ge [sflag:s19], $0x4000  }
0x14a: {  	[sflag:s19] =	ssyncset.done $0x0  }
0x14b: {  	[sflag:s19] =	ssyncadd.s32 $0xFFFFC000  }
0x14c: {  	_ =	swait.ge [sflag:s20], $0x4000  }
0x14d: {  	[sflag:s20] =	ssyncset.done $0x0  }
0x14e: {  	[sflag:s20] =	ssyncadd.s32 $0xFFFFC000  }
0x14f: {  	[tilespmem:s12], [sflag:$0x1] =	stream.indirect.gather [hbm4b:s31+s10], $0x80, s9, s10, $0xb8;
	[tilespmem:$0x1D400] =	vst v63  }
0x150: {  	[dreg:$0x1e] =	wrdreg s29  }
0x151: {  	[tilespmem:s14], [sflag:$0x2] =	stream.linear.gather [hbm4b:s29+s4], $0x4000, $0x38;
	[tilespmem:$0x1D400] =	vst v63  }
0x152: {  	_ =	swait.ge [sflag:s15], $0x4000  }
0x153: {  	[sflag:s15] =	ssyncset.done $0x0  }
0x154: {  	s25 =	simm.s32 $0xB00;
	[sflag:s15] =	ssyncadd.s32 $0xFFFFC000  }
0x155: {  	[spmem:s3] =	stream.indirect.scatter.add.f32 [tilespmem:s11], [sflag:$0x3], $0x80, s25, s10, $0xb8;
	[tilespmem:$0x1D400] =	vst v63  }
0x156: {  	_ =	swait.ge [sflag:s19], $0x4000  }
0x157: {  	[sflag:s19] =	ssyncset.done $0x0  }
0x158: {  	[sflag:s19] =	ssyncadd.s32 $0xFFFFC000  }
0x159: {  	[spmem:s3] =	stream.indirect.scatter.add.f32 [tilespmem:s14], [sflag:$0x2], $0x80, s25, s10, $0xb8;
	[tilespmem:$0x1D400] =	vst v63  }
0x15a: {  	_ =	swait.ge [sflag:s19], $0x4000  }
0x15b: {  	[sflag:s19] =	ssyncset.done $0x0  }
0x15c: {  	[dreg:$0x1f] =	wrdreg s13;
	[sflag:s19] =	ssyncadd.s32 $0xFFFFC000  }
0x15d: {  	[tilespmem:s14], [sflag:$0x2] =	stream.linear.gather [hbm4b:s13+s4], $0x4000, $0x38;
	[tilespmem:$0x1D400] =	vst v63  }
0x15e: {  	_ =	swait.ge [sflag:s15], $0x4000  }
0x15f: {  	[sflag:s15] =	ssyncset.done $0x0  }
0x160: {  	s26 =	simm.s32 $0xB80;
	[sflag:s15] =	ssyncadd.s32 $0xFFFFC000  }
0x161: {  	[spmem:s3] =	stream.indirect.scatter.add.f32 [tilespmem:s12], [sflag:$0x3], $0x80, s26, s10, $0xb8;
	[tilespmem:$0x1D400] =	vst v63  }
0x162: {  	_ =	swait.ge [sflag:s19], $0x4000  }
0x163: {  	[sflag:s19] =	ssyncset.done $0x0  }
0x164: {  	[sflag:s19] =	ssyncadd.s32 $0xFFFFC000  }
0x165: {  	[spmem:s3] =	stream.indirect.scatter.add.f32 [tilespmem:s14], [sflag:$0x2], $0x80, s26, s10, $0xb8;
	[tilespmem:$0x1D400] =	vst v63  }
0x166: {  	_ =	swait.ge [sflag:s19], $0x4000  }
0x167: {  	[sflag:s19] =	ssyncset.done $0x0  }
0x168: {  	[sflag:s19] =	ssyncadd.s32 $0xFFFFC000  }
0x169: {  	_ =	swait.ge [sflag:s20], $0x4000  }
0x16a: {  	[sflag:s20] =	ssyncset.done $0x0  }
0x16b: {  	[sflag:s20] =	ssyncadd.s32 $0xFFFFC000  }
0x16c: {  	_ =	swait.ge [sflag:s20], $0x4000  }
0x16d: {  	[sflag:s20] =	ssyncset.done $0x0  }
0x16e: {  	[sflag:s20] =	ssyncadd.s32 $0xFFFFC000  }
0x16f: {  	[bflag:$0x0] =	sbarrier.arrive $0xFFFF  }
0x170: {  	s28 =	rddreg [dreg:$0x11]  }
0x171: {  	s29 =	rddreg [dreg:$0x15]  }
0x172: {  	[dreg:$0x1d] =	wrdreg s16  }
0x173: {  	[hbm:s28], [sflag:s16] =	dma.local [spmem:s29], $0x2080  }
0x174: {  	s0 =	sld [smem:$0x7FD];
	_ =	sdelay $0x2  }
0x175: {  	s0 =	ssub.s32 $0x2, s0  }
0x176: {  	s30 =	sshrl.u32 s0, $0x1  }
0x177: {  	s24 =	ssub.s32 s0, s30  }
0x178: {  	s24 =	smax.u32 s24, $0x1  }
0x179: {  	s24 =	sadd.s32 $0xFFFFFFFF, s24  }
0x17a: {  	p1 =	sne.s32 s24, $0x0  }
.Ltmp0:
0x17b: {  	_ = 	snop;
	(pc) =	sbr.rel @!p1 .LBB2_3-.Ltmp0, $1  }
0x17c: {  	_ =	sdelay $0x3  }
0x17d: {  	s8 =	simm.s32 $0x800  }
0x17e: {  	s7 =	simm.s32 $0x280;
	s6 =	simm.s32 $0x300;
	s9 =	simm.s32 $0x380  }
.LBB2_2:
0x17f: {  	_ =	swait.ge [sflag:s5], $0x2080  }
0x180: {  	[sflag:s5] =	ssyncset.done $0x0  }
0x181: {  	s28 =	rddreg [dreg:$0x5];
	[sflag:s5] =	ssyncadd.s32 $0xFFFFDF80  }
0x182: {  	[tilespmem:s4], [sflag:$0x5] =	stream.linear.gather [hbm4b:s28+s4], $0x400, $0x38;
	[tilespmem:$0x1D400] =	vst v63  }
0x183: {  	_ =	swait.ge [sflag:s5], $0x400  }
0x184: {  	[sflag:s5] =	ssyncset.done $0x0  }
0x185: {  	s0 =	simm.s32 $0x400;
	s17 =	rddreg [dreg:$0x6];
	[sflag:s5] =	ssyncadd.s32 $0xFFFFFC00  }
0x186: {  	[tilespmem:s0], [sflag:$0x5] =	stream.linear.gather [hbm4b:s17+s4], $0x400, $0x38;
	[tilespmem:$0x1D400] =	vst v63  }
0x187: {  	_ =	swait.ge [sflag:s5], $0x400  }
0x188: {  	[sflag:s5] =	ssyncset.done $0x0  }
0x189: {  	s21 =	rddreg [dreg:$0x7];
	[sflag:s5] =	ssyncadd.s32 $0xFFFFFC00  }
0x18a: {  	[tilespmem:s8], [sflag:$0x5] =	stream.linear.gather [hbm4b:s21+s4], $0x400, $0x38;
	[tilespmem:$0x1D400] =	vst v63  }
0x18b: {  	_ =	swait.ge [sflag:s5], $0x400  }
0x18c: {  	s22 =	rddreg [dreg:$0x12]  }
0x18d: {  	[sflag:s5] =	ssyncset.done $0x0;
	s13 =	rddreg [dreg:$0x16]  }
0x18e: {  	s16 =	rddreg [dreg:$0x1d];
	[sflag:s5] =	ssyncadd.s32 $0xFFFFFC00  }
0x18f: {  	[spmem:s22], [sflag:s16] =	dma.local [hbm:s13], $0x1480  }
0x190: {  	_ =	swait.ge [sflag:s5], $0x1480  }
0x191: {  	[sflag:s5] =	ssyncset.done $0x0  }
0x192: {  	[sflag:s5] =	ssyncadd.s32 $0xFFFFEB80  }
0x193: {  	[bflag:$0x0] =	sbarrier.arrive $0xFFFF  }
0x194: {  	[tilespmem:s11], [sflag:$0x1] =	stream.indirect.gather [hbm4b:s31+s10], $0x80, s4, s10, $0xb8;
	[tilespmem:$0x1D400] =	vst v63  }
0x195: {  	_ = 	snop  }
0x196: {  	[tilespmem:s12], [sflag:$0x1] =	stream.indirect.gather [hbm4b:s31+s10], $0x80, s10, s10, $0xb8;
	[tilespmem:$0x1D400] =	vst v63  }
0x197: {  	s17 =	rddreg [dreg:$0x17]  }
0x198: {  	[tilespmem:s14], [sflag:$0x2] =	stream.linear.gather [hbm4b:s17+s4], $0x4000, $0x38;
	[tilespmem:$0x1D400] =	vst v63  }
0x199: {  	_ =	swait.ge [sflag:s15], $0x4000  }
0x19a: {  	s29 =	simm.s32 @!p0 $0xC00;
	[sflag:s15] =	ssyncset.done $0x0  }
0x19b: {  	s1 =	simm.s32 @!p0 $0x0;
	s28 =	rddreg [dreg:$0x8];
	[sflag:s15] =	ssyncadd.s32 $0xFFFFC000  }
0x19c: {  	[hbm4b:s28+s1] =	stream.linear.scatter @!p0 [tilespmem:s29], [sflag:$0x4], $0x4000, $0x38;
	[tilespmem:$0x1D400] =	vst v63  }
0x19d: {  	_ =	swait.ge @!p0 [sflag:s18], $0x4000  }
0x19e: {  	[sflag:s18] =	ssyncset.done @!p0 $0x0  }
0x19f: {  	[sflag:s18] =	ssyncadd.s32 @!p0 $0xFFFFC000  }
0x1a0: {  	[spmem:s3] =	stream.indirect.scatter.add.f32 [tilespmem:s11], [sflag:$0x3], $0x80, s0, s10, $0xb8;
	[tilespmem:$0x1D400] =	vst v63  }
0x1a1: {  	_ =	swait.ge [sflag:s19], $0x4000  }
0x1a2: {  	[sflag:s19] =	ssyncset.done $0x0  }
0x1a3: {  	[sflag:s19] =	ssyncadd.s32 $0xFFFFC000  }
0x1a4: {  	[spmem:s3] =	stream.indirect.scatter.add.f32 [tilespmem:s14], [sflag:$0x2], $0x80, s0, s10, $0xb8;
	[tilespmem:$0x1D400] =	vst v63  }
0x1a5: {  	_ =	swait.ge [sflag:s19], $0x4000  }
0x1a6: {  	[sflag:s19] =	ssyncset.done $0x0  }
0x1a7: {  	[sflag:s19] =	ssyncadd.s32 $0xFFFFC000  }
0x1a8: {  	_ =	swait.ge [sflag:s20], $0x4000  }
0x1a9: {  	[sflag:s20] =	ssyncset.done $0x0  }
0x1aa: {  	s23 =	simm.s32 $0x100;
	[sflag:s20] =	ssyncadd.s32 $0xFFFFC000  }
0x1ab: {  	[tilespmem:s11], [sflag:$0x1] =	stream.indirect.gather [hbm4b:s31+s10], $0x80, s23, s10, $0xb8;
	[tilespmem:$0x1D400] =	vst v63  }
0x1ac: {  	s23 =	rddreg [dreg:$0x18]  }
0x1ad: {  	[tilespmem:s14], [sflag:$0x2] =	stream.linear.gather [hbm4b:s23+s4], $0x4000, $0x38;
	[tilespmem:$0x1D400] =	vst v63  }
0x1ae: {  	_ =	swait.ge [sflag:s15], $0x4000  }
0x1af: {  	[sflag:s15] =	ssyncset.done $0x0  }
0x1b0: {  	s26 =	simm.s32 @!p0 $0x4C00;
	s28 =	rddreg [dreg:$0x9];
	[sflag:s15] =	ssyncadd.s32 $0xFFFFC000  }
0x1b1: {  	[hbm4b:s28+s1] =	stream.linear.scatter @!p0 [tilespmem:s26], [sflag:$0x4], $0x4000, $0x38;
	[tilespmem:$0x1D400] =	vst v63  }
0x1b2: {  	_ =	swait.ge @!p0 [sflag:s18], $0x4000  }
0x1b3: {  	[sflag:s18] =	ssyncset.done @!p0 $0x0  }
0x1b4: {  	s25 =	simm.s32 $0x480;
	[sflag:s18] =	ssyncadd.s32 @!p0 $0xFFFFC000  }
0x1b5: {  	[spmem:s3] =	stream.indirect.scatter.add.f32 [tilespmem:s12], [sflag:$0x3], $0x80, s25, s10, $0xb8;
	[tilespmem:$0x1D400] =	vst v63  }
0x1b6: {  	_ =	swait.ge [sflag:s19], $0x4000  }
0x1b7: {  	[sflag:s19] =	ssyncset.done $0x0  }
0x1b8: {  	[sflag:s19] =	ssyncadd.s32 $0xFFFFC000  }
0x1b9: {  	[spmem:s3] =	stream.indirect.scatter.add.f32 [tilespmem:s14], [sflag:$0x2], $0x80, s25, s10, $0xb8;
	[tilespmem:$0x1D400] =	vst v63  }
0x1ba: {  	_ =	swait.ge [sflag:s19], $0x4000  }
0x1bb: {  	[sflag:s19] =	ssyncset.done $0x0  }
0x1bc: {  	[sflag:s19] =	ssyncadd.s32 $0xFFFFC000  }
0x1bd: {  	_ =	swait.ge [sflag:s20], $0x4000  }
0x1be: {  	[sflag:s20] =	ssyncset.done $0x0  }
0x1bf: {  	s30 =	simm.s32 $0x180;
	[sflag:s20] =	ssyncadd.s32 $0xFFFFC000  }
0x1c0: {  	[tilespmem:s12], [sflag:$0x1] =	stream.indirect.gather [hbm4b:s31+s10], $0x80, s30, s10, $0xb8;
	[tilespmem:$0x1D400] =	vst v63  }
0x1c1: {  	s30 =	rddreg [dreg:$0x19]  }
0x1c2: {  	[tilespmem:s14], [sflag:$0x2] =	stream.linear.gather [hbm4b:s30+s4], $0x4000, $0x38;
	[tilespmem:$0x1D400] =	vst v63  }
0x1c3: {  	_ =	swait.ge [sflag:s15], $0x4000  }
0x1c4: {  	[sflag:s15] =	ssyncset.done $0x0  }
0x1c5: {  	s28 =	rddreg [dreg:$0xa];
	[sflag:s15] =	ssyncadd.s32 $0xFFFFC000  }
0x1c6: {  	[hbm4b:s28+s1] =	stream.linear.scatter @!p0 [tilespmem:s29], [sflag:$0x4], $0x4000, $0x38;
	[tilespmem:$0x1D400] =	vst v63  }
0x1c7: {  	_ =	swait.ge @!p0 [sflag:s18], $0x4000  }
0x1c8: {  	[sflag:s18] =	ssyncset.done @!p0 $0x0  }
0x1c9: {  	s0 =	simm.s32 $0x500;
	[sflag:s18] =	ssyncadd.s32 @!p0 $0xFFFFC000  }
0x1ca: {  	[spmem:s3] =	stream.indirect.scatter.add.f32 [tilespmem:s11], [sflag:$0x3], $0x80, s0, s10, $0xb8;
	[tilespmem:$0x1D400] =	vst v63  }
0x1cb: {  	_ =	swait.ge [sflag:s19], $0x4000  }
0x1cc: {  	[sflag:s19] =	ssyncset.done $0x0  }
0x1cd: {  	[sflag:s19] =	ssyncadd.s32 $0xFFFFC000  }
0x1ce: {  	[spmem:s3] =	stream.indirect.scatter.add.f32 [tilespmem:s14], [sflag:$0x2], $0x80, s0, s10, $0xb8;
	[tilespmem:$0x1D400] =	vst v63  }
0x1cf: {  	_ =	swait.ge [sflag:s19], $0x4000  }
0x1d0: {  	[sflag:s19] =	ssyncset.done $0x0  }
0x1d1: {  	[sflag:s19] =	ssyncadd.s32 $0xFFFFC000  }
0x1d2: {  	_ =	swait.ge [sflag:s20], $0x4000  }
0x1d3: {  	[sflag:s20] =	ssyncset.done $0x0  }
0x1d4: {  	s2 =	simm.s32 $0x200;
	[sflag:s20] =	ssyncadd.s32 $0xFFFFC000  }
0x1d5: {  	[tilespmem:s11], [sflag:$0x1] =	stream.indirect.gather [hbm4b:s31+s10], $0x80, s2, s10, $0xb8;
	[tilespmem:$0x1D400] =	vst v63  }
0x1d6: {  	s2 =	rddreg [dreg:$0x1a]  }
0x1d7: {  	[tilespmem:s14], [sflag:$0x2] =	stream.linear.gather [hbm4b:s2+s4], $0x4000, $0x38;
	[tilespmem:$0x1D400] =	vst v63  }
0x1d8: {  	_ =	swait.ge [sflag:s15], $0x4000  }
0x1d9: {  	[sflag:s15] =	ssyncset.done $0x0  }
0x1da: {  	s28 =	rddreg [dreg:$0xb];
	[sflag:s15] =	ssyncadd.s32 $0xFFFFC000  }
0x1db: {  	[hbm4b:s28+s1] =	stream.linear.scatter @!p0 [tilespmem:s26], [sflag:$0x4], $0x4000, $0x38;
	[tilespmem:$0x1D400] =	vst v63  }
0x1dc: {  	_ =	swait.ge @!p0 [sflag:s18], $0x4000  }
0x1dd: {  	[sflag:s18] =	ssyncset.done @!p0 $0x0  }
0x1de: {  	s21 =	simm.s32 $0x580;
	[sflag:s18] =	ssyncadd.s32 @!p0 $0xFFFFC000  }
0x1df: {  	[spmem:s3] =	stream.indirect.scatter.add.f32 [tilespmem:s12], [sflag:$0x3], $0x80, s21, s10, $0xb8;
	[tilespmem:$0x1D400] =	vst v63  }
0x1e0: {  	_ =	swait.ge [sflag:s19], $0x4000  }
0x1e1: {  	[sflag:s19] =	ssyncset.done $0x0  }
0x1e2: {  	[sflag:s19] =	ssyncadd.s32 $0xFFFFC000  }
0x1e3: {  	[spmem:s3] =	stream.indirect.scatter.add.f32 [tilespmem:s14], [sflag:$0x2], $0x80, s21, s10, $0xb8;
	[tilespmem:$0x1D400] =	vst v63  }
0x1e4: {  	_ =	swait.ge [sflag:s19], $0x4000  }
0x1e5: {  	[sflag:s19] =	ssyncset.done $0x0  }
0x1e6: {  	[sflag:s19] =	ssyncadd.s32 $0xFFFFC000  }
0x1e7: {  	_ =	swait.ge [sflag:s20], $0x4000  }
0x1e8: {  	[sflag:s20] =	ssyncset.done $0x0  }
0x1e9: {  	[sflag:s20] =	ssyncadd.s32 $0xFFFFC000  }
0x1ea: {  	[tilespmem:s12], [sflag:$0x1] =	stream.indirect.gather [hbm4b:s31+s10], $0x80, s7, s10, $0xb8;
	[tilespmem:$0x1D400] =	vst v63  }
0x1eb: {  	s25 =	rddreg [dreg:$0x1b]  }
0x1ec: {  	[tilespmem:s14], [sflag:$0x2] =	stream.linear.gather [hbm4b:s25+s4], $0x4000, $0x38;
	[tilespmem:$0x1D400] =	vst v63  }
0x1ed: {  	_ =	swait.ge [sflag:s15], $0x4000  }
0x1ee: {  	[sflag:s15] =	ssyncset.done $0x0  }
0x1ef: {  	s28 =	rddreg [dreg:$0xc];
	[sflag:s15] =	ssyncadd.s32 $0xFFFFC000  }
0x1f0: {  	[hbm4b:s28+s1] =	stream.linear.scatter @!p0 [tilespmem:s29], [sflag:$0x4], $0x4000, $0x38;
	[tilespmem:$0x1D400] =	vst v63  }
0x1f1: {  	_ =	swait.ge @!p0 [sflag:s18], $0x4000  }
0x1f2: {  	[sflag:s18] =	ssyncset.done @!p0 $0x0  }
0x1f3: {  	s22 =	simm.s32 $0x600;
	[sflag:s18] =	ssyncadd.s32 @!p0 $0xFFFFC000  }
0x1f4: {  	[spmem:s3] =	stream.indirect.scatter.add.f32 [tilespmem:s11], [sflag:$0x3], $0x80, s22, s10, $0xb8;
	[tilespmem:$0x1D400] =	vst v63  }
0x1f5: {  	_ =	swait.ge [sflag:s19], $0x4000  }
0x1f6: {  	[sflag:s19] =	ssyncset.done $0x0  }
0x1f7: {  	[sflag:s19] =	ssyncadd.s32 $0xFFFFC000  }
0x1f8: {  	[spmem:s3] =	stream.indirect.scatter.add.f32 [tilespmem:s14], [sflag:$0x2], $0x80, s22, s10, $0xb8;
	[tilespmem:$0x1D400] =	vst v63  }
0x1f9: {  	_ =	swait.ge [sflag:s19], $0x4000  }
0x1fa: {  	[sflag:s19] =	ssyncset.done $0x0  }
0x1fb: {  	[sflag:s19] =	ssyncadd.s32 $0xFFFFC000  }
0x1fc: {  	_ =	swait.ge [sflag:s20], $0x4000  }
0x1fd: {  	[sflag:s20] =	ssyncset.done $0x0  }
0x1fe: {  	[sflag:s20] =	ssyncadd.s32 $0xFFFFC000  }
0x1ff: {  	[tilespmem:s11], [sflag:$0x1] =	stream.indirect.gather [hbm4b:s31+s10], $0x80, s6, s10, $0xb8;
	[tilespmem:$0x1D400] =	vst v63  }
0x200: {  	s21 =	rddreg [dreg:$0x1c]  }
0x201: {  	[tilespmem:s14], [sflag:$0x2] =	stream.linear.gather [hbm4b:s21+s4], $0x4000, $0x38;
	[tilespmem:$0x1D400] =	vst v63  }
0x202: {  	_ =	swait.ge [sflag:s15], $0x4000  }
0x203: {  	[sflag:s15] =	ssyncset.done $0x0  }
0x204: {  	s28 =	rddreg [dreg:$0xd];
	[sflag:s15] =	ssyncadd.s32 $0xFFFFC000  }
0x205: {  	[hbm4b:s28+s1] =	stream.linear.scatter @!p0 [tilespmem:s26], [sflag:$0x4], $0x4000, $0x38;
	[tilespmem:$0x1D400] =	vst v63  }
0x206: {  	_ =	swait.ge @!p0 [sflag:s18], $0x4000  }
0x207: {  	[sflag:s18] =	ssyncset.done @!p0 $0x0  }
0x208: {  	s0 =	simm.s32 $0x680;
	[sflag:s18] =	ssyncadd.s32 @!p0 $0xFFFFC000  }
0x209: {  	[spmem:s3] =	stream.indirect.scatter.add.f32 [tilespmem:s12], [sflag:$0x3], $0x80, s0, s10, $0xb8;
	[tilespmem:$0x1D400] =	vst v63  }
0x20a: {  	_ =	swait.ge [sflag:s19], $0x4000  }
0x20b: {  	[sflag:s19] =	ssyncset.done $0x0  }
0x20c: {  	[sflag:s19] =	ssyncadd.s32 $0xFFFFC000  }
0x20d: {  	[spmem:s3] =	stream.indirect.scatter.add.f32 [tilespmem:s14], [sflag:$0x2], $0x80, s0, s10, $0xb8;
	[tilespmem:$0x1D400] =	vst v63  }
0x20e: {  	_ =	swait.ge [sflag:s19], $0x4000  }
0x20f: {  	[sflag:s19] =	ssyncset.done $0x0  }
0x210: {  	[sflag:s19] =	ssyncadd.s32 $0xFFFFC000  }
0x211: {  	_ =	swait.ge [sflag:s20], $0x4000  }
0x212: {  	[sflag:s20] =	ssyncset.done $0x0  }
0x213: {  	[sflag:s20] =	ssyncadd.s32 $0xFFFFC000  }
0x214: {  	[tilespmem:s12], [sflag:$0x1] =	stream.indirect.gather [hbm4b:s31+s10], $0x80, s9, s10, $0xb8;
	[tilespmem:$0x1D400] =	vst v63  }
0x215: {  	s0 =	rddreg [dreg:$0x1e]  }
0x216: {  	[tilespmem:s14], [sflag:$0x2] =	stream.linear.gather [hbm4b:s0+s4], $0x4000, $0x38;
	[tilespmem:$0x1D400] =	vst v63  }
0x217: {  	_ =	swait.ge [sflag:s15], $0x4000  }
0x218: {  	[sflag:s15] =	ssyncset.done $0x0  }
0x219: {  	s28 =	rddreg [dreg:$0xe];
	[sflag:s15] =	ssyncadd.s32 $0xFFFFC000  }
0x21a: {  	[hbm4b:s28+s1] =	stream.linear.scatter @!p0 [tilespmem:s29], [sflag:$0x4], $0x4000, $0x38;
	[tilespmem:$0x1D400] =	vst v63  }
0x21b: {  	_ =	swait.ge @!p0 [sflag:s18], $0x4000  }
0x21c: {  	[sflag:s18] =	ssyncset.done @!p0 $0x0  }
0x21d: {  	s22 =	simm.s32 $0x700;
	[sflag:s18] =	ssyncadd.s32 @!p0 $0xFFFFC000  }
0x21e: {  	[spmem:s3] =	stream.indirect.scatter.add.f32 [tilespmem:s11], [sflag:$0x3], $0x80, s22, s10, $0xb8;
	[tilespmem:$0x1D400] =	vst v63  }
0x21f: {  	_ =	swait.ge [sflag:s19], $0x4000  }
0x220: {  	[sflag:s19] =	ssyncset.done $0x0  }
0x221: {  	[sflag:s19] =	ssyncadd.s32 $0xFFFFC000  }
0x222: {  	[spmem:s3] =	stream.indirect.scatter.add.f32 [tilespmem:s14], [sflag:$0x2], $0x80, s22, s10, $0xb8;
	[tilespmem:$0x1D400] =	vst v63  }
0x223: {  	_ =	swait.ge [sflag:s19], $0x4000  }
0x224: {  	[sflag:s19] =	ssyncset.done $0x0  }
0x225: {  	s22 =	rddreg [dreg:$0x1f];
	[sflag:s19] =	ssyncadd.s32 $0xFFFFC000  }
0x226: {  	[tilespmem:s14], [sflag:$0x2] =	stream.linear.gather [hbm4b:s22+s4], $0x4000, $0x38;
	[tilespmem:$0x1D400] =	vst v63  }
0x227: {  	_ =	swait.ge [sflag:s15], $0x4000  }
0x228: {  	[sflag:s15] =	ssyncset.done $0x0  }
0x229: {  	s28 =	rddreg [dreg:$0xf];
	[sflag:s15] =	ssyncadd.s32 $0xFFFFC000  }
0x22a: {  	[hbm4b:s28+s1] =	stream.linear.scatter @!p0 [tilespmem:s26], [sflag:$0x4], $0x4000, $0x38;
	[tilespmem:$0x1D400] =	vst v63  }
0x22b: {  	_ =	swait.ge @!p0 [sflag:s18], $0x4000  }
0x22c: {  	[sflag:s18] =	ssyncset.done @!p0 $0x0  }
0x22d: {  	s29 =	simm.s32 $0x780;
	[sflag:s18] =	ssyncadd.s32 @!p0 $0xFFFFC000  }
0x22e: {  	[spmem:s3] =	stream.indirect.scatter.add.f32 [tilespmem:s12], [sflag:$0x3], $0x80, s29, s10, $0xb8;
	[tilespmem:$0x1D400] =	vst v63  }
0x22f: {  	_ =	swait.ge [sflag:s19], $0x4000  }
0x230: {  	[sflag:s19] =	ssyncset.done $0x0  }
0x231: {  	[sflag:s19] =	ssyncadd.s32 $0xFFFFC000  }
0x232: {  	[spmem:s3] =	stream.indirect.scatter.add.f32 [tilespmem:s14], [sflag:$0x2], $0x80, s29, s10, $0xb8;
	[tilespmem:$0x1D400] =	vst v63  }
0x233: {  	_ =	swait.ge [sflag:s19], $0x4000  }
0x234: {  	[sflag:s19] =	ssyncset.done $0x0  }
0x235: {  	[sflag:s19] =	ssyncadd.s32 $0xFFFFC000  }
0x236: {  	_ =	swait.ge [sflag:s20], $0x4000  }
0x237: {  	[sflag:s20] =	ssyncset.done $0x0  }
0x238: {  	[sflag:s20] =	ssyncadd.s32 $0xFFFFC000  }
0x239: {  	_ =	swait.ge [sflag:s20], $0x4000  }
0x23a: {  	[sflag:s20] =	ssyncset.done $0x0  }
0x23b: {  	[sflag:s20] =	ssyncadd.s32 $0xFFFFC000  }
0x23c: {  	[bflag:$0x0] =	sbarrier.arrive $0xFFFF  }
0x23d: {  	s1 =	rddreg [dreg:$0x10]  }
0x23e: {  	s26 =	rddreg [dreg:$0x13]  }
0x23f: {  	[hbm:s1], [sflag:s16] =	dma.local [spmem:s26], $0x1400  }
0x240: {  	_ =	swait.ge [sflag:s5], $0x1400  }
0x241: {  	[sflag:s5] =	ssyncset.done $0x0  }
0x242: {  	[sflag:s5] =	ssyncadd.s32 $0xFFFFEC00  }
0x243: {  	[bflag:$0x0] =	sbarrier.arrive $0xFFFF  }
0x244: {  	s1 =	rddreg [dreg:$0x14]  }
0x245: {  	[spmem:s1], [sflag:s16] =	dma.local [hbm:s13], $0x2100  }
0x246: {  	_ =	swait.ge [sflag:s5], $0x2100  }
0x247: {  	[sflag:s5] =	ssyncset.done $0x0  }
0x248: {  	[sflag:s5] =	ssyncadd.s32 $0xFFFFDF00  }
0x249: {  	[bflag:$0x0] =	sbarrier.arrive $0xFFFF  }
0x24a: {  	[tilespmem:s11], [sflag:$0x1] =	stream.indirect.gather [hbm4b:s31+s10], $0x80, s4, s10, $0xb8;
	[tilespmem:$0x1D400] =	vst v63  }
0x24b: {  	_ = 	snop  }
0x24c: {  	[tilespmem:s12], [sflag:$0x1] =	stream.indirect.gather [hbm4b:s31+s10], $0x80, s10, s10, $0xb8;
	[tilespmem:$0x1D400] =	vst v63  }
0x24d: {  	_ = 	snop  }
0x24e: {  	[tilespmem:s14], [sflag:$0x2] =	stream.linear.gather [hbm4b:s17+s4], $0x4000, $0x38;
	[tilespmem:$0x1D400] =	vst v63  }
0x24f: {  	_ =	swait.ge [sflag:s15], $0x4000  }
0x250: {  	[sflag:s15] =	ssyncset.done $0x0  }
0x251: {  	[sflag:s15] =	ssyncadd.s32 $0xFFFFC000  }
0x252: {  	[spmem:s3] =	stream.indirect.scatter.add.f32 [tilespmem:s11], [sflag:$0x3], $0x80, s8, s10, $0xb8;
	[tilespmem:$0x1D400] =	vst v63  }
0x253: {  	_ =	swait.ge [sflag:s19], $0x4000  }
0x254: {  	[sflag:s19] =	ssyncset.done $0x0  }
0x255: {  	[sflag:s19] =	ssyncadd.s32 $0xFFFFC000  }
0x256: {  	[spmem:s3] =	stream.indirect.scatter.add.f32 [tilespmem:s14], [sflag:$0x2], $0x80, s8, s10, $0xb8;
	[tilespmem:$0x1D400] =	vst v63  }
0x257: {  	_ =	swait.ge [sflag:s19], $0x4000  }
0x258: {  	[sflag:s19] =	ssyncset.done $0x0  }
0x259: {  	[sflag:s19] =	ssyncadd.s32 $0xFFFFC000  }
0x25a: {  	_ =	swait.ge [sflag:s20], $0x4000  }
0x25b: {  	[sflag:s20] =	ssyncset.done $0x0  }
0x25c: {  	s17 =	simm.s32 $0x100;
	[sflag:s20] =	ssyncadd.s32 $0xFFFFC000  }
0x25d: {  	[tilespmem:s11], [sflag:$0x1] =	stream.indirect.gather [hbm4b:s31+s10], $0x80, s17, s10, $0xb8;
	[tilespmem:$0x1D400] =	vst v63  }
0x25e: {  	_ = 	snop  }
0x25f: {  	[tilespmem:s14], [sflag:$0x2] =	stream.linear.gather [hbm4b:s23+s4], $0x4000, $0x38;
	[tilespmem:$0x1D400] =	vst v63  }
0x260: {  	_ =	swait.ge [sflag:s15], $0x4000  }
0x261: {  	[sflag:s15] =	ssyncset.done $0x0  }
0x262: {  	s26 =	simm.s32 $0x880;
	[sflag:s15] =	ssyncadd.s32 $0xFFFFC000  }
0x263: {  	[spmem:s3] =	stream.indirect.scatter.add.f32 [tilespmem:s12], [sflag:$0x3], $0x80, s26, s10, $0xb8;
	[tilespmem:$0x1D400] =	vst v63  }
0x264: {  	_ =	swait.ge [sflag:s19], $0x4000  }
0x265: {  	[sflag:s19] =	ssyncset.done $0x0  }
0x266: {  	[sflag:s19] =	ssyncadd.s32 $0xFFFFC000  }
0x267: {  	[spmem:s3] =	stream.indirect.scatter.add.f32 [tilespmem:s14], [sflag:$0x2], $0x80, s26, s10, $0xb8;
	[tilespmem:$0x1D400] =	vst v63  }
0x268: {  	_ =	swait.ge [sflag:s19], $0x4000  }
0x269: {  	[sflag:s19] =	ssyncset.done $0x0  }
0x26a: {  	[sflag:s19] =	ssyncadd.s32 $0xFFFFC000  }
0x26b: {  	_ =	swait.ge [sflag:s20], $0x4000  }
0x26c: {  	[sflag:s20] =	ssyncset.done $0x0  }
0x26d: {  	s28 =	simm.s32 $0x180;
	[sflag:s20] =	ssyncadd.s32 $0xFFFFC000  }
0x26e: {  	[tilespmem:s12], [sflag:$0x1] =	stream.indirect.gather [hbm4b:s31+s10], $0x80, s28, s10, $0xb8;
	[tilespmem:$0x1D400] =	vst v63  }
0x26f: {  	_ = 	snop  }
0x270: {  	[tilespmem:s14], [sflag:$0x2] =	stream.linear.gather [hbm4b:s30+s4], $0x4000, $0x38;
	[tilespmem:$0x1D400] =	vst v63  }
0x271: {  	_ =	swait.ge [sflag:s15], $0x4000  }
0x272: {  	[sflag:s15] =	ssyncset.done $0x0  }
0x273: {  	s29 =	simm.s32 $0x900;
	[sflag:s15] =	ssyncadd.s32 $0xFFFFC000  }
0x274: {  	[spmem:s3] =	stream.indirect.scatter.add.f32 [tilespmem:s11], [sflag:$0x3], $0x80, s29, s10, $0xb8;
	[tilespmem:$0x1D400] =	vst v63  }
0x275: {  	_ =	swait.ge [sflag:s19], $0x4000  }
0x276: {  	[sflag:s19] =	ssyncset.done $0x0  }
0x277: {  	[sflag:s19] =	ssyncadd.s32 $0xFFFFC000  }
0x278: {  	[spmem:s3] =	stream.indirect.scatter.add.f32 [tilespmem:s14], [sflag:$0x2], $0x80, s29, s10, $0xb8;
	[tilespmem:$0x1D400] =	vst v63  }
0x279: {  	_ =	swait.ge [sflag:s19], $0x4000  }
0x27a: {  	[sflag:s19] =	ssyncset.done $0x0  }
0x27b: {  	[sflag:s19] =	ssyncadd.s32 $0xFFFFC000  }
0x27c: {  	_ =	swait.ge [sflag:s20], $0x4000  }
0x27d: {  	[sflag:s20] =	ssyncset.done $0x0  }
0x27e: {  	s30 =	simm.s32 $0x200;
	[sflag:s20] =	ssyncadd.s32 $0xFFFFC000  }
0x27f: {  	[tilespmem:s11], [sflag:$0x1] =	stream.indirect.gather [hbm4b:s31+s10], $0x80, s30, s10, $0xb8;
	[tilespmem:$0x1D400] =	vst v63  }
0x280: {  	_ = 	snop  }
0x281: {  	[tilespmem:s14], [sflag:$0x2] =	stream.linear.gather [hbm4b:s2+s4], $0x4000, $0x38;
	[tilespmem:$0x1D400] =	vst v63  }
0x282: {  	_ =	swait.ge [sflag:s15], $0x4000  }
0x283: {  	[sflag:s15] =	ssyncset.done $0x0  }
0x284: {  	s13 =	simm.s32 $0x980;
	[sflag:s15] =	ssyncadd.s32 $0xFFFFC000  }
0x285: {  	[spmem:s3] =	stream.indirect.scatter.add.f32 [tilespmem:s12], [sflag:$0x3], $0x80, s13, s10, $0xb8;
	[tilespmem:$0x1D400] =	vst v63  }
0x286: {  	_ =	swait.ge [sflag:s19], $0x4000  }
0x287: {  	[sflag:s19] =	ssyncset.done $0x0  }
0x288: {  	[sflag:s19] =	ssyncadd.s32 $0xFFFFC000  }
0x289: {  	[spmem:s3] =	stream.indirect.scatter.add.f32 [tilespmem:s14], [sflag:$0x2], $0x80, s13, s10, $0xb8;
	[tilespmem:$0x1D400] =	vst v63  }
0x28a: {  	_ =	swait.ge [sflag:s19], $0x4000  }
0x28b: {  	[sflag:s19] =	ssyncset.done $0x0  }
0x28c: {  	[sflag:s19] =	ssyncadd.s32 $0xFFFFC000  }
0x28d: {  	_ =	swait.ge [sflag:s20], $0x4000  }
0x28e: {  	[sflag:s20] =	ssyncset.done $0x0  }
0x28f: {  	[sflag:s20] =	ssyncadd.s32 $0xFFFFC000  }
0x290: {  	[tilespmem:s12], [sflag:$0x1] =	stream.indirect.gather [hbm4b:s31+s10], $0x80, s7, s10, $0xb8;
	[tilespmem:$0x1D400] =	vst v63  }
0x291: {  	_ = 	snop  }
0x292: {  	[tilespmem:s14], [sflag:$0x2] =	stream.linear.gather [hbm4b:s25+s4], $0x4000, $0x38;
	[tilespmem:$0x1D400] =	vst v63  }
0x293: {  	_ =	swait.ge [sflag:s15], $0x4000  }
0x294: {  	[sflag:s15] =	ssyncset.done $0x0  }
0x295: {  	s17 =	simm.s32 $0xA00;
	[sflag:s15] =	ssyncadd.s32 $0xFFFFC000  }
0x296: {  	[spmem:s3] =	stream.indirect.scatter.add.f32 [tilespmem:s11], [sflag:$0x3], $0x80, s17, s10, $0xb8;
	[tilespmem:$0x1D400] =	vst v63  }
0x297: {  	_ =	swait.ge [sflag:s19], $0x4000  }
0x298: {  	[sflag:s19] =	ssyncset.done $0x0  }
0x299: {  	[sflag:s19] =	ssyncadd.s32 $0xFFFFC000  }
0x29a: {  	[spmem:s3] =	stream.indirect.scatter.add.f32 [tilespmem:s14], [sflag:$0x2], $0x80, s17, s10, $0xb8;
	[tilespmem:$0x1D400] =	vst v63  }
0x29b: {  	_ =	swait.ge [sflag:s19], $0x4000  }
0x29c: {  	[sflag:s19] =	ssyncset.done $0x0  }
0x29d: {  	[sflag:s19] =	ssyncadd.s32 $0xFFFFC000  }
0x29e: {  	_ =	swait.ge [sflag:s20], $0x4000  }
0x29f: {  	[sflag:s20] =	ssyncset.done $0x0  }
0x2a0: {  	[sflag:s20] =	ssyncadd.s32 $0xFFFFC000  }
0x2a1: {  	[tilespmem:s11], [sflag:$0x1] =	stream.indirect.gather [hbm4b:s31+s10], $0x80, s6, s10, $0xb8;
	[tilespmem:$0x1D400] =	vst v63  }
0x2a2: {  	_ = 	snop  }
0x2a3: {  	[tilespmem:s14], [sflag:$0x2] =	stream.linear.gather [hbm4b:s21+s4], $0x4000, $0x38;
	[tilespmem:$0x1D400] =	vst v63  }
0x2a4: {  	_ =	swait.ge [sflag:s15], $0x4000  }
0x2a5: {  	[sflag:s15] =	ssyncset.done $0x0  }
0x2a6: {  	s21 =	simm.s32 $0xA80;
	[sflag:s15] =	ssyncadd.s32 $0xFFFFC000  }
0x2a7: {  	[spmem:s3] =	stream.indirect.scatter.add.f32 [tilespmem:s12], [sflag:$0x3], $0x80, s21, s10, $0xb8;
	[tilespmem:$0x1D400] =	vst v63  }
0x2a8: {  	_ =	swait.ge [sflag:s19], $0x4000  }
0x2a9: {  	[sflag:s19] =	ssyncset.done $0x0  }
0x2aa: {  	[sflag:s19] =	ssyncadd.s32 $0xFFFFC000  }
0x2ab: {  	[spmem:s3] =	stream.indirect.scatter.add.f32 [tilespmem:s14], [sflag:$0x2], $0x80, s21, s10, $0xb8;
	[tilespmem:$0x1D400] =	vst v63  }
0x2ac: {  	_ =	swait.ge [sflag:s19], $0x4000  }
0x2ad: {  	[sflag:s19] =	ssyncset.done $0x0  }
0x2ae: {  	[sflag:s19] =	ssyncadd.s32 $0xFFFFC000  }
0x2af: {  	_ =	swait.ge [sflag:s20], $0x4000  }
0x2b0: {  	[sflag:s20] =	ssyncset.done $0x0  }
0x2b1: {  	[sflag:s20] =	ssyncadd.s32 $0xFFFFC000  }
0x2b2: {  	[tilespmem:s12], [sflag:$0x1] =	stream.indirect.gather [hbm4b:s31+s10], $0x80, s9, s10, $0xb8;
	[tilespmem:$0x1D400] =	vst v63  }
0x2b3: {  	_ = 	snop  }
0x2b4: {  	[tilespmem:s14], [sflag:$0x2] =	stream.linear.gather [hbm4b:s0+s4], $0x4000, $0x38;
	[tilespmem:$0x1D400] =	vst v63  }
0x2b5: {  	_ =	swait.ge [sflag:s15], $0x4000  }
0x2b6: {  	[sflag:s15] =	ssyncset.done $0x0  }
0x2b7: {  	s23 =	simm.s32 $0xB00;
	[sflag:s15] =	ssyncadd.s32 $0xFFFFC000  }
0x2b8: {  	[spmem:s3] =	stream.indirect.scatter.add.f32 [tilespmem:s11], [sflag:$0x3], $0x80, s23, s10, $0xb8;
	[tilespmem:$0x1D400] =	vst v63  }
0x2b9: {  	_ =	swait.ge [sflag:s19], $0x4000  }
0x2ba: {  	[sflag:s19] =	ssyncset.done $0x0  }
0x2bb: {  	[sflag:s19] =	ssyncadd.s32 $0xFFFFC000  }
0x2bc: {  	[spmem:s3] =	stream.indirect.scatter.add.f32 [tilespmem:s14], [sflag:$0x2], $0x80, s23, s10, $0xb8;
	[tilespmem:$0x1D400] =	vst v63  }
0x2bd: {  	_ =	swait.ge [sflag:s19], $0x4000  }
0x2be: {  	[sflag:s19] =	ssyncset.done $0x0  }
0x2bf: {  	[sflag:s19] =	ssyncadd.s32 $0xFFFFC000  }
0x2c0: {  	[tilespmem:s14], [sflag:$0x2] =	stream.linear.gather [hbm4b:s22+s4], $0x4000, $0x38;
	[tilespmem:$0x1D400] =	vst v63  }
0x2c1: {  	_ =	swait.ge [sflag:s15], $0x4000  }
0x2c2: {  	[sflag:s15] =	ssyncset.done $0x0  }
0x2c3: {  	s25 =	simm.s32 $0xB80;
	[sflag:s15] =	ssyncadd.s32 $0xFFFFC000  }
0x2c4: {  	[spmem:s3] =	stream.indirect.scatter.add.f32 [tilespmem:s12], [sflag:$0x3], $0x80, s25, s10, $0xb8;
	[tilespmem:$0x1D400] =	vst v63  }
0x2c5: {  	_ =	swait.ge [sflag:s19], $0x4000  }
0x2c6: {  	[sflag:s19] =	ssyncset.done $0x0  }
0x2c7: {  	[sflag:s19] =	ssyncadd.s32 $0xFFFFC000  }
0x2c8: {  	[spmem:s3] =	stream.indirect.scatter.add.f32 [tilespmem:s14], [sflag:$0x2], $0x80, s25, s10, $0xb8;
	[tilespmem:$0x1D400] =	vst v63  }
0x2c9: {  	_ =	swait.ge [sflag:s19], $0x4000  }
0x2ca: {  	[sflag:s19] =	ssyncset.done $0x0  }
0x2cb: {  	[sflag:s19] =	ssyncadd.s32 $0xFFFFC000  }
0x2cc: {  	_ =	swait.ge [sflag:s20], $0x4000  }
0x2cd: {  	[sflag:s20] =	ssyncset.done $0x0  }
0x2ce: {  	[sflag:s20] =	ssyncadd.s32 $0xFFFFC000  }
0x2cf: {  	s24 =	sadd.s32 $0xFFFFFFFF, s24;
	_ =	swait.ge [sflag:s20], $0x4000  }
0x2d0: {  	p1 =	sne.s32 s24, $0x0;
	[sflag:s20] =	ssyncset.done $0x0  }
.Ltmp1:
0x2d1: {  	[sflag:s20] =	ssyncadd.s32 $0xFFFFC000;
	(pc) =	sbr.rel @p1 .LBB2_2-.Ltmp1, $4  }
0x2d2: {  	[bflag:$0x0] =	sbarrier.arrive $0xFFFF  }
0x2d3: {  	s26 =	rddreg [dreg:$0x11]  }
0x2d4: {  	s30 =	rddreg [dreg:$0x15]  }
0x2d5: {  	[hbm:s26], [sflag:s16] =	dma.local [spmem:s30], $0x2080  }
.LBB2_3:
0x2d6: {  	_ =	swait.ge [sflag:s5], $0x2080  }
0x2d7: {  	[sflag:s5] =	ssyncset.done $0x0  }
0x2d8: {  	[sflag:s5] =	ssyncadd.s32 $0xFFFFDF80  }
0x2d9: {  	_ =	sfence.sel $0x180000  }
0x2da: {  	[bflag:$0x0] =	sbarrier.arrive $0xFFFF  }
0x2db: {  	_ =	strace $0x90000047  }
0x2dc: {  	s0 =	stileid.u32;
	[bflag:$0x2] =	sbarrier.arrive $0xFFFF  }
0x2dd: {  	p0 =	sne.s32 s0, $0x0;
	s0 =	rddreg [dreg:$0x4]  }
0x2de: {  	s0 =	sadd.s32 @!p0 $0x100000, s0  }
0x2df: {  	[sflag:s0] =	ssyncadd.tile.s32 @!p0 $0x1;
	_ =	shalt  }
.Lfunc_end2:
_tile_overlayer_lowered:
.L_overlay_start_2:
0x2e0: {  	(tag) =	ssettag $0x2  }
0x2e1: {  	s0 =	rddreg [dreg:$0x0];
	s2 =	stileid.u32  }
0x2e2: {  	s1 =	rddreg [dreg:$0x1];
	p0 =	sne.s32 s2, $0x0  }
0x2e3: {  	s3 =	rddreg [dreg:$0x2];
	[bflag:$0x3] =	sbarrier.arrive $0xFFFF;
	s2 =	simm.s32 @!p0 $0x1C05  }
0x2e4: {  	[timem:s3], [sflag:s2] =	dma.local @!p0 [hbm:s0], s1  }
0x2e5: {  	s0 =	simm.s32 @!p0 $0x5  }
0x2e6: {  	_ =	swait.ge @!p0 [sflag:s0], s1  }
0x2e7: {  	s1 =	ssub.s32 @!p0 $0x0, s1;
	[sflag:s0] =	ssyncset.done @!p0 $0x0  }
0x2e8: {  	[sflag:s0] =	ssyncadd.s32 @!p0 s1  }
0x2e9: {  	[bflag:$0x3] =	sbarrier.arrive $0xFFFF  }
0x2ea: {  	_ =	shalt  }

</sc_bundles>
